<compile_context>
chip_gen: v7x
topology: tpu7x:2x2x1
jax: 0.10.2.dev20260603
libtpu: 0.0.44.dev20260713+nightly
codegen_flags: <defaults>
</compile_context>

<pallas_src>
import jax
import jax.numpy as jnp
from jax import lax
from jax.experimental import pallas as pl
from jax.experimental.pallas import tpu as pltpu
from jax.experimental.pallas import tpu_sc as plsc

C = 16
D = 32
V = 1000000
N = 16384
I = 4096

NC = 2
NS = 16
NW = NC * NS
ROWS_PER_W = N // NW
KCH = ROWS_PER_W // 128
STRIPE = I // NS

OWN = 31744
CHW = 1024
TAIL0 = 999936
MAXO = 768
MAXC = 48
SENT = 1 << 29
OUTROWS = N + NW * MAXC


def _iota16():
    return lax.iota(jnp.int32, 16)


def _full16(v):
    return jnp.full((16,), v, jnp.int32)


def _splat_last(cs):
    dn = lax.GatherDimensionNumbers(offset_dims=(), collapsed_slice_dims=(0,),
                                    start_index_map=(0,))
    return lax.gather(cs, _full16(15).reshape(16, 1), dn, (1,),
                      mode=lax.GatherScatterMode.PROMISE_IN_BOUNDS)


def _inrange(av, c0, c1):
    t = lax.shift_right_logical(av - c0, 31)
    u = lax.shift_right_logical((c1 - 1) - av, 31)
    return (1 - t) * (1 - u)


def _gather_sc(tT_hbm, ids_hbm, tail_hbm, out_hbm,
               ids_v, slab0, slab1, tail_v, oid, onn, cid, cnn, cnn2, stg,
               sem0, sem1):
    wid = lax.axis_index("s") * NC + lax.axis_index("c")
    lo = wid * OWN
    hi = lo + OWN

    pltpu.sync_copy(ids_hbm, ids_v)
    pltpu.sync_copy(tail_hbm, tail_v)

    def _c0(t):
        return pl.multiple_of(jnp.minimum(lo + t * CHW, TAIL0 - CHW), 128)

    NCHUNKS = OWN // CHW
    slabs = [slab0, slab1]
    sems = [sem0, sem1]
    for b in range(2):
        pltpu.async_copy(tT_hbm.at[:, pl.ds(_c0(b), CHW)], slabs[b], sems[b])

    def _pf(i, c):
        oid[i, :] = _full16(SENT)
        return c
    lax.fori_loop(0, MAXO // 16 + 1, _pf, 0)

    def _scan(i, cnt):
        av = ids_v[pl.ds(i * 16, 16)]
        mi = _inrange(av, lo, hi)
        cs = plsc.cumsum(mi)
        pos = MAXO + mi * (cnt + cs - 1 - MAXO)
        ph = lax.shift_right_logical(pos, 4)
        plo = pos - ph * 16
        plsc.store_scatter(oid, [ph, plo], av)
        plsc.store_scatter(onn, [ph, plo], _iota16() + i * 16)
        return jnp.minimum(cnt + _splat_last(cs), MAXO - 16)
    cnt_fin = lax.fori_loop(0, N // 16, _scan, _full16(0))
    nvr = lax.shift_right_logical(jnp.max(cnt_fin) + 31, 4)

    dump = N + wid * MAXC
    def _emit_block(c0, c1, gather_fn):
        for k in range(MAXC // 16 + 1):
            cnn[k, :] = _iota16() + (dump + k * 16)
            cid[k, :] = _full16(0)

        def _filt(i, cc):
            av = oid[i, :]
            mi = _inrange(av, c0, c1)
            cs = plsc.cumsum(mi)
            pos = MAXC + mi * (cc + cs - 1 - MAXC)
            ph = lax.shift_right_logical(pos, 4)
            plo = pos - ph * 16
            plsc.store_scatter(cid, [ph, plo], (av - c0) * mi)
            plsc.store_scatter(cnn, [ph, plo], onn[i, :])
            return jnp.minimum(cc + _splat_last(cs), MAXC - 16)
        lax.fori_loop(0, nvr, _filt, _full16(0))

        def _grp(g, c):
            cols = cid[g, :]
            ridx = _iota16() + g * 16
            for d in range(D):
                plsc.store_scatter(stg, [ridx, _full16(d)],
                                   gather_fn(d, cols))
            return c
        lax.fori_loop(0, MAXC // 16, _grp, 0)

        for k in range(MAXC // 16):
            cnn2[0, pl.ds(k * 16, 16)] = cnn[k, :]
        pltpu.sync_copy(stg, out_hbm.at[cnn2.at[0]])

    def _ring(o, carry):
        for b in range(2):
            t = 2 * o + b
            pltpu.make_async_copy(tT_hbm.at[:, pl.ds(0, CHW)],
                                  slabs[b], sems[b]).wait()
            c0 = _c0(t)
            _emit_block(c0, c0 + CHW,
                        lambda d, cols, slab=slabs[b]:
                        plsc.load_gather(slab, [_full16(d), cols]))
            pltpu.async_copy(tT_hbm.at[:, pl.ds(_c0(t + 2), CHW)],
                             slabs[b], sems[b])
        return carry
    lax.fori_loop(0, (NCHUNKS - 1) // 2, _ring, 0)

    pltpu.make_async_copy(tT_hbm.at[:, pl.ds(0, CHW)],
                          slabs[0], sems[0]).wait()
    cL = _c0(NCHUNKS - 1)
    _emit_block(cL, cL + CHW,
                lambda d, cols: plsc.load_gather(slab0, [_full16(d), cols]))
    pltpu.make_async_copy(tT_hbm.at[:, pl.ds(0, CHW)],
                          slabs[1], sems[1]).wait()

    def _tail_gather(d, cols):
        fl = cols * D + d
        fh = lax.shift_right_logical(fl, 7)
        return plsc.load_gather(tail_v, [fh, fl - fh * 128])
    _emit_block(TAIL0, V, _tail_gather)


def _ll_tc(rows_ref, mu_ref, anno_ref, conf_ref, out_ref):
    rows = rows_ref[:, :D]
    e_mu = jnp.exp(mu_ref[...])
    ee = jnp.exp(e_mu)
    er = jnp.exp(rows)
    s = lax.dot_general(er, ee, (((1,), (1,)), ((), ())),
                        preferred_element_type=jnp.float32)
    anno = anno_ref[...]
    onehot = (anno == lax.broadcasted_iota(jnp.int32, rows.shape, 1)
              ).astype(jnp.float32)
    r_an = jnp.sum(rows * onehot, axis=1, keepdims=True)
    e_an = lax.dot_general(onehot, e_mu, (((1,), (1,)), ((), ())),
                           preferred_element_type=jnp.float32)
    out_ref[...] = (e_an + r_an - jnp.log(s)) * conf_ref[...]


def _scatter_sc(ll_hbm, items_hbm, out_hbm, idx_v, ll_v, zbuf, acc_sh, sem):
    del sem
    cid_ = lax.axis_index("c")
    sid = lax.axis_index("s")
    wid = sid * NC + cid_
    base = wid * ROWS_PER_W
    pltpu.sync_copy(items_hbm.at[wid], idx_v)
    pltpu.sync_copy(ll_hbm.at[pl.ds(base, ROWS_PER_W)], ll_v)

    def _zero_row(j, carry):
        zbuf[j, :] = jnp.zeros((C,), jnp.float32)
        return carry
    lax.fori_loop(0, STRIPE, _zero_row, 0)
    pltpu.sync_copy(zbuf, acc_sh.at[pl.ds(sid * STRIPE, STRIPE)])
    plsc.subcore_barrier()
    for j in range(KCH):
        pltpu.sync_copy(ll_v.at[pl.ds(j * 128, 128)],
                        acc_sh.at[idx_v.at[j]], add=True)
    plsc.subcore_barrier()
    pltpu.sync_copy(acc_sh.at[pl.ds(sid * STRIPE, STRIPE)], zbuf)
    pltpu.sync_copy(zbuf, out_hbm.at[cid_, pl.ds(sid * STRIPE, STRIPE)])


def _combine_tc(parts_ref, out_ref):
    out_ref[...] = (parts_ref[0] + parts_ref[1]).T


def kernel(mu, random_effects, anno, items, annotators, confidences):
    mesh = plsc.VectorSubcoreMesh(core_axis_name="c", subcore_axis_name="s")

    gather = pl.kernel(
        _gather_sc, mesh=mesh,
        compiler_params=pltpu.CompilerParams(needs_layout_passes=False),
        out_type=jax.ShapeDtypeStruct((OUTROWS, 128), jnp.float32),
        scratch_types=[
            pltpu.VMEM((N,), jnp.int32),
            pltpu.VMEM((D, CHW), jnp.float32),
            pltpu.VMEM((D, CHW), jnp.float32),
            pltpu.VMEM(((V - TAIL0) * D // 128, 128), jnp.float32),
            pltpu.VMEM((MAXO // 16 + 1, 16), jnp.int32),
            pltpu.VMEM((MAXO // 16 + 1, 16), jnp.int32),
            pltpu.VMEM((MAXC // 16 + 1, 16), jnp.int32),
            pltpu.VMEM((MAXC // 16 + 1, 16), jnp.int32),
            pltpu.VMEM((1, MAXC), jnp.int32),
            pltpu.VMEM((MAXC, 128), jnp.float32),
            pltpu.SemaphoreType.DMA,
            pltpu.SemaphoreType.DMA,
        ],
    )
    rows4 = gather(random_effects.T, annotators.astype(jnp.int32),
                   lax.slice(random_effects, (TAIL0, 0), (V, D))
                   .reshape((V - TAIL0) * D // 128, 128))

    grid = 8
    blk = N // grid
    ll = pl.pallas_call(
        _ll_tc,
        grid=(grid,),
        in_specs=[
            pl.BlockSpec((blk, 128), lambda i: (i, 0)),
            pl.BlockSpec((C, D), lambda i: (0, 0)),
            pl.BlockSpec((blk, 1), lambda i: (i, 0)),
            pl.BlockSpec((blk, 1), lambda i: (i, 0)),
        ],
        out_specs=pl.BlockSpec((blk, C), lambda i: (i, 0)),
        out_shape=jax.ShapeDtypeStruct((N, C), jnp.float32),
    )(rows4, mu, anno.astype(jnp.int32).reshape(N, 1),
      confidences.reshape(N, 1))

    scatter = pl.kernel(
        _scatter_sc, mesh=mesh,
        compiler_params=pltpu.CompilerParams(use_tc_tiling_on_sc=False),
        out_type=jax.ShapeDtypeStruct((NC, I, C), jnp.float32),
        scratch_types=[
            pltpu.VMEM((KCH, 128), jnp.int32),
            pltpu.VMEM((ROWS_PER_W, C), jnp.float32),
            pltpu.VMEM((STRIPE, C), jnp.float32),
            pltpu.VMEM_SHARED((I, C), jnp.float32),
            pltpu.SemaphoreType.DMA,
        ],
    )
    parts = scatter(ll, items.astype(jnp.int32).reshape(NW, KCH, 128))

    return pl.pallas_call(
        _combine_tc,
        out_shape=jax.ShapeDtypeStruct((C, I), jnp.float32),
    )(parts)

# --- scband reference (transcript-rebuilt; emitter-appended) ---
"""Pipeline reference for scband-likelihood-15573551415661 (READ-ONLY COPY).

The authoritative reference and input builder live on the scoring server;
editing this copy changes nothing except your own understanding.
"""

import jax, jax.numpy as jnp
import numpy as np

C = 16          # n_components
D = 32          # property dimension (categorical categories)
V = 1000000     # number of annotators (random-effects table rows)
N = 16384       # number of annotations
I = 4096        # number of items


def setup_inputs(seed: int = 0) -> dict:
    key = jax.random.key(seed)
    k1, k2, k3, k4, k5, k6 = jax.random.split(key, 6)
    # learned parameters
    mu = jax.random.normal(k1, (C, D), dtype=jnp.float32) * 0.1          # per-component property means
    random_effects = jax.random.normal(k2, (V, D), dtype=jnp.float32) * 0.1  # annotator random-effects table
    # forward inputs (single flattened property)
    anno = jax.random.randint(k3, (N,), 0, D)                            # categorical annotation values
    items = jnp.sort(jax.random.randint(k4, (N,), 0, I))                 # item id per annotation
    annotators = jax.random.randint(k5, (N,), 0, V)                      # annotator id per annotation
    confidences = jax.random.uniform(k6, (N,), dtype=jnp.float32)        # ridit-scored confidences
    return {
        "mu": mu,
        "random_effects": random_effects,
        "anno": anno,
        "items": items,
        "annotators": annotators,
        "confidences": confidences,
    }


def reference(mu, random_effects, anno, items, annotators, confidences):
    # _get_random_effects: gather annotator random effects (embedding lookup)
    random = jnp.take(random_effects, annotators, axis=0)                # [N, D]
    # _get_distribution (non-ordinal, categorical branch): mean = exp(mu) + random
    mean = jnp.exp(mu)[:, None, :] + random[None, :, :]                  # [C, N, D]
    # Categorical(softmax(mean)).log_prob(anno)
    logp = jax.nn.log_softmax(mean, axis=-1)                             # [C, N, D]
    idx = jnp.broadcast_to(anno[None, :, None], (C, N, 1))
    ll = jnp.take_along_axis(logp, idx, axis=-1).squeeze(-1)             # [C, N]
    # confidence-weighted likelihood
    ll = ll * confidences[None, :]
    # accumulate per-item total log-likelihood: total_ll[C, num_items]
    total_ll = jax.ops.segment_sum(ll.T, items, num_segments=I).T        # [C, I]
    return total_ll

if __name__ == "__main__":
    import jax
    _d = setup_inputs()
    print(jax.jit(kernel)(*tuple(_d.values())))

</pallas_src>

<mosaic_0001>
#map = affine_map<(d0, d1) -> (0, 0)>
#map1 = affine_map<(d0, d1) -> (0)>
module attributes {stable_mosaic.version = 14 : i64} {
  func.func @_gather_sc(%arg0: i32, %arg1: i32, %arg2: memref<32x1000000xf32, #tpu.memory_space<hbm>>, %arg3: memref<16384xi32, #tpu.memory_space<hbm>>, %arg4: memref<16x128xf32, #tpu.memory_space<hbm>>, %arg5: memref<17920x128xf32, #tpu.memory_space<hbm>>, %arg6: memref<16384xi32, #tpu.memory_space<vmem>>, %arg7: memref<32x1024xf32, #tpu.memory_space<vmem>>, %arg8: memref<32x1024xf32, #tpu.memory_space<vmem>>, %arg9: memref<16x128xf32, #tpu.memory_space<vmem>>, %arg10: memref<49x16xi32, #tpu.memory_space<vmem>>, %arg11: memref<49x16xi32, #tpu.memory_space<vmem>>, %arg12: memref<4x16xi32, #tpu.memory_space<vmem>>, %arg13: memref<4x16xi32, #tpu.memory_space<vmem>>, %arg14: memref<1x48xi32, #tpu.memory_space<vmem>>, %arg15: memref<48x128xf32, #tpu.memory_space<vmem>>, %arg16: memref<!tpu.dma_semaphore, #tpu.memory_space<semaphore_mem>>, %arg17: memref<!tpu.dma_semaphore, #tpu.memory_space<semaphore_mem>>) attributes {dimension_semantics = [#tpu.dimension_semantics<core_parallel>, #tpu.dimension_semantics<subcore_parallel>], iteration_bounds = array<i64: 2, 16>, scalar_prefetch = 0 : i64, scratch_operands = 12 : i64, tpu.core_type = #tpu.core_type<sc_vector_subcore>, window_params = [{transform_indices = #map}, {transform_indices = #map1}, {transform_indices = #map}, {transform_indices = #map}]} {
    %mul3A = arith.constant 2 : i32
    %mul3A_0 = arith.muli %arg1, %mul3A : i32
    %add3A = arith.addi %mul3A_0, %arg0 : i32
    %mul3A_1 = arith.constant 31744 : i32
    %mul3A_2 = arith.muli %add3A, %mul3A_1 : i32
    %add3A_3 = arith.constant 31744 : i32
    %add3A_4 = arith.addi %mul3A_2, %add3A_3 : i32
    "tpu.region"() ({
      %run_scoped3A_273 = tpu.sem_alloc : memref<!tpu.dma_semaphore, #tpu.memory_space<semaphore_mem>>
      tpu.enqueue_dma source(%arg3 : memref<16384xi32, #tpu.memory_space<hbm>>) target(%arg6 : memref<16384xi32, #tpu.memory_space<vmem>>) target_semaphore(%run_scoped3A_273 : memref<!tpu.dma_semaphore, #tpu.memory_space<semaphore_mem>>)
      tpu.wait_dma2 semaphore(%run_scoped3A_273 : memref<!tpu.dma_semaphore, #tpu.memory_space<semaphore_mem>>) src(%arg3 : memref<16384xi32, #tpu.memory_space<hbm>>) dst(%arg6 : memref<16384xi32, #tpu.memory_space<vmem>>)
      tpu.yield
    }) : () -> ()
    "tpu.region"() ({
      %run_scoped3A_273 = tpu.sem_alloc : memref<!tpu.dma_semaphore, #tpu.memory_space<semaphore_mem>>
      tpu.enqueue_dma source(%arg4 : memref<16x128xf32, #tpu.memory_space<hbm>>) target(%arg9 : memref<16x128xf32, #tpu.memory_space<vmem>>) target_semaphore(%run_scoped3A_273 : memref<!tpu.dma_semaphore, #tpu.memory_space<semaphore_mem>>)
      tpu.wait_dma2 semaphore(%run_scoped3A_273 : memref<!tpu.dma_semaphore, #tpu.memory_space<semaphore_mem>>) src(%arg4 : memref<16x128xf32, #tpu.memory_space<hbm>>) dst(%arg9 : memref<16x128xf32, #tpu.memory_space<vmem>>)
      tpu.yield
    }) : () -> ()
    %add3A_5 = arith.constant 0 : i32
    %add3A_6 = arith.addi %mul3A_2, %add3A_5 : i32
    %min3A = arith.constant 998912 : i32
    %min3A_7 = arith.minsi %add3A_6, %min3A : i32
    %multiple_of3A = tpu.assume_multiple %min3A_7, 128 : i32
    %dma_start3A = arith.constant 0 : i32
    %dma_start3A_8 = tpu.memref_slice %arg2[%dma_start3A, %multiple_of3A] : memref<32x1000000xf32, #tpu.memory_space<hbm>> -> memref<32x1024xf32, #tpu.memory_space<hbm>>
    %dma_start3A_9 = arith.constant 0 : i32
    %dma_start3A_10 = tpu.memref_slice %arg2[%dma_start3A_9, %multiple_of3A] : memref<32x1000000xf32, #tpu.memory_space<hbm>> -> memref<32x1024xf32, #tpu.memory_space<hbm>>
    tpu.enqueue_dma source(%dma_start3A_10 : memref<32x1024xf32, #tpu.memory_space<hbm>>) target(%arg7 : memref<32x1024xf32, #tpu.memory_space<vmem>>) target_semaphore(%arg16 : memref<!tpu.dma_semaphore, #tpu.memory_space<semaphore_mem>>)
    %add3A_11 = arith.constant 1024 : i32
    %add3A_12 = arith.addi %mul3A_2, %add3A_11 : i32
    %min3A_13 = arith.constant 998912 : i32
    %min3A_14 = arith.minsi %add3A_12, %min3A_13 : i32
    %multiple_of3A_15 = tpu.assume_multiple %min3A_14, 128 : i32
    %dma_start3A_16 = arith.constant 0 : i32
    %dma_start3A_17 = tpu.memref_slice %arg2[%dma_start3A_16, %multiple_of3A_15] : memref<32x1000000xf32, #tpu.memory_space<hbm>> -> memref<32x1024xf32, #tpu.memory_space<hbm>>
    %dma_start3A_18 = arith.constant 0 : i32
    %dma_start3A_19 = tpu.memref_slice %arg2[%dma_start3A_18, %multiple_of3A_15] : memref<32x1000000xf32, #tpu.memory_space<hbm>> -> memref<32x1024xf32, #tpu.memory_space<hbm>>
    tpu.enqueue_dma source(%dma_start3A_19 : memref<32x1024xf32, #tpu.memory_space<hbm>>) target(%arg8 : memref<32x1024xf32, #tpu.memory_space<vmem>>) target_semaphore(%arg17 : memref<!tpu.dma_semaphore, #tpu.memory_space<semaphore_mem>>)
    %scan3A = arith.constant 0 : i32
    %scan3A_20 = arith.constant 0 : i32
    %scan3A_21 = arith.constant 49 : i32
    %scan3A_22 = arith.addi %scan3A_20, %scan3A_21 : i32
    %scan3A_23 = arith.constant 1 : i32
    scf.for %scan3A_273 = %scan3A_20 to %scan3A_22 step %scan3A_23  : i32 {
      %broadcast_in_dim3A_274 = arith.constant 536870912 : i32
      %broadcast_in_dim3A_275 = vector.broadcast %broadcast_in_dim3A_274 : i32 to vector<16xi32>
      %swap3A_276 = arith.index_cast %scan3A_273 : i32 to index
      %swap3A_277 = arith.constant 0 : index
      %swap3A_278 = tpu.vector_load %arg10[%swap3A_276, %swap3A_277] {strides = array<i32>} : memref<49x16xi32, #tpu.memory_space<vmem>>, vector<16xi32>,
      tpu.vector_store %arg10[%swap3A_276, %swap3A_277], %broadcast_in_dim3A_275 {strides = array<i32>} : memref<49x16xi32, #tpu.memory_space<vmem>>, vector<16xi32>,
    }
    %scan3A_24 = arith.constant 49 : i32
    %broadcast_in_dim3A = arith.constant 0 : i32
    %broadcast_in_dim3A_25 = vector.broadcast %broadcast_in_dim3A : i32 to vector<16xi32>
    %scan3A_26 = arith.constant 0 : i32
    %scan3A_27 = arith.constant 1024 : i32
    %scan3A_28 = arith.addi %scan3A_26, %scan3A_27 : i32
    %scan3A_29 = arith.constant 1 : i32
    %scan3A_30 = scf.for %scan3A_273 = %scan3A_26 to %scan3A_28 step %scan3A_29 iter_args(%scan3A_274 = %broadcast_in_dim3A_25) -> (vector<16xi32>)  : i32 {
      %mul3A_275 = arith.constant 16 : i32
      %mul3A_276 = arith.muli %scan3A_273, %mul3A_275 : i32
      %get3A_277 = arith.index_cast %mul3A_276 : i32 to index
      %get3A_278 = tpu.vector_load %arg6[%get3A_277] {strides = array<i32>} : memref<16384xi32, #tpu.memory_space<vmem>>, vector<16xi32>,
      %sub3A = vector.broadcast %mul3A_2 : i32 to vector<16xi32>
      %sub3A_279 = arith.subi %get3A_278, %sub3A : vector<16xi32>
      %shift_right_logical3A_280 = arith.constant 31 : i32
      %shift_right_logical3A_281 = vector.broadcast %shift_right_logical3A_280 : i32 to vector<16xi32>
      %shift_right_logical3A_282 = arith.shrui %sub3A_279, %shift_right_logical3A_281 : vector<16xi32>
      %sub3A_283 = arith.constant 1 : i32
      %sub3A_284 = arith.subi %add3A_4, %sub3A_283 : i32
      %sub3A_285 = vector.broadcast %sub3A_284 : i32 to vector<16xi32>
      %sub3A_286 = arith.subi %sub3A_285, %get3A_278 : vector<16xi32>
      %shift_right_logical3A_287 = arith.constant 31 : i32
      %shift_right_logical3A_288 = vector.broadcast %shift_right_logical3A_287 : i32 to vector<16xi32>
      %shift_right_logical3A_289 = arith.shrui %sub3A_286, %shift_right_logical3A_288 : vector<16xi32>
      %sub3A_290 = arith.constant 1 : i32
      %sub3A_291 = vector.broadcast %sub3A_290 : i32 to vector<16xi32>
      %sub3A_292 = arith.subi %sub3A_291, %shift_right_logical3A_282 : vector<16xi32>
      %sub3A_293 = arith.constant 1 : i32
      %sub3A_294 = vector.broadcast %sub3A_293 : i32 to vector<16xi32>
      %sub3A_295 = arith.subi %sub3A_294, %shift_right_logical3A_289 : vector<16xi32>
      %mul3A_296 = arith.muli %sub3A_292, %sub3A_295 : vector<16xi32>
      %broadcast_in_dim3A_297 = arith.constant true
      %broadcast_in_dim3A_298 = vector.broadcast %broadcast_in_dim3A_297 : i1 to vector<16xi1>
      %masked_cumsum3A = tpu.scan <sum>, %mul3A_296 masked %broadcast_in_dim3A_298 : vector<16xi32>, vector<16xi1> -> vector<16xi32>
      %add3A_299 = arith.addi %scan3A_274, %masked_cumsum3A : vector<16xi32>
      %sub3A_300 = arith.constant 1 : i32
      %sub3A_301 = vector.broadcast %sub3A_300 : i32 to vector<16xi32>
      %sub3A_302 = arith.subi %add3A_299, %sub3A_301 : vector<16xi32>
      %sub3A_303 = arith.constant 768 : i32
      %sub3A_304 = vector.broadcast %sub3A_303 : i32 to vector<16xi32>
      %sub3A_305 = arith.subi %sub3A_302, %sub3A_304 : vector<16xi32>
      %mul3A_306 = arith.muli %mul3A_296, %sub3A_305 : vector<16xi32>
      %add3A_307 = arith.constant 768 : i32
      %add3A_308 = vector.broadcast %add3A_307 : i32 to vector<16xi32>
      %add3A_309 = arith.addi %add3A_308, %mul3A_306 : vector<16xi32>
      %shift_right_logical3A_310 = arith.constant 4 : i32
      %shift_right_logical3A_311 = vector.broadcast %shift_right_logical3A_310 : i32 to vector<16xi32>
      %shift_right_logical3A_312 = arith.shrui %add3A_309, %shift_right_logical3A_311 : vector<16xi32>
      %mul3A_313 = arith.constant 16 : i32
      %mul3A_314 = vector.broadcast %mul3A_313 : i32 to vector<16xi32>
      %mul3A_315 = arith.muli %shift_right_logical3A_312, %mul3A_314 : vector<16xi32>
      %sub3A_316 = arith.subi %add3A_309, %mul3A_315 : vector<16xi32>
      tpu.vector_store_idx %arg10[%shift_right_logical3A_312, %sub3A_316], %get3A_278 : memref<49x16xi32, #tpu.memory_space<vmem>>[vector<16xi32>, vector<16xi32>], vector<16xi32>,
      %iota3A_317 = tpu.iota {dimensions = array<i32: 0>} : vector<16xi32>
      %mul3A_318 = arith.constant 16 : i32
      %mul3A_319 = arith.muli %scan3A_273, %mul3A_318 : i32
      %add3A_320 = vector.broadcast %mul3A_319 : i32 to vector<16xi32>
      %add3A_321 = arith.addi %iota3A_317, %add3A_320 : vector<16xi32>
      tpu.vector_store_idx %arg11[%shift_right_logical3A_312, %sub3A_316], %add3A_321 : memref<49x16xi32, #tpu.memory_space<vmem>>[vector<16xi32>, vector<16xi32>], vector<16xi32>,
      %broadcast_in_dim3A_322 = arith.constant 15 : i32
      %broadcast_in_dim3A_323 = vector.broadcast %broadcast_in_dim3A_322 : i32 to vector<16xi32>
      %reshape3A = vector.shape_cast %broadcast_in_dim3A_323 : vector<16xi32> to vector<16x1xi32>
      %gather3A = vector.shape_cast %reshape3A : vector<16x1xi32> to vector<16xi32>
      %gather3A_324 = tpu.dynamic_gather %masked_cumsum3A[%gather3A] in [0] : vector<16xi32>, vector<16xi32> -> vector<16xi32>
      %add3A_325 = arith.addi %scan3A_274, %gather3A_324 : vector<16xi32>
      %min3A_326 = arith.constant 752 : i32
      %min3A_327 = vector.broadcast %min3A_326 : i32 to vector<16xi32>
      %min3A_328 = arith.minsi %add3A_325, %min3A_327 : vector<16xi32>
      scf.yield %min3A_328 : vector<16xi32>
    }
    %scan3A_31 = arith.constant 1024 : i32
    %reduce_max3A = arith.constant true
    %reduce_max3A_32 = vector.broadcast %reduce_max3A : i1 to vector<16xi1>
    %reduce_max3A_33 = arith.constant -2147483648 : i32
    %reduce_max3A_34 = vector.broadcast %reduce_max3A_33 : i32 to vector<16xi32>
    %reduce_max3A_35 = arith.xori %scan3A_30, %reduce_max3A_34 : vector<16xi32>
    %reduce_max3A_36 = tpu.scan <max>, %reduce_max3A_35 masked %reduce_max3A_32 : vector<16xi32>, vector<16xi1> -> vector<16xi32>
    %reduce_max3A_37 = arith.xori %reduce_max3A_36, %reduce_max3A_34 : vector<16xi32>
    %reduce_max3A_38 = vector.extract %reduce_max3A_37[15] : i32 from vector<16xi32>
    %add3A_39 = arith.constant 31 : i32
    %add3A_40 = arith.addi %reduce_max3A_38, %add3A_39 : i32
    %shift_right_logical3A = arith.constant 4 : i32
    %shift_right_logical3A_41 = arith.shrui %add3A_40, %shift_right_logical3A : i32
    %mul3A_42 = arith.constant 48 : i32
    %mul3A_43 = arith.muli %add3A, %mul3A_42 : i32
    %add3A_44 = arith.constant 16384 : i32
    %add3A_45 = arith.addi %add3A_44, %mul3A_43 : i32
    %scan3A_46 = arith.constant 0 : i32
    %scan3A_47 = arith.constant 0 : i32
    %scan3A_48 = arith.constant 15 : i32
    %scan3A_49 = arith.addi %scan3A_47, %scan3A_48 : i32
    %scan3A_50 = arith.constant 1 : i32
    scf.for %scan3A_273 = %scan3A_47 to %scan3A_49 step %scan3A_50  : i32 {
      %mul3A_274 = arith.constant 2 : i32
      %mul3A_275 = arith.muli %mul3A_274, %scan3A_273 : i32
      %add3A_276 = arith.constant 0 : i32
      %add3A_277 = arith.addi %mul3A_275, %add3A_276 : i32
      %dma_wait3A_278 = arith.constant 0 : i32
      %dma_wait3A_279 = arith.constant 0 : i32
      %dma_wait3A_280 = tpu.memref_slice %arg2[%dma_wait3A_278, %dma_wait3A_279] : memref<32x1000000xf32, #tpu.memory_space<hbm>> -> memref<32x1024xf32, #tpu.memory_space<hbm>>
      %dma_wait3A_281 = arith.constant 0 : i32
      %dma_wait3A_282 = arith.constant 0 : i32
      %dma_wait3A_283 = tpu.memref_slice %arg2[%dma_wait3A_281, %dma_wait3A_282] : memref<32x1000000xf32, #tpu.memory_space<hbm>> -> memref<32x1024xf32, #tpu.memory_space<hbm>>
      tpu.wait_dma2 semaphore(%arg16 : memref<!tpu.dma_semaphore, #tpu.memory_space<semaphore_mem>>) src(%dma_wait3A_283 : memref<32x1024xf32, #tpu.memory_space<hbm>>) dst(%arg7 : memref<32x1024xf32, #tpu.memory_space<vmem>>)
      %mul3A_284 = arith.constant 1024 : i32
      %mul3A_285 = arith.muli %add3A_277, %mul3A_284 : i32
      %add3A_286 = arith.addi %mul3A_2, %mul3A_285 : i32
      %min3A_287 = arith.constant 998912 : i32
      %min3A_288 = arith.minsi %add3A_286, %min3A_287 : i32
      %multiple_of3A_289 = tpu.assume_multiple %min3A_288, 128 : i32
      %add3A_290 = arith.constant 1024 : i32
      %add3A_291 = arith.addi %multiple_of3A_289, %add3A_290 : i32
      %iota3A_292 = tpu.iota {dimensions = array<i32: 0>} : vector<16xi32>
      %add3A_293 = arith.constant 0 : i32
      %add3A_294 = arith.addi %add3A_45, %add3A_293 : i32
      %add3A_295 = vector.broadcast %add3A_294 : i32 to vector<16xi32>
      %add3A_296 = arith.addi %iota3A_292, %add3A_295 : vector<16xi32>
      %swap3A_297 = arith.constant 0 : i32
      %swap3A_298 = arith.index_cast %swap3A_297 : i32 to index
      %swap3A_299 = arith.constant 0 : index
      %swap3A_300 = tpu.vector_load %arg13[%swap3A_298, %swap3A_299] {strides = array<i32>} : memref<4x16xi32, #tpu.memory_space<vmem>>, vector<16xi32>,
      tpu.vector_store %arg13[%swap3A_298, %swap3A_299], %add3A_296 {strides = array<i32>} : memref<4x16xi32, #tpu.memory_space<vmem>>, vector<16xi32>,
      %broadcast_in_dim3A_301 = arith.constant 0 : i32
      %broadcast_in_dim3A_302 = vector.broadcast %broadcast_in_dim3A_301 : i32 to vector<16xi32>
      %swap3A_303 = arith.constant 0 : i32
      %swap3A_304 = arith.index_cast %swap3A_303 : i32 to index
      %swap3A_305 = arith.constant 0 : index
      %swap3A_306 = tpu.vector_load %arg12[%swap3A_304, %swap3A_305] {strides = array<i32>} : memref<4x16xi32, #tpu.memory_space<vmem>>, vector<16xi32>,
      tpu.vector_store %arg12[%swap3A_304, %swap3A_305], %broadcast_in_dim3A_302 {strides = array<i32>} : memref<4x16xi32, #tpu.memory_space<vmem>>, vector<16xi32>,
      %iota3A_307 = tpu.iota {dimensions = array<i32: 0>} : vector<16xi32>
      %add3A_308 = arith.constant 16 : i32
      %add3A_309 = arith.addi %add3A_45, %add3A_308 : i32
      %add3A_310 = vector.broadcast %add3A_309 : i32 to vector<16xi32>
      %add3A_311 = arith.addi %iota3A_307, %add3A_310 : vector<16xi32>
      %swap3A_312 = arith.constant 1 : i32
      %swap3A_313 = arith.index_cast %swap3A_312 : i32 to index
      %swap3A_314 = arith.constant 0 : index
      %swap3A_315 = tpu.vector_load %arg13[%swap3A_313, %swap3A_314] {strides = array<i32>} : memref<4x16xi32, #tpu.memory_space<vmem>>, vector<16xi32>,
      tpu.vector_store %arg13[%swap3A_313, %swap3A_314], %add3A_311 {strides = array<i32>} : memref<4x16xi32, #tpu.memory_space<vmem>>, vector<16xi32>,
      %broadcast_in_dim3A_316 = arith.constant 0 : i32
      %broadcast_in_dim3A_317 = vector.broadcast %broadcast_in_dim3A_316 : i32 to vector<16xi32>
      %swap3A_318 = arith.constant 1 : i32
      %swap3A_319 = arith.index_cast %swap3A_318 : i32 to index
      %swap3A_320 = arith.constant 0 : index
      %swap3A_321 = tpu.vector_load %arg12[%swap3A_319, %swap3A_320] {strides = array<i32>} : memref<4x16xi32, #tpu.memory_space<vmem>>, vector<16xi32>,
      tpu.vector_store %arg12[%swap3A_319, %swap3A_320], %broadcast_in_dim3A_317 {strides = array<i32>} : memref<4x16xi32, #tpu.memory_space<vmem>>, vector<16xi32>,
      %iota3A_322 = tpu.iota {dimensions = array<i32: 0>} : vector<16xi32>
      %add3A_323 = arith.constant 32 : i32
      %add3A_324 = arith.addi %add3A_45, %add3A_323 : i32
      %add3A_325 = vector.broadcast %add3A_324 : i32 to vector<16xi32>
      %add3A_326 = arith.addi %iota3A_322, %add3A_325 : vector<16xi32>
      %swap3A_327 = arith.constant 2 : i32
      %swap3A_328 = arith.index_cast %swap3A_327 : i32 to index
      %swap3A_329 = arith.constant 0 : index
      %swap3A_330 = tpu.vector_load %arg13[%swap3A_328, %swap3A_329] {strides = array<i32>} : memref<4x16xi32, #tpu.memory_space<vmem>>, vector<16xi32>,
      tpu.vector_store %arg13[%swap3A_328, %swap3A_329], %add3A_326 {strides = array<i32>} : memref<4x16xi32, #tpu.memory_space<vmem>>, vector<16xi32>,
      %broadcast_in_dim3A_331 = arith.constant 0 : i32
      %broadcast_in_dim3A_332 = vector.broadcast %broadcast_in_dim3A_331 : i32 to vector<16xi32>
      %swap3A_333 = arith.constant 2 : i32
      %swap3A_334 = arith.index_cast %swap3A_333 : i32 to index
      %swap3A_335 = arith.constant 0 : index
      %swap3A_336 = tpu.vector_load %arg12[%swap3A_334, %swap3A_335] {strides = array<i32>} : memref<4x16xi32, #tpu.memory_space<vmem>>, vector<16xi32>,
      tpu.vector_store %arg12[%swap3A_334, %swap3A_335], %broadcast_in_dim3A_332 {strides = array<i32>} : memref<4x16xi32, #tpu.memory_space<vmem>>, vector<16xi32>,
      %iota3A_337 = tpu.iota {dimensions = array<i32: 0>} : vector<16xi32>
      %add3A_338 = arith.constant 48 : i32
      %add3A_339 = arith.addi %add3A_45, %add3A_338 : i32
      %add3A_340 = vector.broadcast %add3A_339 : i32 to vector<16xi32>
      %add3A_341 = arith.addi %iota3A_337, %add3A_340 : vector<16xi32>
      %swap3A_342 = arith.constant 3 : i32
      %swap3A_343 = arith.index_cast %swap3A_342 : i32 to index
      %swap3A_344 = arith.constant 0 : index
      %swap3A_345 = tpu.vector_load %arg13[%swap3A_343, %swap3A_344] {strides = array<i32>} : memref<4x16xi32, #tpu.memory_space<vmem>>, vector<16xi32>,
      tpu.vector_store %arg13[%swap3A_343, %swap3A_344], %add3A_341 {strides = array<i32>} : memref<4x16xi32, #tpu.memory_space<vmem>>, vector<16xi32>,
      %broadcast_in_dim3A_346 = arith.constant 0 : i32
      %broadcast_in_dim3A_347 = vector.broadcast %broadcast_in_dim3A_346 : i32 to vector<16xi32>
      %swap3A_348 = arith.constant 3 : i32
      %swap3A_349 = arith.index_cast %swap3A_348 : i32 to index
      %swap3A_350 = arith.constant 0 : index
      %swap3A_351 = tpu.vector_load %arg12[%swap3A_349, %swap3A_350] {strides = array<i32>} : memref<4x16xi32, #tpu.memory_space<vmem>>, vector<16xi32>,
      tpu.vector_store %arg12[%swap3A_349, %swap3A_350], %broadcast_in_dim3A_347 {strides = array<i32>} : memref<4x16xi32, #tpu.memory_space<vmem>>, vector<16xi32>,
      %broadcast_in_dim3A_352 = arith.constant 0 : i32
      %broadcast_in_dim3A_353 = vector.broadcast %broadcast_in_dim3A_352 : i32 to vector<16xi32>
      %while3A_354 = arith.constant 0 : i32
      %while3A_355 = arith.subi %shift_right_logical3A_41, %while3A_354 : i32
      %while3A_356 = arith.addi %while3A_354, %while3A_355 : i32
      %while3A_357 = arith.constant 1 : i32
      %while3A_358 = arith.divsi %while3A_355, %while3A_357 : i32
      %while3A_359 = arith.muli %while3A_358, %while3A_357 : i32
      %while3A_360 = arith.addi %while3A_354, %while3A_359 : i32
      %while3A_361 = arith.constant 1 : i32
      %while3A_362 = scf.for %while3A_542 = %while3A_354 to %while3A_360 step %while3A_361 iter_args(%while3A_543 = %broadcast_in_dim3A_353) -> (vector<16xi32>)  : i32 {
        %get3A_544 = arith.index_cast %while3A_542 : i32 to index
        %get3A_545 = arith.constant 0 : index
        %get3A_546 = tpu.vector_load %arg10[%get3A_544, %get3A_545] {strides = array<i32>} : memref<49x16xi32, #tpu.memory_space<vmem>>, vector<16xi32>,
        %sub3A = vector.broadcast %multiple_of3A_289 : i32 to vector<16xi32>
        %sub3A_547 = arith.subi %get3A_546, %sub3A : vector<16xi32>
        %shift_right_logical3A_548 = arith.constant 31 : i32
        %shift_right_logical3A_549 = vector.broadcast %shift_right_logical3A_548 : i32 to vector<16xi32>
        %shift_right_logical3A_550 = arith.shrui %sub3A_547, %shift_right_logical3A_549 : vector<16xi32>
        %sub3A_551 = arith.constant 1 : i32
        %sub3A_552 = arith.subi %add3A_291, %sub3A_551 : i32
        %sub3A_553 = vector.broadcast %sub3A_552 : i32 to vector<16xi32>
        %sub3A_554 = arith.subi %sub3A_553, %get3A_546 : vector<16xi32>
        %shift_right_logical3A_555 = arith.constant 31 : i32
        %shift_right_logical3A_556 = vector.broadcast %shift_right_logical3A_555 : i32 to vector<16xi32>
        %shift_right_logical3A_557 = arith.shrui %sub3A_554, %shift_right_logical3A_556 : vector<16xi32>
        %sub3A_558 = arith.constant 1 : i32
        %sub3A_559 = vector.broadcast %sub3A_558 : i32 to vector<16xi32>
        %sub3A_560 = arith.subi %sub3A_559, %shift_right_logical3A_550 : vector<16xi32>
        %sub3A_561 = arith.constant 1 : i32
        %sub3A_562 = vector.broadcast %sub3A_561 : i32 to vector<16xi32>
        %sub3A_563 = arith.subi %sub3A_562, %shift_right_logical3A_557 : vector<16xi32>
        %mul3A_564 = arith.muli %sub3A_560, %sub3A_563 : vector<16xi32>
        %broadcast_in_dim3A_565 = arith.constant true
        %broadcast_in_dim3A_566 = vector.broadcast %broadcast_in_dim3A_565 : i1 to vector<16xi1>
        %masked_cumsum3A = tpu.scan <sum>, %mul3A_564 masked %broadcast_in_dim3A_566 : vector<16xi32>, vector<16xi1> -> vector<16xi32>
        %add3A_567 = arith.addi %while3A_543, %masked_cumsum3A : vector<16xi32>
        %sub3A_568 = arith.constant 1 : i32
        %sub3A_569 = vector.broadcast %sub3A_568 : i32 to vector<16xi32>
        %sub3A_570 = arith.subi %add3A_567, %sub3A_569 : vector<16xi32>
        %sub3A_571 = arith.constant 48 : i32
        %sub3A_572 = vector.broadcast %sub3A_571 : i32 to vector<16xi32>
        %sub3A_573 = arith.subi %sub3A_570, %sub3A_572 : vector<16xi32>
        %mul3A_574 = arith.muli %mul3A_564, %sub3A_573 : vector<16xi32>
        %add3A_575 = arith.constant 48 : i32
        %add3A_576 = vector.broadcast %add3A_575 : i32 to vector<16xi32>
        %add3A_577 = arith.addi %add3A_576, %mul3A_574 : vector<16xi32>
        %shift_right_logical3A_578 = arith.constant 4 : i32
        %shift_right_logical3A_579 = vector.broadcast %shift_right_logical3A_578 : i32 to vector<16xi32>
        %shift_right_logical3A_580 = arith.shrui %add3A_577, %shift_right_logical3A_579 : vector<16xi32>
        %mul3A_581 = arith.constant 16 : i32
        %mul3A_582 = vector.broadcast %mul3A_581 : i32 to vector<16xi32>
        %mul3A_583 = arith.muli %shift_right_logical3A_580, %mul3A_582 : vector<16xi32>
        %sub3A_584 = arith.subi %add3A_577, %mul3A_583 : vector<16xi32>
        %sub3A_585 = vector.broadcast %multiple_of3A_289 : i32 to vector<16xi32>
        %sub3A_586 = arith.subi %get3A_546, %sub3A_585 : vector<16xi32>
        %mul3A_587 = arith.muli %sub3A_586, %mul3A_564 : vector<16xi32>
        tpu.vector_store_idx %arg12[%shift_right_logical3A_580, %sub3A_584], %mul3A_587 : memref<4x16xi32, #tpu.memory_space<vmem>>[vector<16xi32>, vector<16xi32>], vector<16xi32>,
        %get3A_588 = arith.index_cast %while3A_542 : i32 to index
        %get3A_589 = arith.constant 0 : index
        %get3A_590 = tpu.vector_load %arg11[%get3A_588, %get3A_589] {strides = array<i32>} : memref<49x16xi32, #tpu.memory_space<vmem>>, vector<16xi32>,
        tpu.vector_store_idx %arg13[%shift_right_logical3A_580, %sub3A_584], %get3A_590 : memref<4x16xi32, #tpu.memory_space<vmem>>[vector<16xi32>, vector<16xi32>], vector<16xi32>,
        %broadcast_in_dim3A_591 = arith.constant 15 : i32
        %broadcast_in_dim3A_592 = vector.broadcast %broadcast_in_dim3A_591 : i32 to vector<16xi32>
        %reshape3A = vector.shape_cast %broadcast_in_dim3A_592 : vector<16xi32> to vector<16x1xi32>
        %gather3A = vector.shape_cast %reshape3A : vector<16x1xi32> to vector<16xi32>
        %gather3A_593 = tpu.dynamic_gather %masked_cumsum3A[%gather3A] in [0] : vector<16xi32>, vector<16xi32> -> vector<16xi32>
        %add3A_594 = arith.addi %while3A_543, %gather3A_593 : vector<16xi32>
        %min3A_595 = arith.constant 32 : i32
        %min3A_596 = vector.broadcast %min3A_595 : i32 to vector<16xi32>
        %min3A_597 = arith.minsi %add3A_594, %min3A_596 : vector<16xi32>
        scf.yield %min3A_597 : vector<16xi32>
      }
      %while3A_363 = arith.constant 1 : i32
      %while3A_364 = scf.for %while3A_542 = %while3A_360 to %while3A_356 step %while3A_363 iter_args(%while3A_543 = %while3A_362) -> (vector<16xi32>)  : i32 {
        %get3A_544 = arith.index_cast %while3A_542 : i32 to index
        %get3A_545 = arith.constant 0 : index
        %get3A_546 = tpu.vector_load %arg10[%get3A_544, %get3A_545] {strides = array<i32>} : memref<49x16xi32, #tpu.memory_space<vmem>>, vector<16xi32>,
        %sub3A = vector.broadcast %multiple_of3A_289 : i32 to vector<16xi32>
        %sub3A_547 = arith.subi %get3A_546, %sub3A : vector<16xi32>
        %shift_right_logical3A_548 = arith.constant 31 : i32
        %shift_right_logical3A_549 = vector.broadcast %shift_right_logical3A_548 : i32 to vector<16xi32>
        %shift_right_logical3A_550 = arith.shrui %sub3A_547, %shift_right_logical3A_549 : vector<16xi32>
        %sub3A_551 = arith.constant 1 : i32
        %sub3A_552 = arith.subi %add3A_291, %sub3A_551 : i32
        %sub3A_553 = vector.broadcast %sub3A_552 : i32 to vector<16xi32>
        %sub3A_554 = arith.subi %sub3A_553, %get3A_546 : vector<16xi32>
        %shift_right_logical3A_555 = arith.constant 31 : i32
        %shift_right_logical3A_556 = vector.broadcast %shift_right_logical3A_555 : i32 to vector<16xi32>
        %shift_right_logical3A_557 = arith.shrui %sub3A_554, %shift_right_logical3A_556 : vector<16xi32>
        %sub3A_558 = arith.constant 1 : i32
        %sub3A_559 = vector.broadcast %sub3A_558 : i32 to vector<16xi32>
        %sub3A_560 = arith.subi %sub3A_559, %shift_right_logical3A_550 : vector<16xi32>
        %sub3A_561 = arith.constant 1 : i32
        %sub3A_562 = vector.broadcast %sub3A_561 : i32 to vector<16xi32>
        %sub3A_563 = arith.subi %sub3A_562, %shift_right_logical3A_557 : vector<16xi32>
        %mul3A_564 = arith.muli %sub3A_560, %sub3A_563 : vector<16xi32>
        %broadcast_in_dim3A_565 = arith.constant true
        %broadcast_in_dim3A_566 = vector.broadcast %broadcast_in_dim3A_565 : i1 to vector<16xi1>
        %masked_cumsum3A = tpu.scan <sum>, %mul3A_564 masked %broadcast_in_dim3A_566 : vector<16xi32>, vector<16xi1> -> vector<16xi32>
        %add3A_567 = arith.addi %while3A_543, %masked_cumsum3A : vector<16xi32>
        %sub3A_568 = arith.constant 1 : i32
        %sub3A_569 = vector.broadcast %sub3A_568 : i32 to vector<16xi32>
        %sub3A_570 = arith.subi %add3A_567, %sub3A_569 : vector<16xi32>
        %sub3A_571 = arith.constant 48 : i32
        %sub3A_572 = vector.broadcast %sub3A_571 : i32 to vector<16xi32>
        %sub3A_573 = arith.subi %sub3A_570, %sub3A_572 : vector<16xi32>
        %mul3A_574 = arith.muli %mul3A_564, %sub3A_573 : vector<16xi32>
        %add3A_575 = arith.constant 48 : i32
        %add3A_576 = vector.broadcast %add3A_575 : i32 to vector<16xi32>
        %add3A_577 = arith.addi %add3A_576, %mul3A_574 : vector<16xi32>
        %shift_right_logical3A_578 = arith.constant 4 : i32
        %shift_right_logical3A_579 = vector.broadcast %shift_right_logical3A_578 : i32 to vector<16xi32>
        %shift_right_logical3A_580 = arith.shrui %add3A_577, %shift_right_logical3A_579 : vector<16xi32>
        %mul3A_581 = arith.constant 16 : i32
        %mul3A_582 = vector.broadcast %mul3A_581 : i32 to vector<16xi32>
        %mul3A_583 = arith.muli %shift_right_logical3A_580, %mul3A_582 : vector<16xi32>
        %sub3A_584 = arith.subi %add3A_577, %mul3A_583 : vector<16xi32>
        %sub3A_585 = vector.broadcast %multiple_of3A_289 : i32 to vector<16xi32>
        %sub3A_586 = arith.subi %get3A_546, %sub3A_585 : vector<16xi32>
        %mul3A_587 = arith.muli %sub3A_586, %mul3A_564 : vector<16xi32>
        tpu.vector_store_idx %arg12[%shift_right_logical3A_580, %sub3A_584], %mul3A_587 : memref<4x16xi32, #tpu.memory_space<vmem>>[vector<16xi32>, vector<16xi32>], vector<16xi32>,
        %get3A_588 = arith.index_cast %while3A_542 : i32 to index
        %get3A_589 = arith.constant 0 : index
        %get3A_590 = tpu.vector_load %arg11[%get3A_588, %get3A_589] {strides = array<i32>} : memref<49x16xi32, #tpu.memory_space<vmem>>, vector<16xi32>,
        tpu.vector_store_idx %arg13[%shift_right_logical3A_580, %sub3A_584], %get3A_590 : memref<4x16xi32, #tpu.memory_space<vmem>>[vector<16xi32>, vector<16xi32>], vector<16xi32>,
        %broadcast_in_dim3A_591 = arith.constant 15 : i32
        %broadcast_in_dim3A_592 = vector.broadcast %broadcast_in_dim3A_591 : i32 to vector<16xi32>
        %reshape3A = vector.shape_cast %broadcast_in_dim3A_592 : vector<16xi32> to vector<16x1xi32>
        %gather3A = vector.shape_cast %reshape3A : vector<16x1xi32> to vector<16xi32>
        %gather3A_593 = tpu.dynamic_gather %masked_cumsum3A[%gather3A] in [0] : vector<16xi32>, vector<16xi32> -> vector<16xi32>
        %add3A_594 = arith.addi %while3A_543, %gather3A_593 : vector<16xi32>
        %min3A_595 = arith.constant 32 : i32
        %min3A_596 = vector.broadcast %min3A_595 : i32 to vector<16xi32>
        %min3A_597 = arith.minsi %add3A_594, %min3A_596 : vector<16xi32>
        scf.yield %min3A_597 : vector<16xi32>
      }
      %scan3A_365 = arith.constant 0 : i32
      %scan3A_366 = arith.constant 0 : i32
      %scan3A_367 = arith.constant 3 : i32
      %scan3A_368 = arith.addi %scan3A_366, %scan3A_367 : i32
      %scan3A_369 = arith.constant 1 : i32
      scf.for %scan3A_542 = %scan3A_366 to %scan3A_368 step %scan3A_369  : i32 {
        %get3A_543 = arith.index_cast %scan3A_542 : i32 to index
        %get3A_544 = arith.constant 0 : index
        %get3A_545 = tpu.vector_load %arg12[%get3A_543, %get3A_544] {strides = array<i32>} : memref<4x16xi32, #tpu.memory_space<vmem>>, vector<16xi32>,
        %iota3A_546 = tpu.iota {dimensions = array<i32: 0>} : vector<16xi32>
        %mul3A_547 = arith.constant 16 : i32
        %mul3A_548 = arith.muli %scan3A_542, %mul3A_547 : i32
        %add3A_549 = vector.broadcast %mul3A_548 : i32 to vector<16xi32>
        %add3A_550 = arith.addi %iota3A_546, %add3A_549 : vector<16xi32>
        %broadcast_in_dim3A_551 = arith.constant 0 : i32
        %broadcast_in_dim3A_552 = vector.broadcast %broadcast_in_dim3A_551 : i32 to vector<16xi32>
        %broadcast_in_dim3A_553 = arith.constant 0 : i32
        %broadcast_in_dim3A_554 = vector.broadcast %broadcast_in_dim3A_553 : i32 to vector<16xi32>
        %gather3A = tpu.vector_load_idx %arg7[%broadcast_in_dim3A_554, %get3A_545] : memref<32x1024xf32, #tpu.memory_space<vmem>>[vector<16xi32>, vector<16xi32>], vector<16xf32>,
        tpu.vector_store_idx %arg15[%add3A_550, %broadcast_in_dim3A_552], %gather3A : memref<48x128xf32, #tpu.memory_space<vmem>>[vector<16xi32>, vector<16xi32>], vector<16xf32>,
        %broadcast_in_dim3A_555 = arith.constant 1 : i32
        %broadcast_in_dim3A_556 = vector.broadcast %broadcast_in_dim3A_555 : i32 to vector<16xi32>
        %broadcast_in_dim3A_557 = arith.constant 1 : i32
        %broadcast_in_dim3A_558 = vector.broadcast %broadcast_in_dim3A_557 : i32 to vector<16xi32>
        %gather3A_559 = tpu.vector_load_idx %arg7[%broadcast_in_dim3A_558, %get3A_545] : memref<32x1024xf32, #tpu.memory_space<vmem>>[vector<16xi32>, vector<16xi32>], vector<16xf32>,
        tpu.vector_store_idx %arg15[%add3A_550, %broadcast_in_dim3A_556], %gather3A_559 : memref<48x128xf32, #tpu.memory_space<vmem>>[vector<16xi32>, vector<16xi32>], vector<16xf32>,
        %broadcast_in_dim3A_560 = arith.constant 2 : i32
        %broadcast_in_dim3A_561 = vector.broadcast %broadcast_in_dim3A_560 : i32 to vector<16xi32>
        %broadcast_in_dim3A_562 = arith.constant 2 : i32
        %broadcast_in_dim3A_563 = vector.broadcast %broadcast_in_dim3A_562 : i32 to vector<16xi32>
        %gather3A_564 = tpu.vector_load_idx %arg7[%broadcast_in_dim3A_563, %get3A_545] : memref<32x1024xf32, #tpu.memory_space<vmem>>[vector<16xi32>, vector<16xi32>], vector<16xf32>,
        tpu.vector_store_idx %arg15[%add3A_550, %broadcast_in_dim3A_561], %gather3A_564 : memref<48x128xf32, #tpu.memory_space<vmem>>[vector<16xi32>, vector<16xi32>], vector<16xf32>,
        %broadcast_in_dim3A_565 = arith.constant 3 : i32
        %broadcast_in_dim3A_566 = vector.broadcast %broadcast_in_dim3A_565 : i32 to vector<16xi32>
        %broadcast_in_dim3A_567 = arith.constant 3 : i32
        %broadcast_in_dim3A_568 = vector.broadcast %broadcast_in_dim3A_567 : i32 to vector<16xi32>
        %gather3A_569 = tpu.vector_load_idx %arg7[%broadcast_in_dim3A_568, %get3A_545] : memref<32x1024xf32, #tpu.memory_space<vmem>>[vector<16xi32>, vector<16xi32>], vector<16xf32>,
        tpu.vector_store_idx %arg15[%add3A_550, %broadcast_in_dim3A_566], %gather3A_569 : memref<48x128xf32, #tpu.memory_space<vmem>>[vector<16xi32>, vector<16xi32>], vector<16xf32>,
        %broadcast_in_dim3A_570 = arith.constant 4 : i32
        %broadcast_in_dim3A_571 = vector.broadcast %broadcast_in_dim3A_570 : i32 to vector<16xi32>
        %broadcast_in_dim3A_572 = arith.constant 4 : i32
        %broadcast_in_dim3A_573 = vector.broadcast %broadcast_in_dim3A_572 : i32 to vector<16xi32>
        %gather3A_574 = tpu.vector_load_idx %arg7[%broadcast_in_dim3A_573, %get3A_545] : memref<32x1024xf32, #tpu.memory_space<vmem>>[vector<16xi32>, vector<16xi32>], vector<16xf32>,
        tpu.vector_store_idx %arg15[%add3A_550, %broadcast_in_dim3A_571], %gather3A_574 : memref<48x128xf32, #tpu.memory_space<vmem>>[vector<16xi32>, vector<16xi32>], vector<16xf32>,
        %broadcast_in_dim3A_575 = arith.constant 5 : i32
        %broadcast_in_dim3A_576 = vector.broadcast %broadcast_in_dim3A_575 : i32 to vector<16xi32>
        %broadcast_in_dim3A_577 = arith.constant 5 : i32
        %broadcast_in_dim3A_578 = vector.broadcast %broadcast_in_dim3A_577 : i32 to vector<16xi32>
        %gather3A_579 = tpu.vector_load_idx %arg7[%broadcast_in_dim3A_578, %get3A_545] : memref<32x1024xf32, #tpu.memory_space<vmem>>[vector<16xi32>, vector<16xi32>], vector<16xf32>,
        tpu.vector_store_idx %arg15[%add3A_550, %broadcast_in_dim3A_576], %gather3A_579 : memref<48x128xf32, #tpu.memory_space<vmem>>[vector<16xi32>, vector<16xi32>], vector<16xf32>,
        %broadcast_in_dim3A_580 = arith.constant 6 : i32
        %broadcast_in_dim3A_581 = vector.broadcast %broadcast_in_dim3A_580 : i32 to vector<16xi32>
        %broadcast_in_dim3A_582 = arith.constant 6 : i32
        %broadcast_in_dim3A_583 = vector.broadcast %broadcast_in_dim3A_582 : i32 to vector<16xi32>
        %gather3A_584 = tpu.vector_load_idx %arg7[%broadcast_in_dim3A_583, %get3A_545] : memref<32x1024xf32, #tpu.memory_space<vmem>>[vector<16xi32>, vector<16xi32>], vector<16xf32>,
        tpu.vector_store_idx %arg15[%add3A_550, %broadcast_in_dim3A_581], %gather3A_584 : memref<48x128xf32, #tpu.memory_space<vmem>>[vector<16xi32>, vector<16xi32>], vector<16xf32>,
        %broadcast_in_dim3A_585 = arith.constant 7 : i32
        %broadcast_in_dim3A_586 = vector.broadcast %broadcast_in_dim3A_585 : i32 to vector<16xi32>
        %broadcast_in_dim3A_587 = arith.constant 7 : i32
        %broadcast_in_dim3A_588 = vector.broadcast %broadcast_in_dim3A_587 : i32 to vector<16xi32>
        %gather3A_589 = tpu.vector_load_idx %arg7[%broadcast_in_dim3A_588, %get3A_545] : memref<32x1024xf32, #tpu.memory_space<vmem>>[vector<16xi32>, vector<16xi32>], vector<16xf32>,
        tpu.vector_store_idx %arg15[%add3A_550, %broadcast_in_dim3A_586], %gather3A_589 : memref<48x128xf32, #tpu.memory_space<vmem>>[vector<16xi32>, vector<16xi32>], vector<16xf32>,
        %broadcast_in_dim3A_590 = arith.constant 8 : i32
        %broadcast_in_dim3A_591 = vector.broadcast %broadcast_in_dim3A_590 : i32 to vector<16xi32>
        %broadcast_in_dim3A_592 = arith.constant 8 : i32
        %broadcast_in_dim3A_593 = vector.broadcast %broadcast_in_dim3A_592 : i32 to vector<16xi32>
        %gather3A_594 = tpu.vector_load_idx %arg7[%broadcast_in_dim3A_593, %get3A_545] : memref<32x1024xf32, #tpu.memory_space<vmem>>[vector<16xi32>, vector<16xi32>], vector<16xf32>,
        tpu.vector_store_idx %arg15[%add3A_550, %broadcast_in_dim3A_591], %gather3A_594 : memref<48x128xf32, #tpu.memory_space<vmem>>[vector<16xi32>, vector<16xi32>], vector<16xf32>,
        %broadcast_in_dim3A_595 = arith.constant 9 : i32
        %broadcast_in_dim3A_596 = vector.broadcast %broadcast_in_dim3A_595 : i32 to vector<16xi32>
        %broadcast_in_dim3A_597 = arith.constant 9 : i32
        %broadcast_in_dim3A_598 = vector.broadcast %broadcast_in_dim3A_597 : i32 to vector<16xi32>
        %gather3A_599 = tpu.vector_load_idx %arg7[%broadcast_in_dim3A_598, %get3A_545] : memref<32x1024xf32, #tpu.memory_space<vmem>>[vector<16xi32>, vector<16xi32>], vector<16xf32>,
        tpu.vector_store_idx %arg15[%add3A_550, %broadcast_in_dim3A_596], %gather3A_599 : memref<48x128xf32, #tpu.memory_space<vmem>>[vector<16xi32>, vector<16xi32>], vector<16xf32>,
        %broadcast_in_dim3A_600 = arith.constant 10 : i32
        %broadcast_in_dim3A_601 = vector.broadcast %broadcast_in_dim3A_600 : i32 to vector<16xi32>
        %broadcast_in_dim3A_602 = arith.constant 10 : i32
        %broadcast_in_dim3A_603 = vector.broadcast %broadcast_in_dim3A_602 : i32 to vector<16xi32>
        %gather3A_604 = tpu.vector_load_idx %arg7[%broadcast_in_dim3A_603, %get3A_545] : memref<32x1024xf32, #tpu.memory_space<vmem>>[vector<16xi32>, vector<16xi32>], vector<16xf32>,
        tpu.vector_store_idx %arg15[%add3A_550, %broadcast_in_dim3A_601], %gather3A_604 : memref<48x128xf32, #tpu.memory_space<vmem>>[vector<16xi32>, vector<16xi32>], vector<16xf32>,
        %broadcast_in_dim3A_605 = arith.constant 11 : i32
        %broadcast_in_dim3A_606 = vector.broadcast %broadcast_in_dim3A_605 : i32 to vector<16xi32>
        %broadcast_in_dim3A_607 = arith.constant 11 : i32
        %broadcast_in_dim3A_608 = vector.broadcast %broadcast_in_dim3A_607 : i32 to vector<16xi32>
        %gather3A_609 = tpu.vector_load_idx %arg7[%broadcast_in_dim3A_608, %get3A_545] : memref<32x1024xf32, #tpu.memory_space<vmem>>[vector<16xi32>, vector<16xi32>], vector<16xf32>,
        tpu.vector_store_idx %arg15[%add3A_550, %broadcast_in_dim3A_606], %gather3A_609 : memref<48x128xf32, #tpu.memory_space<vmem>>[vector<16xi32>, vector<16xi32>], vector<16xf32>,
        %broadcast_in_dim3A_610 = arith.constant 12 : i32
        %broadcast_in_dim3A_611 = vector.broadcast %broadcast_in_dim3A_610 : i32 to vector<16xi32>
        %broadcast_in_dim3A_612 = arith.constant 12 : i32
        %broadcast_in_dim3A_613 = vector.broadcast %broadcast_in_dim3A_612 : i32 to vector<16xi32>
        %gather3A_614 = tpu.vector_load_idx %arg7[%broadcast_in_dim3A_613, %get3A_545] : memref<32x1024xf32, #tpu.memory_space<vmem>>[vector<16xi32>, vector<16xi32>], vector<16xf32>,
        tpu.vector_store_idx %arg15[%add3A_550, %broadcast_in_dim3A_611], %gather3A_614 : memref<48x128xf32, #tpu.memory_space<vmem>>[vector<16xi32>, vector<16xi32>], vector<16xf32>,
        %broadcast_in_dim3A_615 = arith.constant 13 : i32
        %broadcast_in_dim3A_616 = vector.broadcast %broadcast_in_dim3A_615 : i32 to vector<16xi32>
        %broadcast_in_dim3A_617 = arith.constant 13 : i32
        %broadcast_in_dim3A_618 = vector.broadcast %broadcast_in_dim3A_617 : i32 to vector<16xi32>
        %gather3A_619 = tpu.vector_load_idx %arg7[%broadcast_in_dim3A_618, %get3A_545] : memref<32x1024xf32, #tpu.memory_space<vmem>>[vector<16xi32>, vector<16xi32>], vector<16xf32>,
        tpu.vector_store_idx %arg15[%add3A_550, %broadcast_in_dim3A_616], %gather3A_619 : memref<48x128xf32, #tpu.memory_space<vmem>>[vector<16xi32>, vector<16xi32>], vector<16xf32>,
        %broadcast_in_dim3A_620 = arith.constant 14 : i32
        %broadcast_in_dim3A_621 = vector.broadcast %broadcast_in_dim3A_620 : i32 to vector<16xi32>
        %broadcast_in_dim3A_622 = arith.constant 14 : i32
        %broadcast_in_dim3A_623 = vector.broadcast %broadcast_in_dim3A_622 : i32 to vector<16xi32>
        %gather3A_624 = tpu.vector_load_idx %arg7[%broadcast_in_dim3A_623, %get3A_545] : memref<32x1024xf32, #tpu.memory_space<vmem>>[vector<16xi32>, vector<16xi32>], vector<16xf32>,
        tpu.vector_store_idx %arg15[%add3A_550, %broadcast_in_dim3A_621], %gather3A_624 : memref<48x128xf32, #tpu.memory_space<vmem>>[vector<16xi32>, vector<16xi32>], vector<16xf32>,
        %broadcast_in_dim3A_625 = arith.constant 15 : i32
        %broadcast_in_dim3A_626 = vector.broadcast %broadcast_in_dim3A_625 : i32 to vector<16xi32>
        %broadcast_in_dim3A_627 = arith.constant 15 : i32
        %broadcast_in_dim3A_628 = vector.broadcast %broadcast_in_dim3A_627 : i32 to vector<16xi32>
        %gather3A_629 = tpu.vector_load_idx %arg7[%broadcast_in_dim3A_628, %get3A_545] : memref<32x1024xf32, #tpu.memory_space<vmem>>[vector<16xi32>, vector<16xi32>], vector<16xf32>,
        tpu.vector_store_idx %arg15[%add3A_550, %broadcast_in_dim3A_626], %gather3A_629 : memref<48x128xf32, #tpu.memory_space<vmem>>[vector<16xi32>, vector<16xi32>], vector<16xf32>,
        %broadcast_in_dim3A_630 = arith.constant 16 : i32
        %broadcast_in_dim3A_631 = vector.broadcast %broadcast_in_dim3A_630 : i32 to vector<16xi32>
        %broadcast_in_dim3A_632 = arith.constant 16 : i32
        %broadcast_in_dim3A_633 = vector.broadcast %broadcast_in_dim3A_632 : i32 to vector<16xi32>
        %gather3A_634 = tpu.vector_load_idx %arg7[%broadcast_in_dim3A_633, %get3A_545] : memref<32x1024xf32, #tpu.memory_space<vmem>>[vector<16xi32>, vector<16xi32>], vector<16xf32>,
        tpu.vector_store_idx %arg15[%add3A_550, %broadcast_in_dim3A_631], %gather3A_634 : memref<48x128xf32, #tpu.memory_space<vmem>>[vector<16xi32>, vector<16xi32>], vector<16xf32>,
        %broadcast_in_dim3A_635 = arith.constant 17 : i32
        %broadcast_in_dim3A_636 = vector.broadcast %broadcast_in_dim3A_635 : i32 to vector<16xi32>
        %broadcast_in_dim3A_637 = arith.constant 17 : i32
        %broadcast_in_dim3A_638 = vector.broadcast %broadcast_in_dim3A_637 : i32 to vector<16xi32>
        %gather3A_639 = tpu.vector_load_idx %arg7[%broadcast_in_dim3A_638, %get3A_545] : memref<32x1024xf32, #tpu.memory_space<vmem>>[vector<16xi32>, vector<16xi32>], vector<16xf32>,
        tpu.vector_store_idx %arg15[%add3A_550, %broadcast_in_dim3A_636], %gather3A_639 : memref<48x128xf32, #tpu.memory_space<vmem>>[vector<16xi32>, vector<16xi32>], vector<16xf32>,
        %broadcast_in_dim3A_640 = arith.constant 18 : i32
        %broadcast_in_dim3A_641 = vector.broadcast %broadcast_in_dim3A_640 : i32 to vector<16xi32>
        %broadcast_in_dim3A_642 = arith.constant 18 : i32
        %broadcast_in_dim3A_643 = vector.broadcast %broadcast_in_dim3A_642 : i32 to vector<16xi32>
        %gather3A_644 = tpu.vector_load_idx %arg7[%broadcast_in_dim3A_643, %get3A_545] : memref<32x1024xf32, #tpu.memory_space<vmem>>[vector<16xi32>, vector<16xi32>], vector<16xf32>,
        tpu.vector_store_idx %arg15[%add3A_550, %broadcast_in_dim3A_641], %gather3A_644 : memref<48x128xf32, #tpu.memory_space<vmem>>[vector<16xi32>, vector<16xi32>], vector<16xf32>,
        %broadcast_in_dim3A_645 = arith.constant 19 : i32
        %broadcast_in_dim3A_646 = vector.broadcast %broadcast_in_dim3A_645 : i32 to vector<16xi32>
        %broadcast_in_dim3A_647 = arith.constant 19 : i32
        %broadcast_in_dim3A_648 = vector.broadcast %broadcast_in_dim3A_647 : i32 to vector<16xi32>
        %gather3A_649 = tpu.vector_load_idx %arg7[%broadcast_in_dim3A_648, %get3A_545] : memref<32x1024xf32, #tpu.memory_space<vmem>>[vector<16xi32>, vector<16xi32>], vector<16xf32>,
        tpu.vector_store_idx %arg15[%add3A_550, %broadcast_in_dim3A_646], %gather3A_649 : memref<48x128xf32, #tpu.memory_space<vmem>>[vector<16xi32>, vector<16xi32>], vector<16xf32>,
        %broadcast_in_dim3A_650 = arith.constant 20 : i32
        %broadcast_in_dim3A_651 = vector.broadcast %broadcast_in_dim3A_650 : i32 to vector<16xi32>
        %broadcast_in_dim3A_652 = arith.constant 20 : i32
        %broadcast_in_dim3A_653 = vector.broadcast %broadcast_in_dim3A_652 : i32 to vector<16xi32>
        %gather3A_654 = tpu.vector_load_idx %arg7[%broadcast_in_dim3A_653, %get3A_545] : memref<32x1024xf32, #tpu.memory_space<vmem>>[vector<16xi32>, vector<16xi32>], vector<16xf32>,
        tpu.vector_store_idx %arg15[%add3A_550, %broadcast_in_dim3A_651], %gather3A_654 : memref<48x128xf32, #tpu.memory_space<vmem>>[vector<16xi32>, vector<16xi32>], vector<16xf32>,
        %broadcast_in_dim3A_655 = arith.constant 21 : i32
        %broadcast_in_dim3A_656 = vector.broadcast %broadcast_in_dim3A_655 : i32 to vector<16xi32>
        %broadcast_in_dim3A_657 = arith.constant 21 : i32
        %broadcast_in_dim3A_658 = vector.broadcast %broadcast_in_dim3A_657 : i32 to vector<16xi32>
        %gather3A_659 = tpu.vector_load_idx %arg7[%broadcast_in_dim3A_658, %get3A_545] : memref<32x1024xf32, #tpu.memory_space<vmem>>[vector<16xi32>, vector<16xi32>], vector<16xf32>,
        tpu.vector_store_idx %arg15[%add3A_550, %broadcast_in_dim3A_656], %gather3A_659 : memref<48x128xf32, #tpu.memory_space<vmem>>[vector<16xi32>, vector<16xi32>], vector<16xf32>,
        %broadcast_in_dim3A_660 = arith.constant 22 : i32
        %broadcast_in_dim3A_661 = vector.broadcast %broadcast_in_dim3A_660 : i32 to vector<16xi32>
        %broadcast_in_dim3A_662 = arith.constant 22 : i32
        %broadcast_in_dim3A_663 = vector.broadcast %broadcast_in_dim3A_662 : i32 to vector<16xi32>
        %gather3A_664 = tpu.vector_load_idx %arg7[%broadcast_in_dim3A_663, %get3A_545] : memref<32x1024xf32, #tpu.memory_space<vmem>>[vector<16xi32>, vector<16xi32>], vector<16xf32>,
        tpu.vector_store_idx %arg15[%add3A_550, %broadcast_in_dim3A_661], %gather3A_664 : memref<48x128xf32, #tpu.memory_space<vmem>>[vector<16xi32>, vector<16xi32>], vector<16xf32>,
        %broadcast_in_dim3A_665 = arith.constant 23 : i32
        %broadcast_in_dim3A_666 = vector.broadcast %broadcast_in_dim3A_665 : i32 to vector<16xi32>
        %broadcast_in_dim3A_667 = arith.constant 23 : i32
        %broadcast_in_dim3A_668 = vector.broadcast %broadcast_in_dim3A_667 : i32 to vector<16xi32>
        %gather3A_669 = tpu.vector_load_idx %arg7[%broadcast_in_dim3A_668, %get3A_545] : memref<32x1024xf32, #tpu.memory_space<vmem>>[vector<16xi32>, vector<16xi32>], vector<16xf32>,
        tpu.vector_store_idx %arg15[%add3A_550, %broadcast_in_dim3A_666], %gather3A_669 : memref<48x128xf32, #tpu.memory_space<vmem>>[vector<16xi32>, vector<16xi32>], vector<16xf32>,
        %broadcast_in_dim3A_670 = arith.constant 24 : i32
        %broadcast_in_dim3A_671 = vector.broadcast %broadcast_in_dim3A_670 : i32 to vector<16xi32>
        %broadcast_in_dim3A_672 = arith.constant 24 : i32
        %broadcast_in_dim3A_673 = vector.broadcast %broadcast_in_dim3A_672 : i32 to vector<16xi32>
        %gather3A_674 = tpu.vector_load_idx %arg7[%broadcast_in_dim3A_673, %get3A_545] : memref<32x1024xf32, #tpu.memory_space<vmem>>[vector<16xi32>, vector<16xi32>], vector<16xf32>,
        tpu.vector_store_idx %arg15[%add3A_550, %broadcast_in_dim3A_671], %gather3A_674 : memref<48x128xf32, #tpu.memory_space<vmem>>[vector<16xi32>, vector<16xi32>], vector<16xf32>,
        %broadcast_in_dim3A_675 = arith.constant 25 : i32
        %broadcast_in_dim3A_676 = vector.broadcast %broadcast_in_dim3A_675 : i32 to vector<16xi32>
        %broadcast_in_dim3A_677 = arith.constant 25 : i32
        %broadcast_in_dim3A_678 = vector.broadcast %broadcast_in_dim3A_677 : i32 to vector<16xi32>
        %gather3A_679 = tpu.vector_load_idx %arg7[%broadcast_in_dim3A_678, %get3A_545] : memref<32x1024xf32, #tpu.memory_space<vmem>>[vector<16xi32>, vector<16xi32>], vector<16xf32>,
        tpu.vector_store_idx %arg15[%add3A_550, %broadcast_in_dim3A_676], %gather3A_679 : memref<48x128xf32, #tpu.memory_space<vmem>>[vector<16xi32>, vector<16xi32>], vector<16xf32>,
        %broadcast_in_dim3A_680 = arith.constant 26 : i32
        %broadcast_in_dim3A_681 = vector.broadcast %broadcast_in_dim3A_680 : i32 to vector<16xi32>
        %broadcast_in_dim3A_682 = arith.constant 26 : i32
        %broadcast_in_dim3A_683 = vector.broadcast %broadcast_in_dim3A_682 : i32 to vector<16xi32>
        %gather3A_684 = tpu.vector_load_idx %arg7[%broadcast_in_dim3A_683, %get3A_545] : memref<32x1024xf32, #tpu.memory_space<vmem>>[vector<16xi32>, vector<16xi32>], vector<16xf32>,
        tpu.vector_store_idx %arg15[%add3A_550, %broadcast_in_dim3A_681], %gather3A_684 : memref<48x128xf32, #tpu.memory_space<vmem>>[vector<16xi32>, vector<16xi32>], vector<16xf32>,
        %broadcast_in_dim3A_685 = arith.constant 27 : i32
        %broadcast_in_dim3A_686 = vector.broadcast %broadcast_in_dim3A_685 : i32 to vector<16xi32>
        %broadcast_in_dim3A_687 = arith.constant 27 : i32
        %broadcast_in_dim3A_688 = vector.broadcast %broadcast_in_dim3A_687 : i32 to vector<16xi32>
        %gather3A_689 = tpu.vector_load_idx %arg7[%broadcast_in_dim3A_688, %get3A_545] : memref<32x1024xf32, #tpu.memory_space<vmem>>[vector<16xi32>, vector<16xi32>], vector<16xf32>,
        tpu.vector_store_idx %arg15[%add3A_550, %broadcast_in_dim3A_686], %gather3A_689 : memref<48x128xf32, #tpu.memory_space<vmem>>[vector<16xi32>, vector<16xi32>], vector<16xf32>,
        %broadcast_in_dim3A_690 = arith.constant 28 : i32
        %broadcast_in_dim3A_691 = vector.broadcast %broadcast_in_dim3A_690 : i32 to vector<16xi32>
        %broadcast_in_dim3A_692 = arith.constant 28 : i32
        %broadcast_in_dim3A_693 = vector.broadcast %broadcast_in_dim3A_692 : i32 to vector<16xi32>
        %gather3A_694 = tpu.vector_load_idx %arg7[%broadcast_in_dim3A_693, %get3A_545] : memref<32x1024xf32, #tpu.memory_space<vmem>>[vector<16xi32>, vector<16xi32>], vector<16xf32>,
        tpu.vector_store_idx %arg15[%add3A_550, %broadcast_in_dim3A_691], %gather3A_694 : memref<48x128xf32, #tpu.memory_space<vmem>>[vector<16xi32>, vector<16xi32>], vector<16xf32>,
        %broadcast_in_dim3A_695 = arith.constant 29 : i32
        %broadcast_in_dim3A_696 = vector.broadcast %broadcast_in_dim3A_695 : i32 to vector<16xi32>
        %broadcast_in_dim3A_697 = arith.constant 29 : i32
        %broadcast_in_dim3A_698 = vector.broadcast %broadcast_in_dim3A_697 : i32 to vector<16xi32>
        %gather3A_699 = tpu.vector_load_idx %arg7[%broadcast_in_dim3A_698, %get3A_545] : memref<32x1024xf32, #tpu.memory_space<vmem>>[vector<16xi32>, vector<16xi32>], vector<16xf32>,
        tpu.vector_store_idx %arg15[%add3A_550, %broadcast_in_dim3A_696], %gather3A_699 : memref<48x128xf32, #tpu.memory_space<vmem>>[vector<16xi32>, vector<16xi32>], vector<16xf32>,
        %broadcast_in_dim3A_700 = arith.constant 30 : i32
        %broadcast_in_dim3A_701 = vector.broadcast %broadcast_in_dim3A_700 : i32 to vector<16xi32>
        %broadcast_in_dim3A_702 = arith.constant 30 : i32
        %broadcast_in_dim3A_703 = vector.broadcast %broadcast_in_dim3A_702 : i32 to vector<16xi32>
        %gather3A_704 = tpu.vector_load_idx %arg7[%broadcast_in_dim3A_703, %get3A_545] : memref<32x1024xf32, #tpu.memory_space<vmem>>[vector<16xi32>, vector<16xi32>], vector<16xf32>,
        tpu.vector_store_idx %arg15[%add3A_550, %broadcast_in_dim3A_701], %gather3A_704 : memref<48x128xf32, #tpu.memory_space<vmem>>[vector<16xi32>, vector<16xi32>], vector<16xf32>,
        %broadcast_in_dim3A_705 = arith.constant 31 : i32
        %broadcast_in_dim3A_706 = vector.broadcast %broadcast_in_dim3A_705 : i32 to vector<16xi32>
        %broadcast_in_dim3A_707 = arith.constant 31 : i32
        %broadcast_in_dim3A_708 = vector.broadcast %broadcast_in_dim3A_707 : i32 to vector<16xi32>
        %gather3A_709 = tpu.vector_load_idx %arg7[%broadcast_in_dim3A_708, %get3A_545] : memref<32x1024xf32, #tpu.memory_space<vmem>>[vector<16xi32>, vector<16xi32>], vector<16xf32>,
        tpu.vector_store_idx %arg15[%add3A_550, %broadcast_in_dim3A_706], %gather3A_709 : memref<48x128xf32, #tpu.memory_space<vmem>>[vector<16xi32>, vector<16xi32>], vector<16xf32>,
      }
      %scan3A_370 = arith.constant 3 : i32
      %get3A_371 = arith.constant 0 : i32
      %get3A_372 = arith.index_cast %get3A_371 : i32 to index
      %get3A_373 = arith.constant 0 : index
      %get3A_374 = tpu.vector_load %arg13[%get3A_372, %get3A_373] {strides = array<i32>} : memref<4x16xi32, #tpu.memory_space<vmem>>, vector<16xi32>,
      %swap3A_375 = arith.constant 0 : i32
      %swap3A_376 = arith.index_cast %swap3A_375 : i32 to index
      %swap3A_377 = arith.constant 0 : index
      %swap3A_378 = tpu.vector_load %arg14[%swap3A_376, %swap3A_377] {strides = array<i32>} : memref<1x48xi32, #tpu.memory_space<vmem>>, vector<16xi32>,
      tpu.vector_store %arg14[%swap3A_376, %swap3A_377], %get3A_374 {strides = array<i32>} : memref<1x48xi32, #tpu.memory_space<vmem>>, vector<16xi32>,
      %get3A_379 = arith.constant 1 : i32
      %get3A_380 = arith.index_cast %get3A_379 : i32 to index
      %get3A_381 = arith.constant 0 : index
      %get3A_382 = tpu.vector_load %arg13[%get3A_380, %get3A_381] {strides = array<i32>} : memref<4x16xi32, #tpu.memory_space<vmem>>, vector<16xi32>,
      %swap3A_383 = arith.constant 0 : i32
      %swap3A_384 = arith.index_cast %swap3A_383 : i32 to index
      %swap3A_385 = arith.constant 16 : index
      %swap3A_386 = tpu.vector_load %arg14[%swap3A_384, %swap3A_385] {strides = array<i32>} : memref<1x48xi32, #tpu.memory_space<vmem>>, vector<16xi32>,
      tpu.vector_store %arg14[%swap3A_384, %swap3A_385], %get3A_382 {strides = array<i32>} : memref<1x48xi32, #tpu.memory_space<vmem>>, vector<16xi32>,
      %get3A_387 = arith.constant 2 : i32
      %get3A_388 = arith.index_cast %get3A_387 : i32 to index
      %get3A_389 = arith.constant 0 : index
      %get3A_390 = tpu.vector_load %arg13[%get3A_388, %get3A_389] {strides = array<i32>} : memref<4x16xi32, #tpu.memory_space<vmem>>, vector<16xi32>,
      %swap3A_391 = arith.constant 0 : i32
      %swap3A_392 = arith.index_cast %swap3A_391 : i32 to index
      %swap3A_393 = arith.constant 32 : index
      %swap3A_394 = tpu.vector_load %arg14[%swap3A_392, %swap3A_393] {strides = array<i32>} : memref<1x48xi32, #tpu.memory_space<vmem>>, vector<16xi32>,
      tpu.vector_store %arg14[%swap3A_392, %swap3A_393], %get3A_390 {strides = array<i32>} : memref<1x48xi32, #tpu.memory_space<vmem>>, vector<16xi32>,
      %run_scoped3A_395 = arith.constant 0 : i32
      "tpu.region"() ({
        %run_scoped3A_542 = tpu.sem_alloc : memref<!tpu.dma_semaphore, #tpu.memory_space<semaphore_mem>>
        %dma_start3A_543 = arith.constant 0 : i32
        %dma_start3A_544 = tpu.memref_slice %arg14[%run_scoped3A_395, %dma_start3A_543] : memref<1x48xi32, #tpu.memory_space<vmem>> -> memref<1x48xi32, #tpu.memory_space<vmem>>
        %dma_start3A_545 = tpu.memref_squeeze %dma_start3A_544 : memref<1x48xi32, #tpu.memory_space<vmem>> -> memref<48xi32, #tpu.memory_space<vmem>>
        %dma_start3A_546 = arith.constant 0 : i32
        %dma_start3A_547 = arith.constant 0 : i32
        %dma_start3A_548 = tpu.memref_slice %arg5[%dma_start3A_546, %dma_start3A_547] : memref<17920x128xf32, #tpu.memory_space<hbm>> -> memref<17920x128xf32, #tpu.memory_space<hbm>>
        tpu.enqueue_indirect_dma source(%arg15 : memref<48x128xf32, #tpu.memory_space<vmem>>) target(%dma_start3A_548 : memref<17920x128xf32, #tpu.memory_space<hbm>>) offsets(%dma_start3A_545 : memref<48xi32, #tpu.memory_space<vmem>>) semaphore(%run_scoped3A_542 : memref<!tpu.dma_semaphore, #tpu.memory_space<semaphore_mem>>)
        %dma_wait3A_549 = arith.constant 0 : i32
        %dma_wait3A_550 = tpu.memref_slice %arg14[%run_scoped3A_395, %dma_wait3A_549] : memref<1x48xi32, #tpu.memory_space<vmem>> -> memref<1x48xi32, #tpu.memory_space<vmem>>
        %dma_wait3A_551 = tpu.memref_squeeze %dma_wait3A_550 : memref<1x48xi32, #tpu.memory_space<vmem>> -> memref<48xi32, #tpu.memory_space<vmem>>
        %dma_wait3A_552 = arith.constant 0 : i32
        %dma_wait3A_553 = arith.constant 0 : i32
        %dma_wait3A_554 = tpu.memref_slice %arg5[%dma_wait3A_552, %dma_wait3A_553] : memref<17920x128xf32, #tpu.memory_space<hbm>> -> memref<17920x128xf32, #tpu.memory_space<hbm>>
        tpu.wait_indirect_dma semaphore(%run_scoped3A_542 : memref<!tpu.dma_semaphore, #tpu.memory_space<semaphore_mem>>) src(%arg15 : memref<48x128xf32, #tpu.memory_space<vmem>>) dst(%dma_wait3A_554 : memref<17920x128xf32, #tpu.memory_space<hbm>>)
        tpu.yield
      }) : () -> ()
      %add3A_396 = arith.constant 2 : i32
      %add3A_397 = arith.addi %add3A_277, %add3A_396 : i32
      %mul3A_398 = arith.constant 1024 : i32
      %mul3A_399 = arith.muli %add3A_397, %mul3A_398 : i32
      %add3A_400 = arith.addi %mul3A_2, %mul3A_399 : i32
      %min3A_401 = arith.constant 998912 : i32
      %min3A_402 = arith.minsi %add3A_400, %min3A_401 : i32
      %multiple_of3A_403 = tpu.assume_multiple %min3A_402, 128 : i32
      %dma_start3A_404 = arith.constant 0 : i32
      %dma_start3A_405 = tpu.memref_slice %arg2[%dma_start3A_404, %multiple_of3A_403] : memref<32x1000000xf32, #tpu.memory_space<hbm>> -> memref<32x1024xf32, #tpu.memory_space<hbm>>
      %dma_start3A_406 = arith.constant 0 : i32
      %dma_start3A_407 = tpu.memref_slice %arg2[%dma_start3A_406, %multiple_of3A_403] : memref<32x1000000xf32, #tpu.memory_space<hbm>> -> memref<32x1024xf32, #tpu.memory_space<hbm>>
      tpu.enqueue_dma source(%dma_start3A_407 : memref<32x1024xf32, #tpu.memory_space<hbm>>) target(%arg7 : memref<32x1024xf32, #tpu.memory_space<vmem>>) target_semaphore(%arg16 : memref<!tpu.dma_semaphore, #tpu.memory_space<semaphore_mem>>)
      %mul3A_408 = arith.constant 2 : i32
      %mul3A_409 = arith.muli %mul3A_408, %scan3A_273 : i32
      %add3A_410 = arith.constant 1 : i32
      %add3A_411 = arith.addi %mul3A_409, %add3A_410 : i32
      %dma_wait3A_412 = arith.constant 0 : i32
      %dma_wait3A_413 = arith.constant 0 : i32
      %dma_wait3A_414 = tpu.memref_slice %arg2[%dma_wait3A_412, %dma_wait3A_413] : memref<32x1000000xf32, #tpu.memory_space<hbm>> -> memref<32x1024xf32, #tpu.memory_space<hbm>>
      %dma_wait3A_415 = arith.constant 0 : i32
      %dma_wait3A_416 = arith.constant 0 : i32
      %dma_wait3A_417 = tpu.memref_slice %arg2[%dma_wait3A_415, %dma_wait3A_416] : memref<32x1000000xf32, #tpu.memory_space<hbm>> -> memref<32x1024xf32, #tpu.memory_space<hbm>>
      tpu.wait_dma2 semaphore(%arg17 : memref<!tpu.dma_semaphore, #tpu.memory_space<semaphore_mem>>) src(%dma_wait3A_417 : memref<32x1024xf32, #tpu.memory_space<hbm>>) dst(%arg8 : memref<32x1024xf32, #tpu.memory_space<vmem>>)
      %mul3A_418 = arith.constant 1024 : i32
      %mul3A_419 = arith.muli %add3A_411, %mul3A_418 : i32
      %add3A_420 = arith.addi %mul3A_2, %mul3A_419 : i32
      %min3A_421 = arith.constant 998912 : i32
      %min3A_422 = arith.minsi %add3A_420, %min3A_421 : i32
      %multiple_of3A_423 = tpu.assume_multiple %min3A_422, 128 : i32
      %add3A_424 = arith.constant 1024 : i32
      %add3A_425 = arith.addi %multiple_of3A_423, %add3A_424 : i32
      %iota3A_426 = tpu.iota {dimensions = array<i32: 0>} : vector<16xi32>
      %add3A_427 = arith.constant 0 : i32
      %add3A_428 = arith.addi %add3A_45, %add3A_427 : i32
      %add3A_429 = vector.broadcast %add3A_428 : i32 to vector<16xi32>
      %add3A_430 = arith.addi %iota3A_426, %add3A_429 : vector<16xi32>
      %swap3A_431 = arith.constant 0 : i32
      %swap3A_432 = arith.index_cast %swap3A_431 : i32 to index
      %swap3A_433 = arith.constant 0 : index
      %swap3A_434 = tpu.vector_load %arg13[%swap3A_432, %swap3A_433] {strides = array<i32>} : memref<4x16xi32, #tpu.memory_space<vmem>>, vector<16xi32>,
      tpu.vector_store %arg13[%swap3A_432, %swap3A_433], %add3A_430 {strides = array<i32>} : memref<4x16xi32, #tpu.memory_space<vmem>>, vector<16xi32>,
      %broadcast_in_dim3A_435 = arith.constant 0 : i32
      %broadcast_in_dim3A_436 = vector.broadcast %broadcast_in_dim3A_435 : i32 to vector<16xi32>
      %swap3A_437 = arith.constant 0 : i32
      %swap3A_438 = arith.index_cast %swap3A_437 : i32 to index
      %swap3A_439 = arith.constant 0 : index
      %swap3A_440 = tpu.vector_load %arg12[%swap3A_438, %swap3A_439] {strides = array<i32>} : memref<4x16xi32, #tpu.memory_space<vmem>>, vector<16xi32>,
      tpu.vector_store %arg12[%swap3A_438, %swap3A_439], %broadcast_in_dim3A_436 {strides = array<i32>} : memref<4x16xi32, #tpu.memory_space<vmem>>, vector<16xi32>,
      %iota3A_441 = tpu.iota {dimensions = array<i32: 0>} : vector<16xi32>
      %add3A_442 = arith.constant 16 : i32
      %add3A_443 = arith.addi %add3A_45, %add3A_442 : i32
      %add3A_444 = vector.broadcast %add3A_443 : i32 to vector<16xi32>
      %add3A_445 = arith.addi %iota3A_441, %add3A_444 : vector<16xi32>
      %swap3A_446 = arith.constant 1 : i32
      %swap3A_447 = arith.index_cast %swap3A_446 : i32 to index
      %swap3A_448 = arith.constant 0 : index
      %swap3A_449 = tpu.vector_load %arg13[%swap3A_447, %swap3A_448] {strides = array<i32>} : memref<4x16xi32, #tpu.memory_space<vmem>>, vector<16xi32>,
      tpu.vector_store %arg13[%swap3A_447, %swap3A_448], %add3A_445 {strides = array<i32>} : memref<4x16xi32, #tpu.memory_space<vmem>>, vector<16xi32>,
      %broadcast_in_dim3A_450 = arith.constant 0 : i32
      %broadcast_in_dim3A_451 = vector.broadcast %broadcast_in_dim3A_450 : i32 to vector<16xi32>
      %swap3A_452 = arith.constant 1 : i32
      %swap3A_453 = arith.index_cast %swap3A_452 : i32 to index
      %swap3A_454 = arith.constant 0 : index
      %swap3A_455 = tpu.vector_load %arg12[%swap3A_453, %swap3A_454] {strides = array<i32>} : memref<4x16xi32, #tpu.memory_space<vmem>>, vector<16xi32>,
      tpu.vector_store %arg12[%swap3A_453, %swap3A_454], %broadcast_in_dim3A_451 {strides = array<i32>} : memref<4x16xi32, #tpu.memory_space<vmem>>, vector<16xi32>,
      %iota3A_456 = tpu.iota {dimensions = array<i32: 0>} : vector<16xi32>
      %add3A_457 = arith.constant 32 : i32
      %add3A_458 = arith.addi %add3A_45, %add3A_457 : i32
      %add3A_459 = vector.broadcast %add3A_458 : i32 to vector<16xi32>
      %add3A_460 = arith.addi %iota3A_456, %add3A_459 : vector<16xi32>
      %swap3A_461 = arith.constant 2 : i32
      %swap3A_462 = arith.index_cast %swap3A_461 : i32 to index
      %swap3A_463 = arith.constant 0 : index
      %swap3A_464 = tpu.vector_load %arg13[%swap3A_462, %swap3A_463] {strides = array<i32>} : memref<4x16xi32, #tpu.memory_space<vmem>>, vector<16xi32>,
      tpu.vector_store %arg13[%swap3A_462, %swap3A_463], %add3A_460 {strides = array<i32>} : memref<4x16xi32, #tpu.memory_space<vmem>>, vector<16xi32>,
      %broadcast_in_dim3A_465 = arith.constant 0 : i32
      %broadcast_in_dim3A_466 = vector.broadcast %broadcast_in_dim3A_465 : i32 to vector<16xi32>
      %swap3A_467 = arith.constant 2 : i32
      %swap3A_468 = arith.index_cast %swap3A_467 : i32 to index
      %swap3A_469 = arith.constant 0 : index
      %swap3A_470 = tpu.vector_load %arg12[%swap3A_468, %swap3A_469] {strides = array<i32>} : memref<4x16xi32, #tpu.memory_space<vmem>>, vector<16xi32>,
      tpu.vector_store %arg12[%swap3A_468, %swap3A_469], %broadcast_in_dim3A_466 {strides = array<i32>} : memref<4x16xi32, #tpu.memory_space<vmem>>, vector<16xi32>,
      %iota3A_471 = tpu.iota {dimensions = array<i32: 0>} : vector<16xi32>
      %add3A_472 = arith.constant 48 : i32
      %add3A_473 = arith.addi %add3A_45, %add3A_472 : i32
      %add3A_474 = vector.broadcast %add3A_473 : i32 to vector<16xi32>
      %add3A_475 = arith.addi %iota3A_471, %add3A_474 : vector<16xi32>
      %swap3A_476 = arith.constant 3 : i32
      %swap3A_477 = arith.index_cast %swap3A_476 : i32 to index
      %swap3A_478 = arith.constant 0 : index
      %swap3A_479 = tpu.vector_load %arg13[%swap3A_477, %swap3A_478] {strides = array<i32>} : memref<4x16xi32, #tpu.memory_space<vmem>>, vector<16xi32>,
      tpu.vector_store %arg13[%swap3A_477, %swap3A_478], %add3A_475 {strides = array<i32>} : memref<4x16xi32, #tpu.memory_space<vmem>>, vector<16xi32>,
      %broadcast_in_dim3A_480 = arith.constant 0 : i32
      %broadcast_in_dim3A_481 = vector.broadcast %broadcast_in_dim3A_480 : i32 to vector<16xi32>
      %swap3A_482 = arith.constant 3 : i32
      %swap3A_483 = arith.index_cast %swap3A_482 : i32 to index
      %swap3A_484 = arith.constant 0 : index
      %swap3A_485 = tpu.vector_load %arg12[%swap3A_483, %swap3A_484] {strides = array<i32>} : memref<4x16xi32, #tpu.memory_space<vmem>>, vector<16xi32>,
      tpu.vector_store %arg12[%swap3A_483, %swap3A_484], %broadcast_in_dim3A_481 {strides = array<i32>} : memref<4x16xi32, #tpu.memory_space<vmem>>, vector<16xi32>,
      %broadcast_in_dim3A_486 = arith.constant 0 : i32
      %broadcast_in_dim3A_487 = vector.broadcast %broadcast_in_dim3A_486 : i32 to vector<16xi32>
      %while3A_488 = arith.constant 0 : i32
      %while3A_489 = arith.subi %shift_right_logical3A_41, %while3A_488 : i32
      %while3A_490 = arith.addi %while3A_488, %while3A_489 : i32
      %while3A_491 = arith.constant 1 : i32
      %while3A_492 = arith.divsi %while3A_489, %while3A_491 : i32
      %while3A_493 = arith.muli %while3A_492, %while3A_491 : i32
      %while3A_494 = arith.addi %while3A_488, %while3A_493 : i32
      %while3A_495 = arith.constant 1 : i32
      %while3A_496 = scf.for %while3A_542 = %while3A_488 to %while3A_494 step %while3A_495 iter_args(%while3A_543 = %broadcast_in_dim3A_487) -> (vector<16xi32>)  : i32 {
        %get3A_544 = arith.index_cast %while3A_542 : i32 to index
        %get3A_545 = arith.constant 0 : index
        %get3A_546 = tpu.vector_load %arg10[%get3A_544, %get3A_545] {strides = array<i32>} : memref<49x16xi32, #tpu.memory_space<vmem>>, vector<16xi32>,
        %sub3A = vector.broadcast %multiple_of3A_423 : i32 to vector<16xi32>
        %sub3A_547 = arith.subi %get3A_546, %sub3A : vector<16xi32>
        %shift_right_logical3A_548 = arith.constant 31 : i32
        %shift_right_logical3A_549 = vector.broadcast %shift_right_logical3A_548 : i32 to vector<16xi32>
        %shift_right_logical3A_550 = arith.shrui %sub3A_547, %shift_right_logical3A_549 : vector<16xi32>
        %sub3A_551 = arith.constant 1 : i32
        %sub3A_552 = arith.subi %add3A_425, %sub3A_551 : i32
        %sub3A_553 = vector.broadcast %sub3A_552 : i32 to vector<16xi32>
        %sub3A_554 = arith.subi %sub3A_553, %get3A_546 : vector<16xi32>
        %shift_right_logical3A_555 = arith.constant 31 : i32
        %shift_right_logical3A_556 = vector.broadcast %shift_right_logical3A_555 : i32 to vector<16xi32>
        %shift_right_logical3A_557 = arith.shrui %sub3A_554, %shift_right_logical3A_556 : vector<16xi32>
        %sub3A_558 = arith.constant 1 : i32
        %sub3A_559 = vector.broadcast %sub3A_558 : i32 to vector<16xi32>
        %sub3A_560 = arith.subi %sub3A_559, %shift_right_logical3A_550 : vector<16xi32>
        %sub3A_561 = arith.constant 1 : i32
        %sub3A_562 = vector.broadcast %sub3A_561 : i32 to vector<16xi32>
        %sub3A_563 = arith.subi %sub3A_562, %shift_right_logical3A_557 : vector<16xi32>
        %mul3A_564 = arith.muli %sub3A_560, %sub3A_563 : vector<16xi32>
        %broadcast_in_dim3A_565 = arith.constant true
        %broadcast_in_dim3A_566 = vector.broadcast %broadcast_in_dim3A_565 : i1 to vector<16xi1>
        %masked_cumsum3A = tpu.scan <sum>, %mul3A_564 masked %broadcast_in_dim3A_566 : vector<16xi32>, vector<16xi1> -> vector<16xi32>
        %add3A_567 = arith.addi %while3A_543, %masked_cumsum3A : vector<16xi32>
        %sub3A_568 = arith.constant 1 : i32
        %sub3A_569 = vector.broadcast %sub3A_568 : i32 to vector<16xi32>
        %sub3A_570 = arith.subi %add3A_567, %sub3A_569 : vector<16xi32>
        %sub3A_571 = arith.constant 48 : i32
        %sub3A_572 = vector.broadcast %sub3A_571 : i32 to vector<16xi32>
        %sub3A_573 = arith.subi %sub3A_570, %sub3A_572 : vector<16xi32>
        %mul3A_574 = arith.muli %mul3A_564, %sub3A_573 : vector<16xi32>
        %add3A_575 = arith.constant 48 : i32
        %add3A_576 = vector.broadcast %add3A_575 : i32 to vector<16xi32>
        %add3A_577 = arith.addi %add3A_576, %mul3A_574 : vector<16xi32>
        %shift_right_logical3A_578 = arith.constant 4 : i32
        %shift_right_logical3A_579 = vector.broadcast %shift_right_logical3A_578 : i32 to vector<16xi32>
        %shift_right_logical3A_580 = arith.shrui %add3A_577, %shift_right_logical3A_579 : vector<16xi32>
        %mul3A_581 = arith.constant 16 : i32
        %mul3A_582 = vector.broadcast %mul3A_581 : i32 to vector<16xi32>
        %mul3A_583 = arith.muli %shift_right_logical3A_580, %mul3A_582 : vector<16xi32>
        %sub3A_584 = arith.subi %add3A_577, %mul3A_583 : vector<16xi32>
        %sub3A_585 = vector.broadcast %multiple_of3A_423 : i32 to vector<16xi32>
        %sub3A_586 = arith.subi %get3A_546, %sub3A_585 : vector<16xi32>
        %mul3A_587 = arith.muli %sub3A_586, %mul3A_564 : vector<16xi32>
        tpu.vector_store_idx %arg12[%shift_right_logical3A_580, %sub3A_584], %mul3A_587 : memref<4x16xi32, #tpu.memory_space<vmem>>[vector<16xi32>, vector<16xi32>], vector<16xi32>,
        %get3A_588 = arith.index_cast %while3A_542 : i32 to index
        %get3A_589 = arith.constant 0 : index
        %get3A_590 = tpu.vector_load %arg11[%get3A_588, %get3A_589] {strides = array<i32>} : memref<49x16xi32, #tpu.memory_space<vmem>>, vector<16xi32>,
        tpu.vector_store_idx %arg13[%shift_right_logical3A_580, %sub3A_584], %get3A_590 : memref<4x16xi32, #tpu.memory_space<vmem>>[vector<16xi32>, vector<16xi32>], vector<16xi32>,
        %broadcast_in_dim3A_591 = arith.constant 15 : i32
        %broadcast_in_dim3A_592 = vector.broadcast %broadcast_in_dim3A_591 : i32 to vector<16xi32>
        %reshape3A = vector.shape_cast %broadcast_in_dim3A_592 : vector<16xi32> to vector<16x1xi32>
        %gather3A = vector.shape_cast %reshape3A : vector<16x1xi32> to vector<16xi32>
        %gather3A_593 = tpu.dynamic_gather %masked_cumsum3A[%gather3A] in [0] : vector<16xi32>, vector<16xi32> -> vector<16xi32>
        %add3A_594 = arith.addi %while3A_543, %gather3A_593 : vector<16xi32>
        %min3A_595 = arith.constant 32 : i32
        %min3A_596 = vector.broadcast %min3A_595 : i32 to vector<16xi32>
        %min3A_597 = arith.minsi %add3A_594, %min3A_596 : vector<16xi32>
        scf.yield %min3A_597 : vector<16xi32>
      }
      %while3A_497 = arith.constant 1 : i32
      %while3A_498 = scf.for %while3A_542 = %while3A_494 to %while3A_490 step %while3A_497 iter_args(%while3A_543 = %while3A_496) -> (vector<16xi32>)  : i32 {
        %get3A_544 = arith.index_cast %while3A_542 : i32 to index
        %get3A_545 = arith.constant 0 : index
        %get3A_546 = tpu.vector_load %arg10[%get3A_544, %get3A_545] {strides = array<i32>} : memref<49x16xi32, #tpu.memory_space<vmem>>, vector<16xi32>,
        %sub3A = vector.broadcast %multiple_of3A_423 : i32 to vector<16xi32>
        %sub3A_547 = arith.subi %get3A_546, %sub3A : vector<16xi32>
        %shift_right_logical3A_548 = arith.constant 31 : i32
        %shift_right_logical3A_549 = vector.broadcast %shift_right_logical3A_548 : i32 to vector<16xi32>
        %shift_right_logical3A_550 = arith.shrui %sub3A_547, %shift_right_logical3A_549 : vector<16xi32>
        %sub3A_551 = arith.constant 1 : i32
        %sub3A_552 = arith.subi %add3A_425, %sub3A_551 : i32
        %sub3A_553 = vector.broadcast %sub3A_552 : i32 to vector<16xi32>
        %sub3A_554 = arith.subi %sub3A_553, %get3A_546 : vector<16xi32>
        %shift_right_logical3A_555 = arith.constant 31 : i32
        %shift_right_logical3A_556 = vector.broadcast %shift_right_logical3A_555 : i32 to vector<16xi32>
        %shift_right_logical3A_557 = arith.shrui %sub3A_554, %shift_right_logical3A_556 : vector<16xi32>
        %sub3A_558 = arith.constant 1 : i32
        %sub3A_559 = vector.broadcast %sub3A_558 : i32 to vector<16xi32>
        %sub3A_560 = arith.subi %sub3A_559, %shift_right_logical3A_550 : vector<16xi32>
        %sub3A_561 = arith.constant 1 : i32
        %sub3A_562 = vector.broadcast %sub3A_561 : i32 to vector<16xi32>
        %sub3A_563 = arith.subi %sub3A_562, %shift_right_logical3A_557 : vector<16xi32>
        %mul3A_564 = arith.muli %sub3A_560, %sub3A_563 : vector<16xi32>
        %broadcast_in_dim3A_565 = arith.constant true
        %broadcast_in_dim3A_566 = vector.broadcast %broadcast_in_dim3A_565 : i1 to vector<16xi1>
        %masked_cumsum3A = tpu.scan <sum>, %mul3A_564 masked %broadcast_in_dim3A_566 : vector<16xi32>, vector<16xi1> -> vector<16xi32>
        %add3A_567 = arith.addi %while3A_543, %masked_cumsum3A : vector<16xi32>
        %sub3A_568 = arith.constant 1 : i32
        %sub3A_569 = vector.broadcast %sub3A_568 : i32 to vector<16xi32>
        %sub3A_570 = arith.subi %add3A_567, %sub3A_569 : vector<16xi32>
        %sub3A_571 = arith.constant 48 : i32
        %sub3A_572 = vector.broadcast %sub3A_571 : i32 to vector<16xi32>
        %sub3A_573 = arith.subi %sub3A_570, %sub3A_572 : vector<16xi32>
        %mul3A_574 = arith.muli %mul3A_564, %sub3A_573 : vector<16xi32>
        %add3A_575 = arith.constant 48 : i32
        %add3A_576 = vector.broadcast %add3A_575 : i32 to vector<16xi32>
        %add3A_577 = arith.addi %add3A_576, %mul3A_574 : vector<16xi32>
        %shift_right_logical3A_578 = arith.constant 4 : i32
        %shift_right_logical3A_579 = vector.broadcast %shift_right_logical3A_578 : i32 to vector<16xi32>
        %shift_right_logical3A_580 = arith.shrui %add3A_577, %shift_right_logical3A_579 : vector<16xi32>
        %mul3A_581 = arith.constant 16 : i32
        %mul3A_582 = vector.broadcast %mul3A_581 : i32 to vector<16xi32>
        %mul3A_583 = arith.muli %shift_right_logical3A_580, %mul3A_582 : vector<16xi32>
        %sub3A_584 = arith.subi %add3A_577, %mul3A_583 : vector<16xi32>
        %sub3A_585 = vector.broadcast %multiple_of3A_423 : i32 to vector<16xi32>
        %sub3A_586 = arith.subi %get3A_546, %sub3A_585 : vector<16xi32>
        %mul3A_587 = arith.muli %sub3A_586, %mul3A_564 : vector<16xi32>
        tpu.vector_store_idx %arg12[%shift_right_logical3A_580, %sub3A_584], %mul3A_587 : memref<4x16xi32, #tpu.memory_space<vmem>>[vector<16xi32>, vector<16xi32>], vector<16xi32>,
        %get3A_588 = arith.index_cast %while3A_542 : i32 to index
        %get3A_589 = arith.constant 0 : index
        %get3A_590 = tpu.vector_load %arg11[%get3A_588, %get3A_589] {strides = array<i32>} : memref<49x16xi32, #tpu.memory_space<vmem>>, vector<16xi32>,
        tpu.vector_store_idx %arg13[%shift_right_logical3A_580, %sub3A_584], %get3A_590 : memref<4x16xi32, #tpu.memory_space<vmem>>[vector<16xi32>, vector<16xi32>], vector<16xi32>,
        %broadcast_in_dim3A_591 = arith.constant 15 : i32
        %broadcast_in_dim3A_592 = vector.broadcast %broadcast_in_dim3A_591 : i32 to vector<16xi32>
        %reshape3A = vector.shape_cast %broadcast_in_dim3A_592 : vector<16xi32> to vector<16x1xi32>
        %gather3A = vector.shape_cast %reshape3A : vector<16x1xi32> to vector<16xi32>
        %gather3A_593 = tpu.dynamic_gather %masked_cumsum3A[%gather3A] in [0] : vector<16xi32>, vector<16xi32> -> vector<16xi32>
        %add3A_594 = arith.addi %while3A_543, %gather3A_593 : vector<16xi32>
        %min3A_595 = arith.constant 32 : i32
        %min3A_596 = vector.broadcast %min3A_595 : i32 to vector<16xi32>
        %min3A_597 = arith.minsi %add3A_594, %min3A_596 : vector<16xi32>
        scf.yield %min3A_597 : vector<16xi32>
      }
      %scan3A_499 = arith.constant 0 : i32
      %scan3A_500 = arith.constant 0 : i32
      %scan3A_501 = arith.constant 3 : i32
      %scan3A_502 = arith.addi %scan3A_500, %scan3A_501 : i32
      %scan3A_503 = arith.constant 1 : i32
      scf.for %scan3A_542 = %scan3A_500 to %scan3A_502 step %scan3A_503  : i32 {
        %get3A_543 = arith.index_cast %scan3A_542 : i32 to index
        %get3A_544 = arith.constant 0 : index
        %get3A_545 = tpu.vector_load %arg12[%get3A_543, %get3A_544] {strides = array<i32>} : memref<4x16xi32, #tpu.memory_space<vmem>>, vector<16xi32>,
        %iota3A_546 = tpu.iota {dimensions = array<i32: 0>} : vector<16xi32>
        %mul3A_547 = arith.constant 16 : i32
        %mul3A_548 = arith.muli %scan3A_542, %mul3A_547 : i32
        %add3A_549 = vector.broadcast %mul3A_548 : i32 to vector<16xi32>
        %add3A_550 = arith.addi %iota3A_546, %add3A_549 : vector<16xi32>
        %broadcast_in_dim3A_551 = arith.constant 0 : i32
        %broadcast_in_dim3A_552 = vector.broadcast %broadcast_in_dim3A_551 : i32 to vector<16xi32>
        %broadcast_in_dim3A_553 = arith.constant 0 : i32
        %broadcast_in_dim3A_554 = vector.broadcast %broadcast_in_dim3A_553 : i32 to vector<16xi32>
        %gather3A = tpu.vector_load_idx %arg8[%broadcast_in_dim3A_554, %get3A_545] : memref<32x1024xf32, #tpu.memory_space<vmem>>[vector<16xi32>, vector<16xi32>], vector<16xf32>,
        tpu.vector_store_idx %arg15[%add3A_550, %broadcast_in_dim3A_552], %gather3A : memref<48x128xf32, #tpu.memory_space<vmem>>[vector<16xi32>, vector<16xi32>], vector<16xf32>,
        %broadcast_in_dim3A_555 = arith.constant 1 : i32
        %broadcast_in_dim3A_556 = vector.broadcast %broadcast_in_dim3A_555 : i32 to vector<16xi32>
        %broadcast_in_dim3A_557 = arith.constant 1 : i32
        %broadcast_in_dim3A_558 = vector.broadcast %broadcast_in_dim3A_557 : i32 to vector<16xi32>
        %gather3A_559 = tpu.vector_load_idx %arg8[%broadcast_in_dim3A_558, %get3A_545] : memref<32x1024xf32, #tpu.memory_space<vmem>>[vector<16xi32>, vector<16xi32>], vector<16xf32>,
        tpu.vector_store_idx %arg15[%add3A_550, %broadcast_in_dim3A_556], %gather3A_559 : memref<48x128xf32, #tpu.memory_space<vmem>>[vector<16xi32>, vector<16xi32>], vector<16xf32>,
        %broadcast_in_dim3A_560 = arith.constant 2 : i32
        %broadcast_in_dim3A_561 = vector.broadcast %broadcast_in_dim3A_560 : i32 to vector<16xi32>
        %broadcast_in_dim3A_562 = arith.constant 2 : i32
        %broadcast_in_dim3A_563 = vector.broadcast %broadcast_in_dim3A_562 : i32 to vector<16xi32>
        %gather3A_564 = tpu.vector_load_idx %arg8[%broadcast_in_dim3A_563, %get3A_545] : memref<32x1024xf32, #tpu.memory_space<vmem>>[vector<16xi32>, vector<16xi32>], vector<16xf32>,
        tpu.vector_store_idx %arg15[%add3A_550, %broadcast_in_dim3A_561], %gather3A_564 : memref<48x128xf32, #tpu.memory_space<vmem>>[vector<16xi32>, vector<16xi32>], vector<16xf32>,
        %broadcast_in_dim3A_565 = arith.constant 3 : i32
        %broadcast_in_dim3A_566 = vector.broadcast %broadcast_in_dim3A_565 : i32 to vector<16xi32>
        %broadcast_in_dim3A_567 = arith.constant 3 : i32
        %broadcast_in_dim3A_568 = vector.broadcast %broadcast_in_dim3A_567 : i32 to vector<16xi32>
        %gather3A_569 = tpu.vector_load_idx %arg8[%broadcast_in_dim3A_568, %get3A_545] : memref<32x1024xf32, #tpu.memory_space<vmem>>[vector<16xi32>, vector<16xi32>], vector<16xf32>,
        tpu.vector_store_idx %arg15[%add3A_550, %broadcast_in_dim3A_566], %gather3A_569 : memref<48x128xf32, #tpu.memory_space<vmem>>[vector<16xi32>, vector<16xi32>], vector<16xf32>,
        %broadcast_in_dim3A_570 = arith.constant 4 : i32
        %broadcast_in_dim3A_571 = vector.broadcast %broadcast_in_dim3A_570 : i32 to vector<16xi32>
        %broadcast_in_dim3A_572 = arith.constant 4 : i32
        %broadcast_in_dim3A_573 = vector.broadcast %broadcast_in_dim3A_572 : i32 to vector<16xi32>
        %gather3A_574 = tpu.vector_load_idx %arg8[%broadcast_in_dim3A_573, %get3A_545] : memref<32x1024xf32, #tpu.memory_space<vmem>>[vector<16xi32>, vector<16xi32>], vector<16xf32>,
        tpu.vector_store_idx %arg15[%add3A_550, %broadcast_in_dim3A_571], %gather3A_574 : memref<48x128xf32, #tpu.memory_space<vmem>>[vector<16xi32>, vector<16xi32>], vector<16xf32>,
        %broadcast_in_dim3A_575 = arith.constant 5 : i32
        %broadcast_in_dim3A_576 = vector.broadcast %broadcast_in_dim3A_575 : i32 to vector<16xi32>
        %broadcast_in_dim3A_577 = arith.constant 5 : i32
        %broadcast_in_dim3A_578 = vector.broadcast %broadcast_in_dim3A_577 : i32 to vector<16xi32>
        %gather3A_579 = tpu.vector_load_idx %arg8[%broadcast_in_dim3A_578, %get3A_545] : memref<32x1024xf32, #tpu.memory_space<vmem>>[vector<16xi32>, vector<16xi32>], vector<16xf32>,
        tpu.vector_store_idx %arg15[%add3A_550, %broadcast_in_dim3A_576], %gather3A_579 : memref<48x128xf32, #tpu.memory_space<vmem>>[vector<16xi32>, vector<16xi32>], vector<16xf32>,
        %broadcast_in_dim3A_580 = arith.constant 6 : i32
        %broadcast_in_dim3A_581 = vector.broadcast %broadcast_in_dim3A_580 : i32 to vector<16xi32>
        %broadcast_in_dim3A_582 = arith.constant 6 : i32
        %broadcast_in_dim3A_583 = vector.broadcast %broadcast_in_dim3A_582 : i32 to vector<16xi32>
        %gather3A_584 = tpu.vector_load_idx %arg8[%broadcast_in_dim3A_583, %get3A_545] : memref<32x1024xf32, #tpu.memory_space<vmem>>[vector<16xi32>, vector<16xi32>], vector<16xf32>,
        tpu.vector_store_idx %arg15[%add3A_550, %broadcast_in_dim3A_581], %gather3A_584 : memref<48x128xf32, #tpu.memory_space<vmem>>[vector<16xi32>, vector<16xi32>], vector<16xf32>,
        %broadcast_in_dim3A_585 = arith.constant 7 : i32
        %broadcast_in_dim3A_586 = vector.broadcast %broadcast_in_dim3A_585 : i32 to vector<16xi32>
        %broadcast_in_dim3A_587 = arith.constant 7 : i32
        %broadcast_in_dim3A_588 = vector.broadcast %broadcast_in_dim3A_587 : i32 to vector<16xi32>
        %gather3A_589 = tpu.vector_load_idx %arg8[%broadcast_in_dim3A_588, %get3A_545] : memref<32x1024xf32, #tpu.memory_space<vmem>>[vector<16xi32>, vector<16xi32>], vector<16xf32>,
        tpu.vector_store_idx %arg15[%add3A_550, %broadcast_in_dim3A_586], %gather3A_589 : memref<48x128xf32, #tpu.memory_space<vmem>>[vector<16xi32>, vector<16xi32>], vector<16xf32>,
        %broadcast_in_dim3A_590 = arith.constant 8 : i32
        %broadcast_in_dim3A_591 = vector.broadcast %broadcast_in_dim3A_590 : i32 to vector<16xi32>
        %broadcast_in_dim3A_592 = arith.constant 8 : i32
        %broadcast_in_dim3A_593 = vector.broadcast %broadcast_in_dim3A_592 : i32 to vector<16xi32>
        %gather3A_594 = tpu.vector_load_idx %arg8[%broadcast_in_dim3A_593, %get3A_545] : memref<32x1024xf32, #tpu.memory_space<vmem>>[vector<16xi32>, vector<16xi32>], vector<16xf32>,
        tpu.vector_store_idx %arg15[%add3A_550, %broadcast_in_dim3A_591], %gather3A_594 : memref<48x128xf32, #tpu.memory_space<vmem>>[vector<16xi32>, vector<16xi32>], vector<16xf32>,
        %broadcast_in_dim3A_595 = arith.constant 9 : i32
        %broadcast_in_dim3A_596 = vector.broadcast %broadcast_in_dim3A_595 : i32 to vector<16xi32>
        %broadcast_in_dim3A_597 = arith.constant 9 : i32
        %broadcast_in_dim3A_598 = vector.broadcast %broadcast_in_dim3A_597 : i32 to vector<16xi32>
        %gather3A_599 = tpu.vector_load_idx %arg8[%broadcast_in_dim3A_598, %get3A_545] : memref<32x1024xf32, #tpu.memory_space<vmem>>[vector<16xi32>, vector<16xi32>], vector<16xf32>,
        tpu.vector_store_idx %arg15[%add3A_550, %broadcast_in_dim3A_596], %gather3A_599 : memref<48x128xf32, #tpu.memory_space<vmem>>[vector<16xi32>, vector<16xi32>], vector<16xf32>,
        %broadcast_in_dim3A_600 = arith.constant 10 : i32
        %broadcast_in_dim3A_601 = vector.broadcast %broadcast_in_dim3A_600 : i32 to vector<16xi32>
        %broadcast_in_dim3A_602 = arith.constant 10 : i32
        %broadcast_in_dim3A_603 = vector.broadcast %broadcast_in_dim3A_602 : i32 to vector<16xi32>
        %gather3A_604 = tpu.vector_load_idx %arg8[%broadcast_in_dim3A_603, %get3A_545] : memref<32x1024xf32, #tpu.memory_space<vmem>>[vector<16xi32>, vector<16xi32>], vector<16xf32>,
        tpu.vector_store_idx %arg15[%add3A_550, %broadcast_in_dim3A_601], %gather3A_604 : memref<48x128xf32, #tpu.memory_space<vmem>>[vector<16xi32>, vector<16xi32>], vector<16xf32>,
        %broadcast_in_dim3A_605 = arith.constant 11 : i32
        %broadcast_in_dim3A_606 = vector.broadcast %broadcast_in_dim3A_605 : i32 to vector<16xi32>
        %broadcast_in_dim3A_607 = arith.constant 11 : i32
        %broadcast_in_dim3A_608 = vector.broadcast %broadcast_in_dim3A_607 : i32 to vector<16xi32>
        %gather3A_609 = tpu.vector_load_idx %arg8[%broadcast_in_dim3A_608, %get3A_545] : memref<32x1024xf32, #tpu.memory_space<vmem>>[vector<16xi32>, vector<16xi32>], vector<16xf32>,
        tpu.vector_store_idx %arg15[%add3A_550, %broadcast_in_dim3A_606], %gather3A_609 : memref<48x128xf32, #tpu.memory_space<vmem>>[vector<16xi32>, vector<16xi32>], vector<16xf32>,
        %broadcast_in_dim3A_610 = arith.constant 12 : i32
        %broadcast_in_dim3A_611 = vector.broadcast %broadcast_in_dim3A_610 : i32 to vector<16xi32>
        %broadcast_in_dim3A_612 = arith.constant 12 : i32
        %broadcast_in_dim3A_613 = vector.broadcast %broadcast_in_dim3A_612 : i32 to vector<16xi32>
        %gather3A_614 = tpu.vector_load_idx %arg8[%broadcast_in_dim3A_613, %get3A_545] : memref<32x1024xf32, #tpu.memory_space<vmem>>[vector<16xi32>, vector<16xi32>], vector<16xf32>,
        tpu.vector_store_idx %arg15[%add3A_550, %broadcast_in_dim3A_611], %gather3A_614 : memref<48x128xf32, #tpu.memory_space<vmem>>[vector<16xi32>, vector<16xi32>], vector<16xf32>,
        %broadcast_in_dim3A_615 = arith.constant 13 : i32
        %broadcast_in_dim3A_616 = vector.broadcast %broadcast_in_dim3A_615 : i32 to vector<16xi32>
        %broadcast_in_dim3A_617 = arith.constant 13 : i32
        %broadcast_in_dim3A_618 = vector.broadcast %broadcast_in_dim3A_617 : i32 to vector<16xi32>
        %gather3A_619 = tpu.vector_load_idx %arg8[%broadcast_in_dim3A_618, %get3A_545] : memref<32x1024xf32, #tpu.memory_space<vmem>>[vector<16xi32>, vector<16xi32>], vector<16xf32>,
        tpu.vector_store_idx %arg15[%add3A_550, %broadcast_in_dim3A_616], %gather3A_619 : memref<48x128xf32, #tpu.memory_space<vmem>>[vector<16xi32>, vector<16xi32>], vector<16xf32>,
        %broadcast_in_dim3A_620 = arith.constant 14 : i32
        %broadcast_in_dim3A_621 = vector.broadcast %broadcast_in_dim3A_620 : i32 to vector<16xi32>
        %broadcast_in_dim3A_622 = arith.constant 14 : i32
        %broadcast_in_dim3A_623 = vector.broadcast %broadcast_in_dim3A_622 : i32 to vector<16xi32>
        %gather3A_624 = tpu.vector_load_idx %arg8[%broadcast_in_dim3A_623, %get3A_545] : memref<32x1024xf32, #tpu.memory_space<vmem>>[vector<16xi32>, vector<16xi32>], vector<16xf32>,
        tpu.vector_store_idx %arg15[%add3A_550, %broadcast_in_dim3A_621], %gather3A_624 : memref<48x128xf32, #tpu.memory_space<vmem>>[vector<16xi32>, vector<16xi32>], vector<16xf32>,
        %broadcast_in_dim3A_625 = arith.constant 15 : i32
        %broadcast_in_dim3A_626 = vector.broadcast %broadcast_in_dim3A_625 : i32 to vector<16xi32>
        %broadcast_in_dim3A_627 = arith.constant 15 : i32
        %broadcast_in_dim3A_628 = vector.broadcast %broadcast_in_dim3A_627 : i32 to vector<16xi32>
        %gather3A_629 = tpu.vector_load_idx %arg8[%broadcast_in_dim3A_628, %get3A_545] : memref<32x1024xf32, #tpu.memory_space<vmem>>[vector<16xi32>, vector<16xi32>], vector<16xf32>,
        tpu.vector_store_idx %arg15[%add3A_550, %broadcast_in_dim3A_626], %gather3A_629 : memref<48x128xf32, #tpu.memory_space<vmem>>[vector<16xi32>, vector<16xi32>], vector<16xf32>,
        %broadcast_in_dim3A_630 = arith.constant 16 : i32
        %broadcast_in_dim3A_631 = vector.broadcast %broadcast_in_dim3A_630 : i32 to vector<16xi32>
        %broadcast_in_dim3A_632 = arith.constant 16 : i32
        %broadcast_in_dim3A_633 = vector.broadcast %broadcast_in_dim3A_632 : i32 to vector<16xi32>
        %gather3A_634 = tpu.vector_load_idx %arg8[%broadcast_in_dim3A_633, %get3A_545] : memref<32x1024xf32, #tpu.memory_space<vmem>>[vector<16xi32>, vector<16xi32>], vector<16xf32>,
        tpu.vector_store_idx %arg15[%add3A_550, %broadcast_in_dim3A_631], %gather3A_634 : memref<48x128xf32, #tpu.memory_space<vmem>>[vector<16xi32>, vector<16xi32>], vector<16xf32>,
        %broadcast_in_dim3A_635 = arith.constant 17 : i32
        %broadcast_in_dim3A_636 = vector.broadcast %broadcast_in_dim3A_635 : i32 to vector<16xi32>
        %broadcast_in_dim3A_637 = arith.constant 17 : i32
        %broadcast_in_dim3A_638 = vector.broadcast %broadcast_in_dim3A_637 : i32 to vector<16xi32>
        %gather3A_639 = tpu.vector_load_idx %arg8[%broadcast_in_dim3A_638, %get3A_545] : memref<32x1024xf32, #tpu.memory_space<vmem>>[vector<16xi32>, vector<16xi32>], vector<16xf32>,
        tpu.vector_store_idx %arg15[%add3A_550, %broadcast_in_dim3A_636], %gather3A_639 : memref<48x128xf32, #tpu.memory_space<vmem>>[vector<16xi32>, vector<16xi32>], vector<16xf32>,
        %broadcast_in_dim3A_640 = arith.constant 18 : i32
        %broadcast_in_dim3A_641 = vector.broadcast %broadcast_in_dim3A_640 : i32 to vector<16xi32>
        %broadcast_in_dim3A_642 = arith.constant 18 : i32
        %broadcast_in_dim3A_643 = vector.broadcast %broadcast_in_dim3A_642 : i32 to vector<16xi32>
        %gather3A_644 = tpu.vector_load_idx %arg8[%broadcast_in_dim3A_643, %get3A_545] : memref<32x1024xf32, #tpu.memory_space<vmem>>[vector<16xi32>, vector<16xi32>], vector<16xf32>,
        tpu.vector_store_idx %arg15[%add3A_550, %broadcast_in_dim3A_641], %gather3A_644 : memref<48x128xf32, #tpu.memory_space<vmem>>[vector<16xi32>, vector<16xi32>], vector<16xf32>,
        %broadcast_in_dim3A_645 = arith.constant 19 : i32
        %broadcast_in_dim3A_646 = vector.broadcast %broadcast_in_dim3A_645 : i32 to vector<16xi32>
        %broadcast_in_dim3A_647 = arith.constant 19 : i32
        %broadcast_in_dim3A_648 = vector.broadcast %broadcast_in_dim3A_647 : i32 to vector<16xi32>
        %gather3A_649 = tpu.vector_load_idx %arg8[%broadcast_in_dim3A_648, %get3A_545] : memref<32x1024xf32, #tpu.memory_space<vmem>>[vector<16xi32>, vector<16xi32>], vector<16xf32>,
        tpu.vector_store_idx %arg15[%add3A_550, %broadcast_in_dim3A_646], %gather3A_649 : memref<48x128xf32, #tpu.memory_space<vmem>>[vector<16xi32>, vector<16xi32>], vector<16xf32>,
        %broadcast_in_dim3A_650 = arith.constant 20 : i32
        %broadcast_in_dim3A_651 = vector.broadcast %broadcast_in_dim3A_650 : i32 to vector<16xi32>
        %broadcast_in_dim3A_652 = arith.constant 20 : i32
        %broadcast_in_dim3A_653 = vector.broadcast %broadcast_in_dim3A_652 : i32 to vector<16xi32>
        %gather3A_654 = tpu.vector_load_idx %arg8[%broadcast_in_dim3A_653, %get3A_545] : memref<32x1024xf32, #tpu.memory_space<vmem>>[vector<16xi32>, vector<16xi32>], vector<16xf32>,
        tpu.vector_store_idx %arg15[%add3A_550, %broadcast_in_dim3A_651], %gather3A_654 : memref<48x128xf32, #tpu.memory_space<vmem>>[vector<16xi32>, vector<16xi32>], vector<16xf32>,
        %broadcast_in_dim3A_655 = arith.constant 21 : i32
        %broadcast_in_dim3A_656 = vector.broadcast %broadcast_in_dim3A_655 : i32 to vector<16xi32>
        %broadcast_in_dim3A_657 = arith.constant 21 : i32
        %broadcast_in_dim3A_658 = vector.broadcast %broadcast_in_dim3A_657 : i32 to vector<16xi32>
        %gather3A_659 = tpu.vector_load_idx %arg8[%broadcast_in_dim3A_658, %get3A_545] : memref<32x1024xf32, #tpu.memory_space<vmem>>[vector<16xi32>, vector<16xi32>], vector<16xf32>,
        tpu.vector_store_idx %arg15[%add3A_550, %broadcast_in_dim3A_656], %gather3A_659 : memref<48x128xf32, #tpu.memory_space<vmem>>[vector<16xi32>, vector<16xi32>], vector<16xf32>,
        %broadcast_in_dim3A_660 = arith.constant 22 : i32
        %broadcast_in_dim3A_661 = vector.broadcast %broadcast_in_dim3A_660 : i32 to vector<16xi32>
        %broadcast_in_dim3A_662 = arith.constant 22 : i32
        %broadcast_in_dim3A_663 = vector.broadcast %broadcast_in_dim3A_662 : i32 to vector<16xi32>
        %gather3A_664 = tpu.vector_load_idx %arg8[%broadcast_in_dim3A_663, %get3A_545] : memref<32x1024xf32, #tpu.memory_space<vmem>>[vector<16xi32>, vector<16xi32>], vector<16xf32>,
        tpu.vector_store_idx %arg15[%add3A_550, %broadcast_in_dim3A_661], %gather3A_664 : memref<48x128xf32, #tpu.memory_space<vmem>>[vector<16xi32>, vector<16xi32>], vector<16xf32>,
        %broadcast_in_dim3A_665 = arith.constant 23 : i32
        %broadcast_in_dim3A_666 = vector.broadcast %broadcast_in_dim3A_665 : i32 to vector<16xi32>
        %broadcast_in_dim3A_667 = arith.constant 23 : i32
        %broadcast_in_dim3A_668 = vector.broadcast %broadcast_in_dim3A_667 : i32 to vector<16xi32>
        %gather3A_669 = tpu.vector_load_idx %arg8[%broadcast_in_dim3A_668, %get3A_545] : memref<32x1024xf32, #tpu.memory_space<vmem>>[vector<16xi32>, vector<16xi32>], vector<16xf32>,
        tpu.vector_store_idx %arg15[%add3A_550, %broadcast_in_dim3A_666], %gather3A_669 : memref<48x128xf32, #tpu.memory_space<vmem>>[vector<16xi32>, vector<16xi32>], vector<16xf32>,
        %broadcast_in_dim3A_670 = arith.constant 24 : i32
        %broadcast_in_dim3A_671 = vector.broadcast %broadcast_in_dim3A_670 : i32 to vector<16xi32>
        %broadcast_in_dim3A_672 = arith.constant 24 : i32
        %broadcast_in_dim3A_673 = vector.broadcast %broadcast_in_dim3A_672 : i32 to vector<16xi32>
        %gather3A_674 = tpu.vector_load_idx %arg8[%broadcast_in_dim3A_673, %get3A_545] : memref<32x1024xf32, #tpu.memory_space<vmem>>[vector<16xi32>, vector<16xi32>], vector<16xf32>,
        tpu.vector_store_idx %arg15[%add3A_550, %broadcast_in_dim3A_671], %gather3A_674 : memref<48x128xf32, #tpu.memory_space<vmem>>[vector<16xi32>, vector<16xi32>], vector<16xf32>,
        %broadcast_in_dim3A_675 = arith.constant 25 : i32
        %broadcast_in_dim3A_676 = vector.broadcast %broadcast_in_dim3A_675 : i32 to vector<16xi32>
        %broadcast_in_dim3A_677 = arith.constant 25 : i32
        %broadcast_in_dim3A_678 = vector.broadcast %broadcast_in_dim3A_677 : i32 to vector<16xi32>
        %gather3A_679 = tpu.vector_load_idx %arg8[%broadcast_in_dim3A_678, %get3A_545] : memref<32x1024xf32, #tpu.memory_space<vmem>>[vector<16xi32>, vector<16xi32>], vector<16xf32>,
        tpu.vector_store_idx %arg15[%add3A_550, %broadcast_in_dim3A_676], %gather3A_679 : memref<48x128xf32, #tpu.memory_space<vmem>>[vector<16xi32>, vector<16xi32>], vector<16xf32>,
        %broadcast_in_dim3A_680 = arith.constant 26 : i32
        %broadcast_in_dim3A_681 = vector.broadcast %broadcast_in_dim3A_680 : i32 to vector<16xi32>
        %broadcast_in_dim3A_682 = arith.constant 26 : i32
        %broadcast_in_dim3A_683 = vector.broadcast %broadcast_in_dim3A_682 : i32 to vector<16xi32>
        %gather3A_684 = tpu.vector_load_idx %arg8[%broadcast_in_dim3A_683, %get3A_545] : memref<32x1024xf32, #tpu.memory_space<vmem>>[vector<16xi32>, vector<16xi32>], vector<16xf32>,
        tpu.vector_store_idx %arg15[%add3A_550, %broadcast_in_dim3A_681], %gather3A_684 : memref<48x128xf32, #tpu.memory_space<vmem>>[vector<16xi32>, vector<16xi32>], vector<16xf32>,
        %broadcast_in_dim3A_685 = arith.constant 27 : i32
        %broadcast_in_dim3A_686 = vector.broadcast %broadcast_in_dim3A_685 : i32 to vector<16xi32>
        %broadcast_in_dim3A_687 = arith.constant 27 : i32
        %broadcast_in_dim3A_688 = vector.broadcast %broadcast_in_dim3A_687 : i32 to vector<16xi32>
        %gather3A_689 = tpu.vector_load_idx %arg8[%broadcast_in_dim3A_688, %get3A_545] : memref<32x1024xf32, #tpu.memory_space<vmem>>[vector<16xi32>, vector<16xi32>], vector<16xf32>,
        tpu.vector_store_idx %arg15[%add3A_550, %broadcast_in_dim3A_686], %gather3A_689 : memref<48x128xf32, #tpu.memory_space<vmem>>[vector<16xi32>, vector<16xi32>], vector<16xf32>,
        %broadcast_in_dim3A_690 = arith.constant 28 : i32
        %broadcast_in_dim3A_691 = vector.broadcast %broadcast_in_dim3A_690 : i32 to vector<16xi32>
        %broadcast_in_dim3A_692 = arith.constant 28 : i32
        %broadcast_in_dim3A_693 = vector.broadcast %broadcast_in_dim3A_692 : i32 to vector<16xi32>
        %gather3A_694 = tpu.vector_load_idx %arg8[%broadcast_in_dim3A_693, %get3A_545] : memref<32x1024xf32, #tpu.memory_space<vmem>>[vector<16xi32>, vector<16xi32>], vector<16xf32>,
        tpu.vector_store_idx %arg15[%add3A_550, %broadcast_in_dim3A_691], %gather3A_694 : memref<48x128xf32, #tpu.memory_space<vmem>>[vector<16xi32>, vector<16xi32>], vector<16xf32>,
        %broadcast_in_dim3A_695 = arith.constant 29 : i32
        %broadcast_in_dim3A_696 = vector.broadcast %broadcast_in_dim3A_695 : i32 to vector<16xi32>
        %broadcast_in_dim3A_697 = arith.constant 29 : i32
        %broadcast_in_dim3A_698 = vector.broadcast %broadcast_in_dim3A_697 : i32 to vector<16xi32>
        %gather3A_699 = tpu.vector_load_idx %arg8[%broadcast_in_dim3A_698, %get3A_545] : memref<32x1024xf32, #tpu.memory_space<vmem>>[vector<16xi32>, vector<16xi32>], vector<16xf32>,
        tpu.vector_store_idx %arg15[%add3A_550, %broadcast_in_dim3A_696], %gather3A_699 : memref<48x128xf32, #tpu.memory_space<vmem>>[vector<16xi32>, vector<16xi32>], vector<16xf32>,
        %broadcast_in_dim3A_700 = arith.constant 30 : i32
        %broadcast_in_dim3A_701 = vector.broadcast %broadcast_in_dim3A_700 : i32 to vector<16xi32>
        %broadcast_in_dim3A_702 = arith.constant 30 : i32
        %broadcast_in_dim3A_703 = vector.broadcast %broadcast_in_dim3A_702 : i32 to vector<16xi32>
        %gather3A_704 = tpu.vector_load_idx %arg8[%broadcast_in_dim3A_703, %get3A_545] : memref<32x1024xf32, #tpu.memory_space<vmem>>[vector<16xi32>, vector<16xi32>], vector<16xf32>,
        tpu.vector_store_idx %arg15[%add3A_550, %broadcast_in_dim3A_701], %gather3A_704 : memref<48x128xf32, #tpu.memory_space<vmem>>[vector<16xi32>, vector<16xi32>], vector<16xf32>,
        %broadcast_in_dim3A_705 = arith.constant 31 : i32
        %broadcast_in_dim3A_706 = vector.broadcast %broadcast_in_dim3A_705 : i32 to vector<16xi32>
        %broadcast_in_dim3A_707 = arith.constant 31 : i32
        %broadcast_in_dim3A_708 = vector.broadcast %broadcast_in_dim3A_707 : i32 to vector<16xi32>
        %gather3A_709 = tpu.vector_load_idx %arg8[%broadcast_in_dim3A_708, %get3A_545] : memref<32x1024xf32, #tpu.memory_space<vmem>>[vector<16xi32>, vector<16xi32>], vector<16xf32>,
        tpu.vector_store_idx %arg15[%add3A_550, %broadcast_in_dim3A_706], %gather3A_709 : memref<48x128xf32, #tpu.memory_space<vmem>>[vector<16xi32>, vector<16xi32>], vector<16xf32>,
      }
      %scan3A_504 = arith.constant 3 : i32
      %get3A_505 = arith.constant 0 : i32
      %get3A_506 = arith.index_cast %get3A_505 : i32 to index
      %get3A_507 = arith.constant 0 : index
      %get3A_508 = tpu.vector_load %arg13[%get3A_506, %get3A_507] {strides = array<i32>} : memref<4x16xi32, #tpu.memory_space<vmem>>, vector<16xi32>,
      %swap3A_509 = arith.constant 0 : i32
      %swap3A_510 = arith.index_cast %swap3A_509 : i32 to index
      %swap3A_511 = arith.constant 0 : index
      %swap3A_512 = tpu.vector_load %arg14[%swap3A_510, %swap3A_511] {strides = array<i32>} : memref<1x48xi32, #tpu.memory_space<vmem>>, vector<16xi32>,
      tpu.vector_store %arg14[%swap3A_510, %swap3A_511], %get3A_508 {strides = array<i32>} : memref<1x48xi32, #tpu.memory_space<vmem>>, vector<16xi32>,
      %get3A_513 = arith.constant 1 : i32
      %get3A_514 = arith.index_cast %get3A_513 : i32 to index
      %get3A_515 = arith.constant 0 : index
      %get3A_516 = tpu.vector_load %arg13[%get3A_514, %get3A_515] {strides = array<i32>} : memref<4x16xi32, #tpu.memory_space<vmem>>, vector<16xi32>,
      %swap3A_517 = arith.constant 0 : i32
      %swap3A_518 = arith.index_cast %swap3A_517 : i32 to index
      %swap3A_519 = arith.constant 16 : index
      %swap3A_520 = tpu.vector_load %arg14[%swap3A_518, %swap3A_519] {strides = array<i32>} : memref<1x48xi32, #tpu.memory_space<vmem>>, vector<16xi32>,
      tpu.vector_store %arg14[%swap3A_518, %swap3A_519], %get3A_516 {strides = array<i32>} : memref<1x48xi32, #tpu.memory_space<vmem>>, vector<16xi32>,
      %get3A_521 = arith.constant 2 : i32
      %get3A_522 = arith.index_cast %get3A_521 : i32 to index
      %get3A_523 = arith.constant 0 : index
      %get3A_524 = tpu.vector_load %arg13[%get3A_522, %get3A_523] {strides = array<i32>} : memref<4x16xi32, #tpu.memory_space<vmem>>, vector<16xi32>,
      %swap3A_525 = arith.constant 0 : i32
      %swap3A_526 = arith.index_cast %swap3A_525 : i32 to index
      %swap3A_527 = arith.constant 32 : index
      %swap3A_528 = tpu.vector_load %arg14[%swap3A_526, %swap3A_527] {strides = array<i32>} : memref<1x48xi32, #tpu.memory_space<vmem>>, vector<16xi32>,
      tpu.vector_store %arg14[%swap3A_526, %swap3A_527], %get3A_524 {strides = array<i32>} : memref<1x48xi32, #tpu.memory_space<vmem>>, vector<16xi32>,
      %run_scoped3A_529 = arith.constant 0 : i32
      "tpu.region"() ({
        %run_scoped3A_542 = tpu.sem_alloc : memref<!tpu.dma_semaphore, #tpu.memory_space<semaphore_mem>>
        %dma_start3A_543 = arith.constant 0 : i32
        %dma_start3A_544 = tpu.memref_slice %arg14[%run_scoped3A_529, %dma_start3A_543] : memref<1x48xi32, #tpu.memory_space<vmem>> -> memref<1x48xi32, #tpu.memory_space<vmem>>
        %dma_start3A_545 = tpu.memref_squeeze %dma_start3A_544 : memref<1x48xi32, #tpu.memory_space<vmem>> -> memref<48xi32, #tpu.memory_space<vmem>>
        %dma_start3A_546 = arith.constant 0 : i32
        %dma_start3A_547 = arith.constant 0 : i32
        %dma_start3A_548 = tpu.memref_slice %arg5[%dma_start3A_546, %dma_start3A_547] : memref<17920x128xf32, #tpu.memory_space<hbm>> -> memref<17920x128xf32, #tpu.memory_space<hbm>>
        tpu.enqueue_indirect_dma source(%arg15 : memref<48x128xf32, #tpu.memory_space<vmem>>) target(%dma_start3A_548 : memref<17920x128xf32, #tpu.memory_space<hbm>>) offsets(%dma_start3A_545 : memref<48xi32, #tpu.memory_space<vmem>>) semaphore(%run_scoped3A_542 : memref<!tpu.dma_semaphore, #tpu.memory_space<semaphore_mem>>)
        %dma_wait3A_549 = arith.constant 0 : i32
        %dma_wait3A_550 = tpu.memref_slice %arg14[%run_scoped3A_529, %dma_wait3A_549] : memref<1x48xi32, #tpu.memory_space<vmem>> -> memref<1x48xi32, #tpu.memory_space<vmem>>
        %dma_wait3A_551 = tpu.memref_squeeze %dma_wait3A_550 : memref<1x48xi32, #tpu.memory_space<vmem>> -> memref<48xi32, #tpu.memory_space<vmem>>
        %dma_wait3A_552 = arith.constant 0 : i32
        %dma_wait3A_553 = arith.constant 0 : i32
        %dma_wait3A_554 = tpu.memref_slice %arg5[%dma_wait3A_552, %dma_wait3A_553] : memref<17920x128xf32, #tpu.memory_space<hbm>> -> memref<17920x128xf32, #tpu.memory_space<hbm>>
        tpu.wait_indirect_dma semaphore(%run_scoped3A_542 : memref<!tpu.dma_semaphore, #tpu.memory_space<semaphore_mem>>) src(%arg15 : memref<48x128xf32, #tpu.memory_space<vmem>>) dst(%dma_wait3A_554 : memref<17920x128xf32, #tpu.memory_space<hbm>>)
        tpu.yield
      }) : () -> ()
      %add3A_530 = arith.constant 2 : i32
      %add3A_531 = arith.addi %add3A_411, %add3A_530 : i32
      %mul3A_532 = arith.constant 1024 : i32
      %mul3A_533 = arith.muli %add3A_531, %mul3A_532 : i32
      %add3A_534 = arith.addi %mul3A_2, %mul3A_533 : i32
      %min3A_535 = arith.constant 998912 : i32
      %min3A_536 = arith.minsi %add3A_534, %min3A_535 : i32
      %multiple_of3A_537 = tpu.assume_multiple %min3A_536, 128 : i32
      %dma_start3A_538 = arith.constant 0 : i32
      %dma_start3A_539 = tpu.memref_slice %arg2[%dma_start3A_538, %multiple_of3A_537] : memref<32x1000000xf32, #tpu.memory_space<hbm>> -> memref<32x1024xf32, #tpu.memory_space<hbm>>
      %dma_start3A_540 = arith.constant 0 : i32
      %dma_start3A_541 = tpu.memref_slice %arg2[%dma_start3A_540, %multiple_of3A_537] : memref<32x1000000xf32, #tpu.memory_space<hbm>> -> memref<32x1024xf32, #tpu.memory_space<hbm>>
      tpu.enqueue_dma source(%dma_start3A_541 : memref<32x1024xf32, #tpu.memory_space<hbm>>) target(%arg8 : memref<32x1024xf32, #tpu.memory_space<vmem>>) target_semaphore(%arg17 : memref<!tpu.dma_semaphore, #tpu.memory_space<semaphore_mem>>)
    }
    %scan3A_51 = arith.constant 15 : i32
    %dma_wait3A = arith.constant 0 : i32
    %dma_wait3A_52 = arith.constant 0 : i32
    %dma_wait3A_53 = tpu.memref_slice %arg2[%dma_wait3A, %dma_wait3A_52] : memref<32x1000000xf32, #tpu.memory_space<hbm>> -> memref<32x1024xf32, #tpu.memory_space<hbm>>
    %dma_wait3A_54 = arith.constant 0 : i32
    %dma_wait3A_55 = arith.constant 0 : i32
    %dma_wait3A_56 = tpu.memref_slice %arg2[%dma_wait3A_54, %dma_wait3A_55] : memref<32x1000000xf32, #tpu.memory_space<hbm>> -> memref<32x1024xf32, #tpu.memory_space<hbm>>
    tpu.wait_dma2 semaphore(%arg16 : memref<!tpu.dma_semaphore, #tpu.memory_space<semaphore_mem>>) src(%dma_wait3A_56 : memref<32x1024xf32, #tpu.memory_space<hbm>>) dst(%arg7 : memref<32x1024xf32, #tpu.memory_space<vmem>>)
    %add3A_57 = arith.constant 30720 : i32
    %add3A_58 = arith.addi %mul3A_2, %add3A_57 : i32
    %min3A_59 = arith.constant 998912 : i32
    %min3A_60 = arith.minsi %add3A_58, %min3A_59 : i32
    %multiple_of3A_61 = tpu.assume_multiple %min3A_60, 128 : i32
    %add3A_62 = arith.constant 1024 : i32
    %add3A_63 = arith.addi %multiple_of3A_61, %add3A_62 : i32
    %iota3A = tpu.iota {dimensions = array<i32: 0>} : vector<16xi32>
    %add3A_64 = arith.constant 0 : i32
    %add3A_65 = arith.addi %add3A_45, %add3A_64 : i32
    %add3A_66 = vector.broadcast %add3A_65 : i32 to vector<16xi32>
    %add3A_67 = arith.addi %iota3A, %add3A_66 : vector<16xi32>
    %swap3A = arith.constant 0 : i32
    %swap3A_68 = arith.index_cast %swap3A : i32 to index
    %swap3A_69 = arith.constant 0 : index
    %swap3A_70 = tpu.vector_load %arg13[%swap3A_68, %swap3A_69] {strides = array<i32>} : memref<4x16xi32, #tpu.memory_space<vmem>>, vector<16xi32>,
    tpu.vector_store %arg13[%swap3A_68, %swap3A_69], %add3A_67 {strides = array<i32>} : memref<4x16xi32, #tpu.memory_space<vmem>>, vector<16xi32>,
    %broadcast_in_dim3A_71 = arith.constant 0 : i32
    %broadcast_in_dim3A_72 = vector.broadcast %broadcast_in_dim3A_71 : i32 to vector<16xi32>
    %swap3A_73 = arith.constant 0 : i32
    %swap3A_74 = arith.index_cast %swap3A_73 : i32 to index
    %swap3A_75 = arith.constant 0 : index
    %swap3A_76 = tpu.vector_load %arg12[%swap3A_74, %swap3A_75] {strides = array<i32>} : memref<4x16xi32, #tpu.memory_space<vmem>>, vector<16xi32>,
    tpu.vector_store %arg12[%swap3A_74, %swap3A_75], %broadcast_in_dim3A_72 {strides = array<i32>} : memref<4x16xi32, #tpu.memory_space<vmem>>, vector<16xi32>,
    %iota3A_77 = tpu.iota {dimensions = array<i32: 0>} : vector<16xi32>
    %add3A_78 = arith.constant 16 : i32
    %add3A_79 = arith.addi %add3A_45, %add3A_78 : i32
    %add3A_80 = vector.broadcast %add3A_79 : i32 to vector<16xi32>
    %add3A_81 = arith.addi %iota3A_77, %add3A_80 : vector<16xi32>
    %swap3A_82 = arith.constant 1 : i32
    %swap3A_83 = arith.index_cast %swap3A_82 : i32 to index
    %swap3A_84 = arith.constant 0 : index
    %swap3A_85 = tpu.vector_load %arg13[%swap3A_83, %swap3A_84] {strides = array<i32>} : memref<4x16xi32, #tpu.memory_space<vmem>>, vector<16xi32>,
    tpu.vector_store %arg13[%swap3A_83, %swap3A_84], %add3A_81 {strides = array<i32>} : memref<4x16xi32, #tpu.memory_space<vmem>>, vector<16xi32>,
    %broadcast_in_dim3A_86 = arith.constant 0 : i32
    %broadcast_in_dim3A_87 = vector.broadcast %broadcast_in_dim3A_86 : i32 to vector<16xi32>
    %swap3A_88 = arith.constant 1 : i32
    %swap3A_89 = arith.index_cast %swap3A_88 : i32 to index
    %swap3A_90 = arith.constant 0 : index
    %swap3A_91 = tpu.vector_load %arg12[%swap3A_89, %swap3A_90] {strides = array<i32>} : memref<4x16xi32, #tpu.memory_space<vmem>>, vector<16xi32>,
    tpu.vector_store %arg12[%swap3A_89, %swap3A_90], %broadcast_in_dim3A_87 {strides = array<i32>} : memref<4x16xi32, #tpu.memory_space<vmem>>, vector<16xi32>,
    %iota3A_92 = tpu.iota {dimensions = array<i32: 0>} : vector<16xi32>
    %add3A_93 = arith.constant 32 : i32
    %add3A_94 = arith.addi %add3A_45, %add3A_93 : i32
    %add3A_95 = vector.broadcast %add3A_94 : i32 to vector<16xi32>
    %add3A_96 = arith.addi %iota3A_92, %add3A_95 : vector<16xi32>
    %swap3A_97 = arith.constant 2 : i32
    %swap3A_98 = arith.index_cast %swap3A_97 : i32 to index
    %swap3A_99 = arith.constant 0 : index
    %swap3A_100 = tpu.vector_load %arg13[%swap3A_98, %swap3A_99] {strides = array<i32>} : memref<4x16xi32, #tpu.memory_space<vmem>>, vector<16xi32>,
    tpu.vector_store %arg13[%swap3A_98, %swap3A_99], %add3A_96 {strides = array<i32>} : memref<4x16xi32, #tpu.memory_space<vmem>>, vector<16xi32>,
    %broadcast_in_dim3A_101 = arith.constant 0 : i32
    %broadcast_in_dim3A_102 = vector.broadcast %broadcast_in_dim3A_101 : i32 to vector<16xi32>
    %swap3A_103 = arith.constant 2 : i32
    %swap3A_104 = arith.index_cast %swap3A_103 : i32 to index
    %swap3A_105 = arith.constant 0 : index
    %swap3A_106 = tpu.vector_load %arg12[%swap3A_104, %swap3A_105] {strides = array<i32>} : memref<4x16xi32, #tpu.memory_space<vmem>>, vector<16xi32>,
    tpu.vector_store %arg12[%swap3A_104, %swap3A_105], %broadcast_in_dim3A_102 {strides = array<i32>} : memref<4x16xi32, #tpu.memory_space<vmem>>, vector<16xi32>,
    %iota3A_107 = tpu.iota {dimensions = array<i32: 0>} : vector<16xi32>
    %add3A_108 = arith.constant 48 : i32
    %add3A_109 = arith.addi %add3A_45, %add3A_108 : i32
    %add3A_110 = vector.broadcast %add3A_109 : i32 to vector<16xi32>
    %add3A_111 = arith.addi %iota3A_107, %add3A_110 : vector<16xi32>
    %swap3A_112 = arith.constant 3 : i32
    %swap3A_113 = arith.index_cast %swap3A_112 : i32 to index
    %swap3A_114 = arith.constant 0 : index
    %swap3A_115 = tpu.vector_load %arg13[%swap3A_113, %swap3A_114] {strides = array<i32>} : memref<4x16xi32, #tpu.memory_space<vmem>>, vector<16xi32>,
    tpu.vector_store %arg13[%swap3A_113, %swap3A_114], %add3A_111 {strides = array<i32>} : memref<4x16xi32, #tpu.memory_space<vmem>>, vector<16xi32>,
    %broadcast_in_dim3A_116 = arith.constant 0 : i32
    %broadcast_in_dim3A_117 = vector.broadcast %broadcast_in_dim3A_116 : i32 to vector<16xi32>
    %swap3A_118 = arith.constant 3 : i32
    %swap3A_119 = arith.index_cast %swap3A_118 : i32 to index
    %swap3A_120 = arith.constant 0 : index
    %swap3A_121 = tpu.vector_load %arg12[%swap3A_119, %swap3A_120] {strides = array<i32>} : memref<4x16xi32, #tpu.memory_space<vmem>>, vector<16xi32>,
    tpu.vector_store %arg12[%swap3A_119, %swap3A_120], %broadcast_in_dim3A_117 {strides = array<i32>} : memref<4x16xi32, #tpu.memory_space<vmem>>, vector<16xi32>,
    %broadcast_in_dim3A_122 = arith.constant 0 : i32
    %broadcast_in_dim3A_123 = vector.broadcast %broadcast_in_dim3A_122 : i32 to vector<16xi32>
    %while3A = arith.constant 0 : i32
    %while3A_124 = arith.subi %shift_right_logical3A_41, %while3A : i32
    %while3A_125 = arith.addi %while3A, %while3A_124 : i32
    %while3A_126 = arith.constant 1 : i32
    %while3A_127 = arith.divsi %while3A_124, %while3A_126 : i32
    %while3A_128 = arith.muli %while3A_127, %while3A_126 : i32
    %while3A_129 = arith.addi %while3A, %while3A_128 : i32
    %while3A_130 = arith.constant 1 : i32
    %while3A_131 = scf.for %while3A_273 = %while3A to %while3A_129 step %while3A_130 iter_args(%while3A_274 = %broadcast_in_dim3A_123) -> (vector<16xi32>)  : i32 {
      %get3A_275 = arith.index_cast %while3A_273 : i32 to index
      %get3A_276 = arith.constant 0 : index
      %get3A_277 = tpu.vector_load %arg10[%get3A_275, %get3A_276] {strides = array<i32>} : memref<49x16xi32, #tpu.memory_space<vmem>>, vector<16xi32>,
      %sub3A = vector.broadcast %multiple_of3A_61 : i32 to vector<16xi32>
      %sub3A_278 = arith.subi %get3A_277, %sub3A : vector<16xi32>
      %shift_right_logical3A_279 = arith.constant 31 : i32
      %shift_right_logical3A_280 = vector.broadcast %shift_right_logical3A_279 : i32 to vector<16xi32>
      %shift_right_logical3A_281 = arith.shrui %sub3A_278, %shift_right_logical3A_280 : vector<16xi32>
      %sub3A_282 = arith.constant 1 : i32
      %sub3A_283 = arith.subi %add3A_63, %sub3A_282 : i32
      %sub3A_284 = vector.broadcast %sub3A_283 : i32 to vector<16xi32>
      %sub3A_285 = arith.subi %sub3A_284, %get3A_277 : vector<16xi32>
      %shift_right_logical3A_286 = arith.constant 31 : i32
      %shift_right_logical3A_287 = vector.broadcast %shift_right_logical3A_286 : i32 to vector<16xi32>
      %shift_right_logical3A_288 = arith.shrui %sub3A_285, %shift_right_logical3A_287 : vector<16xi32>
      %sub3A_289 = arith.constant 1 : i32
      %sub3A_290 = vector.broadcast %sub3A_289 : i32 to vector<16xi32>
      %sub3A_291 = arith.subi %sub3A_290, %shift_right_logical3A_281 : vector<16xi32>
      %sub3A_292 = arith.constant 1 : i32
      %sub3A_293 = vector.broadcast %sub3A_292 : i32 to vector<16xi32>
      %sub3A_294 = arith.subi %sub3A_293, %shift_right_logical3A_288 : vector<16xi32>
      %mul3A_295 = arith.muli %sub3A_291, %sub3A_294 : vector<16xi32>
      %broadcast_in_dim3A_296 = arith.constant true
      %broadcast_in_dim3A_297 = vector.broadcast %broadcast_in_dim3A_296 : i1 to vector<16xi1>
      %masked_cumsum3A = tpu.scan <sum>, %mul3A_295 masked %broadcast_in_dim3A_297 : vector<16xi32>, vector<16xi1> -> vector<16xi32>
      %add3A_298 = arith.addi %while3A_274, %masked_cumsum3A : vector<16xi32>
      %sub3A_299 = arith.constant 1 : i32
      %sub3A_300 = vector.broadcast %sub3A_299 : i32 to vector<16xi32>
      %sub3A_301 = arith.subi %add3A_298, %sub3A_300 : vector<16xi32>
      %sub3A_302 = arith.constant 48 : i32
      %sub3A_303 = vector.broadcast %sub3A_302 : i32 to vector<16xi32>
      %sub3A_304 = arith.subi %sub3A_301, %sub3A_303 : vector<16xi32>
      %mul3A_305 = arith.muli %mul3A_295, %sub3A_304 : vector<16xi32>
      %add3A_306 = arith.constant 48 : i32
      %add3A_307 = vector.broadcast %add3A_306 : i32 to vector<16xi32>
      %add3A_308 = arith.addi %add3A_307, %mul3A_305 : vector<16xi32>
      %shift_right_logical3A_309 = arith.constant 4 : i32
      %shift_right_logical3A_310 = vector.broadcast %shift_right_logical3A_309 : i32 to vector<16xi32>
      %shift_right_logical3A_311 = arith.shrui %add3A_308, %shift_right_logical3A_310 : vector<16xi32>
      %mul3A_312 = arith.constant 16 : i32
      %mul3A_313 = vector.broadcast %mul3A_312 : i32 to vector<16xi32>
      %mul3A_314 = arith.muli %shift_right_logical3A_311, %mul3A_313 : vector<16xi32>
      %sub3A_315 = arith.subi %add3A_308, %mul3A_314 : vector<16xi32>
      %sub3A_316 = vector.broadcast %multiple_of3A_61 : i32 to vector<16xi32>
      %sub3A_317 = arith.subi %get3A_277, %sub3A_316 : vector<16xi32>
      %mul3A_318 = arith.muli %sub3A_317, %mul3A_295 : vector<16xi32>
      tpu.vector_store_idx %arg12[%shift_right_logical3A_311, %sub3A_315], %mul3A_318 : memref<4x16xi32, #tpu.memory_space<vmem>>[vector<16xi32>, vector<16xi32>], vector<16xi32>,
      %get3A_319 = arith.index_cast %while3A_273 : i32 to index
      %get3A_320 = arith.constant 0 : index
      %get3A_321 = tpu.vector_load %arg11[%get3A_319, %get3A_320] {strides = array<i32>} : memref<49x16xi32, #tpu.memory_space<vmem>>, vector<16xi32>,
      tpu.vector_store_idx %arg13[%shift_right_logical3A_311, %sub3A_315], %get3A_321 : memref<4x16xi32, #tpu.memory_space<vmem>>[vector<16xi32>, vector<16xi32>], vector<16xi32>,
      %broadcast_in_dim3A_322 = arith.constant 15 : i32
      %broadcast_in_dim3A_323 = vector.broadcast %broadcast_in_dim3A_322 : i32 to vector<16xi32>
      %reshape3A = vector.shape_cast %broadcast_in_dim3A_323 : vector<16xi32> to vector<16x1xi32>
      %gather3A = vector.shape_cast %reshape3A : vector<16x1xi32> to vector<16xi32>
      %gather3A_324 = tpu.dynamic_gather %masked_cumsum3A[%gather3A] in [0] : vector<16xi32>, vector<16xi32> -> vector<16xi32>
      %add3A_325 = arith.addi %while3A_274, %gather3A_324 : vector<16xi32>
      %min3A_326 = arith.constant 32 : i32
      %min3A_327 = vector.broadcast %min3A_326 : i32 to vector<16xi32>
      %min3A_328 = arith.minsi %add3A_325, %min3A_327 : vector<16xi32>
      scf.yield %min3A_328 : vector<16xi32>
    }
    %while3A_132 = arith.constant 1 : i32
    %while3A_133 = scf.for %while3A_273 = %while3A_129 to %while3A_125 step %while3A_132 iter_args(%while3A_274 = %while3A_131) -> (vector<16xi32>)  : i32 {
      %get3A_275 = arith.index_cast %while3A_273 : i32 to index
      %get3A_276 = arith.constant 0 : index
      %get3A_277 = tpu.vector_load %arg10[%get3A_275, %get3A_276] {strides = array<i32>} : memref<49x16xi32, #tpu.memory_space<vmem>>, vector<16xi32>,
      %sub3A = vector.broadcast %multiple_of3A_61 : i32 to vector<16xi32>
      %sub3A_278 = arith.subi %get3A_277, %sub3A : vector<16xi32>
      %shift_right_logical3A_279 = arith.constant 31 : i32
      %shift_right_logical3A_280 = vector.broadcast %shift_right_logical3A_279 : i32 to vector<16xi32>
      %shift_right_logical3A_281 = arith.shrui %sub3A_278, %shift_right_logical3A_280 : vector<16xi32>
      %sub3A_282 = arith.constant 1 : i32
      %sub3A_283 = arith.subi %add3A_63, %sub3A_282 : i32
      %sub3A_284 = vector.broadcast %sub3A_283 : i32 to vector<16xi32>
      %sub3A_285 = arith.subi %sub3A_284, %get3A_277 : vector<16xi32>
      %shift_right_logical3A_286 = arith.constant 31 : i32
      %shift_right_logical3A_287 = vector.broadcast %shift_right_logical3A_286 : i32 to vector<16xi32>
      %shift_right_logical3A_288 = arith.shrui %sub3A_285, %shift_right_logical3A_287 : vector<16xi32>
      %sub3A_289 = arith.constant 1 : i32
      %sub3A_290 = vector.broadcast %sub3A_289 : i32 to vector<16xi32>
      %sub3A_291 = arith.subi %sub3A_290, %shift_right_logical3A_281 : vector<16xi32>
      %sub3A_292 = arith.constant 1 : i32
      %sub3A_293 = vector.broadcast %sub3A_292 : i32 to vector<16xi32>
      %sub3A_294 = arith.subi %sub3A_293, %shift_right_logical3A_288 : vector<16xi32>
      %mul3A_295 = arith.muli %sub3A_291, %sub3A_294 : vector<16xi32>
      %broadcast_in_dim3A_296 = arith.constant true
      %broadcast_in_dim3A_297 = vector.broadcast %broadcast_in_dim3A_296 : i1 to vector<16xi1>
      %masked_cumsum3A = tpu.scan <sum>, %mul3A_295 masked %broadcast_in_dim3A_297 : vector<16xi32>, vector<16xi1> -> vector<16xi32>
      %add3A_298 = arith.addi %while3A_274, %masked_cumsum3A : vector<16xi32>
      %sub3A_299 = arith.constant 1 : i32
      %sub3A_300 = vector.broadcast %sub3A_299 : i32 to vector<16xi32>
      %sub3A_301 = arith.subi %add3A_298, %sub3A_300 : vector<16xi32>
      %sub3A_302 = arith.constant 48 : i32
      %sub3A_303 = vector.broadcast %sub3A_302 : i32 to vector<16xi32>
      %sub3A_304 = arith.subi %sub3A_301, %sub3A_303 : vector<16xi32>
      %mul3A_305 = arith.muli %mul3A_295, %sub3A_304 : vector<16xi32>
      %add3A_306 = arith.constant 48 : i32
      %add3A_307 = vector.broadcast %add3A_306 : i32 to vector<16xi32>
      %add3A_308 = arith.addi %add3A_307, %mul3A_305 : vector<16xi32>
      %shift_right_logical3A_309 = arith.constant 4 : i32
      %shift_right_logical3A_310 = vector.broadcast %shift_right_logical3A_309 : i32 to vector<16xi32>
      %shift_right_logical3A_311 = arith.shrui %add3A_308, %shift_right_logical3A_310 : vector<16xi32>
      %mul3A_312 = arith.constant 16 : i32
      %mul3A_313 = vector.broadcast %mul3A_312 : i32 to vector<16xi32>
      %mul3A_314 = arith.muli %shift_right_logical3A_311, %mul3A_313 : vector<16xi32>
      %sub3A_315 = arith.subi %add3A_308, %mul3A_314 : vector<16xi32>
      %sub3A_316 = vector.broadcast %multiple_of3A_61 : i32 to vector<16xi32>
      %sub3A_317 = arith.subi %get3A_277, %sub3A_316 : vector<16xi32>
      %mul3A_318 = arith.muli %sub3A_317, %mul3A_295 : vector<16xi32>
      tpu.vector_store_idx %arg12[%shift_right_logical3A_311, %sub3A_315], %mul3A_318 : memref<4x16xi32, #tpu.memory_space<vmem>>[vector<16xi32>, vector<16xi32>], vector<16xi32>,
      %get3A_319 = arith.index_cast %while3A_273 : i32 to index
      %get3A_320 = arith.constant 0 : index
      %get3A_321 = tpu.vector_load %arg11[%get3A_319, %get3A_320] {strides = array<i32>} : memref<49x16xi32, #tpu.memory_space<vmem>>, vector<16xi32>,
      tpu.vector_store_idx %arg13[%shift_right_logical3A_311, %sub3A_315], %get3A_321 : memref<4x16xi32, #tpu.memory_space<vmem>>[vector<16xi32>, vector<16xi32>], vector<16xi32>,
      %broadcast_in_dim3A_322 = arith.constant 15 : i32
      %broadcast_in_dim3A_323 = vector.broadcast %broadcast_in_dim3A_322 : i32 to vector<16xi32>
      %reshape3A = vector.shape_cast %broadcast_in_dim3A_323 : vector<16xi32> to vector<16x1xi32>
      %gather3A = vector.shape_cast %reshape3A : vector<16x1xi32> to vector<16xi32>
      %gather3A_324 = tpu.dynamic_gather %masked_cumsum3A[%gather3A] in [0] : vector<16xi32>, vector<16xi32> -> vector<16xi32>
      %add3A_325 = arith.addi %while3A_274, %gather3A_324 : vector<16xi32>
      %min3A_326 = arith.constant 32 : i32
      %min3A_327 = vector.broadcast %min3A_326 : i32 to vector<16xi32>
      %min3A_328 = arith.minsi %add3A_325, %min3A_327 : vector<16xi32>
      scf.yield %min3A_328 : vector<16xi32>
    }
    %scan3A_134 = arith.constant 0 : i32
    %scan3A_135 = arith.constant 0 : i32
    %scan3A_136 = arith.constant 3 : i32
    %scan3A_137 = arith.addi %scan3A_135, %scan3A_136 : i32
    %scan3A_138 = arith.constant 1 : i32
    scf.for %scan3A_273 = %scan3A_135 to %scan3A_137 step %scan3A_138  : i32 {
      %get3A_274 = arith.index_cast %scan3A_273 : i32 to index
      %get3A_275 = arith.constant 0 : index
      %get3A_276 = tpu.vector_load %arg12[%get3A_274, %get3A_275] {strides = array<i32>} : memref<4x16xi32, #tpu.memory_space<vmem>>, vector<16xi32>,
      %iota3A_277 = tpu.iota {dimensions = array<i32: 0>} : vector<16xi32>
      %mul3A_278 = arith.constant 16 : i32
      %mul3A_279 = arith.muli %scan3A_273, %mul3A_278 : i32
      %add3A_280 = vector.broadcast %mul3A_279 : i32 to vector<16xi32>
      %add3A_281 = arith.addi %iota3A_277, %add3A_280 : vector<16xi32>
      %broadcast_in_dim3A_282 = arith.constant 0 : i32
      %broadcast_in_dim3A_283 = vector.broadcast %broadcast_in_dim3A_282 : i32 to vector<16xi32>
      %broadcast_in_dim3A_284 = arith.constant 0 : i32
      %broadcast_in_dim3A_285 = vector.broadcast %broadcast_in_dim3A_284 : i32 to vector<16xi32>
      %gather3A = tpu.vector_load_idx %arg7[%broadcast_in_dim3A_285, %get3A_276] : memref<32x1024xf32, #tpu.memory_space<vmem>>[vector<16xi32>, vector<16xi32>], vector<16xf32>,
      tpu.vector_store_idx %arg15[%add3A_281, %broadcast_in_dim3A_283], %gather3A : memref<48x128xf32, #tpu.memory_space<vmem>>[vector<16xi32>, vector<16xi32>], vector<16xf32>,
      %broadcast_in_dim3A_286 = arith.constant 1 : i32
      %broadcast_in_dim3A_287 = vector.broadcast %broadcast_in_dim3A_286 : i32 to vector<16xi32>
      %broadcast_in_dim3A_288 = arith.constant 1 : i32
      %broadcast_in_dim3A_289 = vector.broadcast %broadcast_in_dim3A_288 : i32 to vector<16xi32>
      %gather3A_290 = tpu.vector_load_idx %arg7[%broadcast_in_dim3A_289, %get3A_276] : memref<32x1024xf32, #tpu.memory_space<vmem>>[vector<16xi32>, vector<16xi32>], vector<16xf32>,
      tpu.vector_store_idx %arg15[%add3A_281, %broadcast_in_dim3A_287], %gather3A_290 : memref<48x128xf32, #tpu.memory_space<vmem>>[vector<16xi32>, vector<16xi32>], vector<16xf32>,
      %broadcast_in_dim3A_291 = arith.constant 2 : i32
      %broadcast_in_dim3A_292 = vector.broadcast %broadcast_in_dim3A_291 : i32 to vector<16xi32>
      %broadcast_in_dim3A_293 = arith.constant 2 : i32
      %broadcast_in_dim3A_294 = vector.broadcast %broadcast_in_dim3A_293 : i32 to vector<16xi32>
      %gather3A_295 = tpu.vector_load_idx %arg7[%broadcast_in_dim3A_294, %get3A_276] : memref<32x1024xf32, #tpu.memory_space<vmem>>[vector<16xi32>, vector<16xi32>], vector<16xf32>,
      tpu.vector_store_idx %arg15[%add3A_281, %broadcast_in_dim3A_292], %gather3A_295 : memref<48x128xf32, #tpu.memory_space<vmem>>[vector<16xi32>, vector<16xi32>], vector<16xf32>,
      %broadcast_in_dim3A_296 = arith.constant 3 : i32
      %broadcast_in_dim3A_297 = vector.broadcast %broadcast_in_dim3A_296 : i32 to vector<16xi32>
      %broadcast_in_dim3A_298 = arith.constant 3 : i32
      %broadcast_in_dim3A_299 = vector.broadcast %broadcast_in_dim3A_298 : i32 to vector<16xi32>
      %gather3A_300 = tpu.vector_load_idx %arg7[%broadcast_in_dim3A_299, %get3A_276] : memref<32x1024xf32, #tpu.memory_space<vmem>>[vector<16xi32>, vector<16xi32>], vector<16xf32>,
      tpu.vector_store_idx %arg15[%add3A_281, %broadcast_in_dim3A_297], %gather3A_300 : memref<48x128xf32, #tpu.memory_space<vmem>>[vector<16xi32>, vector<16xi32>], vector<16xf32>,
      %broadcast_in_dim3A_301 = arith.constant 4 : i32
      %broadcast_in_dim3A_302 = vector.broadcast %broadcast_in_dim3A_301 : i32 to vector<16xi32>
      %broadcast_in_dim3A_303 = arith.constant 4 : i32
      %broadcast_in_dim3A_304 = vector.broadcast %broadcast_in_dim3A_303 : i32 to vector<16xi32>
      %gather3A_305 = tpu.vector_load_idx %arg7[%broadcast_in_dim3A_304, %get3A_276] : memref<32x1024xf32, #tpu.memory_space<vmem>>[vector<16xi32>, vector<16xi32>], vector<16xf32>,
      tpu.vector_store_idx %arg15[%add3A_281, %broadcast_in_dim3A_302], %gather3A_305 : memref<48x128xf32, #tpu.memory_space<vmem>>[vector<16xi32>, vector<16xi32>], vector<16xf32>,
      %broadcast_in_dim3A_306 = arith.constant 5 : i32
      %broadcast_in_dim3A_307 = vector.broadcast %broadcast_in_dim3A_306 : i32 to vector<16xi32>
      %broadcast_in_dim3A_308 = arith.constant 5 : i32
      %broadcast_in_dim3A_309 = vector.broadcast %broadcast_in_dim3A_308 : i32 to vector<16xi32>
      %gather3A_310 = tpu.vector_load_idx %arg7[%broadcast_in_dim3A_309, %get3A_276] : memref<32x1024xf32, #tpu.memory_space<vmem>>[vector<16xi32>, vector<16xi32>], vector<16xf32>,
      tpu.vector_store_idx %arg15[%add3A_281, %broadcast_in_dim3A_307], %gather3A_310 : memref<48x128xf32, #tpu.memory_space<vmem>>[vector<16xi32>, vector<16xi32>], vector<16xf32>,
      %broadcast_in_dim3A_311 = arith.constant 6 : i32
      %broadcast_in_dim3A_312 = vector.broadcast %broadcast_in_dim3A_311 : i32 to vector<16xi32>
      %broadcast_in_dim3A_313 = arith.constant 6 : i32
      %broadcast_in_dim3A_314 = vector.broadcast %broadcast_in_dim3A_313 : i32 to vector<16xi32>
      %gather3A_315 = tpu.vector_load_idx %arg7[%broadcast_in_dim3A_314, %get3A_276] : memref<32x1024xf32, #tpu.memory_space<vmem>>[vector<16xi32>, vector<16xi32>], vector<16xf32>,
      tpu.vector_store_idx %arg15[%add3A_281, %broadcast_in_dim3A_312], %gather3A_315 : memref<48x128xf32, #tpu.memory_space<vmem>>[vector<16xi32>, vector<16xi32>], vector<16xf32>,
      %broadcast_in_dim3A_316 = arith.constant 7 : i32
      %broadcast_in_dim3A_317 = vector.broadcast %broadcast_in_dim3A_316 : i32 to vector<16xi32>
      %broadcast_in_dim3A_318 = arith.constant 7 : i32
      %broadcast_in_dim3A_319 = vector.broadcast %broadcast_in_dim3A_318 : i32 to vector<16xi32>
      %gather3A_320 = tpu.vector_load_idx %arg7[%broadcast_in_dim3A_319, %get3A_276] : memref<32x1024xf32, #tpu.memory_space<vmem>>[vector<16xi32>, vector<16xi32>], vector<16xf32>,
      tpu.vector_store_idx %arg15[%add3A_281, %broadcast_in_dim3A_317], %gather3A_320 : memref<48x128xf32, #tpu.memory_space<vmem>>[vector<16xi32>, vector<16xi32>], vector<16xf32>,
      %broadcast_in_dim3A_321 = arith.constant 8 : i32
      %broadcast_in_dim3A_322 = vector.broadcast %broadcast_in_dim3A_321 : i32 to vector<16xi32>
      %broadcast_in_dim3A_323 = arith.constant 8 : i32
      %broadcast_in_dim3A_324 = vector.broadcast %broadcast_in_dim3A_323 : i32 to vector<16xi32>
      %gather3A_325 = tpu.vector_load_idx %arg7[%broadcast_in_dim3A_324, %get3A_276] : memref<32x1024xf32, #tpu.memory_space<vmem>>[vector<16xi32>, vector<16xi32>], vector<16xf32>,
      tpu.vector_store_idx %arg15[%add3A_281, %broadcast_in_dim3A_322], %gather3A_325 : memref<48x128xf32, #tpu.memory_space<vmem>>[vector<16xi32>, vector<16xi32>], vector<16xf32>,
      %broadcast_in_dim3A_326 = arith.constant 9 : i32
      %broadcast_in_dim3A_327 = vector.broadcast %broadcast_in_dim3A_326 : i32 to vector<16xi32>
      %broadcast_in_dim3A_328 = arith.constant 9 : i32
      %broadcast_in_dim3A_329 = vector.broadcast %broadcast_in_dim3A_328 : i32 to vector<16xi32>
      %gather3A_330 = tpu.vector_load_idx %arg7[%broadcast_in_dim3A_329, %get3A_276] : memref<32x1024xf32, #tpu.memory_space<vmem>>[vector<16xi32>, vector<16xi32>], vector<16xf32>,
      tpu.vector_store_idx %arg15[%add3A_281, %broadcast_in_dim3A_327], %gather3A_330 : memref<48x128xf32, #tpu.memory_space<vmem>>[vector<16xi32>, vector<16xi32>], vector<16xf32>,
      %broadcast_in_dim3A_331 = arith.constant 10 : i32
      %broadcast_in_dim3A_332 = vector.broadcast %broadcast_in_dim3A_331 : i32 to vector<16xi32>
      %broadcast_in_dim3A_333 = arith.constant 10 : i32
      %broadcast_in_dim3A_334 = vector.broadcast %broadcast_in_dim3A_333 : i32 to vector<16xi32>
      %gather3A_335 = tpu.vector_load_idx %arg7[%broadcast_in_dim3A_334, %get3A_276] : memref<32x1024xf32, #tpu.memory_space<vmem>>[vector<16xi32>, vector<16xi32>], vector<16xf32>,
      tpu.vector_store_idx %arg15[%add3A_281, %broadcast_in_dim3A_332], %gather3A_335 : memref<48x128xf32, #tpu.memory_space<vmem>>[vector<16xi32>, vector<16xi32>], vector<16xf32>,
      %broadcast_in_dim3A_336 = arith.constant 11 : i32
      %broadcast_in_dim3A_337 = vector.broadcast %broadcast_in_dim3A_336 : i32 to vector<16xi32>
      %broadcast_in_dim3A_338 = arith.constant 11 : i32
      %broadcast_in_dim3A_339 = vector.broadcast %broadcast_in_dim3A_338 : i32 to vector<16xi32>
      %gather3A_340 = tpu.vector_load_idx %arg7[%broadcast_in_dim3A_339, %get3A_276] : memref<32x1024xf32, #tpu.memory_space<vmem>>[vector<16xi32>, vector<16xi32>], vector<16xf32>,
      tpu.vector_store_idx %arg15[%add3A_281, %broadcast_in_dim3A_337], %gather3A_340 : memref<48x128xf32, #tpu.memory_space<vmem>>[vector<16xi32>, vector<16xi32>], vector<16xf32>,
      %broadcast_in_dim3A_341 = arith.constant 12 : i32
      %broadcast_in_dim3A_342 = vector.broadcast %broadcast_in_dim3A_341 : i32 to vector<16xi32>
      %broadcast_in_dim3A_343 = arith.constant 12 : i32
      %broadcast_in_dim3A_344 = vector.broadcast %broadcast_in_dim3A_343 : i32 to vector<16xi32>
      %gather3A_345 = tpu.vector_load_idx %arg7[%broadcast_in_dim3A_344, %get3A_276] : memref<32x1024xf32, #tpu.memory_space<vmem>>[vector<16xi32>, vector<16xi32>], vector<16xf32>,
      tpu.vector_store_idx %arg15[%add3A_281, %broadcast_in_dim3A_342], %gather3A_345 : memref<48x128xf32, #tpu.memory_space<vmem>>[vector<16xi32>, vector<16xi32>], vector<16xf32>,
      %broadcast_in_dim3A_346 = arith.constant 13 : i32
      %broadcast_in_dim3A_347 = vector.broadcast %broadcast_in_dim3A_346 : i32 to vector<16xi32>
      %broadcast_in_dim3A_348 = arith.constant 13 : i32
      %broadcast_in_dim3A_349 = vector.broadcast %broadcast_in_dim3A_348 : i32 to vector<16xi32>
      %gather3A_350 = tpu.vector_load_idx %arg7[%broadcast_in_dim3A_349, %get3A_276] : memref<32x1024xf32, #tpu.memory_space<vmem>>[vector<16xi32>, vector<16xi32>], vector<16xf32>,
      tpu.vector_store_idx %arg15[%add3A_281, %broadcast_in_dim3A_347], %gather3A_350 : memref<48x128xf32, #tpu.memory_space<vmem>>[vector<16xi32>, vector<16xi32>], vector<16xf32>,
      %broadcast_in_dim3A_351 = arith.constant 14 : i32
      %broadcast_in_dim3A_352 = vector.broadcast %broadcast_in_dim3A_351 : i32 to vector<16xi32>
      %broadcast_in_dim3A_353 = arith.constant 14 : i32
      %broadcast_in_dim3A_354 = vector.broadcast %broadcast_in_dim3A_353 : i32 to vector<16xi32>
      %gather3A_355 = tpu.vector_load_idx %arg7[%broadcast_in_dim3A_354, %get3A_276] : memref<32x1024xf32, #tpu.memory_space<vmem>>[vector<16xi32>, vector<16xi32>], vector<16xf32>,
      tpu.vector_store_idx %arg15[%add3A_281, %broadcast_in_dim3A_352], %gather3A_355 : memref<48x128xf32, #tpu.memory_space<vmem>>[vector<16xi32>, vector<16xi32>], vector<16xf32>,
      %broadcast_in_dim3A_356 = arith.constant 15 : i32
      %broadcast_in_dim3A_357 = vector.broadcast %broadcast_in_dim3A_356 : i32 to vector<16xi32>
      %broadcast_in_dim3A_358 = arith.constant 15 : i32
      %broadcast_in_dim3A_359 = vector.broadcast %broadcast_in_dim3A_358 : i32 to vector<16xi32>
      %gather3A_360 = tpu.vector_load_idx %arg7[%broadcast_in_dim3A_359, %get3A_276] : memref<32x1024xf32, #tpu.memory_space<vmem>>[vector<16xi32>, vector<16xi32>], vector<16xf32>,
      tpu.vector_store_idx %arg15[%add3A_281, %broadcast_in_dim3A_357], %gather3A_360 : memref<48x128xf32, #tpu.memory_space<vmem>>[vector<16xi32>, vector<16xi32>], vector<16xf32>,
      %broadcast_in_dim3A_361 = arith.constant 16 : i32
      %broadcast_in_dim3A_362 = vector.broadcast %broadcast_in_dim3A_361 : i32 to vector<16xi32>
      %broadcast_in_dim3A_363 = arith.constant 16 : i32
      %broadcast_in_dim3A_364 = vector.broadcast %broadcast_in_dim3A_363 : i32 to vector<16xi32>
      %gather3A_365 = tpu.vector_load_idx %arg7[%broadcast_in_dim3A_364, %get3A_276] : memref<32x1024xf32, #tpu.memory_space<vmem>>[vector<16xi32>, vector<16xi32>], vector<16xf32>,
      tpu.vector_store_idx %arg15[%add3A_281, %broadcast_in_dim3A_362], %gather3A_365 : memref<48x128xf32, #tpu.memory_space<vmem>>[vector<16xi32>, vector<16xi32>], vector<16xf32>,
      %broadcast_in_dim3A_366 = arith.constant 17 : i32
      %broadcast_in_dim3A_367 = vector.broadcast %broadcast_in_dim3A_366 : i32 to vector<16xi32>
      %broadcast_in_dim3A_368 = arith.constant 17 : i32
      %broadcast_in_dim3A_369 = vector.broadcast %broadcast_in_dim3A_368 : i32 to vector<16xi32>
      %gather3A_370 = tpu.vector_load_idx %arg7[%broadcast_in_dim3A_369, %get3A_276] : memref<32x1024xf32, #tpu.memory_space<vmem>>[vector<16xi32>, vector<16xi32>], vector<16xf32>,
      tpu.vector_store_idx %arg15[%add3A_281, %broadcast_in_dim3A_367], %gather3A_370 : memref<48x128xf32, #tpu.memory_space<vmem>>[vector<16xi32>, vector<16xi32>], vector<16xf32>,
      %broadcast_in_dim3A_371 = arith.constant 18 : i32
      %broadcast_in_dim3A_372 = vector.broadcast %broadcast_in_dim3A_371 : i32 to vector<16xi32>
      %broadcast_in_dim3A_373 = arith.constant 18 : i32
      %broadcast_in_dim3A_374 = vector.broadcast %broadcast_in_dim3A_373 : i32 to vector<16xi32>
      %gather3A_375 = tpu.vector_load_idx %arg7[%broadcast_in_dim3A_374, %get3A_276] : memref<32x1024xf32, #tpu.memory_space<vmem>>[vector<16xi32>, vector<16xi32>], vector<16xf32>,
      tpu.vector_store_idx %arg15[%add3A_281, %broadcast_in_dim3A_372], %gather3A_375 : memref<48x128xf32, #tpu.memory_space<vmem>>[vector<16xi32>, vector<16xi32>], vector<16xf32>,
      %broadcast_in_dim3A_376 = arith.constant 19 : i32
      %broadcast_in_dim3A_377 = vector.broadcast %broadcast_in_dim3A_376 : i32 to vector<16xi32>
      %broadcast_in_dim3A_378 = arith.constant 19 : i32
      %broadcast_in_dim3A_379 = vector.broadcast %broadcast_in_dim3A_378 : i32 to vector<16xi32>
      %gather3A_380 = tpu.vector_load_idx %arg7[%broadcast_in_dim3A_379, %get3A_276] : memref<32x1024xf32, #tpu.memory_space<vmem>>[vector<16xi32>, vector<16xi32>], vector<16xf32>,
      tpu.vector_store_idx %arg15[%add3A_281, %broadcast_in_dim3A_377], %gather3A_380 : memref<48x128xf32, #tpu.memory_space<vmem>>[vector<16xi32>, vector<16xi32>], vector<16xf32>,
      %broadcast_in_dim3A_381 = arith.constant 20 : i32
      %broadcast_in_dim3A_382 = vector.broadcast %broadcast_in_dim3A_381 : i32 to vector<16xi32>
      %broadcast_in_dim3A_383 = arith.constant 20 : i32
      %broadcast_in_dim3A_384 = vector.broadcast %broadcast_in_dim3A_383 : i32 to vector<16xi32>
      %gather3A_385 = tpu.vector_load_idx %arg7[%broadcast_in_dim3A_384, %get3A_276] : memref<32x1024xf32, #tpu.memory_space<vmem>>[vector<16xi32>, vector<16xi32>], vector<16xf32>,
      tpu.vector_store_idx %arg15[%add3A_281, %broadcast_in_dim3A_382], %gather3A_385 : memref<48x128xf32, #tpu.memory_space<vmem>>[vector<16xi32>, vector<16xi32>], vector<16xf32>,
      %broadcast_in_dim3A_386 = arith.constant 21 : i32
      %broadcast_in_dim3A_387 = vector.broadcast %broadcast_in_dim3A_386 : i32 to vector<16xi32>
      %broadcast_in_dim3A_388 = arith.constant 21 : i32
      %broadcast_in_dim3A_389 = vector.broadcast %broadcast_in_dim3A_388 : i32 to vector<16xi32>
      %gather3A_390 = tpu.vector_load_idx %arg7[%broadcast_in_dim3A_389, %get3A_276] : memref<32x1024xf32, #tpu.memory_space<vmem>>[vector<16xi32>, vector<16xi32>], vector<16xf32>,
      tpu.vector_store_idx %arg15[%add3A_281, %broadcast_in_dim3A_387], %gather3A_390 : memref<48x128xf32, #tpu.memory_space<vmem>>[vector<16xi32>, vector<16xi32>], vector<16xf32>,
      %broadcast_in_dim3A_391 = arith.constant 22 : i32
      %broadcast_in_dim3A_392 = vector.broadcast %broadcast_in_dim3A_391 : i32 to vector<16xi32>
      %broadcast_in_dim3A_393 = arith.constant 22 : i32
      %broadcast_in_dim3A_394 = vector.broadcast %broadcast_in_dim3A_393 : i32 to vector<16xi32>
      %gather3A_395 = tpu.vector_load_idx %arg7[%broadcast_in_dim3A_394, %get3A_276] : memref<32x1024xf32, #tpu.memory_space<vmem>>[vector<16xi32>, vector<16xi32>], vector<16xf32>,
      tpu.vector_store_idx %arg15[%add3A_281, %broadcast_in_dim3A_392], %gather3A_395 : memref<48x128xf32, #tpu.memory_space<vmem>>[vector<16xi32>, vector<16xi32>], vector<16xf32>,
      %broadcast_in_dim3A_396 = arith.constant 23 : i32
      %broadcast_in_dim3A_397 = vector.broadcast %broadcast_in_dim3A_396 : i32 to vector<16xi32>
      %broadcast_in_dim3A_398 = arith.constant 23 : i32
      %broadcast_in_dim3A_399 = vector.broadcast %broadcast_in_dim3A_398 : i32 to vector<16xi32>
      %gather3A_400 = tpu.vector_load_idx %arg7[%broadcast_in_dim3A_399, %get3A_276] : memref<32x1024xf32, #tpu.memory_space<vmem>>[vector<16xi32>, vector<16xi32>], vector<16xf32>,
      tpu.vector_store_idx %arg15[%add3A_281, %broadcast_in_dim3A_397], %gather3A_400 : memref<48x128xf32, #tpu.memory_space<vmem>>[vector<16xi32>, vector<16xi32>], vector<16xf32>,
      %broadcast_in_dim3A_401 = arith.constant 24 : i32
      %broadcast_in_dim3A_402 = vector.broadcast %broadcast_in_dim3A_401 : i32 to vector<16xi32>
      %broadcast_in_dim3A_403 = arith.constant 24 : i32
      %broadcast_in_dim3A_404 = vector.broadcast %broadcast_in_dim3A_403 : i32 to vector<16xi32>
      %gather3A_405 = tpu.vector_load_idx %arg7[%broadcast_in_dim3A_404, %get3A_276] : memref<32x1024xf32, #tpu.memory_space<vmem>>[vector<16xi32>, vector<16xi32>], vector<16xf32>,
      tpu.vector_store_idx %arg15[%add3A_281, %broadcast_in_dim3A_402], %gather3A_405 : memref<48x128xf32, #tpu.memory_space<vmem>>[vector<16xi32>, vector<16xi32>], vector<16xf32>,
      %broadcast_in_dim3A_406 = arith.constant 25 : i32
      %broadcast_in_dim3A_407 = vector.broadcast %broadcast_in_dim3A_406 : i32 to vector<16xi32>
      %broadcast_in_dim3A_408 = arith.constant 25 : i32
      %broadcast_in_dim3A_409 = vector.broadcast %broadcast_in_dim3A_408 : i32 to vector<16xi32>
      %gather3A_410 = tpu.vector_load_idx %arg7[%broadcast_in_dim3A_409, %get3A_276] : memref<32x1024xf32, #tpu.memory_space<vmem>>[vector<16xi32>, vector<16xi32>], vector<16xf32>,
      tpu.vector_store_idx %arg15[%add3A_281, %broadcast_in_dim3A_407], %gather3A_410 : memref<48x128xf32, #tpu.memory_space<vmem>>[vector<16xi32>, vector<16xi32>], vector<16xf32>,
      %broadcast_in_dim3A_411 = arith.constant 26 : i32
      %broadcast_in_dim3A_412 = vector.broadcast %broadcast_in_dim3A_411 : i32 to vector<16xi32>
      %broadcast_in_dim3A_413 = arith.constant 26 : i32
      %broadcast_in_dim3A_414 = vector.broadcast %broadcast_in_dim3A_413 : i32 to vector<16xi32>
      %gather3A_415 = tpu.vector_load_idx %arg7[%broadcast_in_dim3A_414, %get3A_276] : memref<32x1024xf32, #tpu.memory_space<vmem>>[vector<16xi32>, vector<16xi32>], vector<16xf32>,
      tpu.vector_store_idx %arg15[%add3A_281, %broadcast_in_dim3A_412], %gather3A_415 : memref<48x128xf32, #tpu.memory_space<vmem>>[vector<16xi32>, vector<16xi32>], vector<16xf32>,
      %broadcast_in_dim3A_416 = arith.constant 27 : i32
      %broadcast_in_dim3A_417 = vector.broadcast %broadcast_in_dim3A_416 : i32 to vector<16xi32>
      %broadcast_in_dim3A_418 = arith.constant 27 : i32
      %broadcast_in_dim3A_419 = vector.broadcast %broadcast_in_dim3A_418 : i32 to vector<16xi32>
      %gather3A_420 = tpu.vector_load_idx %arg7[%broadcast_in_dim3A_419, %get3A_276] : memref<32x1024xf32, #tpu.memory_space<vmem>>[vector<16xi32>, vector<16xi32>], vector<16xf32>,
      tpu.vector_store_idx %arg15[%add3A_281, %broadcast_in_dim3A_417], %gather3A_420 : memref<48x128xf32, #tpu.memory_space<vmem>>[vector<16xi32>, vector<16xi32>], vector<16xf32>,
      %broadcast_in_dim3A_421 = arith.constant 28 : i32
      %broadcast_in_dim3A_422 = vector.broadcast %broadcast_in_dim3A_421 : i32 to vector<16xi32>
      %broadcast_in_dim3A_423 = arith.constant 28 : i32
      %broadcast_in_dim3A_424 = vector.broadcast %broadcast_in_dim3A_423 : i32 to vector<16xi32>
      %gather3A_425 = tpu.vector_load_idx %arg7[%broadcast_in_dim3A_424, %get3A_276] : memref<32x1024xf32, #tpu.memory_space<vmem>>[vector<16xi32>, vector<16xi32>], vector<16xf32>,
      tpu.vector_store_idx %arg15[%add3A_281, %broadcast_in_dim3A_422], %gather3A_425 : memref<48x128xf32, #tpu.memory_space<vmem>>[vector<16xi32>, vector<16xi32>], vector<16xf32>,
      %broadcast_in_dim3A_426 = arith.constant 29 : i32
      %broadcast_in_dim3A_427 = vector.broadcast %broadcast_in_dim3A_426 : i32 to vector<16xi32>
      %broadcast_in_dim3A_428 = arith.constant 29 : i32
      %broadcast_in_dim3A_429 = vector.broadcast %broadcast_in_dim3A_428 : i32 to vector<16xi32>
      %gather3A_430 = tpu.vector_load_idx %arg7[%broadcast_in_dim3A_429, %get3A_276] : memref<32x1024xf32, #tpu.memory_space<vmem>>[vector<16xi32>, vector<16xi32>], vector<16xf32>,
      tpu.vector_store_idx %arg15[%add3A_281, %broadcast_in_dim3A_427], %gather3A_430 : memref<48x128xf32, #tpu.memory_space<vmem>>[vector<16xi32>, vector<16xi32>], vector<16xf32>,
      %broadcast_in_dim3A_431 = arith.constant 30 : i32
      %broadcast_in_dim3A_432 = vector.broadcast %broadcast_in_dim3A_431 : i32 to vector<16xi32>
      %broadcast_in_dim3A_433 = arith.constant 30 : i32
      %broadcast_in_dim3A_434 = vector.broadcast %broadcast_in_dim3A_433 : i32 to vector<16xi32>
      %gather3A_435 = tpu.vector_load_idx %arg7[%broadcast_in_dim3A_434, %get3A_276] : memref<32x1024xf32, #tpu.memory_space<vmem>>[vector<16xi32>, vector<16xi32>], vector<16xf32>,
      tpu.vector_store_idx %arg15[%add3A_281, %broadcast_in_dim3A_432], %gather3A_435 : memref<48x128xf32, #tpu.memory_space<vmem>>[vector<16xi32>, vector<16xi32>], vector<16xf32>,
      %broadcast_in_dim3A_436 = arith.constant 31 : i32
      %broadcast_in_dim3A_437 = vector.broadcast %broadcast_in_dim3A_436 : i32 to vector<16xi32>
      %broadcast_in_dim3A_438 = arith.constant 31 : i32
      %broadcast_in_dim3A_439 = vector.broadcast %broadcast_in_dim3A_438 : i32 to vector<16xi32>
      %gather3A_440 = tpu.vector_load_idx %arg7[%broadcast_in_dim3A_439, %get3A_276] : memref<32x1024xf32, #tpu.memory_space<vmem>>[vector<16xi32>, vector<16xi32>], vector<16xf32>,
      tpu.vector_store_idx %arg15[%add3A_281, %broadcast_in_dim3A_437], %gather3A_440 : memref<48x128xf32, #tpu.memory_space<vmem>>[vector<16xi32>, vector<16xi32>], vector<16xf32>,
    }
    %scan3A_139 = arith.constant 3 : i32
    %get3A = arith.constant 0 : i32
    %get3A_140 = arith.index_cast %get3A : i32 to index
    %get3A_141 = arith.constant 0 : index
    %get3A_142 = tpu.vector_load %arg13[%get3A_140, %get3A_141] {strides = array<i32>} : memref<4x16xi32, #tpu.memory_space<vmem>>, vector<16xi32>,
    %swap3A_143 = arith.constant 0 : i32
    %swap3A_144 = arith.index_cast %swap3A_143 : i32 to index
    %swap3A_145 = arith.constant 0 : index
    %swap3A_146 = tpu.vector_load %arg14[%swap3A_144, %swap3A_145] {strides = array<i32>} : memref<1x48xi32, #tpu.memory_space<vmem>>, vector<16xi32>,
    tpu.vector_store %arg14[%swap3A_144, %swap3A_145], %get3A_142 {strides = array<i32>} : memref<1x48xi32, #tpu.memory_space<vmem>>, vector<16xi32>,
    %get3A_147 = arith.constant 1 : i32
    %get3A_148 = arith.index_cast %get3A_147 : i32 to index
    %get3A_149 = arith.constant 0 : index
    %get3A_150 = tpu.vector_load %arg13[%get3A_148, %get3A_149] {strides = array<i32>} : memref<4x16xi32, #tpu.memory_space<vmem>>, vector<16xi32>,
    %swap3A_151 = arith.constant 0 : i32
    %swap3A_152 = arith.index_cast %swap3A_151 : i32 to index
    %swap3A_153 = arith.constant 16 : index
    %swap3A_154 = tpu.vector_load %arg14[%swap3A_152, %swap3A_153] {strides = array<i32>} : memref<1x48xi32, #tpu.memory_space<vmem>>, vector<16xi32>,
    tpu.vector_store %arg14[%swap3A_152, %swap3A_153], %get3A_150 {strides = array<i32>} : memref<1x48xi32, #tpu.memory_space<vmem>>, vector<16xi32>,
    %get3A_155 = arith.constant 2 : i32
    %get3A_156 = arith.index_cast %get3A_155 : i32 to index
    %get3A_157 = arith.constant 0 : index
    %get3A_158 = tpu.vector_load %arg13[%get3A_156, %get3A_157] {strides = array<i32>} : memref<4x16xi32, #tpu.memory_space<vmem>>, vector<16xi32>,
    %swap3A_159 = arith.constant 0 : i32
    %swap3A_160 = arith.index_cast %swap3A_159 : i32 to index
    %swap3A_161 = arith.constant 32 : index
    %swap3A_162 = tpu.vector_load %arg14[%swap3A_160, %swap3A_161] {strides = array<i32>} : memref<1x48xi32, #tpu.memory_space<vmem>>, vector<16xi32>,
    tpu.vector_store %arg14[%swap3A_160, %swap3A_161], %get3A_158 {strides = array<i32>} : memref<1x48xi32, #tpu.memory_space<vmem>>, vector<16xi32>,
    %run_scoped3A = arith.constant 0 : i32
    "tpu.region"() ({
      %run_scoped3A_273 = tpu.sem_alloc : memref<!tpu.dma_semaphore, #tpu.memory_space<semaphore_mem>>
      %dma_start3A_274 = arith.constant 0 : i32
      %dma_start3A_275 = tpu.memref_slice %arg14[%run_scoped3A, %dma_start3A_274] : memref<1x48xi32, #tpu.memory_space<vmem>> -> memref<1x48xi32, #tpu.memory_space<vmem>>
      %dma_start3A_276 = tpu.memref_squeeze %dma_start3A_275 : memref<1x48xi32, #tpu.memory_space<vmem>> -> memref<48xi32, #tpu.memory_space<vmem>>
      %dma_start3A_277 = arith.constant 0 : i32
      %dma_start3A_278 = arith.constant 0 : i32
      %dma_start3A_279 = tpu.memref_slice %arg5[%dma_start3A_277, %dma_start3A_278] : memref<17920x128xf32, #tpu.memory_space<hbm>> -> memref<17920x128xf32, #tpu.memory_space<hbm>>
      tpu.enqueue_indirect_dma source(%arg15 : memref<48x128xf32, #tpu.memory_space<vmem>>) target(%dma_start3A_279 : memref<17920x128xf32, #tpu.memory_space<hbm>>) offsets(%dma_start3A_276 : memref<48xi32, #tpu.memory_space<vmem>>) semaphore(%run_scoped3A_273 : memref<!tpu.dma_semaphore, #tpu.memory_space<semaphore_mem>>)
      %dma_wait3A_280 = arith.constant 0 : i32
      %dma_wait3A_281 = tpu.memref_slice %arg14[%run_scoped3A, %dma_wait3A_280] : memref<1x48xi32, #tpu.memory_space<vmem>> -> memref<1x48xi32, #tpu.memory_space<vmem>>
      %dma_wait3A_282 = tpu.memref_squeeze %dma_wait3A_281 : memref<1x48xi32, #tpu.memory_space<vmem>> -> memref<48xi32, #tpu.memory_space<vmem>>
      %dma_wait3A_283 = arith.constant 0 : i32
      %dma_wait3A_284 = arith.constant 0 : i32
      %dma_wait3A_285 = tpu.memref_slice %arg5[%dma_wait3A_283, %dma_wait3A_284] : memref<17920x128xf32, #tpu.memory_space<hbm>> -> memref<17920x128xf32, #tpu.memory_space<hbm>>
      tpu.wait_indirect_dma semaphore(%run_scoped3A_273 : memref<!tpu.dma_semaphore, #tpu.memory_space<semaphore_mem>>) src(%arg15 : memref<48x128xf32, #tpu.memory_space<vmem>>) dst(%dma_wait3A_285 : memref<17920x128xf32, #tpu.memory_space<hbm>>)
      tpu.yield
    }) : () -> ()
    %dma_wait3A_163 = arith.constant 0 : i32
    %dma_wait3A_164 = arith.constant 0 : i32
    %dma_wait3A_165 = tpu.memref_slice %arg2[%dma_wait3A_163, %dma_wait3A_164] : memref<32x1000000xf32, #tpu.memory_space<hbm>> -> memref<32x1024xf32, #tpu.memory_space<hbm>>
    %dma_wait3A_166 = arith.constant 0 : i32
    %dma_wait3A_167 = arith.constant 0 : i32
    %dma_wait3A_168 = tpu.memref_slice %arg2[%dma_wait3A_166, %dma_wait3A_167] : memref<32x1000000xf32, #tpu.memory_space<hbm>> -> memref<32x1024xf32, #tpu.memory_space<hbm>>
    tpu.wait_dma2 semaphore(%arg17 : memref<!tpu.dma_semaphore, #tpu.memory_space<semaphore_mem>>) src(%dma_wait3A_168 : memref<32x1024xf32, #tpu.memory_space<hbm>>) dst(%arg8 : memref<32x1024xf32, #tpu.memory_space<vmem>>)
    %iota3A_169 = tpu.iota {dimensions = array<i32: 0>} : vector<16xi32>
    %add3A_170 = arith.constant 0 : i32
    %add3A_171 = arith.addi %add3A_45, %add3A_170 : i32
    %add3A_172 = vector.broadcast %add3A_171 : i32 to vector<16xi32>
    %add3A_173 = arith.addi %iota3A_169, %add3A_172 : vector<16xi32>
    %swap3A_174 = arith.constant 0 : i32
    %swap3A_175 = arith.index_cast %swap3A_174 : i32 to index
    %swap3A_176 = arith.constant 0 : index
    %swap3A_177 = tpu.vector_load %arg13[%swap3A_175, %swap3A_176] {strides = array<i32>} : memref<4x16xi32, #tpu.memory_space<vmem>>, vector<16xi32>,
    tpu.vector_store %arg13[%swap3A_175, %swap3A_176], %add3A_173 {strides = array<i32>} : memref<4x16xi32, #tpu.memory_space<vmem>>, vector<16xi32>,
    %broadcast_in_dim3A_178 = arith.constant 0 : i32
    %broadcast_in_dim3A_179 = vector.broadcast %broadcast_in_dim3A_178 : i32 to vector<16xi32>
    %swap3A_180 = arith.constant 0 : i32
    %swap3A_181 = arith.index_cast %swap3A_180 : i32 to index
    %swap3A_182 = arith.constant 0 : index
    %swap3A_183 = tpu.vector_load %arg12[%swap3A_181, %swap3A_182] {strides = array<i32>} : memref<4x16xi32, #tpu.memory_space<vmem>>, vector<16xi32>,
    tpu.vector_store %arg12[%swap3A_181, %swap3A_182], %broadcast_in_dim3A_179 {strides = array<i32>} : memref<4x16xi32, #tpu.memory_space<vmem>>, vector<16xi32>,
    %iota3A_184 = tpu.iota {dimensions = array<i32: 0>} : vector<16xi32>
    %add3A_185 = arith.constant 16 : i32
    %add3A_186 = arith.addi %add3A_45, %add3A_185 : i32
    %add3A_187 = vector.broadcast %add3A_186 : i32 to vector<16xi32>
    %add3A_188 = arith.addi %iota3A_184, %add3A_187 : vector<16xi32>
    %swap3A_189 = arith.constant 1 : i32
    %swap3A_190 = arith.index_cast %swap3A_189 : i32 to index
    %swap3A_191 = arith.constant 0 : index
    %swap3A_192 = tpu.vector_load %arg13[%swap3A_190, %swap3A_191] {strides = array<i32>} : memref<4x16xi32, #tpu.memory_space<vmem>>, vector<16xi32>,
    tpu.vector_store %arg13[%swap3A_190, %swap3A_191], %add3A_188 {strides = array<i32>} : memref<4x16xi32, #tpu.memory_space<vmem>>, vector<16xi32>,
    %broadcast_in_dim3A_193 = arith.constant 0 : i32
    %broadcast_in_dim3A_194 = vector.broadcast %broadcast_in_dim3A_193 : i32 to vector<16xi32>
    %swap3A_195 = arith.constant 1 : i32
    %swap3A_196 = arith.index_cast %swap3A_195 : i32 to index
    %swap3A_197 = arith.constant 0 : index
    %swap3A_198 = tpu.vector_load %arg12[%swap3A_196, %swap3A_197] {strides = array<i32>} : memref<4x16xi32, #tpu.memory_space<vmem>>, vector<16xi32>,
    tpu.vector_store %arg12[%swap3A_196, %swap3A_197], %broadcast_in_dim3A_194 {strides = array<i32>} : memref<4x16xi32, #tpu.memory_space<vmem>>, vector<16xi32>,
    %iota3A_199 = tpu.iota {dimensions = array<i32: 0>} : vector<16xi32>
    %add3A_200 = arith.constant 32 : i32
    %add3A_201 = arith.addi %add3A_45, %add3A_200 : i32
    %add3A_202 = vector.broadcast %add3A_201 : i32 to vector<16xi32>
    %add3A_203 = arith.addi %iota3A_199, %add3A_202 : vector<16xi32>
    %swap3A_204 = arith.constant 2 : i32
    %swap3A_205 = arith.index_cast %swap3A_204 : i32 to index
    %swap3A_206 = arith.constant 0 : index
    %swap3A_207 = tpu.vector_load %arg13[%swap3A_205, %swap3A_206] {strides = array<i32>} : memref<4x16xi32, #tpu.memory_space<vmem>>, vector<16xi32>,
    tpu.vector_store %arg13[%swap3A_205, %swap3A_206], %add3A_203 {strides = array<i32>} : memref<4x16xi32, #tpu.memory_space<vmem>>, vector<16xi32>,
    %broadcast_in_dim3A_208 = arith.constant 0 : i32
    %broadcast_in_dim3A_209 = vector.broadcast %broadcast_in_dim3A_208 : i32 to vector<16xi32>
    %swap3A_210 = arith.constant 2 : i32
    %swap3A_211 = arith.index_cast %swap3A_210 : i32 to index
    %swap3A_212 = arith.constant 0 : index
    %swap3A_213 = tpu.vector_load %arg12[%swap3A_211, %swap3A_212] {strides = array<i32>} : memref<4x16xi32, #tpu.memory_space<vmem>>, vector<16xi32>,
    tpu.vector_store %arg12[%swap3A_211, %swap3A_212], %broadcast_in_dim3A_209 {strides = array<i32>} : memref<4x16xi32, #tpu.memory_space<vmem>>, vector<16xi32>,
    %iota3A_214 = tpu.iota {dimensions = array<i32: 0>} : vector<16xi32>
    %add3A_215 = arith.constant 48 : i32
    %add3A_216 = arith.addi %add3A_45, %add3A_215 : i32
    %add3A_217 = vector.broadcast %add3A_216 : i32 to vector<16xi32>
    %add3A_218 = arith.addi %iota3A_214, %add3A_217 : vector<16xi32>
    %swap3A_219 = arith.constant 3 : i32
    %swap3A_220 = arith.index_cast %swap3A_219 : i32 to index
    %swap3A_221 = arith.constant 0 : index
    %swap3A_222 = tpu.vector_load %arg13[%swap3A_220, %swap3A_221] {strides = array<i32>} : memref<4x16xi32, #tpu.memory_space<vmem>>, vector<16xi32>,
    tpu.vector_store %arg13[%swap3A_220, %swap3A_221], %add3A_218 {strides = array<i32>} : memref<4x16xi32, #tpu.memory_space<vmem>>, vector<16xi32>,
    %broadcast_in_dim3A_223 = arith.constant 0 : i32
    %broadcast_in_dim3A_224 = vector.broadcast %broadcast_in_dim3A_223 : i32 to vector<16xi32>
    %swap3A_225 = arith.constant 3 : i32
    %swap3A_226 = arith.index_cast %swap3A_225 : i32 to index
    %swap3A_227 = arith.constant 0 : index
    %swap3A_228 = tpu.vector_load %arg12[%swap3A_226, %swap3A_227] {strides = array<i32>} : memref<4x16xi32, #tpu.memory_space<vmem>>, vector<16xi32>,
    tpu.vector_store %arg12[%swap3A_226, %swap3A_227], %broadcast_in_dim3A_224 {strides = array<i32>} : memref<4x16xi32, #tpu.memory_space<vmem>>, vector<16xi32>,
    %broadcast_in_dim3A_229 = arith.constant 0 : i32
    %broadcast_in_dim3A_230 = vector.broadcast %broadcast_in_dim3A_229 : i32 to vector<16xi32>
    %while3A_231 = arith.constant 0 : i32
    %while3A_232 = arith.subi %shift_right_logical3A_41, %while3A_231 : i32
    %while3A_233 = arith.addi %while3A_231, %while3A_232 : i32
    %while3A_234 = arith.constant 1 : i32
    %while3A_235 = arith.divsi %while3A_232, %while3A_234 : i32
    %while3A_236 = arith.muli %while3A_235, %while3A_234 : i32
    %while3A_237 = arith.addi %while3A_231, %while3A_236 : i32
    %while3A_238 = arith.constant 1 : i32
    %while3A_239 = scf.for %while3A_273 = %while3A_231 to %while3A_237 step %while3A_238 iter_args(%while3A_274 = %broadcast_in_dim3A_230) -> (vector<16xi32>)  : i32 {
      %get3A_275 = arith.index_cast %while3A_273 : i32 to index
      %get3A_276 = arith.constant 0 : index
      %get3A_277 = tpu.vector_load %arg10[%get3A_275, %get3A_276] {strides = array<i32>} : memref<49x16xi32, #tpu.memory_space<vmem>>, vector<16xi32>,
      %sub3A = arith.constant 999936 : i32
      %sub3A_278 = vector.broadcast %sub3A : i32 to vector<16xi32>
      %sub3A_279 = arith.subi %get3A_277, %sub3A_278 : vector<16xi32>
      %shift_right_logical3A_280 = arith.constant 31 : i32
      %shift_right_logical3A_281 = vector.broadcast %shift_right_logical3A_280 : i32 to vector<16xi32>
      %shift_right_logical3A_282 = arith.shrui %sub3A_279, %shift_right_logical3A_281 : vector<16xi32>
      %sub3A_283 = arith.constant 999999 : i32
      %sub3A_284 = vector.broadcast %sub3A_283 : i32 to vector<16xi32>
      %sub3A_285 = arith.subi %sub3A_284, %get3A_277 : vector<16xi32>
      %shift_right_logical3A_286 = arith.constant 31 : i32
      %shift_right_logical3A_287 = vector.broadcast %shift_right_logical3A_286 : i32 to vector<16xi32>
      %shift_right_logical3A_288 = arith.shrui %sub3A_285, %shift_right_logical3A_287 : vector<16xi32>
      %sub3A_289 = arith.constant 1 : i32
      %sub3A_290 = vector.broadcast %sub3A_289 : i32 to vector<16xi32>
      %sub3A_291 = arith.subi %sub3A_290, %shift_right_logical3A_282 : vector<16xi32>
      %sub3A_292 = arith.constant 1 : i32
      %sub3A_293 = vector.broadcast %sub3A_292 : i32 to vector<16xi32>
      %sub3A_294 = arith.subi %sub3A_293, %shift_right_logical3A_288 : vector<16xi32>
      %mul3A_295 = arith.muli %sub3A_291, %sub3A_294 : vector<16xi32>
      %broadcast_in_dim3A_296 = arith.constant true
      %broadcast_in_dim3A_297 = vector.broadcast %broadcast_in_dim3A_296 : i1 to vector<16xi1>
      %masked_cumsum3A = tpu.scan <sum>, %mul3A_295 masked %broadcast_in_dim3A_297 : vector<16xi32>, vector<16xi1> -> vector<16xi32>
      %add3A_298 = arith.addi %while3A_274, %masked_cumsum3A : vector<16xi32>
      %sub3A_299 = arith.constant 1 : i32
      %sub3A_300 = vector.broadcast %sub3A_299 : i32 to vector<16xi32>
      %sub3A_301 = arith.subi %add3A_298, %sub3A_300 : vector<16xi32>
      %sub3A_302 = arith.constant 48 : i32
      %sub3A_303 = vector.broadcast %sub3A_302 : i32 to vector<16xi32>
      %sub3A_304 = arith.subi %sub3A_301, %sub3A_303 : vector<16xi32>
      %mul3A_305 = arith.muli %mul3A_295, %sub3A_304 : vector<16xi32>
      %add3A_306 = arith.constant 48 : i32
      %add3A_307 = vector.broadcast %add3A_306 : i32 to vector<16xi32>
      %add3A_308 = arith.addi %add3A_307, %mul3A_305 : vector<16xi32>
      %shift_right_logical3A_309 = arith.constant 4 : i32
      %shift_right_logical3A_310 = vector.broadcast %shift_right_logical3A_309 : i32 to vector<16xi32>
      %shift_right_logical3A_311 = arith.shrui %add3A_308, %shift_right_logical3A_310 : vector<16xi32>
      %mul3A_312 = arith.constant 16 : i32
      %mul3A_313 = vector.broadcast %mul3A_312 : i32 to vector<16xi32>
      %mul3A_314 = arith.muli %shift_right_logical3A_311, %mul3A_313 : vector<16xi32>
      %sub3A_315 = arith.subi %add3A_308, %mul3A_314 : vector<16xi32>
      %sub3A_316 = arith.constant 999936 : i32
      %sub3A_317 = vector.broadcast %sub3A_316 : i32 to vector<16xi32>
      %sub3A_318 = arith.subi %get3A_277, %sub3A_317 : vector<16xi32>
      %mul3A_319 = arith.muli %sub3A_318, %mul3A_295 : vector<16xi32>
      tpu.vector_store_idx %arg12[%shift_right_logical3A_311, %sub3A_315], %mul3A_319 : memref<4x16xi32, #tpu.memory_space<vmem>>[vector<16xi32>, vector<16xi32>], vector<16xi32>,
      %get3A_320 = arith.index_cast %while3A_273 : i32 to index
      %get3A_321 = arith.constant 0 : index
      %get3A_322 = tpu.vector_load %arg11[%get3A_320, %get3A_321] {strides = array<i32>} : memref<49x16xi32, #tpu.memory_space<vmem>>, vector<16xi32>,
      tpu.vector_store_idx %arg13[%shift_right_logical3A_311, %sub3A_315], %get3A_322 : memref<4x16xi32, #tpu.memory_space<vmem>>[vector<16xi32>, vector<16xi32>], vector<16xi32>,
      %broadcast_in_dim3A_323 = arith.constant 15 : i32
      %broadcast_in_dim3A_324 = vector.broadcast %broadcast_in_dim3A_323 : i32 to vector<16xi32>
      %reshape3A = vector.shape_cast %broadcast_in_dim3A_324 : vector<16xi32> to vector<16x1xi32>
      %gather3A = vector.shape_cast %reshape3A : vector<16x1xi32> to vector<16xi32>
      %gather3A_325 = tpu.dynamic_gather %masked_cumsum3A[%gather3A] in [0] : vector<16xi32>, vector<16xi32> -> vector<16xi32>
      %add3A_326 = arith.addi %while3A_274, %gather3A_325 : vector<16xi32>
      %min3A_327 = arith.constant 32 : i32
      %min3A_328 = vector.broadcast %min3A_327 : i32 to vector<16xi32>
      %min3A_329 = arith.minsi %add3A_326, %min3A_328 : vector<16xi32>
      scf.yield %min3A_329 : vector<16xi32>
    }
    %while3A_240 = arith.constant 1 : i32
    %while3A_241 = scf.for %while3A_273 = %while3A_237 to %while3A_233 step %while3A_240 iter_args(%while3A_274 = %while3A_239) -> (vector<16xi32>)  : i32 {
      %get3A_275 = arith.index_cast %while3A_273 : i32 to index
      %get3A_276 = arith.constant 0 : index
      %get3A_277 = tpu.vector_load %arg10[%get3A_275, %get3A_276] {strides = array<i32>} : memref<49x16xi32, #tpu.memory_space<vmem>>, vector<16xi32>,
      %sub3A = arith.constant 999936 : i32
      %sub3A_278 = vector.broadcast %sub3A : i32 to vector<16xi32>
      %sub3A_279 = arith.subi %get3A_277, %sub3A_278 : vector<16xi32>
      %shift_right_logical3A_280 = arith.constant 31 : i32
      %shift_right_logical3A_281 = vector.broadcast %shift_right_logical3A_280 : i32 to vector<16xi32>
      %shift_right_logical3A_282 = arith.shrui %sub3A_279, %shift_right_logical3A_281 : vector<16xi32>
      %sub3A_283 = arith.constant 999999 : i32
      %sub3A_284 = vector.broadcast %sub3A_283 : i32 to vector<16xi32>
      %sub3A_285 = arith.subi %sub3A_284, %get3A_277 : vector<16xi32>
      %shift_right_logical3A_286 = arith.constant 31 : i32
      %shift_right_logical3A_287 = vector.broadcast %shift_right_logical3A_286 : i32 to vector<16xi32>
      %shift_right_logical3A_288 = arith.shrui %sub3A_285, %shift_right_logical3A_287 : vector<16xi32>
      %sub3A_289 = arith.constant 1 : i32
      %sub3A_290 = vector.broadcast %sub3A_289 : i32 to vector<16xi32>
      %sub3A_291 = arith.subi %sub3A_290, %shift_right_logical3A_282 : vector<16xi32>
      %sub3A_292 = arith.constant 1 : i32
      %sub3A_293 = vector.broadcast %sub3A_292 : i32 to vector<16xi32>
      %sub3A_294 = arith.subi %sub3A_293, %shift_right_logical3A_288 : vector<16xi32>
      %mul3A_295 = arith.muli %sub3A_291, %sub3A_294 : vector<16xi32>
      %broadcast_in_dim3A_296 = arith.constant true
      %broadcast_in_dim3A_297 = vector.broadcast %broadcast_in_dim3A_296 : i1 to vector<16xi1>
      %masked_cumsum3A = tpu.scan <sum>, %mul3A_295 masked %broadcast_in_dim3A_297 : vector<16xi32>, vector<16xi1> -> vector<16xi32>
      %add3A_298 = arith.addi %while3A_274, %masked_cumsum3A : vector<16xi32>
      %sub3A_299 = arith.constant 1 : i32
      %sub3A_300 = vector.broadcast %sub3A_299 : i32 to vector<16xi32>
      %sub3A_301 = arith.subi %add3A_298, %sub3A_300 : vector<16xi32>
      %sub3A_302 = arith.constant 48 : i32
      %sub3A_303 = vector.broadcast %sub3A_302 : i32 to vector<16xi32>
      %sub3A_304 = arith.subi %sub3A_301, %sub3A_303 : vector<16xi32>
      %mul3A_305 = arith.muli %mul3A_295, %sub3A_304 : vector<16xi32>
      %add3A_306 = arith.constant 48 : i32
      %add3A_307 = vector.broadcast %add3A_306 : i32 to vector<16xi32>
      %add3A_308 = arith.addi %add3A_307, %mul3A_305 : vector<16xi32>
      %shift_right_logical3A_309 = arith.constant 4 : i32
      %shift_right_logical3A_310 = vector.broadcast %shift_right_logical3A_309 : i32 to vector<16xi32>
      %shift_right_logical3A_311 = arith.shrui %add3A_308, %shift_right_logical3A_310 : vector<16xi32>
      %mul3A_312 = arith.constant 16 : i32
      %mul3A_313 = vector.broadcast %mul3A_312 : i32 to vector<16xi32>
      %mul3A_314 = arith.muli %shift_right_logical3A_311, %mul3A_313 : vector<16xi32>
      %sub3A_315 = arith.subi %add3A_308, %mul3A_314 : vector<16xi32>
      %sub3A_316 = arith.constant 999936 : i32
      %sub3A_317 = vector.broadcast %sub3A_316 : i32 to vector<16xi32>
      %sub3A_318 = arith.subi %get3A_277, %sub3A_317 : vector<16xi32>
      %mul3A_319 = arith.muli %sub3A_318, %mul3A_295 : vector<16xi32>
      tpu.vector_store_idx %arg12[%shift_right_logical3A_311, %sub3A_315], %mul3A_319 : memref<4x16xi32, #tpu.memory_space<vmem>>[vector<16xi32>, vector<16xi32>], vector<16xi32>,
      %get3A_320 = arith.index_cast %while3A_273 : i32 to index
      %get3A_321 = arith.constant 0 : index
      %get3A_322 = tpu.vector_load %arg11[%get3A_320, %get3A_321] {strides = array<i32>} : memref<49x16xi32, #tpu.memory_space<vmem>>, vector<16xi32>,
      tpu.vector_store_idx %arg13[%shift_right_logical3A_311, %sub3A_315], %get3A_322 : memref<4x16xi32, #tpu.memory_space<vmem>>[vector<16xi32>, vector<16xi32>], vector<16xi32>,
      %broadcast_in_dim3A_323 = arith.constant 15 : i32
      %broadcast_in_dim3A_324 = vector.broadcast %broadcast_in_dim3A_323 : i32 to vector<16xi32>
      %reshape3A = vector.shape_cast %broadcast_in_dim3A_324 : vector<16xi32> to vector<16x1xi32>
      %gather3A = vector.shape_cast %reshape3A : vector<16x1xi32> to vector<16xi32>
      %gather3A_325 = tpu.dynamic_gather %masked_cumsum3A[%gather3A] in [0] : vector<16xi32>, vector<16xi32> -> vector<16xi32>
      %add3A_326 = arith.addi %while3A_274, %gather3A_325 : vector<16xi32>
      %min3A_327 = arith.constant 32 : i32
      %min3A_328 = vector.broadcast %min3A_327 : i32 to vector<16xi32>
      %min3A_329 = arith.minsi %add3A_326, %min3A_328 : vector<16xi32>
      scf.yield %min3A_329 : vector<16xi32>
    }
    %scan3A_242 = arith.constant 0 : i32
    %scan3A_243 = arith.constant 0 : i32
    %scan3A_244 = arith.constant 3 : i32
    %scan3A_245 = arith.addi %scan3A_243, %scan3A_244 : i32
    %scan3A_246 = arith.constant 1 : i32
    scf.for %scan3A_273 = %scan3A_243 to %scan3A_245 step %scan3A_246  : i32 {
      %get3A_274 = arith.index_cast %scan3A_273 : i32 to index
      %get3A_275 = arith.constant 0 : index
      %get3A_276 = tpu.vector_load %arg12[%get3A_274, %get3A_275] {strides = array<i32>} : memref<4x16xi32, #tpu.memory_space<vmem>>, vector<16xi32>,
      %iota3A_277 = tpu.iota {dimensions = array<i32: 0>} : vector<16xi32>
      %mul3A_278 = arith.constant 16 : i32
      %mul3A_279 = arith.muli %scan3A_273, %mul3A_278 : i32
      %add3A_280 = vector.broadcast %mul3A_279 : i32 to vector<16xi32>
      %add3A_281 = arith.addi %iota3A_277, %add3A_280 : vector<16xi32>
      %broadcast_in_dim3A_282 = arith.constant 0 : i32
      %broadcast_in_dim3A_283 = vector.broadcast %broadcast_in_dim3A_282 : i32 to vector<16xi32>
      %mul3A_284 = arith.constant 32 : i32
      %mul3A_285 = vector.broadcast %mul3A_284 : i32 to vector<16xi32>
      %mul3A_286 = arith.muli %get3A_276, %mul3A_285 : vector<16xi32>
      %add3A_287 = arith.constant 0 : i32
      %add3A_288 = vector.broadcast %add3A_287 : i32 to vector<16xi32>
      %add3A_289 = arith.addi %mul3A_286, %add3A_288 : vector<16xi32>
      %shift_right_logical3A_290 = arith.constant 7 : i32
      %shift_right_logical3A_291 = vector.broadcast %shift_right_logical3A_290 : i32 to vector<16xi32>
      %shift_right_logical3A_292 = arith.shrui %add3A_289, %shift_right_logical3A_291 : vector<16xi32>
      %mul3A_293 = arith.constant 128 : i32
      %mul3A_294 = vector.broadcast %mul3A_293 : i32 to vector<16xi32>
      %mul3A_295 = arith.muli %shift_right_logical3A_292, %mul3A_294 : vector<16xi32>
      %sub3A = arith.subi %add3A_289, %mul3A_295 : vector<16xi32>
      %gather3A = tpu.vector_load_idx %arg9[%shift_right_logical3A_292, %sub3A] : memref<16x128xf32, #tpu.memory_space<vmem>>[vector<16xi32>, vector<16xi32>], vector<16xf32>,
      tpu.vector_store_idx %arg15[%add3A_281, %broadcast_in_dim3A_283], %gather3A : memref<48x128xf32, #tpu.memory_space<vmem>>[vector<16xi32>, vector<16xi32>], vector<16xf32>,
      %broadcast_in_dim3A_296 = arith.constant 1 : i32
      %broadcast_in_dim3A_297 = vector.broadcast %broadcast_in_dim3A_296 : i32 to vector<16xi32>
      %mul3A_298 = arith.constant 32 : i32
      %mul3A_299 = vector.broadcast %mul3A_298 : i32 to vector<16xi32>
      %mul3A_300 = arith.muli %get3A_276, %mul3A_299 : vector<16xi32>
      %add3A_301 = arith.constant 1 : i32
      %add3A_302 = vector.broadcast %add3A_301 : i32 to vector<16xi32>
      %add3A_303 = arith.addi %mul3A_300, %add3A_302 : vector<16xi32>
      %shift_right_logical3A_304 = arith.constant 7 : i32
      %shift_right_logical3A_305 = vector.broadcast %shift_right_logical3A_304 : i32 to vector<16xi32>
      %shift_right_logical3A_306 = arith.shrui %add3A_303, %shift_right_logical3A_305 : vector<16xi32>
      %mul3A_307 = arith.constant 128 : i32
      %mul3A_308 = vector.broadcast %mul3A_307 : i32 to vector<16xi32>
      %mul3A_309 = arith.muli %shift_right_logical3A_306, %mul3A_308 : vector<16xi32>
      %sub3A_310 = arith.subi %add3A_303, %mul3A_309 : vector<16xi32>
      %gather3A_311 = tpu.vector_load_idx %arg9[%shift_right_logical3A_306, %sub3A_310] : memref<16x128xf32, #tpu.memory_space<vmem>>[vector<16xi32>, vector<16xi32>], vector<16xf32>,
      tpu.vector_store_idx %arg15[%add3A_281, %broadcast_in_dim3A_297], %gather3A_311 : memref<48x128xf32, #tpu.memory_space<vmem>>[vector<16xi32>, vector<16xi32>], vector<16xf32>,
      %broadcast_in_dim3A_312 = arith.constant 2 : i32
      %broadcast_in_dim3A_313 = vector.broadcast %broadcast_in_dim3A_312 : i32 to vector<16xi32>
      %mul3A_314 = arith.constant 32 : i32
      %mul3A_315 = vector.broadcast %mul3A_314 : i32 to vector<16xi32>
      %mul3A_316 = arith.muli %get3A_276, %mul3A_315 : vector<16xi32>
      %add3A_317 = arith.constant 2 : i32
      %add3A_318 = vector.broadcast %add3A_317 : i32 to vector<16xi32>
      %add3A_319 = arith.addi %mul3A_316, %add3A_318 : vector<16xi32>
      %shift_right_logical3A_320 = arith.constant 7 : i32
      %shift_right_logical3A_321 = vector.broadcast %shift_right_logical3A_320 : i32 to vector<16xi32>
      %shift_right_logical3A_322 = arith.shrui %add3A_319, %shift_right_logical3A_321 : vector<16xi32>
      %mul3A_323 = arith.constant 128 : i32
      %mul3A_324 = vector.broadcast %mul3A_323 : i32 to vector<16xi32>
      %mul3A_325 = arith.muli %shift_right_logical3A_322, %mul3A_324 : vector<16xi32>
      %sub3A_326 = arith.subi %add3A_319, %mul3A_325 : vector<16xi32>
      %gather3A_327 = tpu.vector_load_idx %arg9[%shift_right_logical3A_322, %sub3A_326] : memref<16x128xf32, #tpu.memory_space<vmem>>[vector<16xi32>, vector<16xi32>], vector<16xf32>,
      tpu.vector_store_idx %arg15[%add3A_281, %broadcast_in_dim3A_313], %gather3A_327 : memref<48x128xf32, #tpu.memory_space<vmem>>[vector<16xi32>, vector<16xi32>], vector<16xf32>,
      %broadcast_in_dim3A_328 = arith.constant 3 : i32
      %broadcast_in_dim3A_329 = vector.broadcast %broadcast_in_dim3A_328 : i32 to vector<16xi32>
      %mul3A_330 = arith.constant 32 : i32
      %mul3A_331 = vector.broadcast %mul3A_330 : i32 to vector<16xi32>
      %mul3A_332 = arith.muli %get3A_276, %mul3A_331 : vector<16xi32>
      %add3A_333 = arith.constant 3 : i32
      %add3A_334 = vector.broadcast %add3A_333 : i32 to vector<16xi32>
      %add3A_335 = arith.addi %mul3A_332, %add3A_334 : vector<16xi32>
      %shift_right_logical3A_336 = arith.constant 7 : i32
      %shift_right_logical3A_337 = vector.broadcast %shift_right_logical3A_336 : i32 to vector<16xi32>
      %shift_right_logical3A_338 = arith.shrui %add3A_335, %shift_right_logical3A_337 : vector<16xi32>
      %mul3A_339 = arith.constant 128 : i32
      %mul3A_340 = vector.broadcast %mul3A_339 : i32 to vector<16xi32>
      %mul3A_341 = arith.muli %shift_right_logical3A_338, %mul3A_340 : vector<16xi32>
      %sub3A_342 = arith.subi %add3A_335, %mul3A_341 : vector<16xi32>
      %gather3A_343 = tpu.vector_load_idx %arg9[%shift_right_logical3A_338, %sub3A_342] : memref<16x128xf32, #tpu.memory_space<vmem>>[vector<16xi32>, vector<16xi32>], vector<16xf32>,
      tpu.vector_store_idx %arg15[%add3A_281, %broadcast_in_dim3A_329], %gather3A_343 : memref<48x128xf32, #tpu.memory_space<vmem>>[vector<16xi32>, vector<16xi32>], vector<16xf32>,
      %broadcast_in_dim3A_344 = arith.constant 4 : i32
      %broadcast_in_dim3A_345 = vector.broadcast %broadcast_in_dim3A_344 : i32 to vector<16xi32>
      %mul3A_346 = arith.constant 32 : i32
      %mul3A_347 = vector.broadcast %mul3A_346 : i32 to vector<16xi32>
      %mul3A_348 = arith.muli %get3A_276, %mul3A_347 : vector<16xi32>
      %add3A_349 = arith.constant 4 : i32
      %add3A_350 = vector.broadcast %add3A_349 : i32 to vector<16xi32>
      %add3A_351 = arith.addi %mul3A_348, %add3A_350 : vector<16xi32>
      %shift_right_logical3A_352 = arith.constant 7 : i32
      %shift_right_logical3A_353 = vector.broadcast %shift_right_logical3A_352 : i32 to vector<16xi32>
      %shift_right_logical3A_354 = arith.shrui %add3A_351, %shift_right_logical3A_353 : vector<16xi32>
      %mul3A_355 = arith.constant 128 : i32
      %mul3A_356 = vector.broadcast %mul3A_355 : i32 to vector<16xi32>
      %mul3A_357 = arith.muli %shift_right_logical3A_354, %mul3A_356 : vector<16xi32>
      %sub3A_358 = arith.subi %add3A_351, %mul3A_357 : vector<16xi32>
      %gather3A_359 = tpu.vector_load_idx %arg9[%shift_right_logical3A_354, %sub3A_358] : memref<16x128xf32, #tpu.memory_space<vmem>>[vector<16xi32>, vector<16xi32>], vector<16xf32>,
      tpu.vector_store_idx %arg15[%add3A_281, %broadcast_in_dim3A_345], %gather3A_359 : memref<48x128xf32, #tpu.memory_space<vmem>>[vector<16xi32>, vector<16xi32>], vector<16xf32>,
      %broadcast_in_dim3A_360 = arith.constant 5 : i32
      %broadcast_in_dim3A_361 = vector.broadcast %broadcast_in_dim3A_360 : i32 to vector<16xi32>
      %mul3A_362 = arith.constant 32 : i32
      %mul3A_363 = vector.broadcast %mul3A_362 : i32 to vector<16xi32>
      %mul3A_364 = arith.muli %get3A_276, %mul3A_363 : vector<16xi32>
      %add3A_365 = arith.constant 5 : i32
      %add3A_366 = vector.broadcast %add3A_365 : i32 to vector<16xi32>
      %add3A_367 = arith.addi %mul3A_364, %add3A_366 : vector<16xi32>
      %shift_right_logical3A_368 = arith.constant 7 : i32
      %shift_right_logical3A_369 = vector.broadcast %shift_right_logical3A_368 : i32 to vector<16xi32>
      %shift_right_logical3A_370 = arith.shrui %add3A_367, %shift_right_logical3A_369 : vector<16xi32>
      %mul3A_371 = arith.constant 128 : i32
      %mul3A_372 = vector.broadcast %mul3A_371 : i32 to vector<16xi32>
      %mul3A_373 = arith.muli %shift_right_logical3A_370, %mul3A_372 : vector<16xi32>
      %sub3A_374 = arith.subi %add3A_367, %mul3A_373 : vector<16xi32>
      %gather3A_375 = tpu.vector_load_idx %arg9[%shift_right_logical3A_370, %sub3A_374] : memref<16x128xf32, #tpu.memory_space<vmem>>[vector<16xi32>, vector<16xi32>], vector<16xf32>,
      tpu.vector_store_idx %arg15[%add3A_281, %broadcast_in_dim3A_361], %gather3A_375 : memref<48x128xf32, #tpu.memory_space<vmem>>[vector<16xi32>, vector<16xi32>], vector<16xf32>,
      %broadcast_in_dim3A_376 = arith.constant 6 : i32
      %broadcast_in_dim3A_377 = vector.broadcast %broadcast_in_dim3A_376 : i32 to vector<16xi32>
      %mul3A_378 = arith.constant 32 : i32
      %mul3A_379 = vector.broadcast %mul3A_378 : i32 to vector<16xi32>
      %mul3A_380 = arith.muli %get3A_276, %mul3A_379 : vector<16xi32>
      %add3A_381 = arith.constant 6 : i32
      %add3A_382 = vector.broadcast %add3A_381 : i32 to vector<16xi32>
      %add3A_383 = arith.addi %mul3A_380, %add3A_382 : vector<16xi32>
      %shift_right_logical3A_384 = arith.constant 7 : i32
      %shift_right_logical3A_385 = vector.broadcast %shift_right_logical3A_384 : i32 to vector<16xi32>
      %shift_right_logical3A_386 = arith.shrui %add3A_383, %shift_right_logical3A_385 : vector<16xi32>
      %mul3A_387 = arith.constant 128 : i32
      %mul3A_388 = vector.broadcast %mul3A_387 : i32 to vector<16xi32>
      %mul3A_389 = arith.muli %shift_right_logical3A_386, %mul3A_388 : vector<16xi32>
      %sub3A_390 = arith.subi %add3A_383, %mul3A_389 : vector<16xi32>
      %gather3A_391 = tpu.vector_load_idx %arg9[%shift_right_logical3A_386, %sub3A_390] : memref<16x128xf32, #tpu.memory_space<vmem>>[vector<16xi32>, vector<16xi32>], vector<16xf32>,
      tpu.vector_store_idx %arg15[%add3A_281, %broadcast_in_dim3A_377], %gather3A_391 : memref<48x128xf32, #tpu.memory_space<vmem>>[vector<16xi32>, vector<16xi32>], vector<16xf32>,
      %broadcast_in_dim3A_392 = arith.constant 7 : i32
      %broadcast_in_dim3A_393 = vector.broadcast %broadcast_in_dim3A_392 : i32 to vector<16xi32>
      %mul3A_394 = arith.constant 32 : i32
      %mul3A_395 = vector.broadcast %mul3A_394 : i32 to vector<16xi32>
      %mul3A_396 = arith.muli %get3A_276, %mul3A_395 : vector<16xi32>
      %add3A_397 = arith.constant 7 : i32
      %add3A_398 = vector.broadcast %add3A_397 : i32 to vector<16xi32>
      %add3A_399 = arith.addi %mul3A_396, %add3A_398 : vector<16xi32>
      %shift_right_logical3A_400 = arith.constant 7 : i32
      %shift_right_logical3A_401 = vector.broadcast %shift_right_logical3A_400 : i32 to vector<16xi32>
      %shift_right_logical3A_402 = arith.shrui %add3A_399, %shift_right_logical3A_401 : vector<16xi32>
      %mul3A_403 = arith.constant 128 : i32
      %mul3A_404 = vector.broadcast %mul3A_403 : i32 to vector<16xi32>
      %mul3A_405 = arith.muli %shift_right_logical3A_402, %mul3A_404 : vector<16xi32>
      %sub3A_406 = arith.subi %add3A_399, %mul3A_405 : vector<16xi32>
      %gather3A_407 = tpu.vector_load_idx %arg9[%shift_right_logical3A_402, %sub3A_406] : memref<16x128xf32, #tpu.memory_space<vmem>>[vector<16xi32>, vector<16xi32>], vector<16xf32>,
      tpu.vector_store_idx %arg15[%add3A_281, %broadcast_in_dim3A_393], %gather3A_407 : memref<48x128xf32, #tpu.memory_space<vmem>>[vector<16xi32>, vector<16xi32>], vector<16xf32>,
      %broadcast_in_dim3A_408 = arith.constant 8 : i32
      %broadcast_in_dim3A_409 = vector.broadcast %broadcast_in_dim3A_408 : i32 to vector<16xi32>
      %mul3A_410 = arith.constant 32 : i32
      %mul3A_411 = vector.broadcast %mul3A_410 : i32 to vector<16xi32>
      %mul3A_412 = arith.muli %get3A_276, %mul3A_411 : vector<16xi32>
      %add3A_413 = arith.constant 8 : i32
      %add3A_414 = vector.broadcast %add3A_413 : i32 to vector<16xi32>
      %add3A_415 = arith.addi %mul3A_412, %add3A_414 : vector<16xi32>
      %shift_right_logical3A_416 = arith.constant 7 : i32
      %shift_right_logical3A_417 = vector.broadcast %shift_right_logical3A_416 : i32 to vector<16xi32>
      %shift_right_logical3A_418 = arith.shrui %add3A_415, %shift_right_logical3A_417 : vector<16xi32>
      %mul3A_419 = arith.constant 128 : i32
      %mul3A_420 = vector.broadcast %mul3A_419 : i32 to vector<16xi32>
      %mul3A_421 = arith.muli %shift_right_logical3A_418, %mul3A_420 : vector<16xi32>
      %sub3A_422 = arith.subi %add3A_415, %mul3A_421 : vector<16xi32>
      %gather3A_423 = tpu.vector_load_idx %arg9[%shift_right_logical3A_418, %sub3A_422] : memref<16x128xf32, #tpu.memory_space<vmem>>[vector<16xi32>, vector<16xi32>], vector<16xf32>,
      tpu.vector_store_idx %arg15[%add3A_281, %broadcast_in_dim3A_409], %gather3A_423 : memref<48x128xf32, #tpu.memory_space<vmem>>[vector<16xi32>, vector<16xi32>], vector<16xf32>,
      %broadcast_in_dim3A_424 = arith.constant 9 : i32
      %broadcast_in_dim3A_425 = vector.broadcast %broadcast_in_dim3A_424 : i32 to vector<16xi32>
      %mul3A_426 = arith.constant 32 : i32
      %mul3A_427 = vector.broadcast %mul3A_426 : i32 to vector<16xi32>
      %mul3A_428 = arith.muli %get3A_276, %mul3A_427 : vector<16xi32>
      %add3A_429 = arith.constant 9 : i32
      %add3A_430 = vector.broadcast %add3A_429 : i32 to vector<16xi32>
      %add3A_431 = arith.addi %mul3A_428, %add3A_430 : vector<16xi32>
      %shift_right_logical3A_432 = arith.constant 7 : i32
      %shift_right_logical3A_433 = vector.broadcast %shift_right_logical3A_432 : i32 to vector<16xi32>
      %shift_right_logical3A_434 = arith.shrui %add3A_431, %shift_right_logical3A_433 : vector<16xi32>
      %mul3A_435 = arith.constant 128 : i32
      %mul3A_436 = vector.broadcast %mul3A_435 : i32 to vector<16xi32>
      %mul3A_437 = arith.muli %shift_right_logical3A_434, %mul3A_436 : vector<16xi32>
      %sub3A_438 = arith.subi %add3A_431, %mul3A_437 : vector<16xi32>
      %gather3A_439 = tpu.vector_load_idx %arg9[%shift_right_logical3A_434, %sub3A_438] : memref<16x128xf32, #tpu.memory_space<vmem>>[vector<16xi32>, vector<16xi32>], vector<16xf32>,
      tpu.vector_store_idx %arg15[%add3A_281, %broadcast_in_dim3A_425], %gather3A_439 : memref<48x128xf32, #tpu.memory_space<vmem>>[vector<16xi32>, vector<16xi32>], vector<16xf32>,
      %broadcast_in_dim3A_440 = arith.constant 10 : i32
      %broadcast_in_dim3A_441 = vector.broadcast %broadcast_in_dim3A_440 : i32 to vector<16xi32>
      %mul3A_442 = arith.constant 32 : i32
      %mul3A_443 = vector.broadcast %mul3A_442 : i32 to vector<16xi32>
      %mul3A_444 = arith.muli %get3A_276, %mul3A_443 : vector<16xi32>
      %add3A_445 = arith.constant 10 : i32
      %add3A_446 = vector.broadcast %add3A_445 : i32 to vector<16xi32>
      %add3A_447 = arith.addi %mul3A_444, %add3A_446 : vector<16xi32>
      %shift_right_logical3A_448 = arith.constant 7 : i32
      %shift_right_logical3A_449 = vector.broadcast %shift_right_logical3A_448 : i32 to vector<16xi32>
      %shift_right_logical3A_450 = arith.shrui %add3A_447, %shift_right_logical3A_449 : vector<16xi32>
      %mul3A_451 = arith.constant 128 : i32
      %mul3A_452 = vector.broadcast %mul3A_451 : i32 to vector<16xi32>
      %mul3A_453 = arith.muli %shift_right_logical3A_450, %mul3A_452 : vector<16xi32>
      %sub3A_454 = arith.subi %add3A_447, %mul3A_453 : vector<16xi32>
      %gather3A_455 = tpu.vector_load_idx %arg9[%shift_right_logical3A_450, %sub3A_454] : memref<16x128xf32, #tpu.memory_space<vmem>>[vector<16xi32>, vector<16xi32>], vector<16xf32>,
      tpu.vector_store_idx %arg15[%add3A_281, %broadcast_in_dim3A_441], %gather3A_455 : memref<48x128xf32, #tpu.memory_space<vmem>>[vector<16xi32>, vector<16xi32>], vector<16xf32>,
      %broadcast_in_dim3A_456 = arith.constant 11 : i32
      %broadcast_in_dim3A_457 = vector.broadcast %broadcast_in_dim3A_456 : i32 to vector<16xi32>
      %mul3A_458 = arith.constant 32 : i32
      %mul3A_459 = vector.broadcast %mul3A_458 : i32 to vector<16xi32>
      %mul3A_460 = arith.muli %get3A_276, %mul3A_459 : vector<16xi32>
      %add3A_461 = arith.constant 11 : i32
      %add3A_462 = vector.broadcast %add3A_461 : i32 to vector<16xi32>
      %add3A_463 = arith.addi %mul3A_460, %add3A_462 : vector<16xi32>
      %shift_right_logical3A_464 = arith.constant 7 : i32
      %shift_right_logical3A_465 = vector.broadcast %shift_right_logical3A_464 : i32 to vector<16xi32>
      %shift_right_logical3A_466 = arith.shrui %add3A_463, %shift_right_logical3A_465 : vector<16xi32>
      %mul3A_467 = arith.constant 128 : i32
      %mul3A_468 = vector.broadcast %mul3A_467 : i32 to vector<16xi32>
      %mul3A_469 = arith.muli %shift_right_logical3A_466, %mul3A_468 : vector<16xi32>
      %sub3A_470 = arith.subi %add3A_463, %mul3A_469 : vector<16xi32>
      %gather3A_471 = tpu.vector_load_idx %arg9[%shift_right_logical3A_466, %sub3A_470] : memref<16x128xf32, #tpu.memory_space<vmem>>[vector<16xi32>, vector<16xi32>], vector<16xf32>,
      tpu.vector_store_idx %arg15[%add3A_281, %broadcast_in_dim3A_457], %gather3A_471 : memref<48x128xf32, #tpu.memory_space<vmem>>[vector<16xi32>, vector<16xi32>], vector<16xf32>,
      %broadcast_in_dim3A_472 = arith.constant 12 : i32
      %broadcast_in_dim3A_473 = vector.broadcast %broadcast_in_dim3A_472 : i32 to vector<16xi32>
      %mul3A_474 = arith.constant 32 : i32
      %mul3A_475 = vector.broadcast %mul3A_474 : i32 to vector<16xi32>
      %mul3A_476 = arith.muli %get3A_276, %mul3A_475 : vector<16xi32>
      %add3A_477 = arith.constant 12 : i32
      %add3A_478 = vector.broadcast %add3A_477 : i32 to vector<16xi32>
      %add3A_479 = arith.addi %mul3A_476, %add3A_478 : vector<16xi32>
      %shift_right_logical3A_480 = arith.constant 7 : i32
      %shift_right_logical3A_481 = vector.broadcast %shift_right_logical3A_480 : i32 to vector<16xi32>
      %shift_right_logical3A_482 = arith.shrui %add3A_479, %shift_right_logical3A_481 : vector<16xi32>
      %mul3A_483 = arith.constant 128 : i32
      %mul3A_484 = vector.broadcast %mul3A_483 : i32 to vector<16xi32>
      %mul3A_485 = arith.muli %shift_right_logical3A_482, %mul3A_484 : vector<16xi32>
      %sub3A_486 = arith.subi %add3A_479, %mul3A_485 : vector<16xi32>
      %gather3A_487 = tpu.vector_load_idx %arg9[%shift_right_logical3A_482, %sub3A_486] : memref<16x128xf32, #tpu.memory_space<vmem>>[vector<16xi32>, vector<16xi32>], vector<16xf32>,
      tpu.vector_store_idx %arg15[%add3A_281, %broadcast_in_dim3A_473], %gather3A_487 : memref<48x128xf32, #tpu.memory_space<vmem>>[vector<16xi32>, vector<16xi32>], vector<16xf32>,
      %broadcast_in_dim3A_488 = arith.constant 13 : i32
      %broadcast_in_dim3A_489 = vector.broadcast %broadcast_in_dim3A_488 : i32 to vector<16xi32>
      %mul3A_490 = arith.constant 32 : i32
      %mul3A_491 = vector.broadcast %mul3A_490 : i32 to vector<16xi32>
      %mul3A_492 = arith.muli %get3A_276, %mul3A_491 : vector<16xi32>
      %add3A_493 = arith.constant 13 : i32
      %add3A_494 = vector.broadcast %add3A_493 : i32 to vector<16xi32>
      %add3A_495 = arith.addi %mul3A_492, %add3A_494 : vector<16xi32>
      %shift_right_logical3A_496 = arith.constant 7 : i32
      %shift_right_logical3A_497 = vector.broadcast %shift_right_logical3A_496 : i32 to vector<16xi32>
      %shift_right_logical3A_498 = arith.shrui %add3A_495, %shift_right_logical3A_497 : vector<16xi32>
      %mul3A_499 = arith.constant 128 : i32
      %mul3A_500 = vector.broadcast %mul3A_499 : i32 to vector<16xi32>
      %mul3A_501 = arith.muli %shift_right_logical3A_498, %mul3A_500 : vector<16xi32>
      %sub3A_502 = arith.subi %add3A_495, %mul3A_501 : vector<16xi32>
      %gather3A_503 = tpu.vector_load_idx %arg9[%shift_right_logical3A_498, %sub3A_502] : memref<16x128xf32, #tpu.memory_space<vmem>>[vector<16xi32>, vector<16xi32>], vector<16xf32>,
      tpu.vector_store_idx %arg15[%add3A_281, %broadcast_in_dim3A_489], %gather3A_503 : memref<48x128xf32, #tpu.memory_space<vmem>>[vector<16xi32>, vector<16xi32>], vector<16xf32>,
      %broadcast_in_dim3A_504 = arith.constant 14 : i32
      %broadcast_in_dim3A_505 = vector.broadcast %broadcast_in_dim3A_504 : i32 to vector<16xi32>
      %mul3A_506 = arith.constant 32 : i32
      %mul3A_507 = vector.broadcast %mul3A_506 : i32 to vector<16xi32>
      %mul3A_508 = arith.muli %get3A_276, %mul3A_507 : vector<16xi32>
      %add3A_509 = arith.constant 14 : i32
      %add3A_510 = vector.broadcast %add3A_509 : i32 to vector<16xi32>
      %add3A_511 = arith.addi %mul3A_508, %add3A_510 : vector<16xi32>
      %shift_right_logical3A_512 = arith.constant 7 : i32
      %shift_right_logical3A_513 = vector.broadcast %shift_right_logical3A_512 : i32 to vector<16xi32>
      %shift_right_logical3A_514 = arith.shrui %add3A_511, %shift_right_logical3A_513 : vector<16xi32>
      %mul3A_515 = arith.constant 128 : i32
      %mul3A_516 = vector.broadcast %mul3A_515 : i32 to vector<16xi32>
      %mul3A_517 = arith.muli %shift_right_logical3A_514, %mul3A_516 : vector<16xi32>
      %sub3A_518 = arith.subi %add3A_511, %mul3A_517 : vector<16xi32>
      %gather3A_519 = tpu.vector_load_idx %arg9[%shift_right_logical3A_514, %sub3A_518] : memref<16x128xf32, #tpu.memory_space<vmem>>[vector<16xi32>, vector<16xi32>], vector<16xf32>,
      tpu.vector_store_idx %arg15[%add3A_281, %broadcast_in_dim3A_505], %gather3A_519 : memref<48x128xf32, #tpu.memory_space<vmem>>[vector<16xi32>, vector<16xi32>], vector<16xf32>,
      %broadcast_in_dim3A_520 = arith.constant 15 : i32
      %broadcast_in_dim3A_521 = vector.broadcast %broadcast_in_dim3A_520 : i32 to vector<16xi32>
      %mul3A_522 = arith.constant 32 : i32
      %mul3A_523 = vector.broadcast %mul3A_522 : i32 to vector<16xi32>
      %mul3A_524 = arith.muli %get3A_276, %mul3A_523 : vector<16xi32>
      %add3A_525 = arith.constant 15 : i32
      %add3A_526 = vector.broadcast %add3A_525 : i32 to vector<16xi32>
      %add3A_527 = arith.addi %mul3A_524, %add3A_526 : vector<16xi32>
      %shift_right_logical3A_528 = arith.constant 7 : i32
      %shift_right_logical3A_529 = vector.broadcast %shift_right_logical3A_528 : i32 to vector<16xi32>
      %shift_right_logical3A_530 = arith.shrui %add3A_527, %shift_right_logical3A_529 : vector<16xi32>
      %mul3A_531 = arith.constant 128 : i32
      %mul3A_532 = vector.broadcast %mul3A_531 : i32 to vector<16xi32>
      %mul3A_533 = arith.muli %shift_right_logical3A_530, %mul3A_532 : vector<16xi32>
      %sub3A_534 = arith.subi %add3A_527, %mul3A_533 : vector<16xi32>
      %gather3A_535 = tpu.vector_load_idx %arg9[%shift_right_logical3A_530, %sub3A_534] : memref<16x128xf32, #tpu.memory_space<vmem>>[vector<16xi32>, vector<16xi32>], vector<16xf32>,
      tpu.vector_store_idx %arg15[%add3A_281, %broadcast_in_dim3A_521], %gather3A_535 : memref<48x128xf32, #tpu.memory_space<vmem>>[vector<16xi32>, vector<16xi32>], vector<16xf32>,
      %broadcast_in_dim3A_536 = arith.constant 16 : i32
      %broadcast_in_dim3A_537 = vector.broadcast %broadcast_in_dim3A_536 : i32 to vector<16xi32>
      %mul3A_538 = arith.constant 32 : i32
      %mul3A_539 = vector.broadcast %mul3A_538 : i32 to vector<16xi32>
      %mul3A_540 = arith.muli %get3A_276, %mul3A_539 : vector<16xi32>
      %add3A_541 = arith.constant 16 : i32
      %add3A_542 = vector.broadcast %add3A_541 : i32 to vector<16xi32>
      %add3A_543 = arith.addi %mul3A_540, %add3A_542 : vector<16xi32>
      %shift_right_logical3A_544 = arith.constant 7 : i32
      %shift_right_logical3A_545 = vector.broadcast %shift_right_logical3A_544 : i32 to vector<16xi32>
      %shift_right_logical3A_546 = arith.shrui %add3A_543, %shift_right_logical3A_545 : vector<16xi32>
      %mul3A_547 = arith.constant 128 : i32
      %mul3A_548 = vector.broadcast %mul3A_547 : i32 to vector<16xi32>
      %mul3A_549 = arith.muli %shift_right_logical3A_546, %mul3A_548 : vector<16xi32>
      %sub3A_550 = arith.subi %add3A_543, %mul3A_549 : vector<16xi32>
      %gather3A_551 = tpu.vector_load_idx %arg9[%shift_right_logical3A_546, %sub3A_550] : memref<16x128xf32, #tpu.memory_space<vmem>>[vector<16xi32>, vector<16xi32>], vector<16xf32>,
      tpu.vector_store_idx %arg15[%add3A_281, %broadcast_in_dim3A_537], %gather3A_551 : memref<48x128xf32, #tpu.memory_space<vmem>>[vector<16xi32>, vector<16xi32>], vector<16xf32>,
      %broadcast_in_dim3A_552 = arith.constant 17 : i32
      %broadcast_in_dim3A_553 = vector.broadcast %broadcast_in_dim3A_552 : i32 to vector<16xi32>
      %mul3A_554 = arith.constant 32 : i32
      %mul3A_555 = vector.broadcast %mul3A_554 : i32 to vector<16xi32>
      %mul3A_556 = arith.muli %get3A_276, %mul3A_555 : vector<16xi32>
      %add3A_557 = arith.constant 17 : i32
      %add3A_558 = vector.broadcast %add3A_557 : i32 to vector<16xi32>
      %add3A_559 = arith.addi %mul3A_556, %add3A_558 : vector<16xi32>
      %shift_right_logical3A_560 = arith.constant 7 : i32
      %shift_right_logical3A_561 = vector.broadcast %shift_right_logical3A_560 : i32 to vector<16xi32>
      %shift_right_logical3A_562 = arith.shrui %add3A_559, %shift_right_logical3A_561 : vector<16xi32>
      %mul3A_563 = arith.constant 128 : i32
      %mul3A_564 = vector.broadcast %mul3A_563 : i32 to vector<16xi32>
      %mul3A_565 = arith.muli %shift_right_logical3A_562, %mul3A_564 : vector<16xi32>
      %sub3A_566 = arith.subi %add3A_559, %mul3A_565 : vector<16xi32>
      %gather3A_567 = tpu.vector_load_idx %arg9[%shift_right_logical3A_562, %sub3A_566] : memref<16x128xf32, #tpu.memory_space<vmem>>[vector<16xi32>, vector<16xi32>], vector<16xf32>,
      tpu.vector_store_idx %arg15[%add3A_281, %broadcast_in_dim3A_553], %gather3A_567 : memref<48x128xf32, #tpu.memory_space<vmem>>[vector<16xi32>, vector<16xi32>], vector<16xf32>,
      %broadcast_in_dim3A_568 = arith.constant 18 : i32
      %broadcast_in_dim3A_569 = vector.broadcast %broadcast_in_dim3A_568 : i32 to vector<16xi32>
      %mul3A_570 = arith.constant 32 : i32
      %mul3A_571 = vector.broadcast %mul3A_570 : i32 to vector<16xi32>
      %mul3A_572 = arith.muli %get3A_276, %mul3A_571 : vector<16xi32>
      %add3A_573 = arith.constant 18 : i32
      %add3A_574 = vector.broadcast %add3A_573 : i32 to vector<16xi32>
      %add3A_575 = arith.addi %mul3A_572, %add3A_574 : vector<16xi32>
      %shift_right_logical3A_576 = arith.constant 7 : i32
      %shift_right_logical3A_577 = vector.broadcast %shift_right_logical3A_576 : i32 to vector<16xi32>
      %shift_right_logical3A_578 = arith.shrui %add3A_575, %shift_right_logical3A_577 : vector<16xi32>
      %mul3A_579 = arith.constant 128 : i32
      %mul3A_580 = vector.broadcast %mul3A_579 : i32 to vector<16xi32>
      %mul3A_581 = arith.muli %shift_right_logical3A_578, %mul3A_580 : vector<16xi32>
      %sub3A_582 = arith.subi %add3A_575, %mul3A_581 : vector<16xi32>
      %gather3A_583 = tpu.vector_load_idx %arg9[%shift_right_logical3A_578, %sub3A_582] : memref<16x128xf32, #tpu.memory_space<vmem>>[vector<16xi32>, vector<16xi32>], vector<16xf32>,
      tpu.vector_store_idx %arg15[%add3A_281, %broadcast_in_dim3A_569], %gather3A_583 : memref<48x128xf32, #tpu.memory_space<vmem>>[vector<16xi32>, vector<16xi32>], vector<16xf32>,
      %broadcast_in_dim3A_584 = arith.constant 19 : i32
      %broadcast_in_dim3A_585 = vector.broadcast %broadcast_in_dim3A_584 : i32 to vector<16xi32>
      %mul3A_586 = arith.constant 32 : i32
      %mul3A_587 = vector.broadcast %mul3A_586 : i32 to vector<16xi32>
      %mul3A_588 = arith.muli %get3A_276, %mul3A_587 : vector<16xi32>
      %add3A_589 = arith.constant 19 : i32
      %add3A_590 = vector.broadcast %add3A_589 : i32 to vector<16xi32>
      %add3A_591 = arith.addi %mul3A_588, %add3A_590 : vector<16xi32>
      %shift_right_logical3A_592 = arith.constant 7 : i32
      %shift_right_logical3A_593 = vector.broadcast %shift_right_logical3A_592 : i32 to vector<16xi32>
      %shift_right_logical3A_594 = arith.shrui %add3A_591, %shift_right_logical3A_593 : vector<16xi32>
      %mul3A_595 = arith.constant 128 : i32
      %mul3A_596 = vector.broadcast %mul3A_595 : i32 to vector<16xi32>
      %mul3A_597 = arith.muli %shift_right_logical3A_594, %mul3A_596 : vector<16xi32>
      %sub3A_598 = arith.subi %add3A_591, %mul3A_597 : vector<16xi32>
      %gather3A_599 = tpu.vector_load_idx %arg9[%shift_right_logical3A_594, %sub3A_598] : memref<16x128xf32, #tpu.memory_space<vmem>>[vector<16xi32>, vector<16xi32>], vector<16xf32>,
      tpu.vector_store_idx %arg15[%add3A_281, %broadcast_in_dim3A_585], %gather3A_599 : memref<48x128xf32, #tpu.memory_space<vmem>>[vector<16xi32>, vector<16xi32>], vector<16xf32>,
      %broadcast_in_dim3A_600 = arith.constant 20 : i32
      %broadcast_in_dim3A_601 = vector.broadcast %broadcast_in_dim3A_600 : i32 to vector<16xi32>
      %mul3A_602 = arith.constant 32 : i32
      %mul3A_603 = vector.broadcast %mul3A_602 : i32 to vector<16xi32>
      %mul3A_604 = arith.muli %get3A_276, %mul3A_603 : vector<16xi32>
      %add3A_605 = arith.constant 20 : i32
      %add3A_606 = vector.broadcast %add3A_605 : i32 to vector<16xi32>
      %add3A_607 = arith.addi %mul3A_604, %add3A_606 : vector<16xi32>
      %shift_right_logical3A_608 = arith.constant 7 : i32
      %shift_right_logical3A_609 = vector.broadcast %shift_right_logical3A_608 : i32 to vector<16xi32>
      %shift_right_logical3A_610 = arith.shrui %add3A_607, %shift_right_logical3A_609 : vector<16xi32>
      %mul3A_611 = arith.constant 128 : i32
      %mul3A_612 = vector.broadcast %mul3A_611 : i32 to vector<16xi32>
      %mul3A_613 = arith.muli %shift_right_logical3A_610, %mul3A_612 : vector<16xi32>
      %sub3A_614 = arith.subi %add3A_607, %mul3A_613 : vector<16xi32>
      %gather3A_615 = tpu.vector_load_idx %arg9[%shift_right_logical3A_610, %sub3A_614] : memref<16x128xf32, #tpu.memory_space<vmem>>[vector<16xi32>, vector<16xi32>], vector<16xf32>,
      tpu.vector_store_idx %arg15[%add3A_281, %broadcast_in_dim3A_601], %gather3A_615 : memref<48x128xf32, #tpu.memory_space<vmem>>[vector<16xi32>, vector<16xi32>], vector<16xf32>,
      %broadcast_in_dim3A_616 = arith.constant 21 : i32
      %broadcast_in_dim3A_617 = vector.broadcast %broadcast_in_dim3A_616 : i32 to vector<16xi32>
      %mul3A_618 = arith.constant 32 : i32
      %mul3A_619 = vector.broadcast %mul3A_618 : i32 to vector<16xi32>
      %mul3A_620 = arith.muli %get3A_276, %mul3A_619 : vector<16xi32>
      %add3A_621 = arith.constant 21 : i32
      %add3A_622 = vector.broadcast %add3A_621 : i32 to vector<16xi32>
      %add3A_623 = arith.addi %mul3A_620, %add3A_622 : vector<16xi32>
      %shift_right_logical3A_624 = arith.constant 7 : i32
      %shift_right_logical3A_625 = vector.broadcast %shift_right_logical3A_624 : i32 to vector<16xi32>
      %shift_right_logical3A_626 = arith.shrui %add3A_623, %shift_right_logical3A_625 : vector<16xi32>
      %mul3A_627 = arith.constant 128 : i32
      %mul3A_628 = vector.broadcast %mul3A_627 : i32 to vector<16xi32>
      %mul3A_629 = arith.muli %shift_right_logical3A_626, %mul3A_628 : vector<16xi32>
      %sub3A_630 = arith.subi %add3A_623, %mul3A_629 : vector<16xi32>
      %gather3A_631 = tpu.vector_load_idx %arg9[%shift_right_logical3A_626, %sub3A_630] : memref<16x128xf32, #tpu.memory_space<vmem>>[vector<16xi32>, vector<16xi32>], vector<16xf32>,
      tpu.vector_store_idx %arg15[%add3A_281, %broadcast_in_dim3A_617], %gather3A_631 : memref<48x128xf32, #tpu.memory_space<vmem>>[vector<16xi32>, vector<16xi32>], vector<16xf32>,
      %broadcast_in_dim3A_632 = arith.constant 22 : i32
      %broadcast_in_dim3A_633 = vector.broadcast %broadcast_in_dim3A_632 : i32 to vector<16xi32>
      %mul3A_634 = arith.constant 32 : i32
      %mul3A_635 = vector.broadcast %mul3A_634 : i32 to vector<16xi32>
      %mul3A_636 = arith.muli %get3A_276, %mul3A_635 : vector<16xi32>
      %add3A_637 = arith.constant 22 : i32
      %add3A_638 = vector.broadcast %add3A_637 : i32 to vector<16xi32>
      %add3A_639 = arith.addi %mul3A_636, %add3A_638 : vector<16xi32>
      %shift_right_logical3A_640 = arith.constant 7 : i32
      %shift_right_logical3A_641 = vector.broadcast %shift_right_logical3A_640 : i32 to vector<16xi32>
      %shift_right_logical3A_642 = arith.shrui %add3A_639, %shift_right_logical3A_641 : vector<16xi32>
      %mul3A_643 = arith.constant 128 : i32
      %mul3A_644 = vector.broadcast %mul3A_643 : i32 to vector<16xi32>
      %mul3A_645 = arith.muli %shift_right_logical3A_642, %mul3A_644 : vector<16xi32>
      %sub3A_646 = arith.subi %add3A_639, %mul3A_645 : vector<16xi32>
      %gather3A_647 = tpu.vector_load_idx %arg9[%shift_right_logical3A_642, %sub3A_646] : memref<16x128xf32, #tpu.memory_space<vmem>>[vector<16xi32>, vector<16xi32>], vector<16xf32>,
      tpu.vector_store_idx %arg15[%add3A_281, %broadcast_in_dim3A_633], %gather3A_647 : memref<48x128xf32, #tpu.memory_space<vmem>>[vector<16xi32>, vector<16xi32>], vector<16xf32>,
      %broadcast_in_dim3A_648 = arith.constant 23 : i32
      %broadcast_in_dim3A_649 = vector.broadcast %broadcast_in_dim3A_648 : i32 to vector<16xi32>
      %mul3A_650 = arith.constant 32 : i32
      %mul3A_651 = vector.broadcast %mul3A_650 : i32 to vector<16xi32>
      %mul3A_652 = arith.muli %get3A_276, %mul3A_651 : vector<16xi32>
      %add3A_653 = arith.constant 23 : i32
      %add3A_654 = vector.broadcast %add3A_653 : i32 to vector<16xi32>
      %add3A_655 = arith.addi %mul3A_652, %add3A_654 : vector<16xi32>
      %shift_right_logical3A_656 = arith.constant 7 : i32
      %shift_right_logical3A_657 = vector.broadcast %shift_right_logical3A_656 : i32 to vector<16xi32>
      %shift_right_logical3A_658 = arith.shrui %add3A_655, %shift_right_logical3A_657 : vector<16xi32>
      %mul3A_659 = arith.constant 128 : i32
      %mul3A_660 = vector.broadcast %mul3A_659 : i32 to vector<16xi32>
      %mul3A_661 = arith.muli %shift_right_logical3A_658, %mul3A_660 : vector<16xi32>
      %sub3A_662 = arith.subi %add3A_655, %mul3A_661 : vector<16xi32>
      %gather3A_663 = tpu.vector_load_idx %arg9[%shift_right_logical3A_658, %sub3A_662] : memref<16x128xf32, #tpu.memory_space<vmem>>[vector<16xi32>, vector<16xi32>], vector<16xf32>,
      tpu.vector_store_idx %arg15[%add3A_281, %broadcast_in_dim3A_649], %gather3A_663 : memref<48x128xf32, #tpu.memory_space<vmem>>[vector<16xi32>, vector<16xi32>], vector<16xf32>,
      %broadcast_in_dim3A_664 = arith.constant 24 : i32
      %broadcast_in_dim3A_665 = vector.broadcast %broadcast_in_dim3A_664 : i32 to vector<16xi32>
      %mul3A_666 = arith.constant 32 : i32
      %mul3A_667 = vector.broadcast %mul3A_666 : i32 to vector<16xi32>
      %mul3A_668 = arith.muli %get3A_276, %mul3A_667 : vector<16xi32>
      %add3A_669 = arith.constant 24 : i32
      %add3A_670 = vector.broadcast %add3A_669 : i32 to vector<16xi32>
      %add3A_671 = arith.addi %mul3A_668, %add3A_670 : vector<16xi32>
      %shift_right_logical3A_672 = arith.constant 7 : i32
      %shift_right_logical3A_673 = vector.broadcast %shift_right_logical3A_672 : i32 to vector<16xi32>
      %shift_right_logical3A_674 = arith.shrui %add3A_671, %shift_right_logical3A_673 : vector<16xi32>
      %mul3A_675 = arith.constant 128 : i32
      %mul3A_676 = vector.broadcast %mul3A_675 : i32 to vector<16xi32>
      %mul3A_677 = arith.muli %shift_right_logical3A_674, %mul3A_676 : vector<16xi32>
      %sub3A_678 = arith.subi %add3A_671, %mul3A_677 : vector<16xi32>
      %gather3A_679 = tpu.vector_load_idx %arg9[%shift_right_logical3A_674, %sub3A_678] : memref<16x128xf32, #tpu.memory_space<vmem>>[vector<16xi32>, vector<16xi32>], vector<16xf32>,
      tpu.vector_store_idx %arg15[%add3A_281, %broadcast_in_dim3A_665], %gather3A_679 : memref<48x128xf32, #tpu.memory_space<vmem>>[vector<16xi32>, vector<16xi32>], vector<16xf32>,
      %broadcast_in_dim3A_680 = arith.constant 25 : i32
      %broadcast_in_dim3A_681 = vector.broadcast %broadcast_in_dim3A_680 : i32 to vector<16xi32>
      %mul3A_682 = arith.constant 32 : i32
      %mul3A_683 = vector.broadcast %mul3A_682 : i32 to vector<16xi32>
      %mul3A_684 = arith.muli %get3A_276, %mul3A_683 : vector<16xi32>
      %add3A_685 = arith.constant 25 : i32
      %add3A_686 = vector.broadcast %add3A_685 : i32 to vector<16xi32>
      %add3A_687 = arith.addi %mul3A_684, %add3A_686 : vector<16xi32>
      %shift_right_logical3A_688 = arith.constant 7 : i32
      %shift_right_logical3A_689 = vector.broadcast %shift_right_logical3A_688 : i32 to vector<16xi32>
      %shift_right_logical3A_690 = arith.shrui %add3A_687, %shift_right_logical3A_689 : vector<16xi32>
      %mul3A_691 = arith.constant 128 : i32
      %mul3A_692 = vector.broadcast %mul3A_691 : i32 to vector<16xi32>
      %mul3A_693 = arith.muli %shift_right_logical3A_690, %mul3A_692 : vector<16xi32>
      %sub3A_694 = arith.subi %add3A_687, %mul3A_693 : vector<16xi32>
      %gather3A_695 = tpu.vector_load_idx %arg9[%shift_right_logical3A_690, %sub3A_694] : memref<16x128xf32, #tpu.memory_space<vmem>>[vector<16xi32>, vector<16xi32>], vector<16xf32>,
      tpu.vector_store_idx %arg15[%add3A_281, %broadcast_in_dim3A_681], %gather3A_695 : memref<48x128xf32, #tpu.memory_space<vmem>>[vector<16xi32>, vector<16xi32>], vector<16xf32>,
      %broadcast_in_dim3A_696 = arith.constant 26 : i32
      %broadcast_in_dim3A_697 = vector.broadcast %broadcast_in_dim3A_696 : i32 to vector<16xi32>
      %mul3A_698 = arith.constant 32 : i32
      %mul3A_699 = vector.broadcast %mul3A_698 : i32 to vector<16xi32>
      %mul3A_700 = arith.muli %get3A_276, %mul3A_699 : vector<16xi32>
      %add3A_701 = arith.constant 26 : i32
      %add3A_702 = vector.broadcast %add3A_701 : i32 to vector<16xi32>
      %add3A_703 = arith.addi %mul3A_700, %add3A_702 : vector<16xi32>
      %shift_right_logical3A_704 = arith.constant 7 : i32
      %shift_right_logical3A_705 = vector.broadcast %shift_right_logical3A_704 : i32 to vector<16xi32>
      %shift_right_logical3A_706 = arith.shrui %add3A_703, %shift_right_logical3A_705 : vector<16xi32>
      %mul3A_707 = arith.constant 128 : i32
      %mul3A_708 = vector.broadcast %mul3A_707 : i32 to vector<16xi32>
      %mul3A_709 = arith.muli %shift_right_logical3A_706, %mul3A_708 : vector<16xi32>
      %sub3A_710 = arith.subi %add3A_703, %mul3A_709 : vector<16xi32>
      %gather3A_711 = tpu.vector_load_idx %arg9[%shift_right_logical3A_706, %sub3A_710] : memref<16x128xf32, #tpu.memory_space<vmem>>[vector<16xi32>, vector<16xi32>], vector<16xf32>,
      tpu.vector_store_idx %arg15[%add3A_281, %broadcast_in_dim3A_697], %gather3A_711 : memref<48x128xf32, #tpu.memory_space<vmem>>[vector<16xi32>, vector<16xi32>], vector<16xf32>,
      %broadcast_in_dim3A_712 = arith.constant 27 : i32
      %broadcast_in_dim3A_713 = vector.broadcast %broadcast_in_dim3A_712 : i32 to vector<16xi32>
      %mul3A_714 = arith.constant 32 : i32
      %mul3A_715 = vector.broadcast %mul3A_714 : i32 to vector<16xi32>
      %mul3A_716 = arith.muli %get3A_276, %mul3A_715 : vector<16xi32>
      %add3A_717 = arith.constant 27 : i32
      %add3A_718 = vector.broadcast %add3A_717 : i32 to vector<16xi32>
      %add3A_719 = arith.addi %mul3A_716, %add3A_718 : vector<16xi32>
      %shift_right_logical3A_720 = arith.constant 7 : i32
      %shift_right_logical3A_721 = vector.broadcast %shift_right_logical3A_720 : i32 to vector<16xi32>
      %shift_right_logical3A_722 = arith.shrui %add3A_719, %shift_right_logical3A_721 : vector<16xi32>
      %mul3A_723 = arith.constant 128 : i32
      %mul3A_724 = vector.broadcast %mul3A_723 : i32 to vector<16xi32>
      %mul3A_725 = arith.muli %shift_right_logical3A_722, %mul3A_724 : vector<16xi32>
      %sub3A_726 = arith.subi %add3A_719, %mul3A_725 : vector<16xi32>
      %gather3A_727 = tpu.vector_load_idx %arg9[%shift_right_logical3A_722, %sub3A_726] : memref<16x128xf32, #tpu.memory_space<vmem>>[vector<16xi32>, vector<16xi32>], vector<16xf32>,
      tpu.vector_store_idx %arg15[%add3A_281, %broadcast_in_dim3A_713], %gather3A_727 : memref<48x128xf32, #tpu.memory_space<vmem>>[vector<16xi32>, vector<16xi32>], vector<16xf32>,
      %broadcast_in_dim3A_728 = arith.constant 28 : i32
      %broadcast_in_dim3A_729 = vector.broadcast %broadcast_in_dim3A_728 : i32 to vector<16xi32>
      %mul3A_730 = arith.constant 32 : i32
      %mul3A_731 = vector.broadcast %mul3A_730 : i32 to vector<16xi32>
      %mul3A_732 = arith.muli %get3A_276, %mul3A_731 : vector<16xi32>
      %add3A_733 = arith.constant 28 : i32
      %add3A_734 = vector.broadcast %add3A_733 : i32 to vector<16xi32>
      %add3A_735 = arith.addi %mul3A_732, %add3A_734 : vector<16xi32>
      %shift_right_logical3A_736 = arith.constant 7 : i32
      %shift_right_logical3A_737 = vector.broadcast %shift_right_logical3A_736 : i32 to vector<16xi32>
      %shift_right_logical3A_738 = arith.shrui %add3A_735, %shift_right_logical3A_737 : vector<16xi32>
      %mul3A_739 = arith.constant 128 : i32
      %mul3A_740 = vector.broadcast %mul3A_739 : i32 to vector<16xi32>
      %mul3A_741 = arith.muli %shift_right_logical3A_738, %mul3A_740 : vector<16xi32>
      %sub3A_742 = arith.subi %add3A_735, %mul3A_741 : vector<16xi32>
      %gather3A_743 = tpu.vector_load_idx %arg9[%shift_right_logical3A_738, %sub3A_742] : memref<16x128xf32, #tpu.memory_space<vmem>>[vector<16xi32>, vector<16xi32>], vector<16xf32>,
      tpu.vector_store_idx %arg15[%add3A_281, %broadcast_in_dim3A_729], %gather3A_743 : memref<48x128xf32, #tpu.memory_space<vmem>>[vector<16xi32>, vector<16xi32>], vector<16xf32>,
      %broadcast_in_dim3A_744 = arith.constant 29 : i32
      %broadcast_in_dim3A_745 = vector.broadcast %broadcast_in_dim3A_744 : i32 to vector<16xi32>
      %mul3A_746 = arith.constant 32 : i32
      %mul3A_747 = vector.broadcast %mul3A_746 : i32 to vector<16xi32>
      %mul3A_748 = arith.muli %get3A_276, %mul3A_747 : vector<16xi32>
      %add3A_749 = arith.constant 29 : i32
      %add3A_750 = vector.broadcast %add3A_749 : i32 to vector<16xi32>
      %add3A_751 = arith.addi %mul3A_748, %add3A_750 : vector<16xi32>
      %shift_right_logical3A_752 = arith.constant 7 : i32
      %shift_right_logical3A_753 = vector.broadcast %shift_right_logical3A_752 : i32 to vector<16xi32>
      %shift_right_logical3A_754 = arith.shrui %add3A_751, %shift_right_logical3A_753 : vector<16xi32>
      %mul3A_755 = arith.constant 128 : i32
      %mul3A_756 = vector.broadcast %mul3A_755 : i32 to vector<16xi32>
      %mul3A_757 = arith.muli %shift_right_logical3A_754, %mul3A_756 : vector<16xi32>
      %sub3A_758 = arith.subi %add3A_751, %mul3A_757 : vector<16xi32>
      %gather3A_759 = tpu.vector_load_idx %arg9[%shift_right_logical3A_754, %sub3A_758] : memref<16x128xf32, #tpu.memory_space<vmem>>[vector<16xi32>, vector<16xi32>], vector<16xf32>,
      tpu.vector_store_idx %arg15[%add3A_281, %broadcast_in_dim3A_745], %gather3A_759 : memref<48x128xf32, #tpu.memory_space<vmem>>[vector<16xi32>, vector<16xi32>], vector<16xf32>,
      %broadcast_in_dim3A_760 = arith.constant 30 : i32
      %broadcast_in_dim3A_761 = vector.broadcast %broadcast_in_dim3A_760 : i32 to vector<16xi32>
      %mul3A_762 = arith.constant 32 : i32
      %mul3A_763 = vector.broadcast %mul3A_762 : i32 to vector<16xi32>
      %mul3A_764 = arith.muli %get3A_276, %mul3A_763 : vector<16xi32>
      %add3A_765 = arith.constant 30 : i32
      %add3A_766 = vector.broadcast %add3A_765 : i32 to vector<16xi32>
      %add3A_767 = arith.addi %mul3A_764, %add3A_766 : vector<16xi32>
      %shift_right_logical3A_768 = arith.constant 7 : i32
      %shift_right_logical3A_769 = vector.broadcast %shift_right_logical3A_768 : i32 to vector<16xi32>
      %shift_right_logical3A_770 = arith.shrui %add3A_767, %shift_right_logical3A_769 : vector<16xi32>
      %mul3A_771 = arith.constant 128 : i32
      %mul3A_772 = vector.broadcast %mul3A_771 : i32 to vector<16xi32>
      %mul3A_773 = arith.muli %shift_right_logical3A_770, %mul3A_772 : vector<16xi32>
      %sub3A_774 = arith.subi %add3A_767, %mul3A_773 : vector<16xi32>
      %gather3A_775 = tpu.vector_load_idx %arg9[%shift_right_logical3A_770, %sub3A_774] : memref<16x128xf32, #tpu.memory_space<vmem>>[vector<16xi32>, vector<16xi32>], vector<16xf32>,
      tpu.vector_store_idx %arg15[%add3A_281, %broadcast_in_dim3A_761], %gather3A_775 : memref<48x128xf32, #tpu.memory_space<vmem>>[vector<16xi32>, vector<16xi32>], vector<16xf32>,
      %broadcast_in_dim3A_776 = arith.constant 31 : i32
      %broadcast_in_dim3A_777 = vector.broadcast %broadcast_in_dim3A_776 : i32 to vector<16xi32>
      %mul3A_778 = arith.constant 32 : i32
      %mul3A_779 = vector.broadcast %mul3A_778 : i32 to vector<16xi32>
      %mul3A_780 = arith.muli %get3A_276, %mul3A_779 : vector<16xi32>
      %add3A_781 = arith.constant 31 : i32
      %add3A_782 = vector.broadcast %add3A_781 : i32 to vector<16xi32>
      %add3A_783 = arith.addi %mul3A_780, %add3A_782 : vector<16xi32>
      %shift_right_logical3A_784 = arith.constant 7 : i32
      %shift_right_logical3A_785 = vector.broadcast %shift_right_logical3A_784 : i32 to vector<16xi32>
      %shift_right_logical3A_786 = arith.shrui %add3A_783, %shift_right_logical3A_785 : vector<16xi32>
      %mul3A_787 = arith.constant 128 : i32
      %mul3A_788 = vector.broadcast %mul3A_787 : i32 to vector<16xi32>
      %mul3A_789 = arith.muli %shift_right_logical3A_786, %mul3A_788 : vector<16xi32>
      %sub3A_790 = arith.subi %add3A_783, %mul3A_789 : vector<16xi32>
      %gather3A_791 = tpu.vector_load_idx %arg9[%shift_right_logical3A_786, %sub3A_790] : memref<16x128xf32, #tpu.memory_space<vmem>>[vector<16xi32>, vector<16xi32>], vector<16xf32>,
      tpu.vector_store_idx %arg15[%add3A_281, %broadcast_in_dim3A_777], %gather3A_791 : memref<48x128xf32, #tpu.memory_space<vmem>>[vector<16xi32>, vector<16xi32>], vector<16xf32>,
    }
    %scan3A_247 = arith.constant 3 : i32
    %get3A_248 = arith.constant 0 : i32
    %get3A_249 = arith.index_cast %get3A_248 : i32 to index
    %get3A_250 = arith.constant 0 : index
    %get3A_251 = tpu.vector_load %arg13[%get3A_249, %get3A_250] {strides = array<i32>} : memref<4x16xi32, #tpu.memory_space<vmem>>, vector<16xi32>,
    %swap3A_252 = arith.constant 0 : i32
    %swap3A_253 = arith.index_cast %swap3A_252 : i32 to index
    %swap3A_254 = arith.constant 0 : index
    %swap3A_255 = tpu.vector_load %arg14[%swap3A_253, %swap3A_254] {strides = array<i32>} : memref<1x48xi32, #tpu.memory_space<vmem>>, vector<16xi32>,
    tpu.vector_store %arg14[%swap3A_253, %swap3A_254], %get3A_251 {strides = array<i32>} : memref<1x48xi32, #tpu.memory_space<vmem>>, vector<16xi32>,
    %get3A_256 = arith.constant 1 : i32
    %get3A_257 = arith.index_cast %get3A_256 : i32 to index
    %get3A_258 = arith.constant 0 : index
    %get3A_259 = tpu.vector_load %arg13[%get3A_257, %get3A_258] {strides = array<i32>} : memref<4x16xi32, #tpu.memory_space<vmem>>, vector<16xi32>,
    %swap3A_260 = arith.constant 0 : i32
    %swap3A_261 = arith.index_cast %swap3A_260 : i32 to index
    %swap3A_262 = arith.constant 16 : index
    %swap3A_263 = tpu.vector_load %arg14[%swap3A_261, %swap3A_262] {strides = array<i32>} : memref<1x48xi32, #tpu.memory_space<vmem>>, vector<16xi32>,
    tpu.vector_store %arg14[%swap3A_261, %swap3A_262], %get3A_259 {strides = array<i32>} : memref<1x48xi32, #tpu.memory_space<vmem>>, vector<16xi32>,
    %get3A_264 = arith.constant 2 : i32
    %get3A_265 = arith.index_cast %get3A_264 : i32 to index
    %get3A_266 = arith.constant 0 : index
    %get3A_267 = tpu.vector_load %arg13[%get3A_265, %get3A_266] {strides = array<i32>} : memref<4x16xi32, #tpu.memory_space<vmem>>, vector<16xi32>,
    %swap3A_268 = arith.constant 0 : i32
    %swap3A_269 = arith.index_cast %swap3A_268 : i32 to index
    %swap3A_270 = arith.constant 32 : index
    %swap3A_271 = tpu.vector_load %arg14[%swap3A_269, %swap3A_270] {strides = array<i32>} : memref<1x48xi32, #tpu.memory_space<vmem>>, vector<16xi32>,
    tpu.vector_store %arg14[%swap3A_269, %swap3A_270], %get3A_267 {strides = array<i32>} : memref<1x48xi32, #tpu.memory_space<vmem>>, vector<16xi32>,
    %run_scoped3A_272 = arith.constant 0 : i32
    "tpu.region"() ({
      %run_scoped3A_273 = tpu.sem_alloc : memref<!tpu.dma_semaphore, #tpu.memory_space<semaphore_mem>>
      %dma_start3A_274 = arith.constant 0 : i32
      %dma_start3A_275 = tpu.memref_slice %arg14[%run_scoped3A_272, %dma_start3A_274] : memref<1x48xi32, #tpu.memory_space<vmem>> -> memref<1x48xi32, #tpu.memory_space<vmem>>
      %dma_start3A_276 = tpu.memref_squeeze %dma_start3A_275 : memref<1x48xi32, #tpu.memory_space<vmem>> -> memref<48xi32, #tpu.memory_space<vmem>>
      %dma_start3A_277 = arith.constant 0 : i32
      %dma_start3A_278 = arith.constant 0 : i32
      %dma_start3A_279 = tpu.memref_slice %arg5[%dma_start3A_277, %dma_start3A_278] : memref<17920x128xf32, #tpu.memory_space<hbm>> -> memref<17920x128xf32, #tpu.memory_space<hbm>>
      tpu.enqueue_indirect_dma source(%arg15 : memref<48x128xf32, #tpu.memory_space<vmem>>) target(%dma_start3A_279 : memref<17920x128xf32, #tpu.memory_space<hbm>>) offsets(%dma_start3A_276 : memref<48xi32, #tpu.memory_space<vmem>>) semaphore(%run_scoped3A_273 : memref<!tpu.dma_semaphore, #tpu.memory_space<semaphore_mem>>)
      %dma_wait3A_280 = arith.constant 0 : i32
      %dma_wait3A_281 = tpu.memref_slice %arg14[%run_scoped3A_272, %dma_wait3A_280] : memref<1x48xi32, #tpu.memory_space<vmem>> -> memref<1x48xi32, #tpu.memory_space<vmem>>
      %dma_wait3A_282 = tpu.memref_squeeze %dma_wait3A_281 : memref<1x48xi32, #tpu.memory_space<vmem>> -> memref<48xi32, #tpu.memory_space<vmem>>
      %dma_wait3A_283 = arith.constant 0 : i32
      %dma_wait3A_284 = arith.constant 0 : i32
      %dma_wait3A_285 = tpu.memref_slice %arg5[%dma_wait3A_283, %dma_wait3A_284] : memref<17920x128xf32, #tpu.memory_space<hbm>> -> memref<17920x128xf32, #tpu.memory_space<hbm>>
      tpu.wait_indirect_dma semaphore(%run_scoped3A_273 : memref<!tpu.dma_semaphore, #tpu.memory_space<semaphore_mem>>) src(%arg15 : memref<48x128xf32, #tpu.memory_space<vmem>>) dst(%dma_wait3A_285 : memref<17920x128xf32, #tpu.memory_space<hbm>>)
      tpu.yield
    }) : () -> ()
    return
  }
}

#map = affine_map<(d0, d1) -> (0, 0)>
#map1 = affine_map<(d0, d1) -> (0, 0, 0)>
module attributes {stable_mosaic.version = 14 : i64} {
  func.func @_scatter_sc(%arg0: i32, %arg1: i32, %arg2: memref<16384x16xf32, #tpu.memory_space<hbm>>, %arg3: memref<32x4x128xi32, #tpu.memory_space<hbm>>, %arg4: memref<2x4096x16xf32, #tpu.memory_space<hbm>>, %arg5: memref<4x128xi32, #tpu.memory_space<vmem>>, %arg6: memref<512x16xf32, #tpu.memory_space<vmem>>, %arg7: memref<256x16xf32, #tpu.memory_space<vmem>>, %arg8: memref<4096x16xf32, #tpu.memory_space<vmem_shared>>, %arg9: memref<!tpu.dma_semaphore, #tpu.memory_space<semaphore_mem>>) attributes {dimension_semantics = [#tpu.dimension_semantics<core_parallel>, #tpu.dimension_semantics<subcore_parallel>], iteration_bounds = array<i64: 2, 16>, scalar_prefetch = 0 : i64, scratch_operands = 5 : i64, tpu.core_type = #tpu.core_type<sc_vector_subcore>, window_params = [{transform_indices = #map}, {transform_indices = #map1}, {transform_indices = #map1}]} {
    %mul3A = arith.constant 2 : i32
    %mul3A_0 = arith.muli %arg1, %mul3A : i32
    %add3A = arith.addi %mul3A_0, %arg0 : i32
    %mul3A_1 = arith.constant 512 : i32
    %mul3A_2 = arith.muli %add3A, %mul3A_1 : i32
    "tpu.region"() ({
      %run_scoped3A_18 = tpu.sem_alloc : memref<!tpu.dma_semaphore, #tpu.memory_space<semaphore_mem>>
      %dma_start3A = arith.constant 0 : i32
      %dma_start3A_19 = arith.constant 0 : i32
      %dma_start3A_20 = tpu.memref_slice %arg3[%add3A, %dma_start3A, %dma_start3A_19] : memref<32x4x128xi32, #tpu.memory_space<hbm>> -> memref<1x4x128xi32, #tpu.memory_space<hbm>>
      %dma_start3A_21 = tpu.memref_squeeze %dma_start3A_20 : memref<1x4x128xi32, #tpu.memory_space<hbm>> -> memref<4x128xi32, #tpu.memory_space<hbm>>
      %dma_start3A_22 = arith.constant 0 : i32
      %dma_start3A_23 = arith.constant 0 : i32
      %dma_start3A_24 = tpu.memref_slice %arg3[%add3A, %dma_start3A_22, %dma_start3A_23] : memref<32x4x128xi32, #tpu.memory_space<hbm>> -> memref<1x4x128xi32, #tpu.memory_space<hbm>>
      %dma_start3A_25 = tpu.memref_squeeze %dma_start3A_24 : memref<1x4x128xi32, #tpu.memory_space<hbm>> -> memref<4x128xi32, #tpu.memory_space<hbm>>
      tpu.enqueue_dma source(%dma_start3A_25 : memref<4x128xi32, #tpu.memory_space<hbm>>) target(%arg5 : memref<4x128xi32, #tpu.memory_space<vmem>>) target_semaphore(%run_scoped3A_18 : memref<!tpu.dma_semaphore, #tpu.memory_space<semaphore_mem>>)
      %dma_wait3A = arith.constant 0 : i32
      %dma_wait3A_26 = arith.constant 0 : i32
      %dma_wait3A_27 = tpu.memref_slice %arg3[%add3A, %dma_wait3A, %dma_wait3A_26] : memref<32x4x128xi32, #tpu.memory_space<hbm>> -> memref<1x4x128xi32, #tpu.memory_space<hbm>>
      %dma_wait3A_28 = tpu.memref_squeeze %dma_wait3A_27 : memref<1x4x128xi32, #tpu.memory_space<hbm>> -> memref<4x128xi32, #tpu.memory_space<hbm>>
      %dma_wait3A_29 = arith.constant 0 : i32
      %dma_wait3A_30 = arith.constant 0 : i32
      %dma_wait3A_31 = tpu.memref_slice %arg3[%add3A, %dma_wait3A_29, %dma_wait3A_30] : memref<32x4x128xi32, #tpu.memory_space<hbm>> -> memref<1x4x128xi32, #tpu.memory_space<hbm>>
      %dma_wait3A_32 = tpu.memref_squeeze %dma_wait3A_31 : memref<1x4x128xi32, #tpu.memory_space<hbm>> -> memref<4x128xi32, #tpu.memory_space<hbm>>
      tpu.wait_dma2 semaphore(%run_scoped3A_18 : memref<!tpu.dma_semaphore, #tpu.memory_space<semaphore_mem>>) src(%dma_wait3A_32 : memref<4x128xi32, #tpu.memory_space<hbm>>) dst(%arg5 : memref<4x128xi32, #tpu.memory_space<vmem>>)
      tpu.yield
    }) : () -> ()
    "tpu.region"() ({
      %run_scoped3A_18 = tpu.sem_alloc : memref<!tpu.dma_semaphore, #tpu.memory_space<semaphore_mem>>
      %dma_start3A = arith.constant 0 : i32
      %dma_start3A_19 = tpu.memref_slice %arg2[%mul3A_2, %dma_start3A] : memref<16384x16xf32, #tpu.memory_space<hbm>> -> memref<512x16xf32, #tpu.memory_space<hbm>>
      %dma_start3A_20 = arith.constant 0 : i32
      %dma_start3A_21 = tpu.memref_slice %arg2[%mul3A_2, %dma_start3A_20] : memref<16384x16xf32, #tpu.memory_space<hbm>> -> memref<512x16xf32, #tpu.memory_space<hbm>>
      tpu.enqueue_dma source(%dma_start3A_21 : memref<512x16xf32, #tpu.memory_space<hbm>>) target(%arg6 : memref<512x16xf32, #tpu.memory_space<vmem>>) target_semaphore(%run_scoped3A_18 : memref<!tpu.dma_semaphore, #tpu.memory_space<semaphore_mem>>)
      %dma_wait3A = arith.constant 0 : i32
      %dma_wait3A_22 = tpu.memref_slice %arg2[%mul3A_2, %dma_wait3A] : memref<16384x16xf32, #tpu.memory_space<hbm>> -> memref<512x16xf32, #tpu.memory_space<hbm>>
      %dma_wait3A_23 = arith.constant 0 : i32
      %dma_wait3A_24 = tpu.memref_slice %arg2[%mul3A_2, %dma_wait3A_23] : memref<16384x16xf32, #tpu.memory_space<hbm>> -> memref<512x16xf32, #tpu.memory_space<hbm>>
      tpu.wait_dma2 semaphore(%run_scoped3A_18 : memref<!tpu.dma_semaphore, #tpu.memory_space<semaphore_mem>>) src(%dma_wait3A_24 : memref<512x16xf32, #tpu.memory_space<hbm>>) dst(%arg6 : memref<512x16xf32, #tpu.memory_space<vmem>>)
      tpu.yield
    }) : () -> ()
    %scan3A = arith.constant 0 : i32
    %scan3A_3 = arith.constant 0 : i32
    %scan3A_4 = arith.constant 256 : i32
    %scan3A_5 = arith.addi %scan3A_3, %scan3A_4 : i32
    %scan3A_6 = arith.constant 1 : i32
    scf.for %scan3A_18 = %scan3A_3 to %scan3A_5 step %scan3A_6  : i32 {
      %broadcast_in_dim3A = arith.constant 0.000000e+00 : f32
      %broadcast_in_dim3A_19 = vector.broadcast %broadcast_in_dim3A : f32 to vector<16xf32>
      %swap3A = arith.index_cast %scan3A_18 : i32 to index
      %swap3A_20 = arith.constant 0 : index
      %swap3A_21 = tpu.vector_load %arg7[%swap3A, %swap3A_20] {strides = array<i32>} : memref<256x16xf32, #tpu.memory_space<vmem>>, vector<1x16xf32>,
      %swap3A_22 = vector.shape_cast %swap3A_21 : vector<1x16xf32> to vector<16xf32>
      %swap3A_23 = vector.shape_cast %broadcast_in_dim3A_19 : vector<16xf32> to vector<1x16xf32>
      tpu.vector_store %arg7[%swap3A, %swap3A_20], %swap3A_23 {strides = array<i32>} : memref<256x16xf32, #tpu.memory_space<vmem>>, vector<1x16xf32>,
    }
    %scan3A_7 = arith.constant 256 : i32
    %mul3A_8 = arith.constant 256 : i32
    %mul3A_9 = arith.muli %arg1, %mul3A_8 : i32
    "tpu.region"() ({
      %run_scoped3A_18 = tpu.sem_alloc : memref<!tpu.dma_semaphore, #tpu.memory_space<semaphore_mem>>
      %dma_start3A = arith.constant 0 : i32
      %dma_start3A_19 = tpu.memref_slice %arg8[%mul3A_9, %dma_start3A] : memref<4096x16xf32, #tpu.memory_space<vmem_shared>> -> memref<256x16xf32, #tpu.memory_space<vmem_shared>>
      %dma_start3A_20 = arith.constant 0 : i32
      %dma_start3A_21 = tpu.memref_slice %arg8[%mul3A_9, %dma_start3A_20] : memref<4096x16xf32, #tpu.memory_space<vmem_shared>> -> memref<256x16xf32, #tpu.memory_space<vmem_shared>>
      tpu.enqueue_dma source(%arg7 : memref<256x16xf32, #tpu.memory_space<vmem>>) target(%dma_start3A_21 : memref<256x16xf32, #tpu.memory_space<vmem_shared>>) target_semaphore(%run_scoped3A_18 : memref<!tpu.dma_semaphore, #tpu.memory_space<semaphore_mem>>)
      %dma_wait3A = arith.constant 0 : i32
      %dma_wait3A_22 = tpu.memref_slice %arg8[%mul3A_9, %dma_wait3A] : memref<4096x16xf32, #tpu.memory_space<vmem_shared>> -> memref<256x16xf32, #tpu.memory_space<vmem_shared>>
      %dma_wait3A_23 = arith.constant 0 : i32
      %dma_wait3A_24 = tpu.memref_slice %arg8[%mul3A_9, %dma_wait3A_23] : memref<4096x16xf32, #tpu.memory_space<vmem_shared>> -> memref<256x16xf32, #tpu.memory_space<vmem_shared>>
      tpu.wait_dma2 semaphore(%run_scoped3A_18 : memref<!tpu.dma_semaphore, #tpu.memory_space<semaphore_mem>>) src(%arg7 : memref<256x16xf32, #tpu.memory_space<vmem>>) dst(%dma_wait3A_24 : memref<256x16xf32, #tpu.memory_space<vmem_shared>>)
      tpu.yield
    }) : () -> ()
    %barrier3A = arith.constant 0 : index
    tpu.barrier barrier_id(%barrier3A)
    %run_scoped3A = arith.constant 0 : i32
    "tpu.region"() ({
      %run_scoped3A_18 = tpu.sem_alloc : memref<!tpu.dma_semaphore, #tpu.memory_space<semaphore_mem>>
      %dma_start3A = arith.constant 0 : i32
      %dma_start3A_19 = arith.constant 0 : i32
      %dma_start3A_20 = tpu.memref_slice %arg6[%dma_start3A, %dma_start3A_19] : memref<512x16xf32, #tpu.memory_space<vmem>> -> memref<128x16xf32, #tpu.memory_space<vmem>>
      %dma_start3A_21 = arith.constant 0 : i32
      %dma_start3A_22 = tpu.memref_slice %arg5[%run_scoped3A, %dma_start3A_21] : memref<4x128xi32, #tpu.memory_space<vmem>> -> memref<1x128xi32, #tpu.memory_space<vmem>>
      %dma_start3A_23 = tpu.memref_squeeze %dma_start3A_22 : memref<1x128xi32, #tpu.memory_space<vmem>> -> memref<128xi32, #tpu.memory_space<vmem>>
      %dma_start3A_24 = arith.constant 0 : i32
      %dma_start3A_25 = arith.constant 0 : i32
      %dma_start3A_26 = tpu.memref_slice %arg8[%dma_start3A_24, %dma_start3A_25] : memref<4096x16xf32, #tpu.memory_space<vmem_shared>> -> memref<4096x16xf32, #tpu.memory_space<vmem_shared>>
      tpu.enqueue_indirect_dma source(%dma_start3A_20 : memref<128x16xf32, #tpu.memory_space<vmem>>) target(%dma_start3A_26 : memref<4096x16xf32, #tpu.memory_space<vmem_shared>>) offsets(%dma_start3A_23 : memref<128xi32, #tpu.memory_space<vmem>>) semaphore(%run_scoped3A_18 : memref<!tpu.dma_semaphore, #tpu.memory_space<semaphore_mem>>) {add = true}
      %dma_wait3A = arith.constant 0 : i32
      %dma_wait3A_27 = arith.constant 0 : i32
      %dma_wait3A_28 = tpu.memref_slice %arg6[%dma_wait3A, %dma_wait3A_27] : memref<512x16xf32, #tpu.memory_space<vmem>> -> memref<128x16xf32, #tpu.memory_space<vmem>>
      %dma_wait3A_29 = arith.constant 0 : i32
      %dma_wait3A_30 = tpu.memref_slice %arg5[%run_scoped3A, %dma_wait3A_29] : memref<4x128xi32, #tpu.memory_space<vmem>> -> memref<1x128xi32, #tpu.memory_space<vmem>>
      %dma_wait3A_31 = tpu.memref_squeeze %dma_wait3A_30 : memref<1x128xi32, #tpu.memory_space<vmem>> -> memref<128xi32, #tpu.memory_space<vmem>>
      %dma_wait3A_32 = arith.constant 0 : i32
      %dma_wait3A_33 = arith.constant 0 : i32
      %dma_wait3A_34 = tpu.memref_slice %arg8[%dma_wait3A_32, %dma_wait3A_33] : memref<4096x16xf32, #tpu.memory_space<vmem_shared>> -> memref<4096x16xf32, #tpu.memory_space<vmem_shared>>
      tpu.wait_indirect_dma semaphore(%run_scoped3A_18 : memref<!tpu.dma_semaphore, #tpu.memory_space<semaphore_mem>>) src(%dma_wait3A_28 : memref<128x16xf32, #tpu.memory_space<vmem>>) dst(%dma_wait3A_34 : memref<4096x16xf32, #tpu.memory_space<vmem_shared>>)
      tpu.yield
    }) : () -> ()
    %run_scoped3A_10 = arith.constant 1 : i32
    "tpu.region"() ({
      %run_scoped3A_18 = tpu.sem_alloc : memref<!tpu.dma_semaphore, #tpu.memory_space<semaphore_mem>>
      %dma_start3A = arith.constant 128 : i32
      %dma_start3A_19 = arith.constant 0 : i32
      %dma_start3A_20 = tpu.memref_slice %arg6[%dma_start3A, %dma_start3A_19] : memref<512x16xf32, #tpu.memory_space<vmem>> -> memref<128x16xf32, #tpu.memory_space<vmem>>
      %dma_start3A_21 = arith.constant 0 : i32
      %dma_start3A_22 = tpu.memref_slice %arg5[%run_scoped3A_10, %dma_start3A_21] : memref<4x128xi32, #tpu.memory_space<vmem>> -> memref<1x128xi32, #tpu.memory_space<vmem>>
      %dma_start3A_23 = tpu.memref_squeeze %dma_start3A_22 : memref<1x128xi32, #tpu.memory_space<vmem>> -> memref<128xi32, #tpu.memory_space<vmem>>
      %dma_start3A_24 = arith.constant 0 : i32
      %dma_start3A_25 = arith.constant 0 : i32
      %dma_start3A_26 = tpu.memref_slice %arg8[%dma_start3A_24, %dma_start3A_25] : memref<4096x16xf32, #tpu.memory_space<vmem_shared>> -> memref<4096x16xf32, #tpu.memory_space<vmem_shared>>
      tpu.enqueue_indirect_dma source(%dma_start3A_20 : memref<128x16xf32, #tpu.memory_space<vmem>>) target(%dma_start3A_26 : memref<4096x16xf32, #tpu.memory_space<vmem_shared>>) offsets(%dma_start3A_23 : memref<128xi32, #tpu.memory_space<vmem>>) semaphore(%run_scoped3A_18 : memref<!tpu.dma_semaphore, #tpu.memory_space<semaphore_mem>>) {add = true}
      %dma_wait3A = arith.constant 128 : i32
      %dma_wait3A_27 = arith.constant 0 : i32
      %dma_wait3A_28 = tpu.memref_slice %arg6[%dma_wait3A, %dma_wait3A_27] : memref<512x16xf32, #tpu.memory_space<vmem>> -> memref<128x16xf32, #tpu.memory_space<vmem>>
      %dma_wait3A_29 = arith.constant 0 : i32
      %dma_wait3A_30 = tpu.memref_slice %arg5[%run_scoped3A_10, %dma_wait3A_29] : memref<4x128xi32, #tpu.memory_space<vmem>> -> memref<1x128xi32, #tpu.memory_space<vmem>>
      %dma_wait3A_31 = tpu.memref_squeeze %dma_wait3A_30 : memref<1x128xi32, #tpu.memory_space<vmem>> -> memref<128xi32, #tpu.memory_space<vmem>>
      %dma_wait3A_32 = arith.constant 0 : i32
      %dma_wait3A_33 = arith.constant 0 : i32
      %dma_wait3A_34 = tpu.memref_slice %arg8[%dma_wait3A_32, %dma_wait3A_33] : memref<4096x16xf32, #tpu.memory_space<vmem_shared>> -> memref<4096x16xf32, #tpu.memory_space<vmem_shared>>
      tpu.wait_indirect_dma semaphore(%run_scoped3A_18 : memref<!tpu.dma_semaphore, #tpu.memory_space<semaphore_mem>>) src(%dma_wait3A_28 : memref<128x16xf32, #tpu.memory_space<vmem>>) dst(%dma_wait3A_34 : memref<4096x16xf32, #tpu.memory_space<vmem_shared>>)
      tpu.yield
    }) : () -> ()
    %run_scoped3A_11 = arith.constant 2 : i32
    "tpu.region"() ({
      %run_scoped3A_18 = tpu.sem_alloc : memref<!tpu.dma_semaphore, #tpu.memory_space<semaphore_mem>>
      %dma_start3A = arith.constant 256 : i32
      %dma_start3A_19 = arith.constant 0 : i32
      %dma_start3A_20 = tpu.memref_slice %arg6[%dma_start3A, %dma_start3A_19] : memref<512x16xf32, #tpu.memory_space<vmem>> -> memref<128x16xf32, #tpu.memory_space<vmem>>
      %dma_start3A_21 = arith.constant 0 : i32
      %dma_start3A_22 = tpu.memref_slice %arg5[%run_scoped3A_11, %dma_start3A_21] : memref<4x128xi32, #tpu.memory_space<vmem>> -> memref<1x128xi32, #tpu.memory_space<vmem>>
      %dma_start3A_23 = tpu.memref_squeeze %dma_start3A_22 : memref<1x128xi32, #tpu.memory_space<vmem>> -> memref<128xi32, #tpu.memory_space<vmem>>
      %dma_start3A_24 = arith.constant 0 : i32
      %dma_start3A_25 = arith.constant 0 : i32
      %dma_start3A_26 = tpu.memref_slice %arg8[%dma_start3A_24, %dma_start3A_25] : memref<4096x16xf32, #tpu.memory_space<vmem_shared>> -> memref<4096x16xf32, #tpu.memory_space<vmem_shared>>
      tpu.enqueue_indirect_dma source(%dma_start3A_20 : memref<128x16xf32, #tpu.memory_space<vmem>>) target(%dma_start3A_26 : memref<4096x16xf32, #tpu.memory_space<vmem_shared>>) offsets(%dma_start3A_23 : memref<128xi32, #tpu.memory_space<vmem>>) semaphore(%run_scoped3A_18 : memref<!tpu.dma_semaphore, #tpu.memory_space<semaphore_mem>>) {add = true}
      %dma_wait3A = arith.constant 256 : i32
      %dma_wait3A_27 = arith.constant 0 : i32
      %dma_wait3A_28 = tpu.memref_slice %arg6[%dma_wait3A, %dma_wait3A_27] : memref<512x16xf32, #tpu.memory_space<vmem>> -> memref<128x16xf32, #tpu.memory_space<vmem>>
      %dma_wait3A_29 = arith.constant 0 : i32
      %dma_wait3A_30 = tpu.memref_slice %arg5[%run_scoped3A_11, %dma_wait3A_29] : memref<4x128xi32, #tpu.memory_space<vmem>> -> memref<1x128xi32, #tpu.memory_space<vmem>>
      %dma_wait3A_31 = tpu.memref_squeeze %dma_wait3A_30 : memref<1x128xi32, #tpu.memory_space<vmem>> -> memref<128xi32, #tpu.memory_space<vmem>>
      %dma_wait3A_32 = arith.constant 0 : i32
      %dma_wait3A_33 = arith.constant 0 : i32
      %dma_wait3A_34 = tpu.memref_slice %arg8[%dma_wait3A_32, %dma_wait3A_33] : memref<4096x16xf32, #tpu.memory_space<vmem_shared>> -> memref<4096x16xf32, #tpu.memory_space<vmem_shared>>
      tpu.wait_indirect_dma semaphore(%run_scoped3A_18 : memref<!tpu.dma_semaphore, #tpu.memory_space<semaphore_mem>>) src(%dma_wait3A_28 : memref<128x16xf32, #tpu.memory_space<vmem>>) dst(%dma_wait3A_34 : memref<4096x16xf32, #tpu.memory_space<vmem_shared>>)
      tpu.yield
    }) : () -> ()
    %run_scoped3A_12 = arith.constant 3 : i32
    "tpu.region"() ({
      %run_scoped3A_18 = tpu.sem_alloc : memref<!tpu.dma_semaphore, #tpu.memory_space<semaphore_mem>>
      %dma_start3A = arith.constant 384 : i32
      %dma_start3A_19 = arith.constant 0 : i32
      %dma_start3A_20 = tpu.memref_slice %arg6[%dma_start3A, %dma_start3A_19] : memref<512x16xf32, #tpu.memory_space<vmem>> -> memref<128x16xf32, #tpu.memory_space<vmem>>
      %dma_start3A_21 = arith.constant 0 : i32
      %dma_start3A_22 = tpu.memref_slice %arg5[%run_scoped3A_12, %dma_start3A_21] : memref<4x128xi32, #tpu.memory_space<vmem>> -> memref<1x128xi32, #tpu.memory_space<vmem>>
      %dma_start3A_23 = tpu.memref_squeeze %dma_start3A_22 : memref<1x128xi32, #tpu.memory_space<vmem>> -> memref<128xi32, #tpu.memory_space<vmem>>
      %dma_start3A_24 = arith.constant 0 : i32
      %dma_start3A_25 = arith.constant 0 : i32
      %dma_start3A_26 = tpu.memref_slice %arg8[%dma_start3A_24, %dma_start3A_25] : memref<4096x16xf32, #tpu.memory_space<vmem_shared>> -> memref<4096x16xf32, #tpu.memory_space<vmem_shared>>
      tpu.enqueue_indirect_dma source(%dma_start3A_20 : memref<128x16xf32, #tpu.memory_space<vmem>>) target(%dma_start3A_26 : memref<4096x16xf32, #tpu.memory_space<vmem_shared>>) offsets(%dma_start3A_23 : memref<128xi32, #tpu.memory_space<vmem>>) semaphore(%run_scoped3A_18 : memref<!tpu.dma_semaphore, #tpu.memory_space<semaphore_mem>>) {add = true}
      %dma_wait3A = arith.constant 384 : i32
      %dma_wait3A_27 = arith.constant 0 : i32
      %dma_wait3A_28 = tpu.memref_slice %arg6[%dma_wait3A, %dma_wait3A_27] : memref<512x16xf32, #tpu.memory_space<vmem>> -> memref<128x16xf32, #tpu.memory_space<vmem>>
      %dma_wait3A_29 = arith.constant 0 : i32
      %dma_wait3A_30 = tpu.memref_slice %arg5[%run_scoped3A_12, %dma_wait3A_29] : memref<4x128xi32, #tpu.memory_space<vmem>> -> memref<1x128xi32, #tpu.memory_space<vmem>>
      %dma_wait3A_31 = tpu.memref_squeeze %dma_wait3A_30 : memref<1x128xi32, #tpu.memory_space<vmem>> -> memref<128xi32, #tpu.memory_space<vmem>>
      %dma_wait3A_32 = arith.constant 0 : i32
      %dma_wait3A_33 = arith.constant 0 : i32
      %dma_wait3A_34 = tpu.memref_slice %arg8[%dma_wait3A_32, %dma_wait3A_33] : memref<4096x16xf32, #tpu.memory_space<vmem_shared>> -> memref<4096x16xf32, #tpu.memory_space<vmem_shared>>
      tpu.wait_indirect_dma semaphore(%run_scoped3A_18 : memref<!tpu.dma_semaphore, #tpu.memory_space<semaphore_mem>>) src(%dma_wait3A_28 : memref<128x16xf32, #tpu.memory_space<vmem>>) dst(%dma_wait3A_34 : memref<4096x16xf32, #tpu.memory_space<vmem_shared>>)
      tpu.yield
    }) : () -> ()
    %barrier3A_13 = arith.constant 0 : index
    tpu.barrier barrier_id(%barrier3A_13)
    %mul3A_14 = arith.constant 256 : i32
    %mul3A_15 = arith.muli %arg1, %mul3A_14 : i32
    "tpu.region"() ({
      %run_scoped3A_18 = tpu.sem_alloc : memref<!tpu.dma_semaphore, #tpu.memory_space<semaphore_mem>>
      %dma_start3A = arith.constant 0 : i32
      %dma_start3A_19 = tpu.memref_slice %arg8[%mul3A_15, %dma_start3A] : memref<4096x16xf32, #tpu.memory_space<vmem_shared>> -> memref<256x16xf32, #tpu.memory_space<vmem_shared>>
      %dma_start3A_20 = arith.constant 0 : i32
      %dma_start3A_21 = tpu.memref_slice %arg8[%mul3A_15, %dma_start3A_20] : memref<4096x16xf32, #tpu.memory_space<vmem_shared>> -> memref<256x16xf32, #tpu.memory_space<vmem_shared>>
      tpu.enqueue_dma source(%dma_start3A_21 : memref<256x16xf32, #tpu.memory_space<vmem_shared>>) target(%arg7 : memref<256x16xf32, #tpu.memory_space<vmem>>) target_semaphore(%run_scoped3A_18 : memref<!tpu.dma_semaphore, #tpu.memory_space<semaphore_mem>>)
      %dma_wait3A = arith.constant 0 : i32
      %dma_wait3A_22 = tpu.memref_slice %arg8[%mul3A_15, %dma_wait3A] : memref<4096x16xf32, #tpu.memory_space<vmem_shared>> -> memref<256x16xf32, #tpu.memory_space<vmem_shared>>
      %dma_wait3A_23 = arith.constant 0 : i32
      %dma_wait3A_24 = tpu.memref_slice %arg8[%mul3A_15, %dma_wait3A_23] : memref<4096x16xf32, #tpu.memory_space<vmem_shared>> -> memref<256x16xf32, #tpu.memory_space<vmem_shared>>
      tpu.wait_dma2 semaphore(%run_scoped3A_18 : memref<!tpu.dma_semaphore, #tpu.memory_space<semaphore_mem>>) src(%dma_wait3A_24 : memref<256x16xf32, #tpu.memory_space<vmem_shared>>) dst(%arg7 : memref<256x16xf32, #tpu.memory_space<vmem>>)
      tpu.yield
    }) : () -> ()
    %mul3A_16 = arith.constant 256 : i32
    %mul3A_17 = arith.muli %arg1, %mul3A_16 : i32
    "tpu.region"() ({
      %run_scoped3A_18 = tpu.sem_alloc : memref<!tpu.dma_semaphore, #tpu.memory_space<semaphore_mem>>
      %dma_start3A = arith.constant 0 : i32
      %dma_start3A_19 = tpu.memref_slice %arg4[%arg0, %mul3A_17, %dma_start3A] : memref<2x4096x16xf32, #tpu.memory_space<hbm>> -> memref<1x256x16xf32, #tpu.memory_space<hbm>>
      %dma_start3A_20 = tpu.memref_squeeze %dma_start3A_19 : memref<1x256x16xf32, #tpu.memory_space<hbm>> -> memref<256x16xf32, #tpu.memory_space<hbm>>
      %dma_start3A_21 = arith.constant 0 : i32
      %dma_start3A_22 = tpu.memref_slice %arg4[%arg0, %mul3A_17, %dma_start3A_21] : memref<2x4096x16xf32, #tpu.memory_space<hbm>> -> memref<1x256x16xf32, #tpu.memory_space<hbm>>
      %dma_start3A_23 = tpu.memref_squeeze %dma_start3A_22 : memref<1x256x16xf32, #tpu.memory_space<hbm>> -> memref<256x16xf32, #tpu.memory_space<hbm>>
      tpu.enqueue_dma source(%arg7 : memref<256x16xf32, #tpu.memory_space<vmem>>) target(%dma_start3A_23 : memref<256x16xf32, #tpu.memory_space<hbm>>) target_semaphore(%run_scoped3A_18 : memref<!tpu.dma_semaphore, #tpu.memory_space<semaphore_mem>>)
      %dma_wait3A = arith.constant 0 : i32
      %dma_wait3A_24 = tpu.memref_slice %arg4[%arg0, %mul3A_17, %dma_wait3A] : memref<2x4096x16xf32, #tpu.memory_space<hbm>> -> memref<1x256x16xf32, #tpu.memory_space<hbm>>
      %dma_wait3A_25 = tpu.memref_squeeze %dma_wait3A_24 : memref<1x256x16xf32, #tpu.memory_space<hbm>> -> memref<256x16xf32, #tpu.memory_space<hbm>>
      %dma_wait3A_26 = arith.constant 0 : i32
      %dma_wait3A_27 = tpu.memref_slice %arg4[%arg0, %mul3A_17, %dma_wait3A_26] : memref<2x4096x16xf32, #tpu.memory_space<hbm>> -> memref<1x256x16xf32, #tpu.memory_space<hbm>>
      %dma_wait3A_28 = tpu.memref_squeeze %dma_wait3A_27 : memref<1x256x16xf32, #tpu.memory_space<hbm>> -> memref<256x16xf32, #tpu.memory_space<hbm>>
      tpu.wait_dma2 semaphore(%run_scoped3A_18 : memref<!tpu.dma_semaphore, #tpu.memory_space<semaphore_mem>>) src(%arg7 : memref<256x16xf32, #tpu.memory_space<vmem>>) dst(%dma_wait3A_28 : memref<256x16xf32, #tpu.memory_space<hbm>>)
      tpu.yield
    }) : () -> ()
    return
  }
}

module attributes {stable_mosaic.version = 14 : i64} {
  func.func @_ll_tc(%arg0: i32, %arg1: memref<2048x128xf32, #tpu.memory_space<vmem>>, %arg2: memref<16x32xf32, #tpu.memory_space<vmem>>, %arg3: memref<2048x1xi32, #tpu.memory_space<vmem>>, %arg4: memref<2048x1xf32, #tpu.memory_space<vmem>>, %arg5: memref<2048x16xf32, #tpu.memory_space<vmem>>) attributes {dimension_semantics = [#tpu.dimension_semantics<arbitrary>], iteration_bounds = array<i64: 8>, scalar_prefetch = 0 : i64, scratch_operands = 0 : i64, tpu.core_type = #tpu.core_type<tc>, window_params = [{transform_indices = @transform_0, window_bounds = array<i64: 2048, 128>}, {pipeline_mode = #tpu.pipeline_mode<synchronous>, transform_indices = @transform_1, window_bounds = array<i64: 16, 32>}, {transform_indices = @transform_2, window_bounds = array<i64: 2048, 1>}, {transform_indices = @transform_3, window_bounds = array<i64: 2048, 1>}, {transform_indices = @transform_4, window_bounds = array<i64: 2048, 16>}]} {
    %get3A = arith.constant 0 : index
    %get3A_0 = arith.constant 0 : index
    %get3A_1 = vector.load %arg1[%get3A, %get3A_0] : memref<2048x128xf32, #tpu.memory_space<vmem>>, vector<2048x32xf32>
    %get3A_2 = arith.constant 0 : index
    %get3A_3 = arith.constant 0 : index
    %get3A_4 = vector.load %arg2[%get3A_2, %get3A_3] : memref<16x32xf32, #tpu.memory_space<vmem>>, vector<16x32xf32>
    %exp3A = math.exp %get3A_4 : vector<16x32xf32>
    %exp3A_5 = math.exp %exp3A : vector<16x32xf32>
    %exp3A_6 = math.exp %get3A_1 : vector<2048x32xf32>
    %dot_general3A = arith.constant dense<0.000000e+00> : vector<2048x16xf32>
    %dot_general3A_7 = tpu.matmul %exp3A_6, %exp3A_5, %dot_general3A {dimension_numbers = #tpu.dot_dimension_numbers<[1], [1], [0], [0], [0, 0, 1, 0], [], []>, transpose_lhs_hint = false} : vector<2048x32xf32>, vector<16x32xf32>, vector<2048x16xf32> -> vector<2048x16xf32>
    %get3A_8 = arith.constant 0 : index
    %get3A_9 = arith.constant 0 : index
    %get3A_10 = vector.load %arg3[%get3A_8, %get3A_9] : memref<2048x1xi32, #tpu.memory_space<vmem>>, vector<2048x1xi32>
    %iota3A = tpu.iota {dimensions = array<i32: 1>} : vector<2048x32xi32>
    %eq3A = vector.broadcast %get3A_10 : vector<2048x1xi32> to vector<2048x32xi32>
    %eq3A_11 = arith.cmpi eq, %eq3A, %iota3A : vector<2048x32xi32>
    %convert_element_type3A = arith.extui %eq3A_11 : vector<2048x32xi1> to vector<2048x32xi32>
    %convert_element_type3A_12 = arith.sitofp %convert_element_type3A : vector<2048x32xi32> to vector<2048x32xf32>
    %mul3A = arith.mulf %get3A_1, %convert_element_type3A_12 : vector<2048x32xf32>
    %reduce_sum3A = arith.constant dense<0.000000e+00> : vector<2048xf32>
    %reduce_sum3A_13 = vector.multi_reduction <add>, %mul3A, %reduce_sum3A [1] : vector<2048x32xf32> to vector<2048xf32>
    %broadcast_in_dim3A = vector.shape_cast %reduce_sum3A_13 : vector<2048xf32> to vector<2048x1xf32>
    %dot_general3A_14 = arith.constant dense<0.000000e+00> : vector<2048x16xf32>
    %dot_general3A_15 = tpu.matmul %convert_element_type3A_12, %exp3A, %dot_general3A_14 {dimension_numbers = #tpu.dot_dimension_numbers<[1], [1], [0], [0], [0, 0, 1, 0], [], []>, transpose_lhs_hint = false} : vector<2048x32xf32>, vector<16x32xf32>, vector<2048x16xf32> -> vector<2048x16xf32>
    %add3A = vector.broadcast %broadcast_in_dim3A : vector<2048x1xf32> to vector<2048x16xf32>
    %add3A_16 = arith.addf %dot_general3A_15, %add3A : vector<2048x16xf32>
    %log3A = math.log %dot_general3A_7 : vector<2048x16xf32>
    %sub3A = arith.subf %add3A_16, %log3A : vector<2048x16xf32>
    %get3A_17 = arith.constant 0 : index
    %get3A_18 = arith.constant 0 : index
    %get3A_19 = vector.load %arg4[%get3A_17, %get3A_18] : memref<2048x1xf32, #tpu.memory_space<vmem>>, vector<2048x1xf32>
    %mul3A_20 = vector.broadcast %get3A_19 : vector<2048x1xf32> to vector<2048x16xf32>
    %mul3A_21 = arith.mulf %sub3A, %mul3A_20 : vector<2048x16xf32>
    %swap3A = arith.constant 0 : index
    %swap3A_22 = arith.constant 0 : index
    %swap3A_23 = vector.load %arg5[%swap3A, %swap3A_22] : memref<2048x16xf32, #tpu.memory_space<vmem>>, vector<2048x16xf32>
    tpu.vector_store %arg5[%swap3A, %swap3A_22], %mul3A_21 {strides = array<i32>} : memref<2048x16xf32, #tpu.memory_space<vmem>>, vector<2048x16xf32>,
    return
  }
  func.func @transform_0(%arg0: i32) -> (i32, i32) {
    %c0_i32 = arith.constant 0 : i32
    %c0_i32_0 = arith.constant 0 : i32
    return %arg0, %c0_i32 : i32, i32
  }
  func.func @transform_1(%arg0: i32) -> (i32, i32) {
    %c0_i32 = arith.constant 0 : i32
    %c0_i32_0 = arith.constant 0 : i32
    %c0_i32_1 = arith.constant 0 : i32
    return %c0_i32, %c0_i32_0 : i32, i32
  }
  func.func @transform_2(%arg0: i32) -> (i32, i32) {
    %c0_i32 = arith.constant 0 : i32
    %c0_i32_0 = arith.constant 0 : i32
    return %arg0, %c0_i32 : i32, i32
  }
  func.func @transform_3(%arg0: i32) -> (i32, i32) {
    %c0_i32 = arith.constant 0 : i32
    %c0_i32_0 = arith.constant 0 : i32
    return %arg0, %c0_i32 : i32, i32
  }
  func.func @transform_4(%arg0: i32) -> (i32, i32) {
    %c0_i32 = arith.constant 0 : i32
    %c0_i32_0 = arith.constant 0 : i32
    return %arg0, %c0_i32 : i32, i32
  }
}

module attributes {stable_mosaic.version = 14 : i64} {
  func.func @_combine_tc(%arg0: memref<2x4096x16xf32, #tpu.memory_space<vmem>>, %arg1: memref<16x4096xf32, #tpu.memory_space<vmem>>) attributes {dimension_semantics = [], scalar_prefetch = 0 : i64, scratch_operands = 0 : i64, tpu.core_type = #tpu.core_type<tc>} {
    %get3A = arith.constant 0 : index
    %get3A_0 = arith.constant 0 : index
    %get3A_1 = arith.constant 0 : index
    %get3A_2 = vector.load %arg0[%get3A, %get3A_0, %get3A_1] : memref<2x4096x16xf32, #tpu.memory_space<vmem>>, vector<1x4096x16xf32>
    %get3A_3 = vector.shape_cast %get3A_2 : vector<1x4096x16xf32> to vector<4096x16xf32>
    %get3A_4 = arith.constant 1 : index
    %get3A_5 = arith.constant 0 : index
    %get3A_6 = arith.constant 0 : index
    %get3A_7 = vector.load %arg0[%get3A_4, %get3A_5, %get3A_6] : memref<2x4096x16xf32, #tpu.memory_space<vmem>>, vector<1x4096x16xf32>
    %get3A_8 = vector.shape_cast %get3A_7 : vector<1x4096x16xf32> to vector<4096x16xf32>
    %add3A = arith.addf %get3A_3, %get3A_8 : vector<4096x16xf32>
    %transpose3A = tpu.transpose %add3A, [1, 0] : vector<4096x16xf32> -> vector<16x4096xf32>
    %swap3A = arith.constant 0 : index
    %swap3A_9 = arith.constant 0 : index
    %swap3A_10 = vector.load %arg1[%swap3A, %swap3A_9] : memref<16x4096xf32, #tpu.memory_space<vmem>>, vector<16x4096xf32>
    tpu.vector_store %arg1[%swap3A, %swap3A_9], %transpose3A {strides = array<i32>} : memref<16x4096xf32, #tpu.memory_space<vmem>>, vector<16x4096xf32>,
    return
  }
}

</mosaic_0001>

<sc_bundles>
// kernel: kernel.6.cloned.1.call-start
scs
__scs_entry_jumppad:
0x0: {  	(pc) =	sbr.rel $0x88, $3  }
0x1: {  	(tag) =	ssettag $0x0;
	lr =	simm.s32 $0x1  }
0x2: {  	[smem:$0x3F9B] =	sst lr;
	_ =	strace $0xD0000000  }
0x3: {  	_ = 	snop  }
0x4: {  	_ = 	snop  }
0x5: {  	_ = 	snop  }
0x6: {  	_ = 	snop  }
0x7: {  	_ = 	snop  }
__scs_overlays_trampoline_lowered:
0x8: {  	[smem:$0x3FAA] =	sst s0  }
0x9: {  	[smem:$0x3FAB] =	sst s1  }
0xa: {  	[smem:$0x3FAC] =	sst s2  }
0xb: {  	[smem:$0x3FAD] =	sst s3  }
0xc: {  	[smem:$0x3FAE] =	sst s4  }
0xd: {  	[smem:$0x3FAF] =	sst s5  }
0xe: {  	[smem:$0x3FB0] =	sst s6  }
0xf: {  	[smem:$0x3FB1] =	sst s7  }
0x10: {  	[smem:$0x3FB2] =	sst s8  }
0x11: {  	[smem:$0x3FB3] =	sst s9;
	s0 =	simm.s32 @!p0 $0x0  }
0x12: {  	s1 =	sld [smem:$0x3F99];
	s0 =	simm.s32 @p0 $0x1  }
0x13: {  	[smem:$0x3FB4] =	sst s0;
	s0 =	simm.s32 @!p1 $0x0  }
0x14: {  	s2 =	sld [smem:$0x3F98];
	s0 =	simm.s32 @p1 $0x1  }
0x15: {  	[smem:$0x3FB5] =	sst s0;
	s0 =	simm.s32 @!p2 $0x0  }
0x16: {  	s3 =	sld [smem:$0x3FDB];
	s0 =	simm.s32 @p2 $0x1  }
0x17: {  	s4 =	simm.s32 $0x1BF5;
	[smem:$0x3FB7] =	sst s0  }
0x18: {  	s0 =	sld [smem:$0x3F9A];
	_ =	swait.ge [sflag:s4], $0x0  }
0x19: {  	s7 =	sld [smem:$0x3F9B]  }
0x1a: {  	s8 =	sadd.s32 $0xFFFFE003, lr  }
0x1b: {  	s9 =	sadd.s32 $0xFFFFFEF7, lr;
	s5 =	simm.s32 $0xFFFFFFFF;
	p2 =	slt.u32 s8, $0xFFFFF086  }
0x1c: {  	p1 =	slt.u32 s9, $0xF7A;
	s5 =	simm.s32 @!p2 $0x0  }
0x1d: {  	s5 =	simm.s32 @p1 $0x1;
	p0 =	seq.s32 s7, s2  }
0x1e: {  	s7 =	smul.u32 @!p0 $0xF7A, s2;
	p2 =	seq.s32 @!p0 s5, $0x0  }
0x1f: {  	s9 =	smul.u32 $0xF7A, s1;
	s8 =	simm.s32 @!p0 $0x1BF5;
	p2 =	por !p2, p0  }
0x20: {  	[sflag:s8] =	ssyncset.s32 @!p0 $0xFFFFF086;
	s6 =	sadd.s32 @!p0 s3, s7;
	s7 =	simm.s32 @!p0 $0x108  }
0x21: {  	s3 =	sadd.s32 s3, s9;
	s6 =	sadd.s32 @!p0 $0x88, s6;
	s7 =	simm.s32 @p2 $0x1082  }
0x22: {  	[simem:s7], [sflag:s8] =	dma.local @!p0 [hbm:s6], $0xF7A  }
0x23: {  	s9 =	sor.u32 $0xD0000000, s2;
	s6 =	simm.s32 $0x108;
	_ =	swait.ge @!p0 [sflag:s8], $0x0  }
0x24: {  	s3 =	sadd.s32 $0x88, s3;
	s6 =	simm.s32 @!p1 $0x1082;
	[sflag:s4] =	ssyncset.s32 $0xFFFFF086  }
0x25: {  	[simem:s6], [sflag:s4] =	dma.local [hbm:s3], $0xF7A  }
0x26: {  	[smem:$0x3F9B] =	sst s1;
	(tag) =	ssettag s2;
	_ =	strace s9  }
0x27: {  	s1 =	sld [smem:$0x3FAB]  }
0x28: {  	s2 =	sld [smem:$0x3FAC]  }
0x29: {  	s4 =	sld [smem:$0x3FAE]  }
0x2a: {  	p0 =	seq.s32 s5, $0x0;
	s5 =	sld [smem:$0x3FAF]  }
0x2b: {  	s6 =	sld [smem:$0x3FB0]  }
0x2c: {  	s7 =	sld [smem:$0x3FB1]  }
0x2d: {  	s3 =	simm.s32 $0x108;
	s8 =	sld [smem:$0x3FB2]  }
0x2e: {  	s3 =	simm.s32 @!p0 $0x1082;
	s9 =	sld [smem:$0x3FB3]  }
0x2f: {  	lr =	sadd.s32 s0, s3;
	s0 =	sld [smem:$0x3FAA]  }
0x30: {  	s3 =	sld [smem:$0x3FAD]  }
0x31: {  	[smem:$0x3FB6] =	sst s10  }
0x32: {  	s10 =	sld [smem:$0x3FB4];
	_ =	sdelay $0x3  }
0x33: {  	p0 =	seq.s32 s10, $0x1;
	s10 =	sld [smem:$0x3FB6];
	_ =	sdelay $0x3  }
0x34: {  	[smem:$0x3FB6] =	sst s10  }
0x35: {  	s10 =	sld [smem:$0x3FB5];
	_ =	sdelay $0x3  }
0x36: {  	p1 =	seq.s32 s10, $0x1;
	s10 =	sld [smem:$0x3FB6];
	_ =	sdelay $0x3  }
0x37: {  	[smem:$0x3FB6] =	sst s10  }
0x38: {  	s10 =	sld [smem:$0x3FB7]  }
0x39: {  	_ = 	snop;
	(pc) =	sbr.ind lr, $3  }
0x3a: {  	_ = 	snop  }
0x3b: {  	_ = 	snop  }
0x3c: {  	p2 =	seq.s32 s10, $0x1;
	s10 =	sld [smem:$0x3FB6]  }
0x3d: {  	_ =	shalt  }
0x3e: {  	_ =	shalt  }
0x3f: {  	_ =	shalt  }
0x40: {  	_ =	shalt  }
0x41: {  	_ =	shalt  }
0x42: {  	_ =	shalt  }
0x43: {  	_ =	shalt  }
0x44: {  	_ =	shalt  }
0x45: {  	_ =	shalt  }
0x46: {  	_ =	shalt  }
0x47: {  	_ =	shalt  }
0x48: {  	_ =	shalt  }
0x49: {  	_ =	shalt  }
0x4a: {  	_ =	shalt  }
0x4b: {  	_ =	shalt  }
0x4c: {  	_ =	shalt  }
0x4d: {  	_ =	shalt  }
0x4e: {  	_ =	shalt  }
0x4f: {  	_ =	shalt  }
0x50: {  	_ =	shalt  }
0x51: {  	_ =	shalt  }
0x52: {  	_ =	shalt  }
0x53: {  	_ =	shalt  }
0x54: {  	_ =	shalt  }
0x55: {  	_ =	shalt  }
0x56: {  	_ =	shalt  }
0x57: {  	_ =	shalt  }
0x58: {  	_ =	shalt  }
0x59: {  	_ =	shalt  }
0x5a: {  	_ =	shalt  }
0x5b: {  	_ =	shalt  }
0x5c: {  	_ =	shalt  }
0x5d: {  	_ =	shalt  }
0x5e: {  	_ =	shalt  }
0x5f: {  	_ =	shalt  }
0x60: {  	_ =	shalt  }
0x61: {  	_ =	shalt  }
0x62: {  	_ =	shalt  }
0x63: {  	_ =	shalt  }
0x64: {  	_ =	shalt  }
0x65: {  	_ =	shalt  }
0x66: {  	_ =	shalt  }
0x67: {  	_ =	shalt  }
0x68: {  	_ =	shalt  }
0x69: {  	_ =	shalt  }
0x6a: {  	_ =	shalt  }
0x6b: {  	_ =	shalt  }
0x6c: {  	_ =	shalt  }
0x6d: {  	_ =	shalt  }
0x6e: {  	_ =	shalt  }
0x6f: {  	_ =	shalt  }
0x70: {  	_ =	shalt  }
0x71: {  	_ =	shalt  }
0x72: {  	_ =	shalt  }
0x73: {  	_ =	shalt  }
0x74: {  	_ =	shalt  }
0x75: {  	_ =	shalt  }
0x76: {  	_ =	shalt  }
0x77: {  	_ =	shalt  }
0x78: {  	_ =	shalt  }
0x79: {  	_ =	shalt  }
0x7a: {  	_ =	shalt  }
0x7b: {  	_ =	shalt  }
0x7c: {  	_ =	shalt  }
0x7d: {  	_ =	shalt  }
0x7e: {  	_ =	shalt  }
0x7f: {  	_ =	shalt  }
0x80: {  	_ =	shalt  }
0x81: {  	_ =	shalt  }
0x82: {  	_ =	shalt  }
0x83: {  	_ =	shalt  }
0x84: {  	_ =	shalt  }
0x85: {  	_ =	shalt  }
0x86: {  	_ =	shalt  }
0x87: {  	_ =	shalt  }
.Lfunc_end0:
.L_simem_size_0:
called_computation_lowered:
.L_overlay_start_0:
0x88: {  	s2 =	sld [smem:$0x3FD9]  }
0x89: {  	s3 =	sld [smem:$0x3FFE];
	_ =	sdelay $0x1  }
0x8a: {  	s1 =	srdreg.scid  }
0x8b: {  	s0 =	sand.u32 $0x1, s1  }
0x8c: {  	s17 =	sshll.u32 s0, $0xA;
	s2 =	sadd.s32 s3, s2  }
0x8d: {  	s2 =	sadd.s32 s2, s17  }
0x8e: {  	[smem:$0x3FC2] =	sst s2  }
0x8f: {  	_ = 	snop  }
0x90: {  	s2 =	sld [smem:$0x3FC8]  }
0x91: {  	s18 =	sld [smem:$0x3FC5]  }
0x92: {  	s4 =	sld [smem:$0x3FD0];
	(tm) =	ssettm $0x1  }
0x93: {  	s5 =	sld [smem:$0x3FFB];
	_ =	sdelay $0x3  }
0x94: {  	_ =	strace s5  }
0x95: {  	s5 =	sld [smem:$0x3FFC];
	_ =	sdelay $0x3  }
0x96: {  	_ =	strace s5  }
0x97: {  	s5 =	sld [smem:$0x3FFD];
	_ =	sdelay $0x3  }
0x98: {  	_ =	strace s5  }
0x99: {  	_ =	strace $0x8FFFFFFF  }
0x9a: {  	s19 =	sld [smem:$0x3FDB];
	_ =	sdelay $0x1  }
0x9b: {  	s6 =	simm.s32 $_scs_section_size  }
0x9c: {  	s7 =	simm.s32 $_size__tile_overlayer_lowered;
	s8 =	simm.s32 $_tile_overlayer_lowered  }
0x9d: {  	s22 =	simm.s32 $0x1BFF;
	s21 =	sshll.u32 s8, $0x1;
	s5 =	sadd.s32 s6, s19  }
0x9e: {  	s9 =	simm.s32 $0x0;
	s20 =	sshll.u32 s7, $0x1;
	s7 =	sadd.s32 s21, s5  }
0x9f: {  	[timem:s9], [sflag:s22] =	dma.local [hbm:s7], s20  }
0xa0: {  	_ =	swait.ge [sflag:s22], s20  }
0xa1: {  	s6 =	ssub.s32 $0x0, s20;
	[sflag:s22] =	ssyncset.done $0x0  }
0xa2: {  	[sflag:s22] =	ssyncadd.s32 s6;
	_ =	sdelay $0x1  }
0xa3: {  	s23 =	simm.s32 $0x1B8B  }
0xa4: {  	_ =	swait.ge [sflag:s23], $0x1  }
0xa5: {  	[sflag:s23] =	ssyncset.done $0x0  }
0xa6: {  	s25 =	simm.s32 $0x1B8E;
	s24 =	sld [smem:$0x3FFE];
	[sflag:s23] =	ssyncadd.s32 $0xFFFFFFFF  }
0xa7: {  	s26 =	simm.s32 $execute0_lowered;
	[smem:$0x3FD2] =	sst s25  }
0xa8: {  	s7 =	sshll.u32 s26, $0x1;
	_ =	strace $0x80000046;
	[dreg:$0x1] =	wrdreg $0xFFFFFFFF  }
0xa9: {  	s28 =	simm.s32 $_size_execute0_lowered;
	s5 =	sadd.s32 s5, s7;
	[dreg:$0x0] =	wrdreg $0x0  }
0xaa: {  	s7 =	sshll.u32 s28, $0x1;
	[dreg:$0x2] =	wrdreg s5  }
0xab: {  	[dreg:$0x3] =	wrdreg s7  }
0xac: {  	[dreg:$0x4] =	wrdreg $0xC0  }
0xad: {  	_ =	task [dreg:s9], $0x5FFFF  }
0xae: {  	[dreg:$0x1] =	wrdreg $0xFFFFFFFF  }
0xaf: {  	[dreg:$0x0] =	wrdreg $0x60  }
0xb0: {  	[dreg:$0x2] =	wrdreg s2  }
0xb1: {  	[dreg:$0x3] =	wrdreg s18  }
0xb2: {  	[dreg:$0x4] =	wrdreg s4  }
0xb3: {  	[dreg:$0x5] =	wrdreg s24  }
0xb4: {  	[dreg:$0x6] =	wrdreg $0x9  }
0xb5: {  	_ =	task.clear_ibuf [dreg:s9], $0x7FFFF;
	_ =	strace $0x90000046  }
0xb6: {  	s29 =	simm.s32 $0x9;
	_ =	strace $0x80000048  }
0xb7: {  	_ =	swait.ge [sflag:s29], $0x1  }
0xb8: {  	[sflag:s29] =	ssyncadd.s32 $0xFFFFFFFF  }
0xb9: {  	_ =	strace $0x90000048  }
0xba: {  	_ =	sfence  }
0xbb: {  	s30 =	sld [smem:$0x0];
	_ =	sdelay $0x2  }
0xbc: {  	s31 =	sshll.u32 s1, $0xD;
	s1 =	sshrl.u32 s1, $0x2  }
0xbd: {  	s3 =	sand.u32 $0x4000, s31;
	s1 =	sadd.s32 s1, s30  }
0xbe: {  	s0 =	sor.u32 s3, s0;
	s1 =	sshll.u32 s1, $0x11  }
0xbf: {  	s0 =	sor.u32 s1, s0  }
0xc0: {  	s0 =	sadd.s32 $0x8F2B, s0  }
0xc1: {  	[sflag:s0] =	ssyncadd.remote.s32 $0x1  }
0xc2: {  	_ =	sfence.sel $0xFFFF  }
0xc3: {  	[dreg:$0x0] =	wrdreg $0xFFFFFFFF;
	(pc) =	sbr.abs _section_cstart, $3  }
0xc4: {  	[dreg:$0x1] =	wrdreg $0xFFFFFFFF  }
0xc5: {  	_ =	task.clear_ibuf [dreg:s9], $0x2FFFF;
	_ =	strace $0x9FFFFFFF  }
0xc6: {  	(tm) =	ssettm $0x7FFFFFFF  }
0xc7: {  	_ =	shalt  }
tec
execute0_lowered:
.L_overlay_start_1:
0x0: {  	(tag) =	ssettag $0x1  }
0x1: {  	s1 =	rddreg [dreg:$0x0]  }
0x2: {  	s0 =	srdreg.scid;
	s3 =	stileid.u32  }
0x3: {  	s2 =	rddreg [dreg:$0x3];
	s5 =	simm.s32 $0x0;
	s14 =	simm.s32 $0x3  }
0x4: {  	s15 =	simm.s32 $0x14000;
	s16 =	simm.s32 $0x2000;
	s17 =	simm.s32 $0x7A1400  }
0x5: {  	s18 =	simm.s32 $0x4000;
	s19 =	simm.s32 $0xC000;
	s20 =	simm.s32 $0x14800  }
0x6: {  	s21 =	simm.s32 $0x16400;
	s22 =	simm.s32 $0x1;
	s23 =	simm.s32 $0x18480  }
0x7: {  	s28 =	simm.s32 $0x18000;
	s0 =	sand.u32 $0x1, s0;
	s3 =	sshll.u32 s3, $0x1  }
0x8: {  	s29 =	simm.s32 $0x18200;
	s30 =	simm.s32 $0x0;
	s3 =	sor.u32 s0, s3  }
0x9: {  	[smem:$0x7FF] =	sst s5;
	s0 =	ssub.s32 $0x2, s0;
	s6 =	smul.u32 $0x7C00, s3  }
0xa: {  	s7 =	sadd.s32 $0xE00, s2;
	s24 =	sshrl.u32 s0, $0x1;
	s3 =	smul.u32 $0x30, s3  }
0xb: {  	_ =	strace $0x80000047;
	s0 =	ssub.s32 s0, s24;
	s8 =	sadd.s32 $0x400, s6  }
0xc: {  	s25 =	sadd.s32 s1, s6;
	s31 =	sadd.s32 $0x7BFF, s6;
	s4 =	sor.u32 $0x4000, s3  }
0xd: {  	v0 =	vlaneseq.u32;
	s9 =	sadd.s32 $0x4010, s3;
	s10 =	sadd.s32 $0x4020, s3;
	s3 =	sadd.s32 $0x4030, s3  }
0xe: {  	v9 =	vimm.s32 $0x20000000;
	v10 =	vimm.s32 $0x0;
	v11 =	vimm.s32 $0xF;
	s13 =	smin.u32 s6, $0xEC600;
	s11 =	sadd.s32 $0x800, s6;
	s12 =	sadd.s32 $0xC00, s6  }
0xf: {  	v12 =	vmul.u32 $0x80, v0;
	v1 =	vmov s6;
	[dreg:$0x5] =	wrdreg s25;
	s26 =	sadd.s32 s1, s8;
	s24 =	sadd.s32 $0x7800, s13;
	v2 =	vmov s31  }
0x10: {  	s25 =	sadd.s32 $0x7BFF, s13;
	s13 =	smax.u32 s0, $0x1;
	v3 =	vor.u32 s4, v0;
	v4 =	vor.u32 s9, v0;
	v5 =	vor.u32 s10, v0;
	[dreg:$0x6] =	wrdreg s26  }
0x11: {  	v6 =	vor.u32 s3, v0;
	v7 =	vmov s24;
	v8 =	vmov s25;
	s24 =	simm.s32 $0x30;
	s25 =	simm.s32 $0x18400;
	s26 =	simm.s32 $0x2  }
.LBB2_1:
0x12: {  	s0 =	rddreg [dreg:$0x1]  }
0x13: {  	[tilespmem:s5], [sflag:$0x3] =	stream.linear.gather [hbm4b:s0+s5], $0x4000, $0x38;
	[tilespmem:$0x19C80] =	vst v63  }
0x14: {  	_ =	swait.ge [sflag:s14], $0x4000  }
0x15: {  	[sflag:s14] =	ssyncset.done $0x0  }
0x16: {  	[sflag:s14] =	ssyncadd.s32 $0xFFFFC000  }
0x17: {  	s9 =	rddreg [dreg:$0x2]  }
0x18: {  	[tilespmem:s15], [sflag:$0x3] =	stream.linear.gather [hbm4b:s9+s5], $0x800, $0x38;
	[tilespmem:$0x19C80] =	vst v63  }
0x19: {  	_ =	swait.ge [sflag:s14], $0x800  }
0x1a: {  	[sflag:s14] =	ssyncset.done $0x0  }
0x1b: {  	s10 =	rddreg [dreg:$0x5];
	[sflag:s14] =	ssyncadd.s32 $0xFFFFF800  }
0x1c: {  	[tilespmem:s18], [sflag:$0x1] =	stream.strided.gather [hbm4b:s10+s16], $0x8000, s17, s16, $0x38;
	[tilespmem:$0x19C80] =	vst v63  }
0x1d: {  	s31 =	rddreg [dreg:$0x6]  }
0x1e: {  	[tilespmem:s19], [sflag:$0x2] =	stream.strided.gather [hbm4b:s31+s16], $0x8000, s17, s16, $0x38;
	[tilespmem:$0x19C80] =	vst v63  }
0x1f: {  	[tilespmem:$0x14800] =	vst v9  }
0x20: {  	[tilespmem:$0x14880] =	vst v9  }
0x21: {  	[tilespmem:$0x14900] =	vst v9  }
0x22: {  	[tilespmem:$0x14980] =	vst v9  }
0x23: {  	[tilespmem:$0x14A00] =	vst v9  }
0x24: {  	[tilespmem:$0x14A80] =	vst v9  }
0x25: {  	[tilespmem:$0x14B00] =	vst v9  }
0x26: {  	[tilespmem:$0x14B80] =	vst v9  }
0x27: {  	[tilespmem:$0x14C00] =	vst v9  }
0x28: {  	[tilespmem:$0x14C80] =	vst v9  }
0x29: {  	[tilespmem:$0x14D00] =	vst v9  }
0x2a: {  	[tilespmem:$0x14D80] =	vst v9  }
0x2b: {  	[tilespmem:$0x14E00] =	vst v9  }
0x2c: {  	[tilespmem:$0x14E80] =	vst v9  }
0x2d: {  	[tilespmem:$0x14F00] =	vst v9  }
0x2e: {  	[tilespmem:$0x14F80] =	vst v9  }
0x2f: {  	[tilespmem:$0x15000] =	vst v9  }
0x30: {  	[tilespmem:$0x15080] =	vst v9  }
0x31: {  	[tilespmem:$0x15100] =	vst v9  }
0x32: {  	[tilespmem:$0x15180] =	vst v9  }
0x33: {  	[tilespmem:$0x15200] =	vst v9  }
0x34: {  	[tilespmem:$0x15280] =	vst v9  }
0x35: {  	[tilespmem:$0x15300] =	vst v9  }
0x36: {  	[tilespmem:$0x15380] =	vst v9  }
0x37: {  	[tilespmem:$0x15400] =	vst v9  }
0x38: {  	[tilespmem:$0x15480] =	vst v9  }
0x39: {  	[tilespmem:$0x15500] =	vst v9  }
0x3a: {  	[tilespmem:$0x15580] =	vst v9  }
0x3b: {  	[tilespmem:$0x15600] =	vst v9  }
0x3c: {  	[tilespmem:$0x15680] =	vst v9  }
0x3d: {  	[tilespmem:$0x15700] =	vst v9  }
0x3e: {  	[tilespmem:$0x15780] =	vst v9  }
0x3f: {  	[tilespmem:$0x15800] =	vst v9  }
0x40: {  	[tilespmem:$0x15880] =	vst v9  }
0x41: {  	[tilespmem:$0x15900] =	vst v9  }
0x42: {  	[tilespmem:$0x15980] =	vst v9  }
0x43: {  	[tilespmem:$0x15A00] =	vst v9  }
0x44: {  	[tilespmem:$0x15A80] =	vst v9  }
0x45: {  	[tilespmem:$0x15B00] =	vst v9  }
0x46: {  	[tilespmem:$0x15B80] =	vst v9  }
0x47: {  	[tilespmem:$0x15C00] =	vst v9  }
0x48: {  	[tilespmem:$0x15C80] =	vst v9  }
0x49: {  	[tilespmem:$0x15D00] =	vst v9  }
0x4a: {  	[tilespmem:$0x15D80] =	vst v9  }
0x4b: {  	[tilespmem:$0x15E00] =	vst v9  }
0x4c: {  	[tilespmem:$0x15E80] =	vst v9  }
0x4d: {  	[tilespmem:$0x15F00] =	vst v9  }
0x4e: {  	[tilespmem:$0x15F80] =	vst v9  }
0x4f: {  	[tilespmem:$0x16000] =	vst v9  }
0x50: {  	v13 =	vld [tilespmem:s5+$0x0]  }
0x51: {  	s2 =	simm.s32 $0x10;
	v14 =	vimm.s32 $0x0;
	s3 =	simm.s32 $0x0;
	s0 =	simm.s32 $0x0  }
.LBB2_2:
0x52: {  	p0 =	sne.s32 s2, $0x3FF0;
	_ =	sdelay $0x2  }
0x53: {  	v15 =	vsub.s32 v13, v1;
	v16 =	vsub.s32 v2, v13  }
0x54: {  	v15 =	vor.u32 v16, v15  }
0x55: {  	vm0 =	vgt.s32 v15, $0xFFFFFFFF  }
0x56: {  	v15 =	vsel vm0, $0x1, v10  }
0x57: {  	(xrf0) =	vadd.scan.msk.s32 $0xffff, v15;
	_ =	sdelay $0x5  }
0x58: {  	v15, _, _ =	vpop (xrf0)  }
0x59: {  	v16 =	vadd.s32 v15, v14;
	v15 =	vperm.xlane v15, v11  }
0x5a: {  	v16 =	vadd.s32 $0xFFFFFFFF, v16  }
0x5b: {  	v16 =	vnsel vm0, $0x300, v16;
	v14 =	vadd.s32 v14, v15  }
0x5c: {  	v15 =	vshll.u32 v16, $0x3;
	vm0 =	vlt.s32 v14, $0x2F0  }
0x5d: {  	v16 =	vand.u32 $0xF, v16;
	v15 =	vand.u32 $0xFFFFFF80, v15;
	v14 =	vnsel vm0, $0x2F0, v14  }
0x5e: {  	v15 =	vor.u32 v16, v15;
	_ =	sdelay $0x3  }
.Ltmp0:
0x5f: {  	(pc) =	sbr.rel @p0 .LBB2_2-.Ltmp0, $4  }
0x60: {  	[tilespmem:v15+s20+$0x0] =	vst.idx.msk $0xffff, v13;
	v13 =	vor.u32 s0, v0;
	s0 =	smov.u32 s2  }
0x61: {  	s3 =	sadd.s32 $0x10, s3;
	[tilespmem:v15+s21+$0x0] =	vst.idx.msk $0xffff, v13  }
0x62: {  	v13 =	vld [tilespmem:s3+$0x0]  }
0x63: {  	s2 =	sadd.s32 $0x10, s2  }
0x64: {  	_ =	sdelay $0x2  }
0x65: {  	v15 =	vsub.s32 v13, v1;
	v16 =	vsub.s32 v2, v13  }
0x66: {  	v15 =	vor.u32 v16, v15  }
0x67: {  	vm0 =	vgt.s32 v15, $0xFFFFFFFF  }
0x68: {  	v15 =	vsel vm0, $0x1, v10  }
0x69: {  	(xrf0) =	vadd.scan.msk.s32 $0xffff, v15;
	_ =	sdelay $0x5  }
0x6a: {  	v15, _, _ =	vpop (xrf0)  }
0x6b: {  	v63 =	vperm.xlane v15, v11;
	_ =	sdelay $0x1  }
0x6c: {  	v16 =	vadd.s32 v14, v63  }
0x6d: {  	vm1 =	vlt.s32 v16, $0x2F0  }
0x6e: {  	v16 =	vnsel vm1, $0x2F0, v16  }
0x6f: {  	v16 =	vxor.u32 $0x80000000, v16  }
0x70: {  	(xrf0) =	vmax.scan.msk.u32 $0xffff, v16;
	_ =	sdelay $0x5  }
0x71: {  	v16, _, _ =	vpop (xrf0)  }
0x72: {  	(v2sf) =	vpush v16, $0xF;
	_ =	sdelay $0x6  }
0x73: {  	v14 =	vadd.s32 v15, v14  }
0x74: {  	v14 =	vadd.s32 $0xFFFFFFFF, v14  }
0x75: {  	v14 =	vnsel vm0, $0x300, v14  }
0x76: {  	v15 =	vshll.u32 v14, $0x3  }
0x77: {  	v14 =	vand.u32 $0xF, v14;
	v15 =	vand.u32 $0xFFFFFF80, v15  }
0x78: {  	v14 =	vor.u32 v14, v15;
	_ =	sdelay $0x2  }
0x79: {  	s2 =	spop (v2sf)  }
0x7a: {  	s2 =	sadd.s32 $0x8000001F, s2  }
0x7b: {  	[tilespmem:v14+s20+$0x0] =	vst.idx.msk $0xffff, v13;
	v13 =	vor.u32 s0, v0;
	s31 =	sshrl.u32 s2, $0x4  }
0x7c: {  	s3 =	simm.s32 $0x0;
	[tilespmem:v14+s21+$0x0] =	vst.idx.msk $0xffff, v13;
	p0 =	seq.s32 s31, $0x0  }
.LBB2_4:
0x7d: {  	_ =	swait.ge [sflag:s22], $0x8000  }
0x7e: {  	[sflag:s22] =	ssyncset.done $0x0  }
0x7f: {  	[sflag:s22] =	ssyncadd.s32 $0xFFFF8000  }
0x80: {  	[tilespmem:$0x18200] =	vst v3  }
0x81: {  	[tilespmem:$0x18000] =	vst v10  }
0x82: {  	[tilespmem:$0x18280] =	vst v4  }
.Ltmp1:
0x83: {  	[tilespmem:$0x18080] =	vst v10;
	(pc) =	sbr.rel @p0 .LBB2_11-.Ltmp1, $4  }
0x84: {  	[tilespmem:$0x18300] =	vst v5  }
0x85: {  	[tilespmem:$0x18100] =	vst v10  }
0x86: {  	[tilespmem:$0x18380] =	vst v6  }
0x87: {  	s0 =	sshll.u32 s3, $0xB;
	[tilespmem:$0x18180] =	vst v10  }
0x88: {  	p2 =	sne.s32 s31, $0x1  }
.Ltmp2:
0x89: {  	_ = 	snop;
	(pc) =	sbr.rel @!p2 .LBB2_6-.Ltmp2, $4  }
0x8a: {  	s2 =	sadd.s32 s6, s0  }
0x8b: {  	s2 =	smin.u32 s2, $0xF3E00  }
0x8c: {  	s9 =	simm.s32 $0x14800;
	s4 =	sadd.s32 $0x3FF, s2  }
0x8d: {  	v15 =	vimm.s32 $0x0;
	p1 =	por $0x0, $0x0;
	v16 =	vld [tilespmem:s9+$0x0];
	v13 =	vmov s2;
	s2 =	simm.s32 $0x16400;
	v14 =	vmov s4;
	s4 =	sadd.s32 $0xFFFFFFFF, s31  }
0x8e: {  	_ =	sdelay $0x3  }
0x8f: {  	v17 =	vsub.s32 v16, v13;
	v16 =	vsub.s32 v14, v16  }
0x90: {  	v16 =	vor.u32 v16, v17  }
0x91: {  	vm0 =	vgt.s32 v16, $0xFFFFFFFF  }
0x92: {  	v16 =	vsel vm0, $0x1, v10  }
0x93: {  	(xrf0) =	vadd.scan.msk.s32 $0xffff, v16;
	_ =	sdelay $0x5  }
0x94: {  	v16, _, _ =	vpop (xrf0)  }
0x95: {  	v18 =	vadd.s32 v16, v15  }
0x96: {  	v18 =	vadd.s32 $0xFFFFFFFF, v18  }
0x97: {  	v18 =	vnsel vm0, $0x30, v18  }
0x98: {  	v19 =	vshll.u32 v18, $0x3  }
0x99: {  	v18 =	vand.u32 $0xF, v18;
	v19 =	vand.u32 $0xFFFFFF80, v19  }
0x9a: {  	v18 =	vor.u32 v18, v19;
	_ =	sdelay $0x3  }
0x9b: {  	v17 =	vnsel vm0, $0x0, v17  }
0x9c: {  	[tilespmem:v18+s28+$0x0] =	vst.idx.msk $0xffff, v17  }
0x9d: {  	v17 =	vld [tilespmem:s2+$0x0]  }
0x9e: {  	p2 =	sne.s32 s4, $0x1  }
.Ltmp3:
0x9f: {  	v16 =	vperm.xlane v16, v11;
	(pc) =	sbr.rel @!p2 .LBB2_8-.Ltmp3, $4  }
0xa0: {  	_ = 	snop  }
0xa1: {  	v15 =	vadd.s32 v15, v16  }
0xa2: {  	s9 =	simm.s32 $0x14880;
	vm15 =	vlt.s32 v15, $0x20;
	[tilespmem:v18+s29+$0x0] =	vst.idx.msk $0xffff, v17  }
0xa3: {  	s10 =	sadd.s32 $0xFFFFFFFF, s4;
	p1 =	por $0x1, $0x1;
	s4 =	simm.s32 $0x16400;
	v15 =	vnsel vm15, $0x20, v15;
	v16 =	vld [tilespmem:s9+$0x0]  }
.LBB2_9:
0xa4: {  	p2 =	sne.s32 s10, $0x1;
	_ =	sdelay $0x3  }
0xa5: {  	v17 =	vsub.s32 v16, v13;
	v16 =	vsub.s32 v14, v16  }
0xa6: {  	v16 =	vor.u32 v16, v17  }
0xa7: {  	vm0 =	vgt.s32 v16, $0xFFFFFFFF  }
0xa8: {  	v16 =	vsel vm0, $0x1, v10;
	v17 =	vnsel vm0, $0x0, v17  }
0xa9: {  	(xrf0) =	vadd.scan.msk.s32 $0xffff, v16;
	_ =	sdelay $0x5  }
0xaa: {  	v16, _, _ =	vpop (xrf0)  }
0xab: {  	v18 =	vadd.s32 v16, v15;
	v16 =	vperm.xlane v16, v11  }
0xac: {  	v18 =	vadd.s32 $0xFFFFFFFF, v18  }
0xad: {  	v18 =	vnsel vm0, $0x30, v18;
	v15 =	vadd.s32 v15, v16  }
0xae: {  	v16 =	vshll.u32 v18, $0x3;
	vm0 =	vlt.s32 v15, $0x20  }
0xaf: {  	v18 =	vand.u32 $0xF, v18;
	v16 =	vand.u32 $0xFFFFFF80, v16;
	v15 =	vnsel vm0, $0x20, v15  }
0xb0: {  	v16 =	vor.u32 v18, v16;
	_ =	sdelay $0x4  }
0xb1: {  	s4 =	sadd.s32 $0x80, s4;
	[tilespmem:v16+s28+$0x0] =	vst.idx.msk $0xffff, v17  }
0xb2: {  	v17 =	vld [tilespmem:s4+$0x0];
	_ =	sdelay $0x1  }
.Ltmp4:
0xb3: {  	(pc) =	sbr.rel @p2 .LBB2_9-.Ltmp4, $3  }
0xb4: {  	_ =	sdelay $0x1  }
0xb5: {  	s9 =	sadd.s32 $0x80, s9;
	[tilespmem:v16+s29+$0x0] =	vst.idx.msk $0xffff, v17  }
0xb6: {  	s10 =	sadd.s32 $0xFFFFFFFF, s10;
	v16 =	vld [tilespmem:s9+$0x0]  }
.LBB2_10:
0xb7: {  	_ =	sdelay $0x3  }
0xb8: {  	v13 =	vsub.s32 v16, v13;
	v14 =	vsub.s32 v14, v16  }
0xb9: {  	v14 =	vor.u32 v14, v13  }
0xba: {  	vm0 =	vgt.s32 v14, $0xFFFFFFFF  }
0xbb: {  	v14 =	vsel vm0, $0x1, v10  }
0xbc: {  	(xrf0) =	vadd.scan.msk.s32 $0xffff, v14;
	_ =	sdelay $0x5  }
0xbd: {  	v14, _, _ =	vpop (xrf0)  }
0xbe: {  	v14 =	vadd.s32 v14, v15  }
0xbf: {  	v14 =	vadd.s32 $0xFFFFFFFF, v14  }
0xc0: {  	v14 =	vnsel vm0, $0x30, v14  }
0xc1: {  	v15 =	vshll.u32 v14, $0x3  }
0xc2: {  	v14 =	vand.u32 $0xF, v14;
	v15 =	vand.u32 $0xFFFFFF80, v15  }
0xc3: {  	v14 =	vor.u32 v14, v15;
	_ =	sdelay $0x3  }
0xc4: {  	s4 =	sadd.s32 @p1 $0x80, s4;
	v13 =	vnsel vm0, $0x0, v13  }
0xc5: {  	s2 =	smov.u32 @p1 s4;
	[tilespmem:v14+s28+$0x0] =	vst.idx.msk $0xffff, v13  }
0xc6: {  	v13 =	vld [tilespmem:s2+$0x0];
	_ =	sdelay $0x4  }
0xc7: {  	[tilespmem:v14+s29+$0x0] =	vst.idx.msk $0xffff, v13  }
.LBB2_11:
0xc8: {  	s2 =	simm.s32 $0x18000  }
0xc9: {  	v13 =	vld [tilespmem:s2+$0x0];
	_ =	sdelay $0x4  }
0xca: {  	v14 =	vshll.u32 v13, $0x3  }
0xcb: {  	v13 =	vand.u32 $0x7F, v13;
	v14 =	vand.u32 $0xFFFFFC00, v14  }
0xcc: {  	v13 =	vor.u32 v13, v14;
	_ =	sdelay $0x1  }
0xcd: {  	s4 =	simm.s32 $0x0  }
0xce: {  	v14 =	vmov s4  }
0xcf: {  	v14 =	vshll.u32 v14, $0x7  }
0xd0: {  	v14 =	vor.u32 v12, v14;
	v15 =	vld.idx.msk [tilespmem:v13+s18+$0x0], $0xffff  }
0xd1: {  	v16 =	vor.u32 $0x80, v13;
	_ =	sdelay $0x3  }
0xd2: {  	[tilespmem:v14+s23+$0x0] =	vst.idx.msk $0xffff, v15  }
0xd3: {  	v50 =	vor.u32 $0x1, v14;
	v15 =	vld.idx.msk [tilespmem:v16+s18+$0x0], $0xffff  }
0xd4: {  	v17 =	vor.u32 $0x100, v13;
	_ =	sdelay $0x3  }
0xd5: {  	[tilespmem:v50+s23+$0x0] =	vst.idx.msk $0xffff, v15  }
0xd6: {  	v51 =	vor.u32 $0x2, v14;
	v15 =	vld.idx.msk [tilespmem:v17+s18+$0x0], $0xffff  }
0xd7: {  	v52 =	vor.u32 $0x180, v13;
	_ =	sdelay $0x3  }
0xd8: {  	[tilespmem:v51+s23+$0x0] =	vst.idx.msk $0xffff, v15  }
0xd9: {  	v53 =	vor.u32 $0x3, v14;
	v15 =	vld.idx.msk [tilespmem:v52+s18+$0x0], $0xffff  }
0xda: {  	v54 =	vor.u32 $0x200, v13;
	_ =	sdelay $0x3  }
0xdb: {  	[tilespmem:v53+s23+$0x0] =	vst.idx.msk $0xffff, v15  }
0xdc: {  	v55 =	vor.u32 $0x4, v14;
	v15 =	vld.idx.msk [tilespmem:v54+s18+$0x0], $0xffff  }
0xdd: {  	v56 =	vor.u32 $0x280, v13;
	_ =	sdelay $0x3  }
0xde: {  	[tilespmem:v55+s23+$0x0] =	vst.idx.msk $0xffff, v15  }
0xdf: {  	v57 =	vor.u32 $0x5, v14;
	v15 =	vld.idx.msk [tilespmem:v56+s18+$0x0], $0xffff  }
0xe0: {  	v58 =	vor.u32 $0x300, v13;
	_ =	sdelay $0x3  }
0xe1: {  	[tilespmem:v57+s23+$0x0] =	vst.idx.msk $0xffff, v15  }
0xe2: {  	v59 =	vor.u32 $0x6, v14;
	v15 =	vld.idx.msk [tilespmem:v58+s18+$0x0], $0xffff  }
0xe3: {  	v60 =	vor.u32 $0x380, v13;
	_ =	sdelay $0x3  }
0xe4: {  	[tilespmem:v59+s23+$0x0] =	vst.idx.msk $0xffff, v15  }
0xe5: {  	v61 =	vor.u32 $0x7, v14;
	v15 =	vld.idx.msk [tilespmem:v60+s18+$0x0], $0xffff  }
0xe6: {  	v62 =	vadd.s32 $0x2000, v13;
	_ =	sdelay $0x3  }
0xe7: {  	[tilespmem:v61+s23+$0x0] =	vst.idx.msk $0xffff, v15  }
0xe8: {  	v63 =	vor.u32 $0x8, v14;
	v15 =	vld.idx.msk [tilespmem:v62+s18+$0x0], $0xffff  }
0xe9: {  	v20 =	vadd.s32 $0x2080, v13;
	_ =	sdelay $0x3  }
0xea: {  	[tilespmem:v63+s23+$0x0] =	vst.idx.msk $0xffff, v15  }
0xeb: {  	v21 =	vor.u32 $0x9, v14;
	v15 =	vld.idx.msk [tilespmem:v20+s18+$0x0], $0xffff  }
0xec: {  	v22 =	vadd.s32 $0x2100, v13;
	_ =	sdelay $0x3  }
0xed: {  	[tilespmem:v21+s23+$0x0] =	vst.idx.msk $0xffff, v15  }
0xee: {  	v23 =	vor.u32 $0xA, v14;
	v15 =	vld.idx.msk [tilespmem:v22+s18+$0x0], $0xffff  }
0xef: {  	v24 =	vadd.s32 $0x2180, v13;
	_ =	sdelay $0x3  }
0xf0: {  	[tilespmem:v23+s23+$0x0] =	vst.idx.msk $0xffff, v15  }
0xf1: {  	v25 =	vor.u32 $0xB, v14;
	v15 =	vld.idx.msk [tilespmem:v24+s18+$0x0], $0xffff  }
0xf2: {  	v26 =	vadd.s32 $0x2200, v13;
	_ =	sdelay $0x3  }
0xf3: {  	[tilespmem:v25+s23+$0x0] =	vst.idx.msk $0xffff, v15  }
0xf4: {  	v27 =	vor.u32 $0xC, v14;
	v15 =	vld.idx.msk [tilespmem:v26+s18+$0x0], $0xffff  }
0xf5: {  	v28 =	vadd.s32 $0x2280, v13;
	_ =	sdelay $0x3  }
0xf6: {  	[tilespmem:v27+s23+$0x0] =	vst.idx.msk $0xffff, v15  }
0xf7: {  	v29 =	vor.u32 $0xD, v14;
	v15 =	vld.idx.msk [tilespmem:v28+s18+$0x0], $0xffff  }
0xf8: {  	v30 =	vadd.s32 $0x2300, v13;
	_ =	sdelay $0x3  }
0xf9: {  	[tilespmem:v29+s23+$0x0] =	vst.idx.msk $0xffff, v15  }
0xfa: {  	v31 =	vor.u32 $0xE, v14;
	v15 =	vld.idx.msk [tilespmem:v30+s18+$0x0], $0xffff  }
0xfb: {  	v32 =	vadd.s32 $0x2380, v13;
	_ =	sdelay $0x3  }
0xfc: {  	[tilespmem:v31+s23+$0x0] =	vst.idx.msk $0xffff, v15  }
0xfd: {  	v33 =	vor.u32 $0xF, v14;
	v15 =	vld.idx.msk [tilespmem:v32+s18+$0x0], $0xffff  }
0xfe: {  	v34 =	vadd.s32 $0x4000, v13;
	_ =	sdelay $0x3  }
0xff: {  	[tilespmem:v33+s23+$0x0] =	vst.idx.msk $0xffff, v15  }
0x100: {  	v35 =	vor.u32 $0x10, v14;
	v15 =	vld.idx.msk [tilespmem:v34+s18+$0x0], $0xffff  }
0x101: {  	v36 =	vadd.s32 $0x4080, v13;
	_ =	sdelay $0x3  }
0x102: {  	[tilespmem:v35+s23+$0x0] =	vst.idx.msk $0xffff, v15  }
0x103: {  	v37 =	vor.u32 $0x11, v14;
	v15 =	vld.idx.msk [tilespmem:v36+s18+$0x0], $0xffff  }
0x104: {  	v38 =	vadd.s32 $0x4100, v13;
	_ =	sdelay $0x3  }
0x105: {  	[tilespmem:v37+s23+$0x0] =	vst.idx.msk $0xffff, v15  }
0x106: {  	v39 =	vor.u32 $0x12, v14;
	v15 =	vld.idx.msk [tilespmem:v38+s18+$0x0], $0xffff  }
0x107: {  	v40 =	vadd.s32 $0x4180, v13;
	_ =	sdelay $0x3  }
0x108: {  	[tilespmem:v39+s23+$0x0] =	vst.idx.msk $0xffff, v15  }
0x109: {  	v41 =	vor.u32 $0x13, v14;
	v15 =	vld.idx.msk [tilespmem:v40+s18+$0x0], $0xffff  }
0x10a: {  	v42 =	vadd.s32 $0x4200, v13;
	_ =	sdelay $0x3  }
0x10b: {  	[tilespmem:v41+s23+$0x0] =	vst.idx.msk $0xffff, v15  }
0x10c: {  	v43 =	vor.u32 $0x14, v14;
	v15 =	vld.idx.msk [tilespmem:v42+s18+$0x0], $0xffff  }
0x10d: {  	v44 =	vadd.s32 $0x4280, v13;
	_ =	sdelay $0x3  }
0x10e: {  	[tilespmem:v43+s23+$0x0] =	vst.idx.msk $0xffff, v15  }
0x10f: {  	v45 =	vor.u32 $0x15, v14;
	v15 =	vld.idx.msk [tilespmem:v44+s18+$0x0], $0xffff  }
0x110: {  	v46 =	vadd.s32 $0x4300, v13;
	_ =	sdelay $0x3  }
0x111: {  	[tilespmem:v45+s23+$0x0] =	vst.idx.msk $0xffff, v15  }
0x112: {  	v47 =	vor.u32 $0x16, v14;
	v15 =	vld.idx.msk [tilespmem:v46+s18+$0x0], $0xffff  }
0x113: {  	v48 =	vadd.s32 $0x4380, v13;
	_ =	sdelay $0x3  }
0x114: {  	[tilespmem:v47+s23+$0x0] =	vst.idx.msk $0xffff, v15  }
0x115: {  	v49 =	vor.u32 $0x17, v14;
	v15 =	vld.idx.msk [tilespmem:v48+s18+$0x0], $0xffff  }
0x116: {  	v50 =	vadd.s32 $0x6000, v13;
	_ =	sdelay $0x3  }
0x117: {  	[tilespmem:v49+s23+$0x0] =	vst.idx.msk $0xffff, v15  }
0x118: {  	v51 =	vor.u32 $0x18, v14;
	v15 =	vld.idx.msk [tilespmem:v50+s18+$0x0], $0xffff  }
0x119: {  	v52 =	vadd.s32 $0x6080, v13;
	_ =	sdelay $0x3  }
0x11a: {  	[tilespmem:v51+s23+$0x0] =	vst.idx.msk $0xffff, v15  }
0x11b: {  	v53 =	vor.u32 $0x19, v14;
	v15 =	vld.idx.msk [tilespmem:v52+s18+$0x0], $0xffff  }
0x11c: {  	v54 =	vadd.s32 $0x6100, v13;
	_ =	sdelay $0x3  }
0x11d: {  	[tilespmem:v53+s23+$0x0] =	vst.idx.msk $0xffff, v15  }
0x11e: {  	v55 =	vor.u32 $0x1A, v14;
	v15 =	vld.idx.msk [tilespmem:v54+s18+$0x0], $0xffff  }
0x11f: {  	v56 =	vadd.s32 $0x6180, v13;
	_ =	sdelay $0x3  }
0x120: {  	[tilespmem:v55+s23+$0x0] =	vst.idx.msk $0xffff, v15  }
0x121: {  	v57 =	vor.u32 $0x1B, v14;
	v15 =	vld.idx.msk [tilespmem:v56+s18+$0x0], $0xffff  }
0x122: {  	v58 =	vadd.s32 $0x6200, v13;
	_ =	sdelay $0x3  }
0x123: {  	[tilespmem:v57+s23+$0x0] =	vst.idx.msk $0xffff, v15  }
0x124: {  	v59 =	vor.u32 $0x1C, v14;
	v15 =	vld.idx.msk [tilespmem:v58+s18+$0x0], $0xffff  }
0x125: {  	v60 =	vadd.s32 $0x6280, v13;
	_ =	sdelay $0x3  }
0x126: {  	[tilespmem:v59+s23+$0x0] =	vst.idx.msk $0xffff, v15  }
0x127: {  	v61 =	vor.u32 $0x1D, v14;
	v15 =	vld.idx.msk [tilespmem:v60+s18+$0x0], $0xffff  }
0x128: {  	v62 =	vadd.s32 $0x6300, v13;
	_ =	sdelay $0x3  }
0x129: {  	[tilespmem:v61+s23+$0x0] =	vst.idx.msk $0xffff, v15  }
0x12a: {  	v63 =	vor.u32 $0x1E, v14;
	v15 =	vld.idx.msk [tilespmem:v62+s18+$0x0], $0xffff  }
0x12b: {  	v13 =	vadd.s32 $0x6380, v13;
	_ =	sdelay $0x3  }
0x12c: {  	[tilespmem:v63+s23+$0x0] =	vst.idx.msk $0xffff, v15  }
0x12d: {  	s4 =	simm.s32 $0x10;
	v14 =	vor.u32 $0x1F, v14;
	v13 =	vld.idx.msk [tilespmem:v13+s18+$0x0], $0xffff  }
.LBB2_12:
0x12e: {  	_ =	sdelay $0x2  }
0x12f: {  	p1 =	sne.s32 s4, $0x20  }
0x130: {  	s2 =	sadd.s32 $0x80, s2;
	s9 =	smov.u32 s4;
	s4 =	sadd.s32 $0x10, s4;
	[tilespmem:v14+s23+$0x0] =	vst.idx.msk $0xffff, v13  }
0x131: {  	v13 =	vld [tilespmem:s2+$0x0];
	_ =	sdelay $0x4  }
0x132: {  	v14 =	vshll.u32 v13, $0x3  }
0x133: {  	v13 =	vand.u32 $0x7F, v13;
	v14 =	vand.u32 $0xFFFFFC00, v14  }
0x134: {  	v13 =	vor.u32 v13, v14;
	_ =	sdelay $0x3  }
0x135: {  	v14 =	vmov s9  }
0x136: {  	v14 =	vshll.u32 v14, $0x7;
	v15 =	vld.idx.msk [tilespmem:v13+s18+$0x0], $0xffff  }
0x137: {  	v14 =	vor.u32 v12, v14  }
0x138: {  	v16 =	vor.u32 $0x80, v13;
	_ =	sdelay $0x3  }
0x139: {  	[tilespmem:v14+s23+$0x0] =	vst.idx.msk $0xffff, v15  }
0x13a: {  	v15 =	vld.idx.msk [tilespmem:v16+s18+$0x0], $0xffff  }
0x13b: {  	v16 =	vor.u32 $0x1, v14  }
0x13c: {  	v17 =	vor.u32 $0x100, v13;
	_ =	sdelay $0x3  }
0x13d: {  	[tilespmem:v16+s23+$0x0] =	vst.idx.msk $0xffff, v15  }
0x13e: {  	v15 =	vld.idx.msk [tilespmem:v17+s18+$0x0], $0xffff  }
0x13f: {  	v16 =	vor.u32 $0x2, v14  }
0x140: {  	v17 =	vor.u32 $0x180, v13;
	_ =	sdelay $0x3  }
0x141: {  	[tilespmem:v16+s23+$0x0] =	vst.idx.msk $0xffff, v15  }
0x142: {  	v15 =	vld.idx.msk [tilespmem:v17+s18+$0x0], $0xffff  }
0x143: {  	v16 =	vor.u32 $0x3, v14  }
0x144: {  	v17 =	vor.u32 $0x200, v13;
	_ =	sdelay $0x3  }
0x145: {  	[tilespmem:v16+s23+$0x0] =	vst.idx.msk $0xffff, v15  }
0x146: {  	v15 =	vld.idx.msk [tilespmem:v17+s18+$0x0], $0xffff  }
0x147: {  	v16 =	vor.u32 $0x4, v14  }
0x148: {  	v17 =	vor.u32 $0x280, v13;
	_ =	sdelay $0x3  }
0x149: {  	[tilespmem:v16+s23+$0x0] =	vst.idx.msk $0xffff, v15  }
0x14a: {  	v15 =	vld.idx.msk [tilespmem:v17+s18+$0x0], $0xffff  }
0x14b: {  	v16 =	vor.u32 $0x5, v14  }
0x14c: {  	v17 =	vor.u32 $0x300, v13;
	_ =	sdelay $0x3  }
0x14d: {  	[tilespmem:v16+s23+$0x0] =	vst.idx.msk $0xffff, v15  }
0x14e: {  	v15 =	vld.idx.msk [tilespmem:v17+s18+$0x0], $0xffff  }
0x14f: {  	v16 =	vor.u32 $0x6, v14  }
0x150: {  	v17 =	vor.u32 $0x380, v13;
	_ =	sdelay $0x3  }
0x151: {  	[tilespmem:v16+s23+$0x0] =	vst.idx.msk $0xffff, v15  }
0x152: {  	v15 =	vld.idx.msk [tilespmem:v17+s18+$0x0], $0xffff  }
0x153: {  	v16 =	vor.u32 $0x7, v14  }
0x154: {  	v17 =	vadd.s32 $0x2000, v13;
	_ =	sdelay $0x3  }
0x155: {  	[tilespmem:v16+s23+$0x0] =	vst.idx.msk $0xffff, v15  }
0x156: {  	v15 =	vld.idx.msk [tilespmem:v17+s18+$0x0], $0xffff  }
0x157: {  	v16 =	vor.u32 $0x8, v14  }
0x158: {  	v17 =	vadd.s32 $0x2080, v13;
	_ =	sdelay $0x3  }
0x159: {  	[tilespmem:v16+s23+$0x0] =	vst.idx.msk $0xffff, v15  }
0x15a: {  	v15 =	vld.idx.msk [tilespmem:v17+s18+$0x0], $0xffff  }
0x15b: {  	v16 =	vor.u32 $0x9, v14  }
0x15c: {  	v17 =	vadd.s32 $0x2100, v13;
	_ =	sdelay $0x3  }
0x15d: {  	[tilespmem:v16+s23+$0x0] =	vst.idx.msk $0xffff, v15  }
0x15e: {  	v15 =	vld.idx.msk [tilespmem:v17+s18+$0x0], $0xffff  }
0x15f: {  	v16 =	vor.u32 $0xA, v14  }
0x160: {  	v17 =	vadd.s32 $0x2180, v13;
	_ =	sdelay $0x3  }
0x161: {  	[tilespmem:v16+s23+$0x0] =	vst.idx.msk $0xffff, v15  }
0x162: {  	v15 =	vld.idx.msk [tilespmem:v17+s18+$0x0], $0xffff  }
0x163: {  	v16 =	vor.u32 $0xB, v14  }
0x164: {  	v17 =	vadd.s32 $0x2200, v13;
	_ =	sdelay $0x3  }
0x165: {  	[tilespmem:v16+s23+$0x0] =	vst.idx.msk $0xffff, v15  }
0x166: {  	v15 =	vld.idx.msk [tilespmem:v17+s18+$0x0], $0xffff  }
0x167: {  	v16 =	vor.u32 $0xC, v14  }
0x168: {  	v17 =	vadd.s32 $0x2280, v13;
	_ =	sdelay $0x3  }
0x169: {  	[tilespmem:v16+s23+$0x0] =	vst.idx.msk $0xffff, v15  }
0x16a: {  	v15 =	vld.idx.msk [tilespmem:v17+s18+$0x0], $0xffff  }
0x16b: {  	v16 =	vor.u32 $0xD, v14  }
0x16c: {  	v17 =	vadd.s32 $0x2300, v13;
	_ =	sdelay $0x3  }
0x16d: {  	[tilespmem:v16+s23+$0x0] =	vst.idx.msk $0xffff, v15  }
0x16e: {  	v15 =	vld.idx.msk [tilespmem:v17+s18+$0x0], $0xffff  }
0x16f: {  	v16 =	vor.u32 $0xE, v14  }
0x170: {  	v17 =	vadd.s32 $0x2380, v13;
	_ =	sdelay $0x3  }
0x171: {  	[tilespmem:v16+s23+$0x0] =	vst.idx.msk $0xffff, v15  }
0x172: {  	v15 =	vld.idx.msk [tilespmem:v17+s18+$0x0], $0xffff  }
0x173: {  	v16 =	vor.u32 $0xF, v14  }
0x174: {  	v17 =	vadd.s32 $0x4000, v13;
	_ =	sdelay $0x3  }
0x175: {  	[tilespmem:v16+s23+$0x0] =	vst.idx.msk $0xffff, v15  }
0x176: {  	v15 =	vld.idx.msk [tilespmem:v17+s18+$0x0], $0xffff  }
0x177: {  	v16 =	vor.u32 $0x10, v14  }
0x178: {  	v17 =	vadd.s32 $0x4080, v13;
	_ =	sdelay $0x3  }
0x179: {  	[tilespmem:v16+s23+$0x0] =	vst.idx.msk $0xffff, v15  }
0x17a: {  	v15 =	vld.idx.msk [tilespmem:v17+s18+$0x0], $0xffff  }
0x17b: {  	v16 =	vor.u32 $0x11, v14  }
0x17c: {  	v17 =	vadd.s32 $0x4100, v13;
	_ =	sdelay $0x3  }
0x17d: {  	[tilespmem:v16+s23+$0x0] =	vst.idx.msk $0xffff, v15  }
0x17e: {  	v15 =	vld.idx.msk [tilespmem:v17+s18+$0x0], $0xffff  }
0x17f: {  	v16 =	vor.u32 $0x12, v14  }
0x180: {  	v17 =	vadd.s32 $0x4180, v13;
	_ =	sdelay $0x3  }
0x181: {  	[tilespmem:v16+s23+$0x0] =	vst.idx.msk $0xffff, v15  }
0x182: {  	v15 =	vld.idx.msk [tilespmem:v17+s18+$0x0], $0xffff  }
0x183: {  	v16 =	vor.u32 $0x13, v14  }
0x184: {  	v17 =	vadd.s32 $0x4200, v13;
	_ =	sdelay $0x3  }
0x185: {  	[tilespmem:v16+s23+$0x0] =	vst.idx.msk $0xffff, v15  }
0x186: {  	v15 =	vld.idx.msk [tilespmem:v17+s18+$0x0], $0xffff  }
0x187: {  	v16 =	vor.u32 $0x14, v14  }
0x188: {  	v17 =	vadd.s32 $0x4280, v13;
	_ =	sdelay $0x3  }
0x189: {  	[tilespmem:v16+s23+$0x0] =	vst.idx.msk $0xffff, v15  }
0x18a: {  	v15 =	vld.idx.msk [tilespmem:v17+s18+$0x0], $0xffff  }
0x18b: {  	v16 =	vor.u32 $0x15, v14  }
0x18c: {  	v17 =	vadd.s32 $0x4300, v13;
	_ =	sdelay $0x3  }
0x18d: {  	[tilespmem:v16+s23+$0x0] =	vst.idx.msk $0xffff, v15  }
0x18e: {  	v15 =	vld.idx.msk [tilespmem:v17+s18+$0x0], $0xffff  }
0x18f: {  	v16 =	vor.u32 $0x16, v14  }
0x190: {  	v17 =	vadd.s32 $0x4380, v13;
	_ =	sdelay $0x3  }
0x191: {  	[tilespmem:v16+s23+$0x0] =	vst.idx.msk $0xffff, v15  }
0x192: {  	v15 =	vld.idx.msk [tilespmem:v17+s18+$0x0], $0xffff  }
0x193: {  	v16 =	vor.u32 $0x17, v14  }
0x194: {  	v17 =	vadd.s32 $0x6000, v13;
	_ =	sdelay $0x3  }
0x195: {  	[tilespmem:v16+s23+$0x0] =	vst.idx.msk $0xffff, v15  }
0x196: {  	v15 =	vld.idx.msk [tilespmem:v17+s18+$0x0], $0xffff  }
0x197: {  	v16 =	vor.u32 $0x18, v14  }
0x198: {  	v17 =	vadd.s32 $0x6080, v13;
	_ =	sdelay $0x3  }
0x199: {  	[tilespmem:v16+s23+$0x0] =	vst.idx.msk $0xffff, v15  }
0x19a: {  	v15 =	vld.idx.msk [tilespmem:v17+s18+$0x0], $0xffff  }
0x19b: {  	v16 =	vor.u32 $0x19, v14  }
0x19c: {  	v17 =	vadd.s32 $0x6100, v13;
	_ =	sdelay $0x3  }
0x19d: {  	[tilespmem:v16+s23+$0x0] =	vst.idx.msk $0xffff, v15  }
0x19e: {  	v15 =	vld.idx.msk [tilespmem:v17+s18+$0x0], $0xffff  }
0x19f: {  	v16 =	vor.u32 $0x1A, v14  }
0x1a0: {  	v17 =	vadd.s32 $0x6180, v13;
	_ =	sdelay $0x3  }
0x1a1: {  	[tilespmem:v16+s23+$0x0] =	vst.idx.msk $0xffff, v15  }
0x1a2: {  	v15 =	vld.idx.msk [tilespmem:v17+s18+$0x0], $0xffff  }
0x1a3: {  	v16 =	vor.u32 $0x1B, v14  }
0x1a4: {  	v17 =	vadd.s32 $0x6200, v13;
	_ =	sdelay $0x3  }
0x1a5: {  	[tilespmem:v16+s23+$0x0] =	vst.idx.msk $0xffff, v15  }
0x1a6: {  	v15 =	vld.idx.msk [tilespmem:v17+s18+$0x0], $0xffff  }
0x1a7: {  	v16 =	vor.u32 $0x1C, v14  }
0x1a8: {  	v17 =	vadd.s32 $0x6280, v13;
	_ =	sdelay $0x3  }
0x1a9: {  	[tilespmem:v16+s23+$0x0] =	vst.idx.msk $0xffff, v15  }
0x1aa: {  	v15 =	vld.idx.msk [tilespmem:v17+s18+$0x0], $0xffff  }
0x1ab: {  	v16 =	vor.u32 $0x1D, v14  }
0x1ac: {  	v17 =	vadd.s32 $0x6300, v13;
	_ =	sdelay $0x3  }
0x1ad: {  	[tilespmem:v16+s23+$0x0] =	vst.idx.msk $0xffff, v15  }
0x1ae: {  	v15 =	vld.idx.msk [tilespmem:v17+s18+$0x0], $0xffff  }
0x1af: {  	v16 =	vor.u32 $0x1E, v14  }
0x1b0: {  	v13 =	vadd.s32 $0x6380, v13;
	_ =	sdelay $0x1  }
.Ltmp5:
0x1b1: {  	(pc) =	sbr.rel @p1 .LBB2_12-.Ltmp5, $4  }
0x1b2: {  	_ = 	snop  }
0x1b3: {  	[tilespmem:v16+s23+$0x0] =	vst.idx.msk $0xffff, v15  }
0x1b4: {  	v13 =	vld.idx.msk [tilespmem:v13+s18+$0x0], $0xffff  }
0x1b5: {  	v14 =	vor.u32 $0x1F, v14  }
0x1b6: {  	_ =	sdelay $0x3  }
0x1b7: {  	[tilespmem:v14+s23+$0x0] =	vst.idx.msk $0xffff, v13  }
0x1b8: {  	v13 =	vld [tilespmem:$0x18200]  }
0x1b9: {  	v14 =	vld [tilespmem:$0x18280]  }
0x1ba: {  	v15 =	vld [tilespmem:$0x18300];
	_ =	sdelay $0x2  }
0x1bb: {  	[tilespmem:$0x18400] =	vst v13  }
0x1bc: {  	[tilespmem:$0x18410] =	vst v14  }
0x1bd: {  	[tilespmem:$0x18420] =	vst v15  }
0x1be: {  	[hbm4b:s7+s24] =	stream.indirect.scatter [tilespmem:s23], [sflag:$0x3], $0x80, s25, s24, $0xb8;
	[tilespmem:$0x19C80] =	vst v63  }
0x1bf: {  	s2 =	sadd.s32 s0, s11;
	_ =	swait.ge [sflag:s14], $0x1800  }
0x1c0: {  	s2 =	smin.u32 s2, $0xF3E00;
	[sflag:s14] =	ssyncset.done $0x0  }
0x1c1: {  	s2 =	sadd.s32 s1, s2;
	[sflag:s14] =	ssyncadd.s32 $0xFFFFE800  }
0x1c2: {  	[tilespmem:s18], [sflag:$0x1] =	stream.strided.gather [hbm4b:s2+s16], $0x8000, s17, s16, $0x38;
	[tilespmem:$0x19C80] =	vst v63  }
0x1c3: {  	_ =	swait.ge [sflag:s26], $0x8000  }
0x1c4: {  	[sflag:s26] =	ssyncset.done $0x0  }
0x1c5: {  	[sflag:s26] =	ssyncadd.s32 $0xFFFF8000  }
0x1c6: {  	[tilespmem:$0x18200] =	vst v3  }
0x1c7: {  	[tilespmem:$0x18000] =	vst v10  }
0x1c8: {  	[tilespmem:$0x18280] =	vst v4  }
.Ltmp6:
0x1c9: {  	[tilespmem:$0x18080] =	vst v10;
	(pc) =	sbr.rel @p0 .LBB2_20-.Ltmp6, $4  }
0x1ca: {  	[tilespmem:$0x18300] =	vst v5  }
0x1cb: {  	[tilespmem:$0x18100] =	vst v10  }
0x1cc: {  	[tilespmem:$0x18380] =	vst v6  }
0x1cd: {  	[tilespmem:$0x18180] =	vst v10  }
0x1ce: {  	p2 =	sne.s32 s31, $0x1  }
.Ltmp7:
0x1cf: {  	_ = 	snop;
	(pc) =	sbr.rel @!p2 .LBB2_15-.Ltmp7, $4  }
0x1d0: {  	s2 =	sadd.s32 s0, s8  }
0x1d1: {  	s2 =	smin.u32 s2, $0xF3E00  }
0x1d2: {  	s9 =	simm.s32 $0x14800;
	s4 =	sadd.s32 $0x3FF, s2  }
0x1d3: {  	v15 =	vimm.s32 $0x0;
	p1 =	por $0x0, $0x0;
	v16 =	vld [tilespmem:s9+$0x0];
	v13 =	vmov s2;
	s2 =	simm.s32 $0x16400;
	v14 =	vmov s4;
	s4 =	sadd.s32 $0xFFFFFFFF, s31  }
0x1d4: {  	_ =	sdelay $0x3  }
0x1d5: {  	v17 =	vsub.s32 v16, v13;
	v16 =	vsub.s32 v14, v16  }
0x1d6: {  	v16 =	vor.u32 v16, v17  }
0x1d7: {  	vm0 =	vgt.s32 v16, $0xFFFFFFFF  }
0x1d8: {  	v16 =	vsel vm0, $0x1, v10  }
0x1d9: {  	(xrf0) =	vadd.scan.msk.s32 $0xffff, v16;
	_ =	sdelay $0x5  }
0x1da: {  	v16, _, _ =	vpop (xrf0)  }
0x1db: {  	v18 =	vadd.s32 v16, v15  }
0x1dc: {  	v18 =	vadd.s32 $0xFFFFFFFF, v18  }
0x1dd: {  	v18 =	vnsel vm0, $0x30, v18  }
0x1de: {  	v19 =	vshll.u32 v18, $0x3  }
0x1df: {  	v18 =	vand.u32 $0xF, v18;
	v19 =	vand.u32 $0xFFFFFF80, v19  }
0x1e0: {  	v18 =	vor.u32 v18, v19;
	_ =	sdelay $0x3  }
0x1e1: {  	v17 =	vnsel vm0, $0x0, v17  }
0x1e2: {  	[tilespmem:v18+s28+$0x0] =	vst.idx.msk $0xffff, v17  }
0x1e3: {  	v17 =	vld [tilespmem:s2+$0x0]  }
0x1e4: {  	p2 =	sne.s32 s4, $0x1  }
.Ltmp8:
0x1e5: {  	v16 =	vperm.xlane v16, v11;
	(pc) =	sbr.rel @!p2 .LBB2_17-.Ltmp8, $4  }
0x1e6: {  	_ = 	snop  }
0x1e7: {  	v15 =	vadd.s32 v15, v16  }
0x1e8: {  	s9 =	simm.s32 $0x14880;
	vm15 =	vlt.s32 v15, $0x20;
	[tilespmem:v18+s29+$0x0] =	vst.idx.msk $0xffff, v17  }
0x1e9: {  	s10 =	sadd.s32 $0xFFFFFFFF, s4;
	p1 =	por $0x1, $0x1;
	s4 =	simm.s32 $0x16400;
	v15 =	vnsel vm15, $0x20, v15;
	v16 =	vld [tilespmem:s9+$0x0]  }
.LBB2_18:
0x1ea: {  	p2 =	sne.s32 s10, $0x1;
	_ =	sdelay $0x3  }
0x1eb: {  	v17 =	vsub.s32 v16, v13;
	v16 =	vsub.s32 v14, v16  }
0x1ec: {  	v16 =	vor.u32 v16, v17  }
0x1ed: {  	vm0 =	vgt.s32 v16, $0xFFFFFFFF  }
0x1ee: {  	v16 =	vsel vm0, $0x1, v10;
	v17 =	vnsel vm0, $0x0, v17  }
0x1ef: {  	(xrf0) =	vadd.scan.msk.s32 $0xffff, v16;
	_ =	sdelay $0x5  }
0x1f0: {  	v16, _, _ =	vpop (xrf0)  }
0x1f1: {  	v18 =	vadd.s32 v16, v15;
	v16 =	vperm.xlane v16, v11  }
0x1f2: {  	v18 =	vadd.s32 $0xFFFFFFFF, v18  }
0x1f3: {  	v18 =	vnsel vm0, $0x30, v18;
	v15 =	vadd.s32 v15, v16  }
0x1f4: {  	v16 =	vshll.u32 v18, $0x3;
	vm0 =	vlt.s32 v15, $0x20  }
0x1f5: {  	v18 =	vand.u32 $0xF, v18;
	v16 =	vand.u32 $0xFFFFFF80, v16;
	v15 =	vnsel vm0, $0x20, v15  }
0x1f6: {  	v16 =	vor.u32 v18, v16;
	_ =	sdelay $0x4  }
0x1f7: {  	s4 =	sadd.s32 $0x80, s4;
	[tilespmem:v16+s28+$0x0] =	vst.idx.msk $0xffff, v17  }
0x1f8: {  	v17 =	vld [tilespmem:s4+$0x0];
	_ =	sdelay $0x1  }
.Ltmp9:
0x1f9: {  	(pc) =	sbr.rel @p2 .LBB2_18-.Ltmp9, $3  }
0x1fa: {  	_ =	sdelay $0x1  }
0x1fb: {  	s9 =	sadd.s32 $0x80, s9;
	[tilespmem:v16+s29+$0x0] =	vst.idx.msk $0xffff, v17  }
0x1fc: {  	s10 =	sadd.s32 $0xFFFFFFFF, s10;
	v16 =	vld [tilespmem:s9+$0x0]  }
.LBB2_19:
0x1fd: {  	_ =	sdelay $0x3  }
0x1fe: {  	v13 =	vsub.s32 v16, v13;
	v14 =	vsub.s32 v14, v16  }
0x1ff: {  	v14 =	vor.u32 v14, v13  }
0x200: {  	vm0 =	vgt.s32 v14, $0xFFFFFFFF  }
0x201: {  	v14 =	vsel vm0, $0x1, v10  }
0x202: {  	(xrf0) =	vadd.scan.msk.s32 $0xffff, v14;
	_ =	sdelay $0x5  }
0x203: {  	v14, _, _ =	vpop (xrf0)  }
0x204: {  	v14 =	vadd.s32 v14, v15  }
0x205: {  	v14 =	vadd.s32 $0xFFFFFFFF, v14  }
0x206: {  	v14 =	vnsel vm0, $0x30, v14  }
0x207: {  	v15 =	vshll.u32 v14, $0x3  }
0x208: {  	v14 =	vand.u32 $0xF, v14;
	v15 =	vand.u32 $0xFFFFFF80, v15  }
0x209: {  	v14 =	vor.u32 v14, v15;
	_ =	sdelay $0x3  }
0x20a: {  	s4 =	sadd.s32 @p1 $0x80, s4;
	v13 =	vnsel vm0, $0x0, v13  }
0x20b: {  	s2 =	smov.u32 @p1 s4;
	[tilespmem:v14+s28+$0x0] =	vst.idx.msk $0xffff, v13  }
0x20c: {  	v13 =	vld [tilespmem:s2+$0x0];
	_ =	sdelay $0x4  }
0x20d: {  	[tilespmem:v14+s29+$0x0] =	vst.idx.msk $0xffff, v13  }
.LBB2_20:
0x20e: {  	s2 =	simm.s32 $0x18000  }
0x20f: {  	v13 =	vld [tilespmem:s2+$0x0];
	_ =	sdelay $0x4  }
0x210: {  	v14 =	vshll.u32 v13, $0x3  }
0x211: {  	v13 =	vand.u32 $0x7F, v13;
	v14 =	vand.u32 $0xFFFFFC00, v14  }
0x212: {  	v13 =	vor.u32 v13, v14;
	_ =	sdelay $0x1  }
0x213: {  	s4 =	simm.s32 $0x0  }
0x214: {  	v14 =	vmov s4  }
0x215: {  	v14 =	vshll.u32 v14, $0x7  }
0x216: {  	v14 =	vor.u32 v12, v14;
	v15 =	vld.idx.msk [tilespmem:v13+s19+$0x0], $0xffff  }
0x217: {  	v16 =	vor.u32 $0x80, v13;
	_ =	sdelay $0x3  }
0x218: {  	[tilespmem:v14+s23+$0x0] =	vst.idx.msk $0xffff, v15  }
0x219: {  	v50 =	vor.u32 $0x1, v14;
	v15 =	vld.idx.msk [tilespmem:v16+s19+$0x0], $0xffff  }
0x21a: {  	v17 =	vor.u32 $0x100, v13;
	_ =	sdelay $0x3  }
0x21b: {  	[tilespmem:v50+s23+$0x0] =	vst.idx.msk $0xffff, v15  }
0x21c: {  	v51 =	vor.u32 $0x2, v14;
	v15 =	vld.idx.msk [tilespmem:v17+s19+$0x0], $0xffff  }
0x21d: {  	v52 =	vor.u32 $0x180, v13;
	_ =	sdelay $0x3  }
0x21e: {  	[tilespmem:v51+s23+$0x0] =	vst.idx.msk $0xffff, v15  }
0x21f: {  	v53 =	vor.u32 $0x3, v14;
	v15 =	vld.idx.msk [tilespmem:v52+s19+$0x0], $0xffff  }
0x220: {  	v54 =	vor.u32 $0x200, v13;
	_ =	sdelay $0x3  }
0x221: {  	[tilespmem:v53+s23+$0x0] =	vst.idx.msk $0xffff, v15  }
0x222: {  	v55 =	vor.u32 $0x4, v14;
	v15 =	vld.idx.msk [tilespmem:v54+s19+$0x0], $0xffff  }
0x223: {  	v56 =	vor.u32 $0x280, v13;
	_ =	sdelay $0x3  }
0x224: {  	[tilespmem:v55+s23+$0x0] =	vst.idx.msk $0xffff, v15  }
0x225: {  	v57 =	vor.u32 $0x5, v14;
	v15 =	vld.idx.msk [tilespmem:v56+s19+$0x0], $0xffff  }
0x226: {  	v58 =	vor.u32 $0x300, v13;
	_ =	sdelay $0x3  }
0x227: {  	[tilespmem:v57+s23+$0x0] =	vst.idx.msk $0xffff, v15  }
0x228: {  	v59 =	vor.u32 $0x6, v14;
	v15 =	vld.idx.msk [tilespmem:v58+s19+$0x0], $0xffff  }
0x229: {  	v60 =	vor.u32 $0x380, v13;
	_ =	sdelay $0x3  }
0x22a: {  	[tilespmem:v59+s23+$0x0] =	vst.idx.msk $0xffff, v15  }
0x22b: {  	v61 =	vor.u32 $0x7, v14;
	v15 =	vld.idx.msk [tilespmem:v60+s19+$0x0], $0xffff  }
0x22c: {  	v62 =	vadd.s32 $0x2000, v13;
	_ =	sdelay $0x3  }
0x22d: {  	[tilespmem:v61+s23+$0x0] =	vst.idx.msk $0xffff, v15  }
0x22e: {  	v63 =	vor.u32 $0x8, v14;
	v15 =	vld.idx.msk [tilespmem:v62+s19+$0x0], $0xffff  }
0x22f: {  	v20 =	vadd.s32 $0x2080, v13;
	_ =	sdelay $0x3  }
0x230: {  	[tilespmem:v63+s23+$0x0] =	vst.idx.msk $0xffff, v15  }
0x231: {  	v21 =	vor.u32 $0x9, v14;
	v15 =	vld.idx.msk [tilespmem:v20+s19+$0x0], $0xffff  }
0x232: {  	v22 =	vadd.s32 $0x2100, v13;
	_ =	sdelay $0x3  }
0x233: {  	[tilespmem:v21+s23+$0x0] =	vst.idx.msk $0xffff, v15  }
0x234: {  	v23 =	vor.u32 $0xA, v14;
	v15 =	vld.idx.msk [tilespmem:v22+s19+$0x0], $0xffff  }
0x235: {  	v24 =	vadd.s32 $0x2180, v13;
	_ =	sdelay $0x3  }
0x236: {  	[tilespmem:v23+s23+$0x0] =	vst.idx.msk $0xffff, v15  }
0x237: {  	v25 =	vor.u32 $0xB, v14;
	v15 =	vld.idx.msk [tilespmem:v24+s19+$0x0], $0xffff  }
0x238: {  	v26 =	vadd.s32 $0x2200, v13;
	_ =	sdelay $0x3  }
0x239: {  	[tilespmem:v25+s23+$0x0] =	vst.idx.msk $0xffff, v15  }
0x23a: {  	v27 =	vor.u32 $0xC, v14;
	v15 =	vld.idx.msk [tilespmem:v26+s19+$0x0], $0xffff  }
0x23b: {  	v28 =	vadd.s32 $0x2280, v13;
	_ =	sdelay $0x3  }
0x23c: {  	[tilespmem:v27+s23+$0x0] =	vst.idx.msk $0xffff, v15  }
0x23d: {  	v29 =	vor.u32 $0xD, v14;
	v15 =	vld.idx.msk [tilespmem:v28+s19+$0x0], $0xffff  }
0x23e: {  	v30 =	vadd.s32 $0x2300, v13;
	_ =	sdelay $0x3  }
0x23f: {  	[tilespmem:v29+s23+$0x0] =	vst.idx.msk $0xffff, v15  }
0x240: {  	v31 =	vor.u32 $0xE, v14;
	v15 =	vld.idx.msk [tilespmem:v30+s19+$0x0], $0xffff  }
0x241: {  	v32 =	vadd.s32 $0x2380, v13;
	_ =	sdelay $0x3  }
0x242: {  	[tilespmem:v31+s23+$0x0] =	vst.idx.msk $0xffff, v15  }
0x243: {  	v33 =	vor.u32 $0xF, v14;
	v15 =	vld.idx.msk [tilespmem:v32+s19+$0x0], $0xffff  }
0x244: {  	v34 =	vadd.s32 $0x4000, v13;
	_ =	sdelay $0x3  }
0x245: {  	[tilespmem:v33+s23+$0x0] =	vst.idx.msk $0xffff, v15  }
0x246: {  	v35 =	vor.u32 $0x10, v14;
	v15 =	vld.idx.msk [tilespmem:v34+s19+$0x0], $0xffff  }
0x247: {  	v36 =	vadd.s32 $0x4080, v13;
	_ =	sdelay $0x3  }
0x248: {  	[tilespmem:v35+s23+$0x0] =	vst.idx.msk $0xffff, v15  }
0x249: {  	v37 =	vor.u32 $0x11, v14;
	v15 =	vld.idx.msk [tilespmem:v36+s19+$0x0], $0xffff  }
0x24a: {  	v38 =	vadd.s32 $0x4100, v13;
	_ =	sdelay $0x3  }
0x24b: {  	[tilespmem:v37+s23+$0x0] =	vst.idx.msk $0xffff, v15  }
0x24c: {  	v39 =	vor.u32 $0x12, v14;
	v15 =	vld.idx.msk [tilespmem:v38+s19+$0x0], $0xffff  }
0x24d: {  	v40 =	vadd.s32 $0x4180, v13;
	_ =	sdelay $0x3  }
0x24e: {  	[tilespmem:v39+s23+$0x0] =	vst.idx.msk $0xffff, v15  }
0x24f: {  	v41 =	vor.u32 $0x13, v14;
	v15 =	vld.idx.msk [tilespmem:v40+s19+$0x0], $0xffff  }
0x250: {  	v42 =	vadd.s32 $0x4200, v13;
	_ =	sdelay $0x3  }
0x251: {  	[tilespmem:v41+s23+$0x0] =	vst.idx.msk $0xffff, v15  }
0x252: {  	v43 =	vor.u32 $0x14, v14;
	v15 =	vld.idx.msk [tilespmem:v42+s19+$0x0], $0xffff  }
0x253: {  	v44 =	vadd.s32 $0x4280, v13;
	_ =	sdelay $0x3  }
0x254: {  	[tilespmem:v43+s23+$0x0] =	vst.idx.msk $0xffff, v15  }
0x255: {  	v45 =	vor.u32 $0x15, v14;
	v15 =	vld.idx.msk [tilespmem:v44+s19+$0x0], $0xffff  }
0x256: {  	v46 =	vadd.s32 $0x4300, v13;
	_ =	sdelay $0x3  }
0x257: {  	[tilespmem:v45+s23+$0x0] =	vst.idx.msk $0xffff, v15  }
0x258: {  	v47 =	vor.u32 $0x16, v14;
	v15 =	vld.idx.msk [tilespmem:v46+s19+$0x0], $0xffff  }
0x259: {  	v48 =	vadd.s32 $0x4380, v13;
	_ =	sdelay $0x3  }
0x25a: {  	[tilespmem:v47+s23+$0x0] =	vst.idx.msk $0xffff, v15  }
0x25b: {  	v49 =	vor.u32 $0x17, v14;
	v15 =	vld.idx.msk [tilespmem:v48+s19+$0x0], $0xffff  }
0x25c: {  	v50 =	vadd.s32 $0x6000, v13;
	_ =	sdelay $0x3  }
0x25d: {  	[tilespmem:v49+s23+$0x0] =	vst.idx.msk $0xffff, v15  }
0x25e: {  	v51 =	vor.u32 $0x18, v14;
	v15 =	vld.idx.msk [tilespmem:v50+s19+$0x0], $0xffff  }
0x25f: {  	v52 =	vadd.s32 $0x6080, v13;
	_ =	sdelay $0x3  }
0x260: {  	[tilespmem:v51+s23+$0x0] =	vst.idx.msk $0xffff, v15  }
0x261: {  	v53 =	vor.u32 $0x19, v14;
	v15 =	vld.idx.msk [tilespmem:v52+s19+$0x0], $0xffff  }
0x262: {  	v54 =	vadd.s32 $0x6100, v13;
	_ =	sdelay $0x3  }
0x263: {  	[tilespmem:v53+s23+$0x0] =	vst.idx.msk $0xffff, v15  }
0x264: {  	v55 =	vor.u32 $0x1A, v14;
	v15 =	vld.idx.msk [tilespmem:v54+s19+$0x0], $0xffff  }
0x265: {  	v56 =	vadd.s32 $0x6180, v13;
	_ =	sdelay $0x3  }
0x266: {  	[tilespmem:v55+s23+$0x0] =	vst.idx.msk $0xffff, v15  }
0x267: {  	v57 =	vor.u32 $0x1B, v14;
	v15 =	vld.idx.msk [tilespmem:v56+s19+$0x0], $0xffff  }
0x268: {  	v58 =	vadd.s32 $0x6200, v13;
	_ =	sdelay $0x3  }
0x269: {  	[tilespmem:v57+s23+$0x0] =	vst.idx.msk $0xffff, v15  }
0x26a: {  	v59 =	vor.u32 $0x1C, v14;
	v15 =	vld.idx.msk [tilespmem:v58+s19+$0x0], $0xffff  }
0x26b: {  	v60 =	vadd.s32 $0x6280, v13;
	_ =	sdelay $0x3  }
0x26c: {  	[tilespmem:v59+s23+$0x0] =	vst.idx.msk $0xffff, v15  }
0x26d: {  	v61 =	vor.u32 $0x1D, v14;
	v15 =	vld.idx.msk [tilespmem:v60+s19+$0x0], $0xffff  }
0x26e: {  	v62 =	vadd.s32 $0x6300, v13;
	_ =	sdelay $0x3  }
0x26f: {  	[tilespmem:v61+s23+$0x0] =	vst.idx.msk $0xffff, v15  }
0x270: {  	v63 =	vor.u32 $0x1E, v14;
	v15 =	vld.idx.msk [tilespmem:v62+s19+$0x0], $0xffff  }
0x271: {  	v13 =	vadd.s32 $0x6380, v13;
	_ =	sdelay $0x3  }
0x272: {  	[tilespmem:v63+s23+$0x0] =	vst.idx.msk $0xffff, v15  }
0x273: {  	s4 =	simm.s32 $0x10;
	v14 =	vor.u32 $0x1F, v14;
	v13 =	vld.idx.msk [tilespmem:v13+s19+$0x0], $0xffff  }
.LBB2_21:
0x274: {  	_ =	sdelay $0x2  }
0x275: {  	p1 =	sne.s32 s4, $0x20  }
0x276: {  	s2 =	sadd.s32 $0x80, s2;
	s9 =	smov.u32 s4;
	s4 =	sadd.s32 $0x10, s4;
	[tilespmem:v14+s23+$0x0] =	vst.idx.msk $0xffff, v13  }
0x277: {  	v13 =	vld [tilespmem:s2+$0x0];
	_ =	sdelay $0x4  }
0x278: {  	v14 =	vshll.u32 v13, $0x3  }
0x279: {  	v13 =	vand.u32 $0x7F, v13;
	v14 =	vand.u32 $0xFFFFFC00, v14  }
0x27a: {  	v13 =	vor.u32 v13, v14;
	_ =	sdelay $0x3  }
0x27b: {  	v14 =	vmov s9  }
0x27c: {  	v14 =	vshll.u32 v14, $0x7;
	v15 =	vld.idx.msk [tilespmem:v13+s19+$0x0], $0xffff  }
0x27d: {  	v14 =	vor.u32 v12, v14  }
0x27e: {  	v16 =	vor.u32 $0x80, v13;
	_ =	sdelay $0x3  }
0x27f: {  	[tilespmem:v14+s23+$0x0] =	vst.idx.msk $0xffff, v15  }
0x280: {  	v15 =	vld.idx.msk [tilespmem:v16+s19+$0x0], $0xffff  }
0x281: {  	v16 =	vor.u32 $0x1, v14  }
0x282: {  	v17 =	vor.u32 $0x100, v13;
	_ =	sdelay $0x3  }
0x283: {  	[tilespmem:v16+s23+$0x0] =	vst.idx.msk $0xffff, v15  }
0x284: {  	v15 =	vld.idx.msk [tilespmem:v17+s19+$0x0], $0xffff  }
0x285: {  	v16 =	vor.u32 $0x2, v14  }
0x286: {  	v17 =	vor.u32 $0x180, v13;
	_ =	sdelay $0x3  }
0x287: {  	[tilespmem:v16+s23+$0x0] =	vst.idx.msk $0xffff, v15  }
0x288: {  	v15 =	vld.idx.msk [tilespmem:v17+s19+$0x0], $0xffff  }
0x289: {  	v16 =	vor.u32 $0x3, v14  }
0x28a: {  	v17 =	vor.u32 $0x200, v13;
	_ =	sdelay $0x3  }
0x28b: {  	[tilespmem:v16+s23+$0x0] =	vst.idx.msk $0xffff, v15  }
0x28c: {  	v15 =	vld.idx.msk [tilespmem:v17+s19+$0x0], $0xffff  }
0x28d: {  	v16 =	vor.u32 $0x4, v14  }
0x28e: {  	v17 =	vor.u32 $0x280, v13;
	_ =	sdelay $0x3  }
0x28f: {  	[tilespmem:v16+s23+$0x0] =	vst.idx.msk $0xffff, v15  }
0x290: {  	v15 =	vld.idx.msk [tilespmem:v17+s19+$0x0], $0xffff  }
0x291: {  	v16 =	vor.u32 $0x5, v14  }
0x292: {  	v17 =	vor.u32 $0x300, v13;
	_ =	sdelay $0x3  }
0x293: {  	[tilespmem:v16+s23+$0x0] =	vst.idx.msk $0xffff, v15  }
0x294: {  	v15 =	vld.idx.msk [tilespmem:v17+s19+$0x0], $0xffff  }
0x295: {  	v16 =	vor.u32 $0x6, v14  }
0x296: {  	v17 =	vor.u32 $0x380, v13;
	_ =	sdelay $0x3  }
0x297: {  	[tilespmem:v16+s23+$0x0] =	vst.idx.msk $0xffff, v15  }
0x298: {  	v15 =	vld.idx.msk [tilespmem:v17+s19+$0x0], $0xffff  }
0x299: {  	v16 =	vor.u32 $0x7, v14  }
0x29a: {  	v17 =	vadd.s32 $0x2000, v13;
	_ =	sdelay $0x3  }
0x29b: {  	[tilespmem:v16+s23+$0x0] =	vst.idx.msk $0xffff, v15  }
0x29c: {  	v15 =	vld.idx.msk [tilespmem:v17+s19+$0x0], $0xffff  }
0x29d: {  	v16 =	vor.u32 $0x8, v14  }
0x29e: {  	v17 =	vadd.s32 $0x2080, v13;
	_ =	sdelay $0x3  }
0x29f: {  	[tilespmem:v16+s23+$0x0] =	vst.idx.msk $0xffff, v15  }
0x2a0: {  	v15 =	vld.idx.msk [tilespmem:v17+s19+$0x0], $0xffff  }
0x2a1: {  	v16 =	vor.u32 $0x9, v14  }
0x2a2: {  	v17 =	vadd.s32 $0x2100, v13;
	_ =	sdelay $0x3  }
0x2a3: {  	[tilespmem:v16+s23+$0x0] =	vst.idx.msk $0xffff, v15  }
0x2a4: {  	v15 =	vld.idx.msk [tilespmem:v17+s19+$0x0], $0xffff  }
0x2a5: {  	v16 =	vor.u32 $0xA, v14  }
0x2a6: {  	v17 =	vadd.s32 $0x2180, v13;
	_ =	sdelay $0x3  }
0x2a7: {  	[tilespmem:v16+s23+$0x0] =	vst.idx.msk $0xffff, v15  }
0x2a8: {  	v15 =	vld.idx.msk [tilespmem:v17+s19+$0x0], $0xffff  }
0x2a9: {  	v16 =	vor.u32 $0xB, v14  }
0x2aa: {  	v17 =	vadd.s32 $0x2200, v13;
	_ =	sdelay $0x3  }
0x2ab: {  	[tilespmem:v16+s23+$0x0] =	vst.idx.msk $0xffff, v15  }
0x2ac: {  	v15 =	vld.idx.msk [tilespmem:v17+s19+$0x0], $0xffff  }
0x2ad: {  	v16 =	vor.u32 $0xC, v14  }
0x2ae: {  	v17 =	vadd.s32 $0x2280, v13;
	_ =	sdelay $0x3  }
0x2af: {  	[tilespmem:v16+s23+$0x0] =	vst.idx.msk $0xffff, v15  }
0x2b0: {  	v15 =	vld.idx.msk [tilespmem:v17+s19+$0x0], $0xffff  }
0x2b1: {  	v16 =	vor.u32 $0xD, v14  }
0x2b2: {  	v17 =	vadd.s32 $0x2300, v13;
	_ =	sdelay $0x3  }
0x2b3: {  	[tilespmem:v16+s23+$0x0] =	vst.idx.msk $0xffff, v15  }
0x2b4: {  	v15 =	vld.idx.msk [tilespmem:v17+s19+$0x0], $0xffff  }
0x2b5: {  	v16 =	vor.u32 $0xE, v14  }
0x2b6: {  	v17 =	vadd.s32 $0x2380, v13;
	_ =	sdelay $0x3  }
0x2b7: {  	[tilespmem:v16+s23+$0x0] =	vst.idx.msk $0xffff, v15  }
0x2b8: {  	v15 =	vld.idx.msk [tilespmem:v17+s19+$0x0], $0xffff  }
0x2b9: {  	v16 =	vor.u32 $0xF, v14  }
0x2ba: {  	v17 =	vadd.s32 $0x4000, v13;
	_ =	sdelay $0x3  }
0x2bb: {  	[tilespmem:v16+s23+$0x0] =	vst.idx.msk $0xffff, v15  }
0x2bc: {  	v15 =	vld.idx.msk [tilespmem:v17+s19+$0x0], $0xffff  }
0x2bd: {  	v16 =	vor.u32 $0x10, v14  }
0x2be: {  	v17 =	vadd.s32 $0x4080, v13;
	_ =	sdelay $0x3  }
0x2bf: {  	[tilespmem:v16+s23+$0x0] =	vst.idx.msk $0xffff, v15  }
0x2c0: {  	v15 =	vld.idx.msk [tilespmem:v17+s19+$0x0], $0xffff  }
0x2c1: {  	v16 =	vor.u32 $0x11, v14  }
0x2c2: {  	v17 =	vadd.s32 $0x4100, v13;
	_ =	sdelay $0x3  }
0x2c3: {  	[tilespmem:v16+s23+$0x0] =	vst.idx.msk $0xffff, v15  }
0x2c4: {  	v15 =	vld.idx.msk [tilespmem:v17+s19+$0x0], $0xffff  }
0x2c5: {  	v16 =	vor.u32 $0x12, v14  }
0x2c6: {  	v17 =	vadd.s32 $0x4180, v13;
	_ =	sdelay $0x3  }
0x2c7: {  	[tilespmem:v16+s23+$0x0] =	vst.idx.msk $0xffff, v15  }
0x2c8: {  	v15 =	vld.idx.msk [tilespmem:v17+s19+$0x0], $0xffff  }
0x2c9: {  	v16 =	vor.u32 $0x13, v14  }
0x2ca: {  	v17 =	vadd.s32 $0x4200, v13;
	_ =	sdelay $0x3  }
0x2cb: {  	[tilespmem:v16+s23+$0x0] =	vst.idx.msk $0xffff, v15  }
0x2cc: {  	v15 =	vld.idx.msk [tilespmem:v17+s19+$0x0], $0xffff  }
0x2cd: {  	v16 =	vor.u32 $0x14, v14  }
0x2ce: {  	v17 =	vadd.s32 $0x4280, v13;
	_ =	sdelay $0x3  }
0x2cf: {  	[tilespmem:v16+s23+$0x0] =	vst.idx.msk $0xffff, v15  }
0x2d0: {  	v15 =	vld.idx.msk [tilespmem:v17+s19+$0x0], $0xffff  }
0x2d1: {  	v16 =	vor.u32 $0x15, v14  }
0x2d2: {  	v17 =	vadd.s32 $0x4300, v13;
	_ =	sdelay $0x3  }
0x2d3: {  	[tilespmem:v16+s23+$0x0] =	vst.idx.msk $0xffff, v15  }
0x2d4: {  	v15 =	vld.idx.msk [tilespmem:v17+s19+$0x0], $0xffff  }
0x2d5: {  	v16 =	vor.u32 $0x16, v14  }
0x2d6: {  	v17 =	vadd.s32 $0x4380, v13;
	_ =	sdelay $0x3  }
0x2d7: {  	[tilespmem:v16+s23+$0x0] =	vst.idx.msk $0xffff, v15  }
0x2d8: {  	v15 =	vld.idx.msk [tilespmem:v17+s19+$0x0], $0xffff  }
0x2d9: {  	v16 =	vor.u32 $0x17, v14  }
0x2da: {  	v17 =	vadd.s32 $0x6000, v13;
	_ =	sdelay $0x3  }
0x2db: {  	[tilespmem:v16+s23+$0x0] =	vst.idx.msk $0xffff, v15  }
0x2dc: {  	v15 =	vld.idx.msk [tilespmem:v17+s19+$0x0], $0xffff  }
0x2dd: {  	v16 =	vor.u32 $0x18, v14  }
0x2de: {  	v17 =	vadd.s32 $0x6080, v13;
	_ =	sdelay $0x3  }
0x2df: {  	[tilespmem:v16+s23+$0x0] =	vst.idx.msk $0xffff, v15  }
0x2e0: {  	v15 =	vld.idx.msk [tilespmem:v17+s19+$0x0], $0xffff  }
0x2e1: {  	v16 =	vor.u32 $0x19, v14  }
0x2e2: {  	v17 =	vadd.s32 $0x6100, v13;
	_ =	sdelay $0x3  }
0x2e3: {  	[tilespmem:v16+s23+$0x0] =	vst.idx.msk $0xffff, v15  }
0x2e4: {  	v15 =	vld.idx.msk [tilespmem:v17+s19+$0x0], $0xffff  }
0x2e5: {  	v16 =	vor.u32 $0x1A, v14  }
0x2e6: {  	v17 =	vadd.s32 $0x6180, v13;
	_ =	sdelay $0x3  }
0x2e7: {  	[tilespmem:v16+s23+$0x0] =	vst.idx.msk $0xffff, v15  }
0x2e8: {  	v15 =	vld.idx.msk [tilespmem:v17+s19+$0x0], $0xffff  }
0x2e9: {  	v16 =	vor.u32 $0x1B, v14  }
0x2ea: {  	v17 =	vadd.s32 $0x6200, v13;
	_ =	sdelay $0x3  }
0x2eb: {  	[tilespmem:v16+s23+$0x0] =	vst.idx.msk $0xffff, v15  }
0x2ec: {  	v15 =	vld.idx.msk [tilespmem:v17+s19+$0x0], $0xffff  }
0x2ed: {  	v16 =	vor.u32 $0x1C, v14  }
0x2ee: {  	v17 =	vadd.s32 $0x6280, v13;
	_ =	sdelay $0x3  }
0x2ef: {  	[tilespmem:v16+s23+$0x0] =	vst.idx.msk $0xffff, v15  }
0x2f0: {  	v15 =	vld.idx.msk [tilespmem:v17+s19+$0x0], $0xffff  }
0x2f1: {  	v16 =	vor.u32 $0x1D, v14  }
0x2f2: {  	v17 =	vadd.s32 $0x6300, v13;
	_ =	sdelay $0x3  }
0x2f3: {  	[tilespmem:v16+s23+$0x0] =	vst.idx.msk $0xffff, v15  }
0x2f4: {  	v15 =	vld.idx.msk [tilespmem:v17+s19+$0x0], $0xffff  }
0x2f5: {  	v16 =	vor.u32 $0x1E, v14  }
0x2f6: {  	v13 =	vadd.s32 $0x6380, v13;
	_ =	sdelay $0x1  }
.Ltmp10:
0x2f7: {  	(pc) =	sbr.rel @p1 .LBB2_21-.Ltmp10, $4  }
0x2f8: {  	_ = 	snop  }
0x2f9: {  	[tilespmem:v16+s23+$0x0] =	vst.idx.msk $0xffff, v15  }
0x2fa: {  	v13 =	vld.idx.msk [tilespmem:v13+s19+$0x0], $0xffff  }
0x2fb: {  	v14 =	vor.u32 $0x1F, v14  }
0x2fc: {  	_ =	sdelay $0x3  }
0x2fd: {  	[tilespmem:v14+s23+$0x0] =	vst.idx.msk $0xffff, v13  }
0x2fe: {  	v13 =	vld [tilespmem:$0x18200]  }
0x2ff: {  	v14 =	vld [tilespmem:$0x18280]  }
0x300: {  	v15 =	vld [tilespmem:$0x18300];
	_ =	sdelay $0x2  }
0x301: {  	[tilespmem:$0x18400] =	vst v13  }
0x302: {  	s3 =	sadd.s32 $0x1, s3;
	[tilespmem:$0x18410] =	vst v14  }
0x303: {  	p1 =	sne.s32 s3, $0xF;
	[tilespmem:$0x18420] =	vst v15  }
0x304: {  	[hbm4b:s7+s24] =	stream.indirect.scatter [tilespmem:s23], [sflag:$0x3], $0x80, s25, s24, $0xb8;
	[tilespmem:$0x19C80] =	vst v63  }
.Ltmp11:
0x305: {  	_ = 	snop;
	(pc) =	sbr.rel @p1 .LBB2_4-.Ltmp11, $4  }
.Ltmp12:
0x306: {  	s0 =	sadd.s32 s0, s12;
	_ =	swait.ge [sflag:s14], $0x1800;
	(pc) =	sbr.rel @!p1 .LBB2_23-.Ltmp12, $4  }
0x307: {  	s0 =	smin.u32 s0, $0xF3E00;
	[sflag:s14] =	ssyncset.done $0x0  }
0x308: {  	s0 =	sadd.s32 s1, s0;
	[sflag:s14] =	ssyncadd.s32 $0xFFFFE800  }
0x309: {  	[tilespmem:s19], [sflag:$0x2] =	stream.strided.gather [hbm4b:s0+s16], $0x8000, s17, s16, $0x38;
	[tilespmem:$0x19C80] =	vst v63  }
0x30a: {  	_ = 	snop  }
.LBB2_6:
.Ltmp13:
0x30b: {  	(pc) =	sbr.rel .LBB2_10-.Ltmp13, $2  }
0x30c: {  	_ =	sdelay $0x2  }
0x30d: {  	s4 =	simm.s32 $0x16400  }
.LBB2_15:
.Ltmp14:
0x30e: {  	(pc) =	sbr.rel .LBB2_19-.Ltmp14, $2  }
0x30f: {  	_ =	sdelay $0x2  }
0x310: {  	s4 =	simm.s32 $0x16400  }
.LBB2_8:
.Ltmp15:
0x311: {  	(pc) =	sbr.rel .LBB2_10-.Ltmp15, $2  }
0x312: {  	_ =	sdelay $0x2  }
0x313: {  	s4 =	simm.s32 $0x16400  }
.LBB2_17:
.Ltmp16:
0x314: {  	(pc) =	sbr.rel .LBB2_19-.Ltmp16, $2  }
0x315: {  	_ =	sdelay $0x2  }
0x316: {  	s4 =	simm.s32 $0x16400  }
.LBB2_23:
0x317: {  	_ =	swait.ge [sflag:s22], $0x8000  }
0x318: {  	[sflag:s22] =	ssyncset.done $0x0  }
0x319: {  	[sflag:s22] =	ssyncadd.s32 $0xFFFF8000  }
0x31a: {  	v13 =	vimm.s32 $0x0;
	[tilespmem:$0x18200] =	vst v3  }
0x31b: {  	[tilespmem:$0x18000] =	vst v13  }
0x31c: {  	[tilespmem:$0x18280] =	vst v4  }
.Ltmp17:
0x31d: {  	[tilespmem:$0x18080] =	vst v13;
	(pc) =	sbr.rel @p0 .LBB2_30-.Ltmp17, $4  }
0x31e: {  	[tilespmem:$0x18300] =	vst v5  }
0x31f: {  	[tilespmem:$0x18100] =	vst v13  }
0x320: {  	[tilespmem:$0x18380] =	vst v6  }
0x321: {  	[tilespmem:$0x18180] =	vst v13  }
0x322: {  	p2 =	sne.s32 s31, $0x1  }
.Ltmp18:
0x323: {  	_ = 	snop;
	(pc) =	sbr.rel @!p2 .LBB2_25-.Ltmp18, $3  }
0x324: {  	_ =	sdelay $0x1  }
0x325: {  	s2 =	simm.s32 $0x14800  }
0x326: {  	s0 =	simm.s32 $0x16400;
	p1 =	por $0x0, $0x0;
	v14 =	vld [tilespmem:s2+$0x0];
	s2 =	sadd.s32 $0xFFFFFFFF, s31  }
0x327: {  	_ =	sdelay $0x3  }
0x328: {  	v15 =	vsub.s32 v14, v7;
	v14 =	vsub.s32 v8, v14  }
0x329: {  	v14 =	vor.u32 v14, v15  }
0x32a: {  	vm0 =	vgt.s32 v14, $0xFFFFFFFF  }
0x32b: {  	v14 =	vsel vm0, $0x1, v10  }
0x32c: {  	(xrf0) =	vadd.scan.msk.s32 $0xffff, v14;
	_ =	sdelay $0x5  }
0x32d: {  	v14, _, _ =	vpop (xrf0)  }
0x32e: {  	v16 =	vadd.s32 v14, v13  }
0x32f: {  	v16 =	vadd.s32 $0xFFFFFFFF, v16  }
0x330: {  	v16 =	vnsel vm0, $0x30, v16  }
0x331: {  	v17 =	vshll.u32 v16, $0x3  }
0x332: {  	v16 =	vand.u32 $0xF, v16;
	v17 =	vand.u32 $0xFFFFFF80, v17  }
0x333: {  	v16 =	vor.u32 v16, v17;
	_ =	sdelay $0x3  }
0x334: {  	v15 =	vnsel vm0, $0x0, v15  }
0x335: {  	[tilespmem:v16+s28+$0x0] =	vst.idx.msk $0xffff, v15  }
0x336: {  	v15 =	vld [tilespmem:s0+$0x0]  }
0x337: {  	p2 =	sne.s32 s2, $0x1  }
.Ltmp19:
0x338: {  	v14 =	vperm.xlane v14, v11;
	(pc) =	sbr.rel @!p2 .LBB2_27-.Ltmp19, $4  }
0x339: {  	_ = 	snop  }
0x33a: {  	v13 =	vadd.s32 v13, v14  }
0x33b: {  	s3 =	simm.s32 $0x14880;
	vm15 =	vlt.s32 v13, $0x20;
	[tilespmem:v16+s29+$0x0] =	vst.idx.msk $0xffff, v15  }
0x33c: {  	s4 =	sadd.s32 $0xFFFFFFFF, s2;
	p1 =	por $0x1, $0x1;
	s2 =	simm.s32 $0x16400;
	v13 =	vnsel vm15, $0x20, v13;
	v14 =	vld [tilespmem:s3+$0x0]  }
.LBB2_28:
0x33d: {  	p2 =	sne.s32 s4, $0x1;
	_ =	sdelay $0x3  }
0x33e: {  	v15 =	vsub.s32 v14, v7;
	v14 =	vsub.s32 v8, v14  }
0x33f: {  	v14 =	vor.u32 v14, v15  }
0x340: {  	vm0 =	vgt.s32 v14, $0xFFFFFFFF  }
0x341: {  	v14 =	vsel vm0, $0x1, v10;
	v15 =	vnsel vm0, $0x0, v15  }
0x342: {  	(xrf0) =	vadd.scan.msk.s32 $0xffff, v14;
	_ =	sdelay $0x5  }
0x343: {  	v14, _, _ =	vpop (xrf0)  }
0x344: {  	v16 =	vadd.s32 v14, v13;
	v14 =	vperm.xlane v14, v11  }
0x345: {  	v16 =	vadd.s32 $0xFFFFFFFF, v16  }
0x346: {  	v16 =	vnsel vm0, $0x30, v16;
	v13 =	vadd.s32 v13, v14  }
0x347: {  	v14 =	vshll.u32 v16, $0x3;
	vm0 =	vlt.s32 v13, $0x20  }
0x348: {  	v16 =	vand.u32 $0xF, v16;
	v14 =	vand.u32 $0xFFFFFF80, v14;
	v13 =	vnsel vm0, $0x20, v13  }
0x349: {  	v14 =	vor.u32 v16, v14;
	_ =	sdelay $0x4  }
0x34a: {  	s2 =	sadd.s32 $0x80, s2;
	[tilespmem:v14+s28+$0x0] =	vst.idx.msk $0xffff, v15  }
0x34b: {  	v15 =	vld [tilespmem:s2+$0x0];
	_ =	sdelay $0x1  }
.Ltmp20:
0x34c: {  	(pc) =	sbr.rel @p2 .LBB2_28-.Ltmp20, $3  }
0x34d: {  	_ =	sdelay $0x1  }
0x34e: {  	s3 =	sadd.s32 $0x80, s3;
	[tilespmem:v14+s29+$0x0] =	vst.idx.msk $0xffff, v15  }
0x34f: {  	s4 =	sadd.s32 $0xFFFFFFFF, s4;
	v14 =	vld [tilespmem:s3+$0x0]  }
.LBB2_29:
0x350: {  	_ =	sdelay $0x3  }
0x351: {  	v15 =	vsub.s32 v14, v7;
	v14 =	vsub.s32 v8, v14  }
0x352: {  	v14 =	vor.u32 v14, v15  }
0x353: {  	vm0 =	vgt.s32 v14, $0xFFFFFFFF  }
0x354: {  	v14 =	vsel vm0, $0x1, v10  }
0x355: {  	(xrf0) =	vadd.scan.msk.s32 $0xffff, v14;
	_ =	sdelay $0x5  }
0x356: {  	v14, _, _ =	vpop (xrf0)  }
0x357: {  	v13 =	vadd.s32 v14, v13  }
0x358: {  	v13 =	vadd.s32 $0xFFFFFFFF, v13  }
0x359: {  	v13 =	vnsel vm0, $0x30, v13  }
0x35a: {  	v14 =	vshll.u32 v13, $0x3  }
0x35b: {  	v13 =	vand.u32 $0xF, v13;
	v14 =	vand.u32 $0xFFFFFF80, v14  }
0x35c: {  	v13 =	vor.u32 v13, v14;
	_ =	sdelay $0x3  }
0x35d: {  	s2 =	sadd.s32 @p1 $0x80, s2;
	v14 =	vnsel vm0, $0x0, v15  }
0x35e: {  	s0 =	smov.u32 @p1 s2;
	[tilespmem:v13+s28+$0x0] =	vst.idx.msk $0xffff, v14  }
0x35f: {  	v14 =	vld [tilespmem:s0+$0x0];
	_ =	sdelay $0x4  }
0x360: {  	[tilespmem:v13+s29+$0x0] =	vst.idx.msk $0xffff, v14  }
.LBB2_30:
0x361: {  	s0 =	simm.s32 $0x18000  }
0x362: {  	v13 =	vld [tilespmem:s0+$0x0];
	_ =	sdelay $0x4  }
0x363: {  	v14 =	vshll.u32 v13, $0x3  }
0x364: {  	v13 =	vand.u32 $0x7F, v13;
	v14 =	vand.u32 $0xFFFFFC00, v14  }
0x365: {  	v13 =	vor.u32 v13, v14;
	_ =	sdelay $0x1  }
0x366: {  	s2 =	simm.s32 $0x0  }
0x367: {  	v14 =	vmov s2  }
0x368: {  	v14 =	vshll.u32 v14, $0x7  }
0x369: {  	v14 =	vor.u32 v12, v14;
	v15 =	vld.idx.msk [tilespmem:v13+s18+$0x0], $0xffff  }
0x36a: {  	v16 =	vor.u32 $0x80, v13;
	_ =	sdelay $0x3  }
0x36b: {  	[tilespmem:v14+s23+$0x0] =	vst.idx.msk $0xffff, v15  }
0x36c: {  	v50 =	vor.u32 $0x1, v14;
	v15 =	vld.idx.msk [tilespmem:v16+s18+$0x0], $0xffff  }
0x36d: {  	v17 =	vor.u32 $0x100, v13;
	_ =	sdelay $0x3  }
0x36e: {  	[tilespmem:v50+s23+$0x0] =	vst.idx.msk $0xffff, v15  }
0x36f: {  	v51 =	vor.u32 $0x2, v14;
	v15 =	vld.idx.msk [tilespmem:v17+s18+$0x0], $0xffff  }
0x370: {  	v52 =	vor.u32 $0x180, v13;
	_ =	sdelay $0x3  }
0x371: {  	[tilespmem:v51+s23+$0x0] =	vst.idx.msk $0xffff, v15  }
0x372: {  	v53 =	vor.u32 $0x3, v14;
	v15 =	vld.idx.msk [tilespmem:v52+s18+$0x0], $0xffff  }
0x373: {  	v54 =	vor.u32 $0x200, v13;
	_ =	sdelay $0x3  }
0x374: {  	[tilespmem:v53+s23+$0x0] =	vst.idx.msk $0xffff, v15  }
0x375: {  	v55 =	vor.u32 $0x4, v14;
	v15 =	vld.idx.msk [tilespmem:v54+s18+$0x0], $0xffff  }
0x376: {  	v56 =	vor.u32 $0x280, v13;
	_ =	sdelay $0x3  }
0x377: {  	[tilespmem:v55+s23+$0x0] =	vst.idx.msk $0xffff, v15  }
0x378: {  	v57 =	vor.u32 $0x5, v14;
	v15 =	vld.idx.msk [tilespmem:v56+s18+$0x0], $0xffff  }
0x379: {  	v58 =	vor.u32 $0x300, v13;
	_ =	sdelay $0x3  }
0x37a: {  	[tilespmem:v57+s23+$0x0] =	vst.idx.msk $0xffff, v15  }
0x37b: {  	v59 =	vor.u32 $0x6, v14;
	v15 =	vld.idx.msk [tilespmem:v58+s18+$0x0], $0xffff  }
0x37c: {  	v60 =	vor.u32 $0x380, v13;
	_ =	sdelay $0x3  }
0x37d: {  	[tilespmem:v59+s23+$0x0] =	vst.idx.msk $0xffff, v15  }
0x37e: {  	v61 =	vor.u32 $0x7, v14;
	v15 =	vld.idx.msk [tilespmem:v60+s18+$0x0], $0xffff  }
0x37f: {  	v62 =	vadd.s32 $0x2000, v13;
	_ =	sdelay $0x3  }
0x380: {  	[tilespmem:v61+s23+$0x0] =	vst.idx.msk $0xffff, v15  }
0x381: {  	v63 =	vor.u32 $0x8, v14;
	v15 =	vld.idx.msk [tilespmem:v62+s18+$0x0], $0xffff  }
0x382: {  	v20 =	vadd.s32 $0x2080, v13;
	_ =	sdelay $0x3  }
0x383: {  	[tilespmem:v63+s23+$0x0] =	vst.idx.msk $0xffff, v15  }
0x384: {  	v21 =	vor.u32 $0x9, v14;
	v15 =	vld.idx.msk [tilespmem:v20+s18+$0x0], $0xffff  }
0x385: {  	v22 =	vadd.s32 $0x2100, v13;
	_ =	sdelay $0x3  }
0x386: {  	[tilespmem:v21+s23+$0x0] =	vst.idx.msk $0xffff, v15  }
0x387: {  	v23 =	vor.u32 $0xA, v14;
	v15 =	vld.idx.msk [tilespmem:v22+s18+$0x0], $0xffff  }
0x388: {  	v24 =	vadd.s32 $0x2180, v13;
	_ =	sdelay $0x3  }
0x389: {  	[tilespmem:v23+s23+$0x0] =	vst.idx.msk $0xffff, v15  }
0x38a: {  	v25 =	vor.u32 $0xB, v14;
	v15 =	vld.idx.msk [tilespmem:v24+s18+$0x0], $0xffff  }
0x38b: {  	v26 =	vadd.s32 $0x2200, v13;
	_ =	sdelay $0x3  }
0x38c: {  	[tilespmem:v25+s23+$0x0] =	vst.idx.msk $0xffff, v15  }
0x38d: {  	v27 =	vor.u32 $0xC, v14;
	v15 =	vld.idx.msk [tilespmem:v26+s18+$0x0], $0xffff  }
0x38e: {  	v28 =	vadd.s32 $0x2280, v13;
	_ =	sdelay $0x3  }
0x38f: {  	[tilespmem:v27+s23+$0x0] =	vst.idx.msk $0xffff, v15  }
0x390: {  	v29 =	vor.u32 $0xD, v14;
	v15 =	vld.idx.msk [tilespmem:v28+s18+$0x0], $0xffff  }
0x391: {  	v30 =	vadd.s32 $0x2300, v13;
	_ =	sdelay $0x3  }
0x392: {  	[tilespmem:v29+s23+$0x0] =	vst.idx.msk $0xffff, v15  }
0x393: {  	v31 =	vor.u32 $0xE, v14;
	v15 =	vld.idx.msk [tilespmem:v30+s18+$0x0], $0xffff  }
0x394: {  	v32 =	vadd.s32 $0x2380, v13;
	_ =	sdelay $0x3  }
0x395: {  	[tilespmem:v31+s23+$0x0] =	vst.idx.msk $0xffff, v15  }
0x396: {  	v33 =	vor.u32 $0xF, v14;
	v15 =	vld.idx.msk [tilespmem:v32+s18+$0x0], $0xffff  }
0x397: {  	v34 =	vadd.s32 $0x4000, v13;
	_ =	sdelay $0x3  }
0x398: {  	[tilespmem:v33+s23+$0x0] =	vst.idx.msk $0xffff, v15  }
0x399: {  	v35 =	vor.u32 $0x10, v14;
	v15 =	vld.idx.msk [tilespmem:v34+s18+$0x0], $0xffff  }
0x39a: {  	v36 =	vadd.s32 $0x4080, v13;
	_ =	sdelay $0x3  }
0x39b: {  	[tilespmem:v35+s23+$0x0] =	vst.idx.msk $0xffff, v15  }
0x39c: {  	v37 =	vor.u32 $0x11, v14;
	v15 =	vld.idx.msk [tilespmem:v36+s18+$0x0], $0xffff  }
0x39d: {  	v38 =	vadd.s32 $0x4100, v13;
	_ =	sdelay $0x3  }
0x39e: {  	[tilespmem:v37+s23+$0x0] =	vst.idx.msk $0xffff, v15  }
0x39f: {  	v39 =	vor.u32 $0x12, v14;
	v15 =	vld.idx.msk [tilespmem:v38+s18+$0x0], $0xffff  }
0x3a0: {  	v40 =	vadd.s32 $0x4180, v13;
	_ =	sdelay $0x3  }
0x3a1: {  	[tilespmem:v39+s23+$0x0] =	vst.idx.msk $0xffff, v15  }
0x3a2: {  	v41 =	vor.u32 $0x13, v14;
	v15 =	vld.idx.msk [tilespmem:v40+s18+$0x0], $0xffff  }
0x3a3: {  	v42 =	vadd.s32 $0x4200, v13;
	_ =	sdelay $0x3  }
0x3a4: {  	[tilespmem:v41+s23+$0x0] =	vst.idx.msk $0xffff, v15  }
0x3a5: {  	v43 =	vor.u32 $0x14, v14;
	v15 =	vld.idx.msk [tilespmem:v42+s18+$0x0], $0xffff  }
0x3a6: {  	v44 =	vadd.s32 $0x4280, v13;
	_ =	sdelay $0x3  }
0x3a7: {  	[tilespmem:v43+s23+$0x0] =	vst.idx.msk $0xffff, v15  }
0x3a8: {  	v45 =	vor.u32 $0x15, v14;
	v15 =	vld.idx.msk [tilespmem:v44+s18+$0x0], $0xffff  }
0x3a9: {  	v46 =	vadd.s32 $0x4300, v13;
	_ =	sdelay $0x3  }
0x3aa: {  	[tilespmem:v45+s23+$0x0] =	vst.idx.msk $0xffff, v15  }
0x3ab: {  	v47 =	vor.u32 $0x16, v14;
	v15 =	vld.idx.msk [tilespmem:v46+s18+$0x0], $0xffff  }
0x3ac: {  	v48 =	vadd.s32 $0x4380, v13;
	_ =	sdelay $0x3  }
0x3ad: {  	[tilespmem:v47+s23+$0x0] =	vst.idx.msk $0xffff, v15  }
0x3ae: {  	v49 =	vor.u32 $0x17, v14;
	v15 =	vld.idx.msk [tilespmem:v48+s18+$0x0], $0xffff  }
0x3af: {  	v50 =	vadd.s32 $0x6000, v13;
	_ =	sdelay $0x3  }
0x3b0: {  	[tilespmem:v49+s23+$0x0] =	vst.idx.msk $0xffff, v15  }
0x3b1: {  	v51 =	vor.u32 $0x18, v14;
	v15 =	vld.idx.msk [tilespmem:v50+s18+$0x0], $0xffff  }
0x3b2: {  	v52 =	vadd.s32 $0x6080, v13;
	_ =	sdelay $0x3  }
0x3b3: {  	[tilespmem:v51+s23+$0x0] =	vst.idx.msk $0xffff, v15  }
0x3b4: {  	v53 =	vor.u32 $0x19, v14;
	v15 =	vld.idx.msk [tilespmem:v52+s18+$0x0], $0xffff  }
0x3b5: {  	v54 =	vadd.s32 $0x6100, v13;
	_ =	sdelay $0x3  }
0x3b6: {  	[tilespmem:v53+s23+$0x0] =	vst.idx.msk $0xffff, v15  }
0x3b7: {  	v55 =	vor.u32 $0x1A, v14;
	v15 =	vld.idx.msk [tilespmem:v54+s18+$0x0], $0xffff  }
0x3b8: {  	v56 =	vadd.s32 $0x6180, v13;
	_ =	sdelay $0x3  }
0x3b9: {  	[tilespmem:v55+s23+$0x0] =	vst.idx.msk $0xffff, v15  }
0x3ba: {  	v57 =	vor.u32 $0x1B, v14;
	v15 =	vld.idx.msk [tilespmem:v56+s18+$0x0], $0xffff  }
0x3bb: {  	v58 =	vadd.s32 $0x6200, v13;
	_ =	sdelay $0x3  }
0x3bc: {  	[tilespmem:v57+s23+$0x0] =	vst.idx.msk $0xffff, v15  }
0x3bd: {  	v59 =	vor.u32 $0x1C, v14;
	v15 =	vld.idx.msk [tilespmem:v58+s18+$0x0], $0xffff  }
0x3be: {  	v60 =	vadd.s32 $0x6280, v13;
	_ =	sdelay $0x3  }
0x3bf: {  	[tilespmem:v59+s23+$0x0] =	vst.idx.msk $0xffff, v15  }
0x3c0: {  	v61 =	vor.u32 $0x1D, v14;
	v15 =	vld.idx.msk [tilespmem:v60+s18+$0x0], $0xffff  }
0x3c1: {  	v62 =	vadd.s32 $0x6300, v13;
	_ =	sdelay $0x3  }
0x3c2: {  	[tilespmem:v61+s23+$0x0] =	vst.idx.msk $0xffff, v15  }
0x3c3: {  	v63 =	vor.u32 $0x1E, v14;
	v15 =	vld.idx.msk [tilespmem:v62+s18+$0x0], $0xffff  }
0x3c4: {  	v13 =	vadd.s32 $0x6380, v13;
	_ =	sdelay $0x3  }
0x3c5: {  	[tilespmem:v63+s23+$0x0] =	vst.idx.msk $0xffff, v15  }
0x3c6: {  	s2 =	simm.s32 $0x10;
	v14 =	vor.u32 $0x1F, v14;
	v13 =	vld.idx.msk [tilespmem:v13+s18+$0x0], $0xffff  }
.LBB2_31:
0x3c7: {  	_ =	sdelay $0x2  }
0x3c8: {  	p1 =	sne.s32 s2, $0x20  }
0x3c9: {  	s0 =	sadd.s32 $0x80, s0;
	s3 =	smov.u32 s2;
	s2 =	sadd.s32 $0x10, s2;
	[tilespmem:v14+s23+$0x0] =	vst.idx.msk $0xffff, v13  }
0x3ca: {  	v13 =	vld [tilespmem:s0+$0x0];
	_ =	sdelay $0x4  }
0x3cb: {  	v14 =	vshll.u32 v13, $0x3  }
0x3cc: {  	v13 =	vand.u32 $0x7F, v13;
	v14 =	vand.u32 $0xFFFFFC00, v14  }
0x3cd: {  	v13 =	vor.u32 v13, v14;
	_ =	sdelay $0x3  }
0x3ce: {  	v14 =	vmov s3  }
0x3cf: {  	v14 =	vshll.u32 v14, $0x7;
	v15 =	vld.idx.msk [tilespmem:v13+s18+$0x0], $0xffff  }
0x3d0: {  	v14 =	vor.u32 v12, v14  }
0x3d1: {  	v16 =	vor.u32 $0x80, v13;
	_ =	sdelay $0x3  }
0x3d2: {  	[tilespmem:v14+s23+$0x0] =	vst.idx.msk $0xffff, v15  }
0x3d3: {  	v15 =	vld.idx.msk [tilespmem:v16+s18+$0x0], $0xffff  }
0x3d4: {  	v16 =	vor.u32 $0x1, v14  }
0x3d5: {  	v17 =	vor.u32 $0x100, v13;
	_ =	sdelay $0x3  }
0x3d6: {  	[tilespmem:v16+s23+$0x0] =	vst.idx.msk $0xffff, v15  }
0x3d7: {  	v15 =	vld.idx.msk [tilespmem:v17+s18+$0x0], $0xffff  }
0x3d8: {  	v16 =	vor.u32 $0x2, v14  }
0x3d9: {  	v17 =	vor.u32 $0x180, v13;
	_ =	sdelay $0x3  }
0x3da: {  	[tilespmem:v16+s23+$0x0] =	vst.idx.msk $0xffff, v15  }
0x3db: {  	v15 =	vld.idx.msk [tilespmem:v17+s18+$0x0], $0xffff  }
0x3dc: {  	v16 =	vor.u32 $0x3, v14  }
0x3dd: {  	v17 =	vor.u32 $0x200, v13;
	_ =	sdelay $0x3  }
0x3de: {  	[tilespmem:v16+s23+$0x0] =	vst.idx.msk $0xffff, v15  }
0x3df: {  	v15 =	vld.idx.msk [tilespmem:v17+s18+$0x0], $0xffff  }
0x3e0: {  	v16 =	vor.u32 $0x4, v14  }
0x3e1: {  	v17 =	vor.u32 $0x280, v13;
	_ =	sdelay $0x3  }
0x3e2: {  	[tilespmem:v16+s23+$0x0] =	vst.idx.msk $0xffff, v15  }
0x3e3: {  	v15 =	vld.idx.msk [tilespmem:v17+s18+$0x0], $0xffff  }
0x3e4: {  	v16 =	vor.u32 $0x5, v14  }
0x3e5: {  	v17 =	vor.u32 $0x300, v13;
	_ =	sdelay $0x3  }
0x3e6: {  	[tilespmem:v16+s23+$0x0] =	vst.idx.msk $0xffff, v15  }
0x3e7: {  	v15 =	vld.idx.msk [tilespmem:v17+s18+$0x0], $0xffff  }
0x3e8: {  	v16 =	vor.u32 $0x6, v14  }
0x3e9: {  	v17 =	vor.u32 $0x380, v13;
	_ =	sdelay $0x3  }
0x3ea: {  	[tilespmem:v16+s23+$0x0] =	vst.idx.msk $0xffff, v15  }
0x3eb: {  	v15 =	vld.idx.msk [tilespmem:v17+s18+$0x0], $0xffff  }
0x3ec: {  	v16 =	vor.u32 $0x7, v14  }
0x3ed: {  	v17 =	vadd.s32 $0x2000, v13;
	_ =	sdelay $0x3  }
0x3ee: {  	[tilespmem:v16+s23+$0x0] =	vst.idx.msk $0xffff, v15  }
0x3ef: {  	v15 =	vld.idx.msk [tilespmem:v17+s18+$0x0], $0xffff  }
0x3f0: {  	v16 =	vor.u32 $0x8, v14  }
0x3f1: {  	v17 =	vadd.s32 $0x2080, v13;
	_ =	sdelay $0x3  }
0x3f2: {  	[tilespmem:v16+s23+$0x0] =	vst.idx.msk $0xffff, v15  }
0x3f3: {  	v15 =	vld.idx.msk [tilespmem:v17+s18+$0x0], $0xffff  }
0x3f4: {  	v16 =	vor.u32 $0x9, v14  }
0x3f5: {  	v17 =	vadd.s32 $0x2100, v13;
	_ =	sdelay $0x3  }
0x3f6: {  	[tilespmem:v16+s23+$0x0] =	vst.idx.msk $0xffff, v15  }
0x3f7: {  	v15 =	vld.idx.msk [tilespmem:v17+s18+$0x0], $0xffff  }
0x3f8: {  	v16 =	vor.u32 $0xA, v14  }
0x3f9: {  	v17 =	vadd.s32 $0x2180, v13;
	_ =	sdelay $0x3  }
0x3fa: {  	[tilespmem:v16+s23+$0x0] =	vst.idx.msk $0xffff, v15  }
0x3fb: {  	v15 =	vld.idx.msk [tilespmem:v17+s18+$0x0], $0xffff  }
0x3fc: {  	v16 =	vor.u32 $0xB, v14  }
0x3fd: {  	v17 =	vadd.s32 $0x2200, v13;
	_ =	sdelay $0x3  }
0x3fe: {  	[tilespmem:v16+s23+$0x0] =	vst.idx.msk $0xffff, v15  }
0x3ff: {  	v15 =	vld.idx.msk [tilespmem:v17+s18+$0x0], $0xffff  }
0x400: {  	v16 =	vor.u32 $0xC, v14  }
0x401: {  	v17 =	vadd.s32 $0x2280, v13;
	_ =	sdelay $0x3  }
0x402: {  	[tilespmem:v16+s23+$0x0] =	vst.idx.msk $0xffff, v15  }
0x403: {  	v15 =	vld.idx.msk [tilespmem:v17+s18+$0x0], $0xffff  }
0x404: {  	v16 =	vor.u32 $0xD, v14  }
0x405: {  	v17 =	vadd.s32 $0x2300, v13;
	_ =	sdelay $0x3  }
0x406: {  	[tilespmem:v16+s23+$0x0] =	vst.idx.msk $0xffff, v15  }
0x407: {  	v15 =	vld.idx.msk [tilespmem:v17+s18+$0x0], $0xffff  }
0x408: {  	v16 =	vor.u32 $0xE, v14  }
0x409: {  	v17 =	vadd.s32 $0x2380, v13;
	_ =	sdelay $0x3  }
0x40a: {  	[tilespmem:v16+s23+$0x0] =	vst.idx.msk $0xffff, v15  }
0x40b: {  	v15 =	vld.idx.msk [tilespmem:v17+s18+$0x0], $0xffff  }
0x40c: {  	v16 =	vor.u32 $0xF, v14  }
0x40d: {  	v17 =	vadd.s32 $0x4000, v13;
	_ =	sdelay $0x3  }
0x40e: {  	[tilespmem:v16+s23+$0x0] =	vst.idx.msk $0xffff, v15  }
0x40f: {  	v15 =	vld.idx.msk [tilespmem:v17+s18+$0x0], $0xffff  }
0x410: {  	v16 =	vor.u32 $0x10, v14  }
0x411: {  	v17 =	vadd.s32 $0x4080, v13;
	_ =	sdelay $0x3  }
0x412: {  	[tilespmem:v16+s23+$0x0] =	vst.idx.msk $0xffff, v15  }
0x413: {  	v15 =	vld.idx.msk [tilespmem:v17+s18+$0x0], $0xffff  }
0x414: {  	v16 =	vor.u32 $0x11, v14  }
0x415: {  	v17 =	vadd.s32 $0x4100, v13;
	_ =	sdelay $0x3  }
0x416: {  	[tilespmem:v16+s23+$0x0] =	vst.idx.msk $0xffff, v15  }
0x417: {  	v15 =	vld.idx.msk [tilespmem:v17+s18+$0x0], $0xffff  }
0x418: {  	v16 =	vor.u32 $0x12, v14  }
0x419: {  	v17 =	vadd.s32 $0x4180, v13;
	_ =	sdelay $0x3  }
0x41a: {  	[tilespmem:v16+s23+$0x0] =	vst.idx.msk $0xffff, v15  }
0x41b: {  	v15 =	vld.idx.msk [tilespmem:v17+s18+$0x0], $0xffff  }
0x41c: {  	v16 =	vor.u32 $0x13, v14  }
0x41d: {  	v17 =	vadd.s32 $0x4200, v13;
	_ =	sdelay $0x3  }
0x41e: {  	[tilespmem:v16+s23+$0x0] =	vst.idx.msk $0xffff, v15  }
0x41f: {  	v15 =	vld.idx.msk [tilespmem:v17+s18+$0x0], $0xffff  }
0x420: {  	v16 =	vor.u32 $0x14, v14  }
0x421: {  	v17 =	vadd.s32 $0x4280, v13;
	_ =	sdelay $0x3  }
0x422: {  	[tilespmem:v16+s23+$0x0] =	vst.idx.msk $0xffff, v15  }
0x423: {  	v15 =	vld.idx.msk [tilespmem:v17+s18+$0x0], $0xffff  }
0x424: {  	v16 =	vor.u32 $0x15, v14  }
0x425: {  	v17 =	vadd.s32 $0x4300, v13;
	_ =	sdelay $0x3  }
0x426: {  	[tilespmem:v16+s23+$0x0] =	vst.idx.msk $0xffff, v15  }
0x427: {  	v15 =	vld.idx.msk [tilespmem:v17+s18+$0x0], $0xffff  }
0x428: {  	v16 =	vor.u32 $0x16, v14  }
0x429: {  	v17 =	vadd.s32 $0x4380, v13;
	_ =	sdelay $0x3  }
0x42a: {  	[tilespmem:v16+s23+$0x0] =	vst.idx.msk $0xffff, v15  }
0x42b: {  	v15 =	vld.idx.msk [tilespmem:v17+s18+$0x0], $0xffff  }
0x42c: {  	v16 =	vor.u32 $0x17, v14  }
0x42d: {  	v17 =	vadd.s32 $0x6000, v13;
	_ =	sdelay $0x3  }
0x42e: {  	[tilespmem:v16+s23+$0x0] =	vst.idx.msk $0xffff, v15  }
0x42f: {  	v15 =	vld.idx.msk [tilespmem:v17+s18+$0x0], $0xffff  }
0x430: {  	v16 =	vor.u32 $0x18, v14  }
0x431: {  	v17 =	vadd.s32 $0x6080, v13;
	_ =	sdelay $0x3  }
0x432: {  	[tilespmem:v16+s23+$0x0] =	vst.idx.msk $0xffff, v15  }
0x433: {  	v15 =	vld.idx.msk [tilespmem:v17+s18+$0x0], $0xffff  }
0x434: {  	v16 =	vor.u32 $0x19, v14  }
0x435: {  	v17 =	vadd.s32 $0x6100, v13;
	_ =	sdelay $0x3  }
0x436: {  	[tilespmem:v16+s23+$0x0] =	vst.idx.msk $0xffff, v15  }
0x437: {  	v15 =	vld.idx.msk [tilespmem:v17+s18+$0x0], $0xffff  }
0x438: {  	v16 =	vor.u32 $0x1A, v14  }
0x439: {  	v17 =	vadd.s32 $0x6180, v13;
	_ =	sdelay $0x3  }
0x43a: {  	[tilespmem:v16+s23+$0x0] =	vst.idx.msk $0xffff, v15  }
0x43b: {  	v15 =	vld.idx.msk [tilespmem:v17+s18+$0x0], $0xffff  }
0x43c: {  	v16 =	vor.u32 $0x1B, v14  }
0x43d: {  	v17 =	vadd.s32 $0x6200, v13;
	_ =	sdelay $0x3  }
0x43e: {  	[tilespmem:v16+s23+$0x0] =	vst.idx.msk $0xffff, v15  }
0x43f: {  	v15 =	vld.idx.msk [tilespmem:v17+s18+$0x0], $0xffff  }
0x440: {  	v16 =	vor.u32 $0x1C, v14  }
0x441: {  	v17 =	vadd.s32 $0x6280, v13;
	_ =	sdelay $0x3  }
0x442: {  	[tilespmem:v16+s23+$0x0] =	vst.idx.msk $0xffff, v15  }
0x443: {  	v15 =	vld.idx.msk [tilespmem:v17+s18+$0x0], $0xffff  }
0x444: {  	v16 =	vor.u32 $0x1D, v14  }
0x445: {  	v17 =	vadd.s32 $0x6300, v13;
	_ =	sdelay $0x3  }
0x446: {  	[tilespmem:v16+s23+$0x0] =	vst.idx.msk $0xffff, v15  }
0x447: {  	v15 =	vld.idx.msk [tilespmem:v17+s18+$0x0], $0xffff  }
0x448: {  	v16 =	vor.u32 $0x1E, v14  }
0x449: {  	v13 =	vadd.s32 $0x6380, v13;
	_ =	sdelay $0x1  }
.Ltmp21:
0x44a: {  	(pc) =	sbr.rel @p1 .LBB2_31-.Ltmp21, $4  }
0x44b: {  	_ = 	snop  }
0x44c: {  	[tilespmem:v16+s23+$0x0] =	vst.idx.msk $0xffff, v15  }
0x44d: {  	v13 =	vld.idx.msk [tilespmem:v13+s18+$0x0], $0xffff  }
0x44e: {  	v14 =	vor.u32 $0x1F, v14  }
0x44f: {  	_ =	sdelay $0x3  }
0x450: {  	[tilespmem:v14+s23+$0x0] =	vst.idx.msk $0xffff, v13  }
0x451: {  	v13 =	vld [tilespmem:$0x18200]  }
0x452: {  	v14 =	vld [tilespmem:$0x18280]  }
0x453: {  	v15 =	vld [tilespmem:$0x18300];
	_ =	sdelay $0x2  }
0x454: {  	[tilespmem:$0x18400] =	vst v13  }
0x455: {  	[tilespmem:$0x18410] =	vst v14  }
0x456: {  	[tilespmem:$0x18420] =	vst v15  }
0x457: {  	[hbm4b:s7+s24] =	stream.indirect.scatter [tilespmem:s23], [sflag:$0x3], $0x80, s25, s24, $0xb8;
	[tilespmem:$0x19C80] =	vst v63  }
0x458: {  	_ =	swait.ge [sflag:s14], $0x1800  }
0x459: {  	[sflag:s14] =	ssyncset.done $0x0  }
0x45a: {  	[sflag:s14] =	ssyncadd.s32 $0xFFFFE800  }
0x45b: {  	_ =	swait.ge [sflag:s26], $0x8000  }
0x45c: {  	[sflag:s26] =	ssyncset.done $0x0  }
0x45d: {  	[sflag:s26] =	ssyncadd.s32 $0xFFFF8000  }
0x45e: {  	v13 =	vimm.s32 $0x0;
	[tilespmem:$0x18200] =	vst v3  }
0x45f: {  	[tilespmem:$0x18000] =	vst v13  }
0x460: {  	[tilespmem:$0x18280] =	vst v4  }
.Ltmp22:
0x461: {  	[tilespmem:$0x18080] =	vst v13;
	(pc) =	sbr.rel @p0 .LBB2_39-.Ltmp22, $4  }
0x462: {  	[tilespmem:$0x18300] =	vst v5  }
0x463: {  	[tilespmem:$0x18100] =	vst v13  }
0x464: {  	[tilespmem:$0x18380] =	vst v6  }
0x465: {  	[tilespmem:$0x18180] =	vst v13  }
0x466: {  	p1 =	sne.s32 s31, $0x1  }
.Ltmp23:
0x467: {  	_ = 	snop;
	(pc) =	sbr.rel @!p1 .LBB2_34-.Ltmp23, $3  }
0x468: {  	_ =	sdelay $0x1  }
0x469: {  	s2 =	simm.s32 $0x14800  }
0x46a: {  	s0 =	simm.s32 $0x16400;
	p0 =	por $0x0, $0x0;
	v14 =	vld [tilespmem:s2+$0x0];
	s2 =	sadd.s32 $0xFFFFFFFF, s31  }
0x46b: {  	_ =	sdelay $0x3  }
0x46c: {  	v15 =	vadd.s32 $0xFFF0BE00, v14;
	v14 =	vadd.s32 $0xFFF0BDC0, v14  }
0x46d: {  	v14 =	vshrl.u32 v14, $0x1F;
	vm0 =	vlt.s32 v15, $0x0  }
0x46e: {  	v14 =	vsel vm0, $0x0, v14  }
0x46f: {  	(xrf0) =	vadd.scan.msk.s32 $0xffff, v14;
	_ =	sdelay $0x5  }
0x470: {  	v16, _, _ =	vpop (xrf0)  }
0x471: {  	v17 =	vadd.s32 v16, v13  }
0x472: {  	v17 =	vadd.s32 $0xFFFFFFCF, v17  }
0x473: {  	v17 =	vmul.u32 v14, v17;
	_ =	sdelay $0x1  }
0x474: {  	v18 =	vshll.u32 v17, $0x3  }
0x475: {  	v17 =	vand.u32 $0xF, v17;
	v18 =	vand.u32 $0xFFFFFF80, v18  }
0x476: {  	v17 =	vor.u32 v17, v18  }
0x477: {  	v17 =	vadd.s32 $0x180, v17;
	_ =	sdelay $0x2  }
0x478: {  	v14 =	vmul.u32 v15, v14;
	_ =	sdelay $0x1  }
0x479: {  	[tilespmem:v17+s28+$0x0] =	vst.idx.msk $0xffff, v14  }
0x47a: {  	v14 =	vld [tilespmem:s0+$0x0]  }
0x47b: {  	p1 =	sne.s32 s2, $0x1  }
.Ltmp24:
0x47c: {  	v15 =	vperm.xlane v16, v11;
	(pc) =	sbr.rel @!p1 .LBB2_36-.Ltmp24, $4  }
0x47d: {  	_ = 	snop  }
0x47e: {  	v13 =	vadd.s32 v13, v15  }
0x47f: {  	s3 =	simm.s32 $0x14880;
	vm15 =	vlt.s32 v13, $0x20;
	[tilespmem:v17+s29+$0x0] =	vst.idx.msk $0xffff, v14  }
0x480: {  	s4 =	sadd.s32 $0xFFFFFFFF, s2;
	p0 =	por $0x1, $0x1;
	s2 =	simm.s32 $0x16400;
	v13 =	vnsel vm15, $0x20, v13;
	v14 =	vld [tilespmem:s3+$0x0]  }
.LBB2_37:
0x481: {  	p1 =	sne.s32 s4, $0x1;
	_ =	sdelay $0x3  }
0x482: {  	v15 =	vadd.s32 $0xFFF0BE00, v14;
	v14 =	vadd.s32 $0xFFF0BDC0, v14  }
0x483: {  	v14 =	vshrl.u32 v14, $0x1F;
	vm0 =	vlt.s32 v15, $0x0  }
0x484: {  	v14 =	vsel vm0, $0x0, v14  }
0x485: {  	v15 =	vmul.u32 v15, v14;
	(xrf0) =	vadd.scan.msk.s32 $0xffff, v14;
	_ =	sdelay $0x5  }
0x486: {  	v16, _, _ =	vpop (xrf0)  }
0x487: {  	v17 =	vadd.s32 v16, v13;
	v16 =	vperm.xlane v16, v11  }
0x488: {  	v17 =	vadd.s32 $0xFFFFFFCF, v17  }
0x489: {  	v14 =	vmul.u32 v14, v17;
	v13 =	vadd.s32 v13, v16  }
0x48a: {  	vm0 =	vlt.s32 v13, $0x20  }
0x48b: {  	v16 =	vshll.u32 v14, $0x3;
	v13 =	vnsel vm0, $0x20, v13  }
0x48c: {  	v14 =	vand.u32 $0xF, v14;
	v16 =	vand.u32 $0xFFFFFF80, v16  }
0x48d: {  	v14 =	vor.u32 v14, v16  }
0x48e: {  	v14 =	vadd.s32 $0x180, v14;
	_ =	sdelay $0x4  }
0x48f: {  	s2 =	sadd.s32 $0x80, s2;
	[tilespmem:v14+s28+$0x0] =	vst.idx.msk $0xffff, v15  }
0x490: {  	v15 =	vld [tilespmem:s2+$0x0];
	_ =	sdelay $0x1  }
.Ltmp25:
0x491: {  	(pc) =	sbr.rel @p1 .LBB2_37-.Ltmp25, $3  }
0x492: {  	_ =	sdelay $0x1  }
0x493: {  	s3 =	sadd.s32 $0x80, s3;
	[tilespmem:v14+s29+$0x0] =	vst.idx.msk $0xffff, v15  }
0x494: {  	s4 =	sadd.s32 $0xFFFFFFFF, s4;
	v14 =	vld [tilespmem:s3+$0x0]  }
.LBB2_38:
0x495: {  	_ =	sdelay $0x3  }
0x496: {  	v15 =	vadd.s32 $0xFFF0BE00, v14;
	v14 =	vadd.s32 $0xFFF0BDC0, v14  }
0x497: {  	v14 =	vshrl.u32 v14, $0x1F;
	vm0 =	vlt.s32 v15, $0x0  }
0x498: {  	v14 =	vsel vm0, $0x0, v14  }
0x499: {  	(xrf0) =	vadd.scan.msk.s32 $0xffff, v14;
	_ =	sdelay $0x5  }
0x49a: {  	v16, _, _ =	vpop (xrf0)  }
0x49b: {  	v13 =	vadd.s32 v16, v13  }
0x49c: {  	v13 =	vadd.s32 $0xFFFFFFCF, v13  }
0x49d: {  	v13 =	vmul.u32 v14, v13;
	_ =	sdelay $0x1  }
0x49e: {  	v63 =	vshll.u32 v13, $0x3  }
0x49f: {  	v13 =	vand.u32 $0xF, v13;
	v16 =	vand.u32 $0xFFFFFF80, v63  }
0x4a0: {  	v13 =	vor.u32 v13, v16  }
0x4a1: {  	v13 =	vadd.s32 $0x180, v13;
	_ =	sdelay $0x2  }
0x4a2: {  	v14 =	vmul.u32 v15, v14  }
0x4a3: {  	s2 =	sadd.s32 @p0 $0x80, s2  }
0x4a4: {  	s0 =	smov.u32 @p0 s2;
	[tilespmem:v13+s28+$0x0] =	vst.idx.msk $0xffff, v14  }
0x4a5: {  	v14 =	vld [tilespmem:s0+$0x0];
	_ =	sdelay $0x4  }
0x4a6: {  	[tilespmem:v13+s29+$0x0] =	vst.idx.msk $0xffff, v14  }
.LBB2_39:
0x4a7: {  	s0 =	simm.s32 $0x18000  }
0x4a8: {  	v13 =	vld [tilespmem:s0+$0x0];
	_ =	sdelay $0x4  }
0x4a9: {  	v13 =	vshll.u32 v13, $0x5;
	_ =	sdelay $0x1  }
0x4aa: {  	s2 =	simm.s32 $0x0  }
0x4ab: {  	v14 =	vmov s2  }
0x4ac: {  	v14 =	vshll.u32 v14, $0x7  }
0x4ad: {  	v14 =	vor.u32 v12, v14;
	v15 =	vld.idx.msk [tilespmem:v13+s15+$0x0], $0xffff  }
0x4ae: {  	v16 =	vor.u32 $0x1, v13;
	_ =	sdelay $0x3  }
0x4af: {  	[tilespmem:v14+s23+$0x0] =	vst.idx.msk $0xffff, v15  }
0x4b0: {  	v50 =	vor.u32 $0x1, v14;
	v15 =	vld.idx.msk [tilespmem:v16+s15+$0x0], $0xffff  }
0x4b1: {  	v17 =	vor.u32 $0x2, v13;
	_ =	sdelay $0x3  }
0x4b2: {  	[tilespmem:v50+s23+$0x0] =	vst.idx.msk $0xffff, v15  }
0x4b3: {  	v51 =	vor.u32 $0x2, v14;
	v15 =	vld.idx.msk [tilespmem:v17+s15+$0x0], $0xffff  }
0x4b4: {  	v52 =	vor.u32 $0x3, v13;
	_ =	sdelay $0x3  }
0x4b5: {  	[tilespmem:v51+s23+$0x0] =	vst.idx.msk $0xffff, v15  }
0x4b6: {  	v53 =	vor.u32 $0x3, v14;
	v15 =	vld.idx.msk [tilespmem:v52+s15+$0x0], $0xffff  }
0x4b7: {  	v54 =	vor.u32 $0x4, v13;
	_ =	sdelay $0x3  }
0x4b8: {  	[tilespmem:v53+s23+$0x0] =	vst.idx.msk $0xffff, v15  }
0x4b9: {  	v55 =	vor.u32 $0x4, v14;
	v15 =	vld.idx.msk [tilespmem:v54+s15+$0x0], $0xffff  }
0x4ba: {  	v56 =	vor.u32 $0x5, v13;
	_ =	sdelay $0x3  }
0x4bb: {  	[tilespmem:v55+s23+$0x0] =	vst.idx.msk $0xffff, v15  }
0x4bc: {  	v57 =	vor.u32 $0x5, v14;
	v15 =	vld.idx.msk [tilespmem:v56+s15+$0x0], $0xffff  }
0x4bd: {  	v58 =	vor.u32 $0x6, v13;
	_ =	sdelay $0x3  }
0x4be: {  	[tilespmem:v57+s23+$0x0] =	vst.idx.msk $0xffff, v15  }
0x4bf: {  	v59 =	vor.u32 $0x6, v14;
	v15 =	vld.idx.msk [tilespmem:v58+s15+$0x0], $0xffff  }
0x4c0: {  	v60 =	vor.u32 $0x7, v13;
	_ =	sdelay $0x3  }
0x4c1: {  	[tilespmem:v59+s23+$0x0] =	vst.idx.msk $0xffff, v15  }
0x4c2: {  	v61 =	vor.u32 $0x7, v14;
	v15 =	vld.idx.msk [tilespmem:v60+s15+$0x0], $0xffff  }
0x4c3: {  	v62 =	vor.u32 $0x8, v13;
	_ =	sdelay $0x3  }
0x4c4: {  	[tilespmem:v61+s23+$0x0] =	vst.idx.msk $0xffff, v15  }
0x4c5: {  	v63 =	vor.u32 $0x8, v14;
	v15 =	vld.idx.msk [tilespmem:v62+s15+$0x0], $0xffff  }
0x4c6: {  	v20 =	vor.u32 $0x9, v13;
	_ =	sdelay $0x3  }
0x4c7: {  	[tilespmem:v63+s23+$0x0] =	vst.idx.msk $0xffff, v15  }
0x4c8: {  	v21 =	vor.u32 $0x9, v14;
	v15 =	vld.idx.msk [tilespmem:v20+s15+$0x0], $0xffff  }
0x4c9: {  	v22 =	vor.u32 $0xA, v13;
	_ =	sdelay $0x3  }
0x4ca: {  	[tilespmem:v21+s23+$0x0] =	vst.idx.msk $0xffff, v15  }
0x4cb: {  	v23 =	vor.u32 $0xA, v14;
	v15 =	vld.idx.msk [tilespmem:v22+s15+$0x0], $0xffff  }
0x4cc: {  	v24 =	vor.u32 $0xB, v13;
	_ =	sdelay $0x3  }
0x4cd: {  	[tilespmem:v23+s23+$0x0] =	vst.idx.msk $0xffff, v15  }
0x4ce: {  	v25 =	vor.u32 $0xB, v14;
	v15 =	vld.idx.msk [tilespmem:v24+s15+$0x0], $0xffff  }
0x4cf: {  	v26 =	vor.u32 $0xC, v13;
	_ =	sdelay $0x3  }
0x4d0: {  	[tilespmem:v25+s23+$0x0] =	vst.idx.msk $0xffff, v15  }
0x4d1: {  	v27 =	vor.u32 $0xC, v14;
	v15 =	vld.idx.msk [tilespmem:v26+s15+$0x0], $0xffff  }
0x4d2: {  	v28 =	vor.u32 $0xD, v13;
	_ =	sdelay $0x3  }
0x4d3: {  	[tilespmem:v27+s23+$0x0] =	vst.idx.msk $0xffff, v15  }
0x4d4: {  	v29 =	vor.u32 $0xD, v14;
	v15 =	vld.idx.msk [tilespmem:v28+s15+$0x0], $0xffff  }
0x4d5: {  	v30 =	vor.u32 $0xE, v13;
	_ =	sdelay $0x3  }
0x4d6: {  	[tilespmem:v29+s23+$0x0] =	vst.idx.msk $0xffff, v15  }
0x4d7: {  	v31 =	vor.u32 $0xE, v14;
	v15 =	vld.idx.msk [tilespmem:v30+s15+$0x0], $0xffff  }
0x4d8: {  	v32 =	vor.u32 $0xF, v13;
	_ =	sdelay $0x3  }
0x4d9: {  	[tilespmem:v31+s23+$0x0] =	vst.idx.msk $0xffff, v15  }
0x4da: {  	v33 =	vor.u32 $0xF, v14;
	v15 =	vld.idx.msk [tilespmem:v32+s15+$0x0], $0xffff  }
0x4db: {  	v34 =	vor.u32 $0x10, v13;
	_ =	sdelay $0x3  }
0x4dc: {  	[tilespmem:v33+s23+$0x0] =	vst.idx.msk $0xffff, v15  }
0x4dd: {  	v35 =	vor.u32 $0x10, v14;
	v15 =	vld.idx.msk [tilespmem:v34+s15+$0x0], $0xffff  }
0x4de: {  	v36 =	vor.u32 $0x11, v13;
	_ =	sdelay $0x3  }
0x4df: {  	[tilespmem:v35+s23+$0x0] =	vst.idx.msk $0xffff, v15  }
0x4e0: {  	v37 =	vor.u32 $0x11, v14;
	v15 =	vld.idx.msk [tilespmem:v36+s15+$0x0], $0xffff  }
0x4e1: {  	v38 =	vor.u32 $0x12, v13;
	_ =	sdelay $0x3  }
0x4e2: {  	[tilespmem:v37+s23+$0x0] =	vst.idx.msk $0xffff, v15  }
0x4e3: {  	v39 =	vor.u32 $0x12, v14;
	v15 =	vld.idx.msk [tilespmem:v38+s15+$0x0], $0xffff  }
0x4e4: {  	v40 =	vor.u32 $0x13, v13;
	_ =	sdelay $0x3  }
0x4e5: {  	[tilespmem:v39+s23+$0x0] =	vst.idx.msk $0xffff, v15  }
0x4e6: {  	v41 =	vor.u32 $0x13, v14;
	v15 =	vld.idx.msk [tilespmem:v40+s15+$0x0], $0xffff  }
0x4e7: {  	v42 =	vor.u32 $0x14, v13;
	_ =	sdelay $0x3  }
0x4e8: {  	[tilespmem:v41+s23+$0x0] =	vst.idx.msk $0xffff, v15  }
0x4e9: {  	v43 =	vor.u32 $0x14, v14;
	v15 =	vld.idx.msk [tilespmem:v42+s15+$0x0], $0xffff  }
0x4ea: {  	v44 =	vor.u32 $0x15, v13;
	_ =	sdelay $0x3  }
0x4eb: {  	[tilespmem:v43+s23+$0x0] =	vst.idx.msk $0xffff, v15  }
0x4ec: {  	v45 =	vor.u32 $0x15, v14;
	v15 =	vld.idx.msk [tilespmem:v44+s15+$0x0], $0xffff  }
0x4ed: {  	v46 =	vor.u32 $0x16, v13;
	_ =	sdelay $0x3  }
0x4ee: {  	[tilespmem:v45+s23+$0x0] =	vst.idx.msk $0xffff, v15  }
0x4ef: {  	v47 =	vor.u32 $0x16, v14;
	v15 =	vld.idx.msk [tilespmem:v46+s15+$0x0], $0xffff  }
0x4f0: {  	v48 =	vor.u32 $0x17, v13;
	_ =	sdelay $0x3  }
0x4f1: {  	[tilespmem:v47+s23+$0x0] =	vst.idx.msk $0xffff, v15  }
0x4f2: {  	v49 =	vor.u32 $0x17, v14;
	v15 =	vld.idx.msk [tilespmem:v48+s15+$0x0], $0xffff  }
0x4f3: {  	v50 =	vor.u32 $0x18, v13;
	_ =	sdelay $0x3  }
0x4f4: {  	[tilespmem:v49+s23+$0x0] =	vst.idx.msk $0xffff, v15  }
0x4f5: {  	v51 =	vor.u32 $0x18, v14;
	v15 =	vld.idx.msk [tilespmem:v50+s15+$0x0], $0xffff  }
0x4f6: {  	v52 =	vor.u32 $0x19, v13;
	_ =	sdelay $0x3  }
0x4f7: {  	[tilespmem:v51+s23+$0x0] =	vst.idx.msk $0xffff, v15  }
0x4f8: {  	v53 =	vor.u32 $0x19, v14;
	v15 =	vld.idx.msk [tilespmem:v52+s15+$0x0], $0xffff  }
0x4f9: {  	v54 =	vor.u32 $0x1A, v13;
	_ =	sdelay $0x3  }
0x4fa: {  	[tilespmem:v53+s23+$0x0] =	vst.idx.msk $0xffff, v15  }
0x4fb: {  	v55 =	vor.u32 $0x1A, v14;
	v15 =	vld.idx.msk [tilespmem:v54+s15+$0x0], $0xffff  }
0x4fc: {  	v56 =	vor.u32 $0x1B, v13;
	_ =	sdelay $0x3  }
0x4fd: {  	[tilespmem:v55+s23+$0x0] =	vst.idx.msk $0xffff, v15  }
0x4fe: {  	v57 =	vor.u32 $0x1B, v14;
	v15 =	vld.idx.msk [tilespmem:v56+s15+$0x0], $0xffff  }
0x4ff: {  	v58 =	vor.u32 $0x1C, v13;
	_ =	sdelay $0x3  }
0x500: {  	[tilespmem:v57+s23+$0x0] =	vst.idx.msk $0xffff, v15  }
0x501: {  	v59 =	vor.u32 $0x1C, v14;
	v15 =	vld.idx.msk [tilespmem:v58+s15+$0x0], $0xffff  }
0x502: {  	v60 =	vor.u32 $0x1D, v13;
	_ =	sdelay $0x3  }
0x503: {  	[tilespmem:v59+s23+$0x0] =	vst.idx.msk $0xffff, v15  }
0x504: {  	v61 =	vor.u32 $0x1D, v14;
	v15 =	vld.idx.msk [tilespmem:v60+s15+$0x0], $0xffff  }
0x505: {  	v62 =	vor.u32 $0x1E, v13;
	_ =	sdelay $0x3  }
0x506: {  	[tilespmem:v61+s23+$0x0] =	vst.idx.msk $0xffff, v15  }
0x507: {  	v63 =	vor.u32 $0x1E, v14;
	v15 =	vld.idx.msk [tilespmem:v62+s15+$0x0], $0xffff  }
0x508: {  	v13 =	vor.u32 $0x1F, v13;
	_ =	sdelay $0x3  }
0x509: {  	[tilespmem:v63+s23+$0x0] =	vst.idx.msk $0xffff, v15  }
0x50a: {  	s2 =	simm.s32 $0x10;
	v14 =	vor.u32 $0x1F, v14;
	v13 =	vld.idx.msk [tilespmem:v13+s15+$0x0], $0xffff  }
.LBB2_40:
0x50b: {  	_ =	sdelay $0x2  }
0x50c: {  	p0 =	sne.s32 s2, $0x20  }
0x50d: {  	s0 =	sadd.s32 $0x80, s0;
	s3 =	smov.u32 s2;
	s2 =	sadd.s32 $0x10, s2;
	[tilespmem:v14+s23+$0x0] =	vst.idx.msk $0xffff, v13  }
0x50e: {  	v13 =	vld [tilespmem:s0+$0x0];
	_ =	sdelay $0x4  }
0x50f: {  	v13 =	vshll.u32 v13, $0x5;
	_ =	sdelay $0x3  }
0x510: {  	v14 =	vmov s3  }
0x511: {  	v14 =	vshll.u32 v14, $0x7;
	v15 =	vld.idx.msk [tilespmem:v13+s15+$0x0], $0xffff  }
0x512: {  	v14 =	vor.u32 v12, v14  }
0x513: {  	v16 =	vor.u32 $0x1, v13;
	_ =	sdelay $0x3  }
0x514: {  	[tilespmem:v14+s23+$0x0] =	vst.idx.msk $0xffff, v15  }
0x515: {  	v15 =	vld.idx.msk [tilespmem:v16+s15+$0x0], $0xffff  }
0x516: {  	v16 =	vor.u32 $0x1, v14  }
0x517: {  	v17 =	vor.u32 $0x2, v13;
	_ =	sdelay $0x3  }
0x518: {  	[tilespmem:v16+s23+$0x0] =	vst.idx.msk $0xffff, v15  }
0x519: {  	v15 =	vld.idx.msk [tilespmem:v17+s15+$0x0], $0xffff  }
0x51a: {  	v16 =	vor.u32 $0x2, v14  }
0x51b: {  	v17 =	vor.u32 $0x3, v13;
	_ =	sdelay $0x3  }
0x51c: {  	[tilespmem:v16+s23+$0x0] =	vst.idx.msk $0xffff, v15  }
0x51d: {  	v15 =	vld.idx.msk [tilespmem:v17+s15+$0x0], $0xffff  }
0x51e: {  	v16 =	vor.u32 $0x3, v14  }
0x51f: {  	v17 =	vor.u32 $0x4, v13;
	_ =	sdelay $0x3  }
0x520: {  	[tilespmem:v16+s23+$0x0] =	vst.idx.msk $0xffff, v15  }
0x521: {  	v15 =	vld.idx.msk [tilespmem:v17+s15+$0x0], $0xffff  }
0x522: {  	v16 =	vor.u32 $0x4, v14  }
0x523: {  	v17 =	vor.u32 $0x5, v13;
	_ =	sdelay $0x3  }
0x524: {  	[tilespmem:v16+s23+$0x0] =	vst.idx.msk $0xffff, v15  }
0x525: {  	v15 =	vld.idx.msk [tilespmem:v17+s15+$0x0], $0xffff  }
0x526: {  	v16 =	vor.u32 $0x5, v14  }
0x527: {  	v17 =	vor.u32 $0x6, v13;
	_ =	sdelay $0x3  }
0x528: {  	[tilespmem:v16+s23+$0x0] =	vst.idx.msk $0xffff, v15  }
0x529: {  	v15 =	vld.idx.msk [tilespmem:v17+s15+$0x0], $0xffff  }
0x52a: {  	v16 =	vor.u32 $0x6, v14  }
0x52b: {  	v17 =	vor.u32 $0x7, v13;
	_ =	sdelay $0x3  }
0x52c: {  	[tilespmem:v16+s23+$0x0] =	vst.idx.msk $0xffff, v15  }
0x52d: {  	v15 =	vld.idx.msk [tilespmem:v17+s15+$0x0], $0xffff  }
0x52e: {  	v16 =	vor.u32 $0x7, v14  }
0x52f: {  	v17 =	vor.u32 $0x8, v13;
	_ =	sdelay $0x3  }
0x530: {  	[tilespmem:v16+s23+$0x0] =	vst.idx.msk $0xffff, v15  }
0x531: {  	v15 =	vld.idx.msk [tilespmem:v17+s15+$0x0], $0xffff  }
0x532: {  	v16 =	vor.u32 $0x8, v14  }
0x533: {  	v17 =	vor.u32 $0x9, v13;
	_ =	sdelay $0x3  }
0x534: {  	[tilespmem:v16+s23+$0x0] =	vst.idx.msk $0xffff, v15  }
0x535: {  	v15 =	vld.idx.msk [tilespmem:v17+s15+$0x0], $0xffff  }
0x536: {  	v16 =	vor.u32 $0x9, v14  }
0x537: {  	v17 =	vor.u32 $0xA, v13;
	_ =	sdelay $0x3  }
0x538: {  	[tilespmem:v16+s23+$0x0] =	vst.idx.msk $0xffff, v15  }
0x539: {  	v15 =	vld.idx.msk [tilespmem:v17+s15+$0x0], $0xffff  }
0x53a: {  	v16 =	vor.u32 $0xA, v14  }
0x53b: {  	v17 =	vor.u32 $0xB, v13;
	_ =	sdelay $0x3  }
0x53c: {  	[tilespmem:v16+s23+$0x0] =	vst.idx.msk $0xffff, v15  }
0x53d: {  	v15 =	vld.idx.msk [tilespmem:v17+s15+$0x0], $0xffff  }
0x53e: {  	v16 =	vor.u32 $0xB, v14  }
0x53f: {  	v17 =	vor.u32 $0xC, v13;
	_ =	sdelay $0x3  }
0x540: {  	[tilespmem:v16+s23+$0x0] =	vst.idx.msk $0xffff, v15  }
0x541: {  	v15 =	vld.idx.msk [tilespmem:v17+s15+$0x0], $0xffff  }
0x542: {  	v16 =	vor.u32 $0xC, v14  }
0x543: {  	v17 =	vor.u32 $0xD, v13;
	_ =	sdelay $0x3  }
0x544: {  	[tilespmem:v16+s23+$0x0] =	vst.idx.msk $0xffff, v15  }
0x545: {  	v15 =	vld.idx.msk [tilespmem:v17+s15+$0x0], $0xffff  }
0x546: {  	v16 =	vor.u32 $0xD, v14  }
0x547: {  	v17 =	vor.u32 $0xE, v13;
	_ =	sdelay $0x3  }
0x548: {  	[tilespmem:v16+s23+$0x0] =	vst.idx.msk $0xffff, v15  }
0x549: {  	v15 =	vld.idx.msk [tilespmem:v17+s15+$0x0], $0xffff  }
0x54a: {  	v16 =	vor.u32 $0xE, v14  }
0x54b: {  	v17 =	vor.u32 $0xF, v13;
	_ =	sdelay $0x3  }
0x54c: {  	[tilespmem:v16+s23+$0x0] =	vst.idx.msk $0xffff, v15  }
0x54d: {  	v15 =	vld.idx.msk [tilespmem:v17+s15+$0x0], $0xffff  }
0x54e: {  	v16 =	vor.u32 $0xF, v14  }
0x54f: {  	v17 =	vor.u32 $0x10, v13;
	_ =	sdelay $0x3  }
0x550: {  	[tilespmem:v16+s23+$0x0] =	vst.idx.msk $0xffff, v15  }
0x551: {  	v15 =	vld.idx.msk [tilespmem:v17+s15+$0x0], $0xffff  }
0x552: {  	v16 =	vor.u32 $0x10, v14  }
0x553: {  	v17 =	vor.u32 $0x11, v13;
	_ =	sdelay $0x3  }
0x554: {  	[tilespmem:v16+s23+$0x0] =	vst.idx.msk $0xffff, v15  }
0x555: {  	v15 =	vld.idx.msk [tilespmem:v17+s15+$0x0], $0xffff  }
0x556: {  	v16 =	vor.u32 $0x11, v14  }
0x557: {  	v17 =	vor.u32 $0x12, v13;
	_ =	sdelay $0x3  }
0x558: {  	[tilespmem:v16+s23+$0x0] =	vst.idx.msk $0xffff, v15  }
0x559: {  	v15 =	vld.idx.msk [tilespmem:v17+s15+$0x0], $0xffff  }
0x55a: {  	v16 =	vor.u32 $0x12, v14  }
0x55b: {  	v17 =	vor.u32 $0x13, v13;
	_ =	sdelay $0x3  }
0x55c: {  	[tilespmem:v16+s23+$0x0] =	vst.idx.msk $0xffff, v15  }
0x55d: {  	v15 =	vld.idx.msk [tilespmem:v17+s15+$0x0], $0xffff  }
0x55e: {  	v16 =	vor.u32 $0x13, v14  }
0x55f: {  	v17 =	vor.u32 $0x14, v13;
	_ =	sdelay $0x3  }
0x560: {  	[tilespmem:v16+s23+$0x0] =	vst.idx.msk $0xffff, v15  }
0x561: {  	v15 =	vld.idx.msk [tilespmem:v17+s15+$0x0], $0xffff  }
0x562: {  	v16 =	vor.u32 $0x14, v14  }
0x563: {  	v17 =	vor.u32 $0x15, v13;
	_ =	sdelay $0x3  }
0x564: {  	[tilespmem:v16+s23+$0x0] =	vst.idx.msk $0xffff, v15  }
0x565: {  	v15 =	vld.idx.msk [tilespmem:v17+s15+$0x0], $0xffff  }
0x566: {  	v16 =	vor.u32 $0x15, v14  }
0x567: {  	v17 =	vor.u32 $0x16, v13;
	_ =	sdelay $0x3  }
0x568: {  	[tilespmem:v16+s23+$0x0] =	vst.idx.msk $0xffff, v15  }
0x569: {  	v15 =	vld.idx.msk [tilespmem:v17+s15+$0x0], $0xffff  }
0x56a: {  	v16 =	vor.u32 $0x16, v14  }
0x56b: {  	v17 =	vor.u32 $0x17, v13;
	_ =	sdelay $0x3  }
0x56c: {  	[tilespmem:v16+s23+$0x0] =	vst.idx.msk $0xffff, v15  }
0x56d: {  	v15 =	vld.idx.msk [tilespmem:v17+s15+$0x0], $0xffff  }
0x56e: {  	v16 =	vor.u32 $0x17, v14  }
0x56f: {  	v17 =	vor.u32 $0x18, v13;
	_ =	sdelay $0x3  }
0x570: {  	[tilespmem:v16+s23+$0x0] =	vst.idx.msk $0xffff, v15  }
0x571: {  	v15 =	vld.idx.msk [tilespmem:v17+s15+$0x0], $0xffff  }
0x572: {  	v16 =	vor.u32 $0x18, v14  }
0x573: {  	v17 =	vor.u32 $0x19, v13;
	_ =	sdelay $0x3  }
0x574: {  	[tilespmem:v16+s23+$0x0] =	vst.idx.msk $0xffff, v15  }
0x575: {  	v15 =	vld.idx.msk [tilespmem:v17+s15+$0x0], $0xffff  }
0x576: {  	v16 =	vor.u32 $0x19, v14  }
0x577: {  	v17 =	vor.u32 $0x1A, v13;
	_ =	sdelay $0x3  }
0x578: {  	[tilespmem:v16+s23+$0x0] =	vst.idx.msk $0xffff, v15  }
0x579: {  	v15 =	vld.idx.msk [tilespmem:v17+s15+$0x0], $0xffff  }
0x57a: {  	v16 =	vor.u32 $0x1A, v14  }
0x57b: {  	v17 =	vor.u32 $0x1B, v13;
	_ =	sdelay $0x3  }
0x57c: {  	[tilespmem:v16+s23+$0x0] =	vst.idx.msk $0xffff, v15  }
0x57d: {  	v15 =	vld.idx.msk [tilespmem:v17+s15+$0x0], $0xffff  }
0x57e: {  	v16 =	vor.u32 $0x1B, v14  }
0x57f: {  	v17 =	vor.u32 $0x1C, v13;
	_ =	sdelay $0x3  }
0x580: {  	[tilespmem:v16+s23+$0x0] =	vst.idx.msk $0xffff, v15  }
0x581: {  	v15 =	vld.idx.msk [tilespmem:v17+s15+$0x0], $0xffff  }
0x582: {  	v16 =	vor.u32 $0x1C, v14  }
0x583: {  	v17 =	vor.u32 $0x1D, v13;
	_ =	sdelay $0x3  }
0x584: {  	[tilespmem:v16+s23+$0x0] =	vst.idx.msk $0xffff, v15  }
0x585: {  	v15 =	vld.idx.msk [tilespmem:v17+s15+$0x0], $0xffff  }
0x586: {  	v16 =	vor.u32 $0x1D, v14  }
0x587: {  	v17 =	vor.u32 $0x1E, v13;
	_ =	sdelay $0x3  }
0x588: {  	[tilespmem:v16+s23+$0x0] =	vst.idx.msk $0xffff, v15  }
0x589: {  	v15 =	vld.idx.msk [tilespmem:v17+s15+$0x0], $0xffff  }
0x58a: {  	v16 =	vor.u32 $0x1E, v14  }
0x58b: {  	v13 =	vor.u32 $0x1F, v13;
	_ =	sdelay $0x1  }
.Ltmp26:
0x58c: {  	(pc) =	sbr.rel @p0 .LBB2_40-.Ltmp26, $4  }
0x58d: {  	_ = 	snop  }
0x58e: {  	[tilespmem:v16+s23+$0x0] =	vst.idx.msk $0xffff, v15  }
0x58f: {  	v13 =	vld.idx.msk [tilespmem:v13+s15+$0x0], $0xffff  }
0x590: {  	v14 =	vor.u32 $0x1F, v14  }
0x591: {  	_ =	sdelay $0x3  }
0x592: {  	[tilespmem:v14+s23+$0x0] =	vst.idx.msk $0xffff, v13  }
0x593: {  	v13 =	vld [tilespmem:$0x18200]  }
0x594: {  	v14 =	vld [tilespmem:$0x18280]  }
0x595: {  	v15 =	vld [tilespmem:$0x18300];
	_ =	sdelay $0x2  }
0x596: {  	[tilespmem:$0x18400] =	vst v13  }
0x597: {  	s30 =	sadd.s32 $0x1, s30;
	[tilespmem:$0x18410] =	vst v14  }
0x598: {  	p0 =	sne.s32 s30, s13;
	[tilespmem:$0x18420] =	vst v15  }
0x599: {  	[hbm4b:s7+s24] =	stream.indirect.scatter [tilespmem:s23], [sflag:$0x3], $0x80, s25, s24, $0xb8;
	[tilespmem:$0x19C80] =	vst v63  }
.Ltmp27:
0x59a: {  	_ = 	snop;
	(pc) =	sbr.rel @p0 .LBB2_1-.Ltmp27, $4  }
.Ltmp28:
0x59b: {  	_ = 	snop;
	(pc) =	sbr.rel @!p0 .LBB2_42-.Ltmp28, $4  }
0x59c: {  	_ =	swait.ge [sflag:s14], $0x1800  }
0x59d: {  	[sflag:s14] =	ssyncset.done $0x0  }
0x59e: {  	[sflag:s14] =	ssyncadd.s32 $0xFFFFE800  }
0x59f: {  	_ = 	snop  }
.LBB2_25:
.Ltmp29:
0x5a0: {  	(pc) =	sbr.rel .LBB2_29-.Ltmp29, $2  }
0x5a1: {  	_ =	sdelay $0x2  }
0x5a2: {  	s2 =	simm.s32 $0x16400  }
.LBB2_34:
.Ltmp30:
0x5a3: {  	(pc) =	sbr.rel .LBB2_38-.Ltmp30, $2  }
0x5a4: {  	_ =	sdelay $0x2  }
0x5a5: {  	s2 =	simm.s32 $0x16400  }
.LBB2_27:
.Ltmp31:
0x5a6: {  	(pc) =	sbr.rel .LBB2_29-.Ltmp31, $2  }
0x5a7: {  	_ =	sdelay $0x2  }
0x5a8: {  	s2 =	simm.s32 $0x16400  }
.LBB2_36:
.Ltmp32:
0x5a9: {  	(pc) =	sbr.rel .LBB2_38-.Ltmp32, $2  }
0x5aa: {  	_ =	sdelay $0x2  }
0x5ab: {  	s2 =	simm.s32 $0x16400  }
.LBB2_42:
0x5ac: {  	_ =	sfence.sel $0x180000  }
0x5ad: {  	[bflag:$0x0] =	sbarrier.arrive $0xFFFF  }
0x5ae: {  	_ =	strace $0x90000047  }
0x5af: {  	s0 =	stileid.u32;
	[bflag:$0x2] =	sbarrier.arrive $0xFFFF  }
0x5b0: {  	p0 =	sne.s32 s0, $0x0;
	s0 =	rddreg [dreg:$0x4]  }
0x5b1: {  	s0 =	sadd.s32 @!p0 $0x100000, s0  }
0x5b2: {  	[sflag:s0] =	ssyncadd.tile.s32 @!p0 $0x1;
	_ =	shalt  }
.Lfunc_end2:
_tile_overlayer_lowered:
.L_overlay_start_2:
0x5b3: {  	(tag) =	ssettag $0x2  }
0x5b4: {  	s0 =	rddreg [dreg:$0x0];
	s2 =	stileid.u32  }
0x5b5: {  	s1 =	rddreg [dreg:$0x1];
	p0 =	sne.s32 s2, $0x0  }
0x5b6: {  	s3 =	rddreg [dreg:$0x2];
	[bflag:$0x3] =	sbarrier.arrive $0xFFFF;
	s2 =	simm.s32 @!p0 $0x1C03  }
0x5b7: {  	[timem:s3], [sflag:s2] =	dma.local @!p0 [hbm:s0], s1  }
0x5b8: {  	s0 =	simm.s32 @!p0 $0x3  }
0x5b9: {  	_ =	swait.ge @!p0 [sflag:s0], s1  }
0x5ba: {  	s1 =	ssub.s32 @!p0 $0x0, s1;
	[sflag:s0] =	ssyncset.done @!p0 $0x0  }
0x5bb: {  	[sflag:s0] =	ssyncadd.s32 @!p0 s1  }
0x5bc: {  	[bflag:$0x3] =	sbarrier.arrive $0xFFFF  }
0x5bd: {  	_ =	shalt  }

// kernel: kernel.9.cloned.1.call-start
scs
__scs_entry_jumppad:
0x0: {  	(pc) =	sbr.rel $0x88, $3  }
0x1: {  	(tag) =	ssettag $0x0;
	lr =	simm.s32 $0x1  }
0x2: {  	[smem:$0x3F9B] =	sst lr;
	_ =	strace $0xD0000000  }
0x3: {  	_ = 	snop  }
0x4: {  	_ = 	snop  }
0x5: {  	_ = 	snop  }
0x6: {  	_ = 	snop  }
0x7: {  	_ = 	snop  }
__scs_overlays_trampoline_lowered:
0x8: {  	[smem:$0x3FAA] =	sst s0  }
0x9: {  	[smem:$0x3FAB] =	sst s1  }
0xa: {  	[smem:$0x3FAC] =	sst s2  }
0xb: {  	[smem:$0x3FAD] =	sst s3  }
0xc: {  	[smem:$0x3FAE] =	sst s4  }
0xd: {  	[smem:$0x3FAF] =	sst s5  }
0xe: {  	[smem:$0x3FB0] =	sst s6  }
0xf: {  	[smem:$0x3FB1] =	sst s7  }
0x10: {  	[smem:$0x3FB2] =	sst s8  }
0x11: {  	[smem:$0x3FB3] =	sst s9;
	s0 =	simm.s32 @!p0 $0x0  }
0x12: {  	s1 =	sld [smem:$0x3F99];
	s0 =	simm.s32 @p0 $0x1  }
0x13: {  	[smem:$0x3FB4] =	sst s0;
	s0 =	simm.s32 @!p1 $0x0  }
0x14: {  	s2 =	sld [smem:$0x3F98];
	s0 =	simm.s32 @p1 $0x1  }
0x15: {  	[smem:$0x3FB5] =	sst s0;
	s0 =	simm.s32 @!p2 $0x0  }
0x16: {  	s3 =	sld [smem:$0x3FDB];
	s0 =	simm.s32 @p2 $0x1  }
0x17: {  	s4 =	simm.s32 $0x1BF5;
	[smem:$0x3FB7] =	sst s0  }
0x18: {  	s0 =	sld [smem:$0x3F9A];
	_ =	swait.ge [sflag:s4], $0x0  }
0x19: {  	s7 =	sld [smem:$0x3F9B]  }
0x1a: {  	s8 =	sadd.s32 $0xFFFFE003, lr  }
0x1b: {  	s9 =	sadd.s32 $0xFFFFFEF7, lr;
	s5 =	simm.s32 $0xFFFFFFFF;
	p2 =	slt.u32 s8, $0xFFFFF086  }
0x1c: {  	p1 =	slt.u32 s9, $0xF7A;
	s5 =	simm.s32 @!p2 $0x0  }
0x1d: {  	s5 =	simm.s32 @p1 $0x1;
	p0 =	seq.s32 s7, s2  }
0x1e: {  	s7 =	smul.u32 @!p0 $0xF7A, s2;
	p2 =	seq.s32 @!p0 s5, $0x0  }
0x1f: {  	s9 =	smul.u32 $0xF7A, s1;
	s8 =	simm.s32 @!p0 $0x1BF5;
	p2 =	por !p2, p0  }
0x20: {  	[sflag:s8] =	ssyncset.s32 @!p0 $0xFFFFF086;
	s6 =	sadd.s32 @!p0 s3, s7;
	s7 =	simm.s32 @!p0 $0x108  }
0x21: {  	s3 =	sadd.s32 s3, s9;
	s6 =	sadd.s32 @!p0 $0x88, s6;
	s7 =	simm.s32 @p2 $0x1082  }
0x22: {  	[simem:s7], [sflag:s8] =	dma.local @!p0 [hbm:s6], $0xF7A  }
0x23: {  	s9 =	sor.u32 $0xD0000000, s2;
	s6 =	simm.s32 $0x108;
	_ =	swait.ge @!p0 [sflag:s8], $0x0  }
0x24: {  	s3 =	sadd.s32 $0x88, s3;
	s6 =	simm.s32 @!p1 $0x1082;
	[sflag:s4] =	ssyncset.s32 $0xFFFFF086  }
0x25: {  	[simem:s6], [sflag:s4] =	dma.local [hbm:s3], $0xF7A  }
0x26: {  	[smem:$0x3F9B] =	sst s1;
	(tag) =	ssettag s2;
	_ =	strace s9  }
0x27: {  	s1 =	sld [smem:$0x3FAB]  }
0x28: {  	s2 =	sld [smem:$0x3FAC]  }
0x29: {  	s4 =	sld [smem:$0x3FAE]  }
0x2a: {  	p0 =	seq.s32 s5, $0x0;
	s5 =	sld [smem:$0x3FAF]  }
0x2b: {  	s6 =	sld [smem:$0x3FB0]  }
0x2c: {  	s7 =	sld [smem:$0x3FB1]  }
0x2d: {  	s3 =	simm.s32 $0x108;
	s8 =	sld [smem:$0x3FB2]  }
0x2e: {  	s3 =	simm.s32 @!p0 $0x1082;
	s9 =	sld [smem:$0x3FB3]  }
0x2f: {  	lr =	sadd.s32 s0, s3;
	s0 =	sld [smem:$0x3FAA]  }
0x30: {  	s3 =	sld [smem:$0x3FAD]  }
0x31: {  	[smem:$0x3FB6] =	sst s10  }
0x32: {  	s10 =	sld [smem:$0x3FB4];
	_ =	sdelay $0x3  }
0x33: {  	p0 =	seq.s32 s10, $0x1;
	s10 =	sld [smem:$0x3FB6];
	_ =	sdelay $0x3  }
0x34: {  	[smem:$0x3FB6] =	sst s10  }
0x35: {  	s10 =	sld [smem:$0x3FB5];
	_ =	sdelay $0x3  }
0x36: {  	p1 =	seq.s32 s10, $0x1;
	s10 =	sld [smem:$0x3FB6];
	_ =	sdelay $0x3  }
0x37: {  	[smem:$0x3FB6] =	sst s10  }
0x38: {  	s10 =	sld [smem:$0x3FB7]  }
0x39: {  	_ = 	snop;
	(pc) =	sbr.ind lr, $3  }
0x3a: {  	_ = 	snop  }
0x3b: {  	_ = 	snop  }
0x3c: {  	p2 =	seq.s32 s10, $0x1;
	s10 =	sld [smem:$0x3FB6]  }
0x3d: {  	_ =	shalt  }
0x3e: {  	_ =	shalt  }
0x3f: {  	_ =	shalt  }
0x40: {  	_ =	shalt  }
0x41: {  	_ =	shalt  }
0x42: {  	_ =	shalt  }
0x43: {  	_ =	shalt  }
0x44: {  	_ =	shalt  }
0x45: {  	_ =	shalt  }
0x46: {  	_ =	shalt  }
0x47: {  	_ =	shalt  }
0x48: {  	_ =	shalt  }
0x49: {  	_ =	shalt  }
0x4a: {  	_ =	shalt  }
0x4b: {  	_ =	shalt  }
0x4c: {  	_ =	shalt  }
0x4d: {  	_ =	shalt  }
0x4e: {  	_ =	shalt  }
0x4f: {  	_ =	shalt  }
0x50: {  	_ =	shalt  }
0x51: {  	_ =	shalt  }
0x52: {  	_ =	shalt  }
0x53: {  	_ =	shalt  }
0x54: {  	_ =	shalt  }
0x55: {  	_ =	shalt  }
0x56: {  	_ =	shalt  }
0x57: {  	_ =	shalt  }
0x58: {  	_ =	shalt  }
0x59: {  	_ =	shalt  }
0x5a: {  	_ =	shalt  }
0x5b: {  	_ =	shalt  }
0x5c: {  	_ =	shalt  }
0x5d: {  	_ =	shalt  }
0x5e: {  	_ =	shalt  }
0x5f: {  	_ =	shalt  }
0x60: {  	_ =	shalt  }
0x61: {  	_ =	shalt  }
0x62: {  	_ =	shalt  }
0x63: {  	_ =	shalt  }
0x64: {  	_ =	shalt  }
0x65: {  	_ =	shalt  }
0x66: {  	_ =	shalt  }
0x67: {  	_ =	shalt  }
0x68: {  	_ =	shalt  }
0x69: {  	_ =	shalt  }
0x6a: {  	_ =	shalt  }
0x6b: {  	_ =	shalt  }
0x6c: {  	_ =	shalt  }
0x6d: {  	_ =	shalt  }
0x6e: {  	_ =	shalt  }
0x6f: {  	_ =	shalt  }
0x70: {  	_ =	shalt  }
0x71: {  	_ =	shalt  }
0x72: {  	_ =	shalt  }
0x73: {  	_ =	shalt  }
0x74: {  	_ =	shalt  }
0x75: {  	_ =	shalt  }
0x76: {  	_ =	shalt  }
0x77: {  	_ =	shalt  }
0x78: {  	_ =	shalt  }
0x79: {  	_ =	shalt  }
0x7a: {  	_ =	shalt  }
0x7b: {  	_ =	shalt  }
0x7c: {  	_ =	shalt  }
0x7d: {  	_ =	shalt  }
0x7e: {  	_ =	shalt  }
0x7f: {  	_ =	shalt  }
0x80: {  	_ =	shalt  }
0x81: {  	_ =	shalt  }
0x82: {  	_ =	shalt  }
0x83: {  	_ =	shalt  }
0x84: {  	_ =	shalt  }
0x85: {  	_ =	shalt  }
0x86: {  	_ =	shalt  }
0x87: {  	_ =	shalt  }
.Lfunc_end0:
.L_simem_size_0:
called_computation.1_lowered:
.L_overlay_start_0:
0x88: {  	s2 =	sld [smem:$0x3FD9]  }
0x89: {  	s3 =	sld [smem:$0x3FFE];
	_ =	sdelay $0x1  }
0x8a: {  	s1 =	srdreg.scid  }
0x8b: {  	s0 =	sand.u32 $0x1, s1  }
0x8c: {  	s17 =	sshll.u32 s0, $0xA;
	s2 =	sadd.s32 s3, s2  }
0x8d: {  	s2 =	sadd.s32 s2, s17  }
0x8e: {  	[smem:$0x3FC2] =	sst s2  }
0x8f: {  	_ = 	snop  }
0x90: {  	s2 =	sld [smem:$0x3FC6];
	(tm) =	ssettm $0x1  }
0x91: {  	s18 =	sld [smem:$0x3FFB];
	_ =	sdelay $0x3  }
0x92: {  	_ =	strace s18  }
0x93: {  	s3 =	sld [smem:$0x3FFC];
	_ =	sdelay $0x3  }
0x94: {  	_ =	strace s3  }
0x95: {  	s3 =	sld [smem:$0x3FFD];
	_ =	sdelay $0x3  }
0x96: {  	_ =	strace s3  }
0x97: {  	_ =	strace $0x8FFFFFFF  }
0x98: {  	s19 =	sld [smem:$0x3FDB];
	_ =	sdelay $0x1  }
0x99: {  	s4 =	simm.s32 $_scs_section_size  }
0x9a: {  	s5 =	simm.s32 $_size__tile_overlayer_lowered;
	s6 =	simm.s32 $_tile_overlayer_lowered  }
0x9b: {  	s22 =	simm.s32 $0x1BFF;
	s21 =	sshll.u32 s6, $0x1;
	s3 =	sadd.s32 s4, s19  }
0x9c: {  	s7 =	simm.s32 $0x0;
	s20 =	sshll.u32 s5, $0x1;
	s5 =	sadd.s32 s21, s3  }
0x9d: {  	[timem:s7], [sflag:s22] =	dma.local [hbm:s5], s20  }
0x9e: {  	_ =	swait.ge [sflag:s22], s20  }
0x9f: {  	s4 =	ssub.s32 $0x0, s20;
	[sflag:s22] =	ssyncset.done $0x0  }
0xa0: {  	[sflag:s22] =	ssyncadd.s32 s4;
	_ =	sdelay $0x1  }
0xa1: {  	s23 =	simm.s32 $0x1B8B  }
0xa2: {  	_ =	swait.ge [sflag:s23], $0x1  }
0xa3: {  	[sflag:s23] =	ssyncset.done $0x0  }
0xa4: {  	s25 =	simm.s32 $0x1B8E;
	s24 =	sld [smem:$0x3FFE];
	[sflag:s23] =	ssyncadd.s32 $0xFFFFFFFF  }
0xa5: {  	s26 =	simm.s32 $execute0_lowered;
	[smem:$0x3FD2] =	sst s25  }
0xa6: {  	s5 =	sshll.u32 s26, $0x1;
	_ =	strace $0x80000049;
	[dreg:$0x1] =	wrdreg $0xFFFFFFFF  }
0xa7: {  	s28 =	simm.s32 $_size_execute0_lowered;
	s3 =	sadd.s32 s3, s5;
	[dreg:$0x0] =	wrdreg $0x0  }
0xa8: {  	s5 =	sshll.u32 s28, $0x1;
	[dreg:$0x2] =	wrdreg s3  }
0xa9: {  	[dreg:$0x3] =	wrdreg s5  }
0xaa: {  	[dreg:$0x4] =	wrdreg $0xC0  }
0xab: {  	_ =	task [dreg:s7], $0x5FFFF  }
0xac: {  	[dreg:$0x1] =	wrdreg $0xFFFFFFFF  }
0xad: {  	[dreg:$0x0] =	wrdreg $0x60  }
0xae: {  	[dreg:$0x2] =	wrdreg s24  }
0xaf: {  	[dreg:$0x3] =	wrdreg s2  }
0xb0: {  	[dreg:$0x4] =	wrdreg $0x32000  }
0xb1: {  	[dreg:$0x5] =	wrdreg $0x9  }
0xb2: {  	_ =	task.clear_ibuf [dreg:s7], $0x6FFFF;
	_ =	strace $0x90000049  }
0xb3: {  	s29 =	simm.s32 $0x9;
	_ =	strace $0x8000004B  }
0xb4: {  	_ =	swait.ge [sflag:s29], $0x1  }
0xb5: {  	[sflag:s29] =	ssyncadd.s32 $0xFFFFFFFF  }
0xb6: {  	_ =	strace $0x9000004B  }
0xb7: {  	_ =	sfence  }
0xb8: {  	s30 =	sld [smem:$0x0];
	_ =	sdelay $0x2  }
0xb9: {  	s31 =	sshll.u32 s1, $0xD;
	s1 =	sshrl.u32 s1, $0x2  }
0xba: {  	s3 =	sand.u32 $0x4000, s31;
	s1 =	sadd.s32 s1, s30  }
0xbb: {  	s0 =	sor.u32 s3, s0;
	s1 =	sshll.u32 s1, $0x11  }
0xbc: {  	s0 =	sor.u32 s1, s0  }
0xbd: {  	s0 =	sadd.s32 $0x8F2B, s0  }
0xbe: {  	[sflag:s0] =	ssyncadd.remote.s32 $0x1  }
0xbf: {  	_ =	sfence.sel $0xFFFF  }
0xc0: {  	[dreg:$0x0] =	wrdreg $0xFFFFFFFF;
	(pc) =	sbr.abs _section_cstart, $3  }
0xc1: {  	[dreg:$0x1] =	wrdreg $0xFFFFFFFF  }
0xc2: {  	_ =	task.clear_ibuf [dreg:s7], $0x2FFFF;
	_ =	strace $0x9FFFFFFF  }
0xc3: {  	(tm) =	ssettm $0x7FFFFFFF  }
tec
execute0_lowered:
.L_overlay_start_1:
0x0: {  	(tag) =	ssettag $0x1  }
0x1: {  	s4 =	rddreg [dreg:$0x0]  }
0x2: {  	s5 =	rddreg [dreg:$0x1]  }
0x3: {  	s1 =	rddreg [dreg:$0x2]  }
0x4: {  	s0 =	rddreg [dreg:$0x3];
	s3 =	simm.s32 $0x0;
	s6 =	srdreg.scid  }
0x5: {  	s2 =	stileid.u32;
	s12 =	simm.s32 $0x80;
	s13 =	simm.s32 $0xA00  }
0x6: {  	s14 =	simm.s32 $0x100;
	s15 =	simm.s32 $0x1200;
	s16 =	simm.s32 $0x180  }
0x7: {  	s17 =	simm.s32 $0x1A00;
	s18 =	simm.s32 $0x0;
	[smem:$0x7FF] =	sst s3  }
0x8: {  	s6 =	sand.u32 $0x1, s6;
	s7 =	sshll.u32 s2, $0xA;
	s30 =	sshll.u32 s2, $0xC  }
0x9: {  	_ =	strace $0x8000004A;
	s8 =	sshll.u32 s6, $0x9;
	s9 =	sshll.u32 s6, $0x10  }
0xa: {  	s6 =	ssub.s32 $0x2, s6;
	s7 =	sor.u32 s8, s7;
	s9 =	sor.u32 s30, s9  }
0xb: {  	s11 =	sshrl.u32 s6, $0x1;
	s10 =	sshll.u32 s7, $0x1;
	s9 =	sshrl.u32 s9, $0x3  }
0xc: {  	s11 =	ssub.s32 s6, s11;
	s31 =	sshrl.u32 s7, $0x3;
	s6 =	sadd.s32 s30, s1  }
0xd: {  	s10 =	sadd.s32 s10, s4;
	s9 =	sadd.s32 s9, s4;
	s4 =	sadd.s32 s5, s31  }
0xe: {  	s8 =	smax.u32 s11, $0x1;
	s11 =	simm.s32 $0x2200;
	s5 =	sadd.s32 $0xE00, s10  }
0xf: {  	v0 =	vimm.f32 $0.0e+00;
	s7 =	sadd.s32 $0x8E00, s9;
	s9 =	simm.s32 $0x1;
	s10 =	simm.s32 $0x200  }
.LBB2_1:
0x10: {  	[tilespmem:s3], [sflag:$0x1] =	stream.linear.gather [hbm4b:s4+s3], $0x200, $0x38;
	[tilespmem:$0x4200] =	vst v63  }
0x11: {  	_ =	swait.ge [sflag:s9], $0x200  }
0x12: {  	[sflag:s9] =	ssyncset.done $0x0  }
0x13: {  	[sflag:s9] =	ssyncadd.s32 $0xFFFFFE00  }
0x14: {  	[tilespmem:s10], [sflag:$0x1] =	stream.linear.gather [hbm4b:s5+s3], $0x2000, $0x38;
	[tilespmem:$0x4200] =	vst v63  }
0x15: {  	_ =	swait.ge [sflag:s9], $0x2000  }
0x16: {  	[sflag:s9] =	ssyncset.done $0x0  }
0x17: {  	s19 =	simm.s32 $0x40;
	s20 =	simm.s32 $0x0;
	[sflag:s9] =	ssyncadd.s32 $0xFFFFE000  }
.LBB2_2:
0x18: {  	p0 =	sne.s32 s19, $0x3FC0;
	[tilespmem:s20+$0x2200] =	vst v0;
	s20 =	smov.u32 s19;
	s19 =	sadd.s32 $0x40, s19  }
.Ltmp0:
0x19: {  	(pc) =	sbr.rel @p0 .LBB2_2-.Ltmp0, $2  }
0x1a: {  	_ =	sdelay $0x2  }
0x1b: {  	s20 =	sshra.s32 s20, $0x2  }
0x1c: {  	[tilespmem:s20+$0x2200] =	vst v0  }
0x1d: {  	[spmem:s6] =	stream.linear.scatter [tilespmem:s11], [sflag:$0x1], $0x1000, $0x38;
	[tilespmem:$0x4200] =	vst v63  }
0x1e: {  	_ =	swait.ge [sflag:s9], $0x1000  }
0x1f: {  	[sflag:s9] =	ssyncset.done $0x0  }
0x20: {  	[sflag:s9] =	ssyncadd.s32 $0xFFFFF000  }
0x21: {  	[bflag:$0x0] =	sbarrier.arrive $0xFFFF  }
0x22: {  	[spmem:s1] =	stream.indirect.scatter.add.f32 [tilespmem:s10], [sflag:$0x1], $0x10, s3, s12, $0xb8;
	[tilespmem:$0x4200] =	vst v63  }
0x23: {  	_ =	swait.ge [sflag:s9], $0x800  }
0x24: {  	[sflag:s9] =	ssyncset.done $0x0  }
0x25: {  	[sflag:s9] =	ssyncadd.s32 $0xFFFFF800  }
0x26: {  	[spmem:s1] =	stream.indirect.scatter.add.f32 [tilespmem:s13], [sflag:$0x1], $0x10, s12, s12, $0xb8;
	[tilespmem:$0x4200] =	vst v63  }
0x27: {  	_ =	swait.ge [sflag:s9], $0x800  }
0x28: {  	[sflag:s9] =	ssyncset.done $0x0  }
0x29: {  	[sflag:s9] =	ssyncadd.s32 $0xFFFFF800  }
0x2a: {  	[spmem:s1] =	stream.indirect.scatter.add.f32 [tilespmem:s15], [sflag:$0x1], $0x10, s14, s12, $0xb8;
	[tilespmem:$0x4200] =	vst v63  }
0x2b: {  	_ =	swait.ge [sflag:s9], $0x800  }
0x2c: {  	[sflag:s9] =	ssyncset.done $0x0  }
0x2d: {  	[sflag:s9] =	ssyncadd.s32 $0xFFFFF800  }
0x2e: {  	[spmem:s1] =	stream.indirect.scatter.add.f32 [tilespmem:s17], [sflag:$0x1], $0x10, s16, s12, $0xb8;
	[tilespmem:$0x4200] =	vst v63  }
0x2f: {  	_ =	swait.ge [sflag:s9], $0x800  }
0x30: {  	[sflag:s9] =	ssyncset.done $0x0  }
0x31: {  	[sflag:s9] =	ssyncadd.s32 $0xFFFFF800  }
0x32: {  	[bflag:$0x0] =	sbarrier.arrive $0xFFFF  }
0x33: {  	[tilespmem:s11], [sflag:$0x1] =	stream.linear.gather [spmem:s6], $0x1000, $0x38;
	[tilespmem:$0x4200] =	vst v63  }
0x34: {  	s18 =	sadd.s32 $0x1, s18;
	_ =	swait.ge [sflag:s9], $0x1000  }
0x35: {  	p0 =	sne.s32 s18, s8;
	[sflag:s9] =	ssyncset.done $0x0  }
.Ltmp1:
0x36: {  	[sflag:s9] =	ssyncadd.s32 $0xFFFFF000;
	(pc) =	sbr.rel @p0 .LBB2_1-.Ltmp1, $4  }
0x37: {  	[hbm4b:s7+s3] =	stream.linear.scatter [tilespmem:s11], [sflag:$0x1], $0x1000, $0x38;
	[tilespmem:$0x4200] =	vst v63  }
0x38: {  	_ =	swait.ge [sflag:s9], $0x1000  }
0x39: {  	[sflag:s9] =	ssyncset.done $0x0  }
0x3a: {  	[sflag:s9] =	ssyncadd.s32 $0xFFFFF000  }
0x3b: {  	_ =	sfence.sel $0x180000  }
0x3c: {  	[bflag:$0x0] =	sbarrier.arrive $0xFFFF  }
0x3d: {  	p0 =	sne.s32 s2, $0x0;
	_ =	strace $0x9000004A  }
0x3e: {  	s0 =	sadd.s32 @!p0 $0x100000, s0;
	[bflag:$0x2] =	sbarrier.arrive $0xFFFF  }
0x3f: {  	[sflag:s0] =	ssyncadd.tile.s32 @!p0 $0x1;
	_ =	shalt  }
.Lfunc_end2:
_tile_overlayer_lowered:
.L_overlay_start_2:
0x40: {  	(tag) =	ssettag $0x2  }
0x41: {  	s0 =	rddreg [dreg:$0x0];
	s2 =	stileid.u32  }
0x42: {  	s1 =	rddreg [dreg:$0x1];
	p0 =	sne.s32 s2, $0x0  }
0x43: {  	s3 =	rddreg [dreg:$0x2];
	[bflag:$0x3] =	sbarrier.arrive $0xFFFF;
	s2 =	simm.s32 @!p0 $0x1C01  }
0x44: {  	[timem:s3], [sflag:s2] =	dma.local @!p0 [hbm:s0], s1  }
0x45: {  	s0 =	simm.s32 @!p0 $0x1  }
0x46: {  	_ =	swait.ge @!p0 [sflag:s0], s1  }
0x47: {  	s1 =	ssub.s32 @!p0 $0x0, s1;
	[sflag:s0] =	ssyncset.done @!p0 $0x0  }
0x48: {  	[sflag:s0] =	ssyncadd.s32 @!p0 s1  }
0x49: {  	[bflag:$0x3] =	sbarrier.arrive $0xFFFF  }
0x4a: {  	_ =	shalt  }

</sc_bundles>
